<compile_context>
chip_gen: v7x
topology: tpu7x:2x2x1
jax: 0.10.2.dev20260603
libtpu: 0.0.44.dev20260713+nightly
codegen_flags: <defaults>
</compile_context>

<pallas_src>
import jax
import jax.numpy as jnp
from jax import lax
from jax.experimental import pallas as pl
from jax.experimental.pallas import tpu as pltpu
from jax.experimental.pallas import tpu_sc as plsc

N = 10000
E = 320000
D = 128
NT = 4
TIN = 32
DELTA = 3.5
BN_EPS = 1e-5
NEG_SLOPE = 0.01

RANGE = 320
NPAD = 32 * RANGE
W = 2000
NWIN = E // W
VPW = W // 16
CAP = 128
THRESH = CAP - 16
CAPT = CAP + 16

BLK = 1000
GRID = N // BLK


def _leaky(x):
    return jnp.where(x >= 0, x, NEG_SLOPE * x)


def _prologue_body(h_ref, wa_ref, wb_ref, bb_ref, a0_ref, a1_ref, b_ref):
    h = h_ref[...]
    a = jnp.dot(h, wa_ref[...], preferred_element_type=jnp.float32)
    a0_ref[...] = a[:, :D // 2]
    a1_ref[...] = a[:, D // 2:]
    b_ref[...] = jnp.dot(h, wb_ref[...], preferred_element_type=jnp.float32) + bb_ref[...]


def _make_scan(packed_hbm, ewin, fpk, pbuf, flush, lo):

    z = jnp.zeros((16,), jnp.int32)

    def lanes(e, cnt):
        dl = lax.shift_right_logical(e, 14) - lo
        t = jnp.bitwise_or(dl, RANGE - 1 - dl)
        mi = 1 - lax.shift_right_logical(t, 31)
        csum = mi
        for k in (1, 2, 4, 8):
            pbuf[pl.ds(16, 16)] = csum
            csum = csum + pbuf[pl.ds(16 - k, 16)]
        tot = csum[15]
        ex = csum - mi

        def do(c):
            for l in range(16):
                fpk[pl.ds(c + ex[l], 16)] = e[l] + z
            return c + tot

        return lax.cond(tot > 0, do, lambda c: c, cnt)

    def wbody(w, cnt):
        pltpu.sync_copy(packed_hbm.at[pl.ds(w * W, W)], ewin)

        def vbody(j, cnt):
            e = ewin[pl.ds(j * 16, 16)]
            cnt = lax.cond(cnt >= THRESH, flush, lambda c: c, cnt)
            return lanes(e, cnt)

        return lax.fori_loop(0, VPW, vbody, cnt)

    return wbody


def _unpack_gather(fpk, fsrc, rows, a_hbm, sem):
    def ubody(i, _):
        pk = fpk[pl.ds(i * 16, 16)]
        fsrc[pl.ds(i * 16, 16)] = lax.bitwise_and(pk, 16383)
        return 0

    lax.fori_loop(0, CAPT // 16, ubody, 0)
    pltpu.async_copy(a_hbm.at[fsrc], rows, sem).wait()


def _sc_half_body(packed_hbm, a_hbm, s1_out, sq_out, mx_out, mn_out, degp_out,
                  ewin, fpk, fsrc, pbuf, rows,
                  acc_s1, acc_sq, acc_mx, acc_mn, acc_dg, sem):
    wid = lax.axis_index("s") * 2 + lax.axis_index("c")
    lo = wid * RANGE
    zero16 = jnp.zeros((16,), jnp.float32)
    ninf16 = jnp.full((16,), -jnp.inf, jnp.float32)
    pinf16 = jnp.full((16,), jnp.inf, jnp.float32)
    iota16 = lax.iota(jnp.int32, 16)

    def zbody(i, _):
        for c in range(4):
            acc_s1[i, pl.ds(c * 16, 16)] = zero16
            acc_sq[i, pl.ds(c * 16, 16)] = zero16
            acc_mx[i, pl.ds(c * 16, 16)] = ninf16
            acc_mn[i, pl.ds(c * 16, 16)] = pinf16
        return 0

    lax.fori_loop(0, RANGE, zbody, 0)

    def zdbody(i, _):
        acc_dg[i, :] = zero16
        return 0

    lax.fori_loop(0, RANGE // 16, zdbody, 0)

    def zpbody(i, _):
        fpk[pl.ds(i * 16, 16)] = jnp.zeros((16,), jnp.int32)
        return 0

    lax.fori_loop(0, CAPT // 16, zpbody, 0)

    def flush(cnt):
        _unpack_gather(fpk, fsrc, rows, a_hbm, sem)

        def ebody(i, _):
            dl = lax.shift_right_logical(fpk[pl.ds(i, 16)][0], 14) - lo
            dr = lax.shift_right_logical(dl, 4)
            oh = (1 - jnp.minimum(jnp.abs(iota16 - (dl - dr * 16)), 1)
                  ).astype(jnp.float32)
            acc_dg[dr, :] = acc_dg[dr, :] + oh
            for c in range(4):
                a = rows[i, pl.ds(c * 16, 16)]
                acc_s1[dl, pl.ds(c * 16, 16)] = acc_s1[dl, pl.ds(c * 16, 16)] + a
                acc_sq[dl, pl.ds(c * 16, 16)] = acc_sq[dl, pl.ds(c * 16, 16)] + a * a
                acc_mx[dl, pl.ds(c * 16, 16)] = jnp.maximum(
                    acc_mx[dl, pl.ds(c * 16, 16)], a)
                acc_mn[dl, pl.ds(c * 16, 16)] = jnp.minimum(
                    acc_mn[dl, pl.ds(c * 16, 16)], a)
            return 0

        lax.fori_loop(0, cnt, ebody, 0)
        return 0

    def zqbody(i, _):
        pbuf[pl.ds(i * 16, 16)] = jnp.zeros((16,), jnp.int32)
        return 0

    lax.fori_loop(0, 3, zqbody, 0)
    wbody = _make_scan(packed_hbm, ewin, fpk, pbuf, flush, lo)
    cnt = lax.fori_loop(0, NWIN, wbody, 0)
    lax.cond(cnt > 0, flush, lambda c: 0, cnt)

    pltpu.sync_copy(acc_s1, s1_out.at[pl.ds(lo, RANGE), :])
    pltpu.sync_copy(acc_sq, sq_out.at[pl.ds(lo, RANGE), :])
    pltpu.sync_copy(acc_mx, mx_out.at[pl.ds(lo, RANGE), :])
    pltpu.sync_copy(acc_mn, mn_out.at[pl.ds(lo, RANGE), :])
    pltpu.sync_copy(acc_dg, degp_out.at[wid])


def _epi1_body(s1_ref, sq_ref, mx_ref, mn_ref, degp_ref, b_ref, h_ref,
               g1_ref, g2_ref, g3_ref, g4_ref, ub_ref,
               hu_ref, sums_ref):
    i = pl.program_id(0)
    deg = degp_ref[...]
    degs = jnp.maximum(deg, 1.0)
    b = b_ref[...]
    s1 = s1_ref[...]
    s1f = s1 + deg * b
    mean = s1f / degs
    s2 = sq_ref[...] + 2.0 * b * s1 + deg * b * b
    mean_sq = s2 / degs
    var = jnp.maximum(mean_sq - mean * mean, 0.0)
    std = jnp.sqrt(var + 1e-30)
    has = deg > 0
    mx = jnp.where(has, mx_ref[...] + b, 0.0)
    mn = jnp.where(has, mn_ref[...] + b, 0.0)
    logd = jnp.log(degs + 1.0)
    amp = logd / DELTA
    att = DELTA / logd
    agg = jnp.concatenate([mean, mx, mn, std], axis=1)
    hu = (jnp.dot(h_ref[...], g1_ref[...], preferred_element_type=jnp.float32)
          + jnp.dot(agg, g2_ref[...], preferred_element_type=jnp.float32)
          + amp * jnp.dot(agg, g3_ref[...], preferred_element_type=jnp.float32)
          + att * jnp.dot(agg, g4_ref[...], preferred_element_type=jnp.float32)
          + ub_ref[...])
    hu_ref[...] = hu

    @pl.when(i == 0)
    def _():
        sums_ref[...] = jnp.zeros_like(sums_ref)

    sums_ref[...] += jnp.concatenate(
        [jnp.sum(hu, axis=0, keepdims=True),
         jnp.sum(hu * hu, axis=0, keepdims=True)], axis=0)


def _epi2_body(hu_ref, sums_ref, g_ref, be_ref, mw_ref, mb_ref,
               hm_ref, sums2_ref):
    i = pl.program_id(0)
    mu = sums_ref[0:1, :] / N
    var = sums_ref[1:2, :] / N - mu * mu
    hc = (hu_ref[...] - mu) / jnp.sqrt(var + BN_EPS) * g_ref[...] + be_ref[...]
    hm = _leaky(jnp.dot(hc, mw_ref[...], preferred_element_type=jnp.float32)
                + mb_ref[...])
    hm_ref[...] = hm

    @pl.when(i == 0)
    def _():
        sums2_ref[...] = jnp.zeros_like(sums2_ref)

    sums2_ref[...] += jnp.concatenate(
        [jnp.sum(hm, axis=0, keepdims=True),
         jnp.sum(hm * hm, axis=0, keepdims=True)], axis=0)


def _epi3_body(hm_ref, sums2_ref, g_ref, be_ref, h_ref, out_ref):
    mu = sums2_ref[0:1, :] / N
    var = sums2_ref[1:2, :] / N - mu * mu
    hb = (hm_ref[...] - mu) / jnp.sqrt(var + BN_EPS) * g_ref[...] + be_ref[...]
    out_ref[...] = h_ref[...] + _leaky(hb)


def kernel(h, edge_index, M_W, M_b, U_W, U_b, bn_t_gamma, bn_t_beta,
           mix_W, mix_b, bn_gamma, bn_beta):
    f32 = jnp.float32

    def blockdiag(mats):
        a, bdim = mats.shape[1], mats.shape[2]
        out = jnp.zeros((NT * a, NT * bdim), f32)
        for t in range(NT):
            out = out.at[t * a:(t + 1) * a, t * bdim:(t + 1) * bdim].set(mats[t])
        return out

    wa = blockdiag(jnp.transpose(M_W[:, :, :TIN], (0, 2, 1)))
    wb = blockdiag(jnp.transpose(M_W[:, :, TIN:2 * TIN], (0, 2, 1)))
    bb = M_b.reshape(1, D)

    u1 = blockdiag(jnp.transpose(U_W[:, :, 0:TIN], (0, 2, 1)))

    def gfor(base):
        parts = []
        for k in range(4):
            parts.append(blockdiag(jnp.transpose(
                U_W[:, :, base + k * TIN: base + (k + 1) * TIN], (0, 2, 1))))
        return jnp.concatenate(parts, axis=0)

    g2 = gfor(TIN)
    g3 = gfor(TIN + 4 * TIN)
    g4 = gfor(TIN + 8 * TIN)
    ub = U_b.reshape(1, D)

    bt_g = bn_t_gamma.reshape(1, D)
    bt_b = bn_t_beta.reshape(1, D)
    mwt = mix_W.T
    mb2 = mix_b.reshape(1, D)
    bg = bn_gamma.reshape(1, D)
    bbeta = bn_beta.reshape(1, D)

    src = edge_index[0]
    dst = edge_index[1]
    packed = jnp.bitwise_or(jnp.left_shift(dst, 14), src)

    a0, a1, b_arr = pl.pallas_call(
        _prologue_body,
        grid=(GRID,),
        in_specs=[
            pl.BlockSpec((BLK, D), lambda i: (i, 0)),
            pl.BlockSpec((D, D), lambda i: (0, 0)),
            pl.BlockSpec((D, D), lambda i: (0, 0)),
            pl.BlockSpec((1, D), lambda i: (0, 0)),
        ],
        out_specs=[
            pl.BlockSpec((BLK, D // 2), lambda i: (i, 0)),
            pl.BlockSpec((BLK, D // 2), lambda i: (i, 0)),
            pl.BlockSpec((BLK, D), lambda i: (i, 0)),
        ],
        out_shape=[
            jax.ShapeDtypeStruct((N, D // 2), f32),
            jax.ShapeDtypeStruct((N, D // 2), f32),
            jax.ShapeDtypeStruct((N, D), f32),
        ],
    )(h, wa, wb, bb)

    mesh = plsc.VectorSubcoreMesh(core_axis_name="c", subcore_axis_name="s")

    def sc_half(a_half):
        return pl.kernel(
            _sc_half_body,
            out_type=[
                jax.ShapeDtypeStruct((NPAD, D // 2), f32),
                jax.ShapeDtypeStruct((NPAD, D // 2), f32),
                jax.ShapeDtypeStruct((NPAD, D // 2), f32),
                jax.ShapeDtypeStruct((NPAD, D // 2), f32),
                jax.ShapeDtypeStruct((32, RANGE // 16, 16), f32),
            ],
            mesh=mesh,
            compiler_params=pltpu.CompilerParams(use_tc_tiling_on_sc=False),
            scratch_types=[
                pltpu.VMEM((W,), jnp.int32),
                pltpu.VMEM((CAPT,), jnp.int32),
                pltpu.VMEM((CAPT,), jnp.int32),
                pltpu.VMEM((48,), jnp.int32),
                pltpu.VMEM((CAPT, D // 2), f32),
                pltpu.VMEM((RANGE, D // 2), f32),
                pltpu.VMEM((RANGE, D // 2), f32),
                pltpu.VMEM((RANGE, D // 2), f32),
                pltpu.VMEM((RANGE, D // 2), f32),
                pltpu.VMEM((RANGE // 16, 16), f32),
                pltpu.SemaphoreType.DMA,
            ],
        )(packed, a_half)

    s1a, sqa, mxa, mna, degp = sc_half(a0)
    s1b, sqb, mxb, mnb, _ = sc_half(a1)
    s1 = jnp.concatenate([s1a, s1b], axis=1)
    sq = jnp.concatenate([sqa, sqb], axis=1)
    mx = jnp.concatenate([mxa, mxb], axis=1)
    mn = jnp.concatenate([mna, mnb], axis=1)

    deg_arr = jnp.reshape(degp, (NPAD,))[:N].reshape(N, 1)

    hu, sums = pl.pallas_call(
        _epi1_body,
        grid=(GRID,),
        in_specs=[
            pl.BlockSpec((BLK, D), lambda i: (i, 0)),
            pl.BlockSpec((BLK, D), lambda i: (i, 0)),
            pl.BlockSpec((BLK, D), lambda i: (i, 0)),
            pl.BlockSpec((BLK, D), lambda i: (i, 0)),
            pl.BlockSpec((BLK, 1), lambda i: (i, 0)),
            pl.BlockSpec((BLK, D), lambda i: (i, 0)),
            pl.BlockSpec((BLK, D), lambda i: (i, 0)),
            pl.BlockSpec((D, D), lambda i: (0, 0)),
            pl.BlockSpec((4 * D, D), lambda i: (0, 0)),
            pl.BlockSpec((4 * D, D), lambda i: (0, 0)),
            pl.BlockSpec((4 * D, D), lambda i: (0, 0)),
            pl.BlockSpec((1, D), lambda i: (0, 0)),
        ],
        out_specs=[
            pl.BlockSpec((BLK, D), lambda i: (i, 0)),
            pl.BlockSpec((2, D), lambda i: (0, 0)),
        ],
        out_shape=[
            jax.ShapeDtypeStruct((N, D), f32),
            jax.ShapeDtypeStruct((2, D), f32),
        ],
    )(s1, sq, mx, mn, deg_arr, b_arr, h, u1, g2, g3, g4, ub)

    hm, sums2 = pl.pallas_call(
        _epi2_body,
        grid=(GRID,),
        in_specs=[
            pl.BlockSpec((BLK, D), lambda i: (i, 0)),
            pl.BlockSpec((2, D), lambda i: (0, 0)),
            pl.BlockSpec((1, D), lambda i: (0, 0)),
            pl.BlockSpec((1, D), lambda i: (0, 0)),
            pl.BlockSpec((D, D), lambda i: (0, 0)),
            pl.BlockSpec((1, D), lambda i: (0, 0)),
        ],
        out_specs=[
            pl.BlockSpec((BLK, D), lambda i: (i, 0)),
            pl.BlockSpec((2, D), lambda i: (0, 0)),
        ],
        out_shape=[
            jax.ShapeDtypeStruct((N, D), f32),
            jax.ShapeDtypeStruct((2, D), f32),
        ],
    )(hu, sums, bt_g, bt_b, mwt, mb2)

    out = pl.pallas_call(
        _epi3_body,
        grid=(GRID,),
        in_specs=[
            pl.BlockSpec((BLK, D), lambda i: (i, 0)),
            pl.BlockSpec((2, D), lambda i: (0, 0)),
            pl.BlockSpec((1, D), lambda i: (0, 0)),
            pl.BlockSpec((1, D), lambda i: (0, 0)),
            pl.BlockSpec((BLK, D), lambda i: (i, 0)),
        ],
        out_specs=pl.BlockSpec((BLK, D), lambda i: (i, 0)),
        out_shape=jax.ShapeDtypeStruct((N, D), f32),
    )(hm, sums2, bg, bbeta, h)
    return out

# --- scband reference (transcript-rebuilt; emitter-appended) ---
"""Pipeline reference for scband-pnalayer-47725676593250 (READ-ONLY COPY).

The authoritative reference and input builder live on the scoring server;
editing this copy changes nothing except your own understanding.
"""

import jax, jax.numpy as jnp
import numpy as np

N = 10000
E = 320000
D_IN = 128
NT = 4
TIN = D_IN // NT  # 32
NAGG = 4
NSC = 3
UIN = (NAGG * NSC + 1) * TIN  # 416
DELTA = 3.5
BN_EPS = 1e-5
NEG_SLOPE = 0.01


def setup_inputs(seed: int = 0) -> dict:
    key = jax.random.key(seed)
    ks = jax.random.split(key, 8)
    h = jax.random.normal(ks[0], (N, D_IN), dtype=jnp.float32)
    edge_index = jax.random.randint(ks[1], (2, E), 0, N, dtype=jnp.int32)
    M_W = jax.random.normal(ks[2], (NT, TIN, 2 * TIN), dtype=jnp.float32) * 0.05
    M_b = jnp.zeros((NT, TIN), dtype=jnp.float32)
    U_W = jax.random.normal(ks[3], (NT, TIN, UIN), dtype=jnp.float32) * 0.05
    U_b = jnp.zeros((NT, TIN), dtype=jnp.float32)
    bn_t_gamma = jnp.ones((NT, TIN), dtype=jnp.float32)
    bn_t_beta = jnp.zeros((NT, TIN), dtype=jnp.float32)
    mix_W = jax.random.normal(ks[4], (D_IN, D_IN), dtype=jnp.float32) * 0.05
    mix_b = jnp.zeros((D_IN,), dtype=jnp.float32)
    bn_gamma = jnp.ones((D_IN,), dtype=jnp.float32)
    bn_beta = jnp.zeros((D_IN,), dtype=jnp.float32)
    return {"h": h, "edge_index": edge_index, "M_W": M_W, "M_b": M_b,
            "U_W": U_W, "U_b": U_b, "bn_t_gamma": bn_t_gamma, "bn_t_beta": bn_t_beta,
            "mix_W": mix_W, "mix_b": mix_b, "bn_gamma": bn_gamma, "bn_beta": bn_beta}


def _batchnorm(x, gamma, beta):
    mu = jnp.mean(x, axis=0)
    var = jnp.var(x, axis=0)
    return (x - mu) / jnp.sqrt(var + BN_EPS) * gamma + beta


def reference(h, edge_index, M_W, M_b, U_W, U_b, bn_t_gamma, bn_t_beta,
              mix_W, mix_b, bn_gamma, bn_beta):
    src = edge_index[0]
    dst = edge_index[1]
    deg = jnp.zeros((N,), jnp.float32).at[dst].add(1.0)
    deg_safe = jnp.maximum(deg, 1.0)
    logd = jnp.log(deg_safe + 1.0)
    amp = (logd / DELTA)[:, None]
    att = (DELTA / logd)[:, None]
    has_msg = (deg > 0)[:, None]
    tower_outs = []
    for t in range(NT):
        ht = h[:, t * TIN:(t + 1) * TIN]
        f = jnp.concatenate([jnp.take(ht, src, axis=0), jnp.take(ht, dst, axis=0)], axis=-1)
        msg = f @ M_W[t].T + M_b[t]
        s1 = jax.ops.segment_sum(msg, dst, num_segments=N)
        mean = s1 / deg_safe[:, None]
        mx = jax.ops.segment_max(msg, dst, num_segments=N)
        mx = jnp.where(has_msg, mx, 0.0)
        mn = jax.ops.segment_min(msg, dst, num_segments=N)
        mn = jnp.where(has_msg, mn, 0.0)
        s2 = jax.ops.segment_sum(msg * msg, dst, num_segments=N)
        mean_sq = s2 / deg_safe[:, None]
        var = jax.nn.relu(mean_sq - mean * mean)
        std = jnp.sqrt(var + 1e-30)
        agg = jnp.concatenate([mean, mx, mn, std], axis=-1)
        scaled = jnp.concatenate([agg, agg * amp, agg * att], axis=-1)
        u_in = jnp.concatenate([ht, scaled], axis=-1)
        hu = u_in @ U_W[t].T + U_b[t]
        hu = _batchnorm(hu, bn_t_gamma[t], bn_t_beta[t])
        tower_outs.append(hu)
    hc = jnp.concatenate(tower_outs, axis=1)
    hm = jax.nn.leaky_relu(hc @ mix_W.T + mix_b, negative_slope=NEG_SLOPE)
    hb = _batchnorm(hm, bn_gamma, bn_beta)
    out = jax.nn.leaky_relu(hb, negative_slope=NEG_SLOPE)
    out = h + out
    return out

if __name__ == "__main__":
    import jax
    _d = setup_inputs()
    print(jax.jit(kernel)(*tuple(_d.values())))

</pallas_src>

<mosaic_0001>
#map = affine_map<(d0, d1) -> (0)>
#map1 = affine_map<(d0, d1) -> (0, 0)>
#map2 = affine_map<(d0, d1) -> (0, 0, 0)>
module attributes {stable_mosaic.version = 14 : i64} {
  func.func @_sc_half_body(%arg0: i32, %arg1: i32, %arg2: memref<320000xi32, #tpu.memory_space<hbm>>, %arg3: memref<10000x64xf32, #tpu.memory_space<hbm>>, %arg4: memref<10240x64xf32, #tpu.memory_space<hbm>>, %arg5: memref<10240x64xf32, #tpu.memory_space<hbm>>, %arg6: memref<10240x64xf32, #tpu.memory_space<hbm>>, %arg7: memref<10240x64xf32, #tpu.memory_space<hbm>>, %arg8: memref<32x20x16xf32, #tpu.memory_space<hbm>>, %arg9: memref<2000xi32, #tpu.memory_space<vmem>>, %arg10: memref<144xi32, #tpu.memory_space<vmem>>, %arg11: memref<144xi32, #tpu.memory_space<vmem>>, %arg12: memref<48xi32, #tpu.memory_space<vmem>>, %arg13: memref<144x64xf32, #tpu.memory_space<vmem>>, %arg14: memref<320x64xf32, #tpu.memory_space<vmem>>, %arg15: memref<320x64xf32, #tpu.memory_space<vmem>>, %arg16: memref<320x64xf32, #tpu.memory_space<vmem>>, %arg17: memref<320x64xf32, #tpu.memory_space<vmem>>, %arg18: memref<20x16xf32, #tpu.memory_space<vmem>>, %arg19: memref<!tpu.dma_semaphore, #tpu.memory_space<semaphore_mem>>) attributes {dimension_semantics = [#tpu.dimension_semantics<core_parallel>, #tpu.dimension_semantics<subcore_parallel>], iteration_bounds = array<i64: 2, 16>, scalar_prefetch = 0 : i64, scratch_operands = 11 : i64, tpu.core_type = #tpu.core_type<sc_vector_subcore>, window_params = [{transform_indices = #map}, {transform_indices = #map1}, {transform_indices = #map1}, {transform_indices = #map1}, {transform_indices = #map1}, {transform_indices = #map1}, {transform_indices = #map2}]} {
    %mul3A = arith.constant 2 : i32
    %mul3A_0 = arith.muli %arg1, %mul3A : i32
    %add3A = arith.addi %mul3A_0, %arg0 : i32
    %mul3A_1 = arith.constant 320 : i32
    %mul3A_2 = arith.muli %add3A, %mul3A_1 : i32
    %broadcast_in_dim3A = arith.constant 0.000000e+00 : f32
    %broadcast_in_dim3A_3 = vector.broadcast %broadcast_in_dim3A : f32 to vector<16xf32>
    %broadcast_in_dim3A_4 = arith.constant 0xFF800000 : f32
    %broadcast_in_dim3A_5 = vector.broadcast %broadcast_in_dim3A_4 : f32 to vector<16xf32>
    %broadcast_in_dim3A_6 = arith.constant 0x7F800000 : f32
    %broadcast_in_dim3A_7 = vector.broadcast %broadcast_in_dim3A_6 : f32 to vector<16xf32>
    %iota3A = tpu.iota {dimensions = array<i32: 0>} : vector<16xi32>
    %scan3A = arith.constant 0 : i32
    %scan3A_8 = arith.constant 0 : i32
    %scan3A_9 = arith.constant 320 : i32
    %scan3A_10 = arith.addi %scan3A_8, %scan3A_9 : i32
    %scan3A_11 = arith.constant 1 : i32
    %scan3A_12 = scf.for %scan3A_47 = %scan3A_8 to %scan3A_10 step %scan3A_11 iter_args(%scan3A_48 = %scan3A) -> (i32)  : i32 {
      %swap3A = arith.index_cast %scan3A_47 : i32 to index
      %swap3A_49 = arith.constant 0 : index
      %swap3A_50 = tpu.vector_load %arg14[%swap3A, %swap3A_49] {strides = array<i32>} : memref<320x64xf32, #tpu.memory_space<vmem>>, vector<1x16xf32>,
      %swap3A_51 = vector.shape_cast %swap3A_50 : vector<1x16xf32> to vector<16xf32>
      %swap3A_52 = vector.shape_cast %broadcast_in_dim3A_3 : vector<16xf32> to vector<1x16xf32>
      tpu.vector_store %arg14[%swap3A, %swap3A_49], %swap3A_52 {strides = array<i32>} : memref<320x64xf32, #tpu.memory_space<vmem>>, vector<1x16xf32>,
      %swap3A_53 = arith.index_cast %scan3A_47 : i32 to index
      %swap3A_54 = arith.constant 0 : index
      %swap3A_55 = tpu.vector_load %arg15[%swap3A_53, %swap3A_54] {strides = array<i32>} : memref<320x64xf32, #tpu.memory_space<vmem>>, vector<1x16xf32>,
      %swap3A_56 = vector.shape_cast %swap3A_55 : vector<1x16xf32> to vector<16xf32>
      %swap3A_57 = vector.shape_cast %broadcast_in_dim3A_3 : vector<16xf32> to vector<1x16xf32>
      tpu.vector_store %arg15[%swap3A_53, %swap3A_54], %swap3A_57 {strides = array<i32>} : memref<320x64xf32, #tpu.memory_space<vmem>>, vector<1x16xf32>,
      %swap3A_58 = arith.index_cast %scan3A_47 : i32 to index
      %swap3A_59 = arith.constant 0 : index
      %swap3A_60 = tpu.vector_load %arg16[%swap3A_58, %swap3A_59] {strides = array<i32>} : memref<320x64xf32, #tpu.memory_space<vmem>>, vector<1x16xf32>,
      %swap3A_61 = vector.shape_cast %swap3A_60 : vector<1x16xf32> to vector<16xf32>
      %swap3A_62 = vector.shape_cast %broadcast_in_dim3A_5 : vector<16xf32> to vector<1x16xf32>
      tpu.vector_store %arg16[%swap3A_58, %swap3A_59], %swap3A_62 {strides = array<i32>} : memref<320x64xf32, #tpu.memory_space<vmem>>, vector<1x16xf32>,
      %swap3A_63 = arith.index_cast %scan3A_47 : i32 to index
      %swap3A_64 = arith.constant 0 : index
      %swap3A_65 = tpu.vector_load %arg17[%swap3A_63, %swap3A_64] {strides = array<i32>} : memref<320x64xf32, #tpu.memory_space<vmem>>, vector<1x16xf32>,
      %swap3A_66 = vector.shape_cast %swap3A_65 : vector<1x16xf32> to vector<16xf32>
      %swap3A_67 = vector.shape_cast %broadcast_in_dim3A_7 : vector<16xf32> to vector<1x16xf32>
      tpu.vector_store %arg17[%swap3A_63, %swap3A_64], %swap3A_67 {strides = array<i32>} : memref<320x64xf32, #tpu.memory_space<vmem>>, vector<1x16xf32>,
      %swap3A_68 = arith.index_cast %scan3A_47 : i32 to index
      %swap3A_69 = arith.constant 16 : index
      %swap3A_70 = tpu.vector_load %arg14[%swap3A_68, %swap3A_69] {strides = array<i32>} : memref<320x64xf32, #tpu.memory_space<vmem>>, vector<1x16xf32>,
      %swap3A_71 = vector.shape_cast %swap3A_70 : vector<1x16xf32> to vector<16xf32>
      %swap3A_72 = vector.shape_cast %broadcast_in_dim3A_3 : vector<16xf32> to vector<1x16xf32>
      tpu.vector_store %arg14[%swap3A_68, %swap3A_69], %swap3A_72 {strides = array<i32>} : memref<320x64xf32, #tpu.memory_space<vmem>>, vector<1x16xf32>,
      %swap3A_73 = arith.index_cast %scan3A_47 : i32 to index
      %swap3A_74 = arith.constant 16 : index
      %swap3A_75 = tpu.vector_load %arg15[%swap3A_73, %swap3A_74] {strides = array<i32>} : memref<320x64xf32, #tpu.memory_space<vmem>>, vector<1x16xf32>,
      %swap3A_76 = vector.shape_cast %swap3A_75 : vector<1x16xf32> to vector<16xf32>
      %swap3A_77 = vector.shape_cast %broadcast_in_dim3A_3 : vector<16xf32> to vector<1x16xf32>
      tpu.vector_store %arg15[%swap3A_73, %swap3A_74], %swap3A_77 {strides = array<i32>} : memref<320x64xf32, #tpu.memory_space<vmem>>, vector<1x16xf32>,
      %swap3A_78 = arith.index_cast %scan3A_47 : i32 to index
      %swap3A_79 = arith.constant 16 : index
      %swap3A_80 = tpu.vector_load %arg16[%swap3A_78, %swap3A_79] {strides = array<i32>} : memref<320x64xf32, #tpu.memory_space<vmem>>, vector<1x16xf32>,
      %swap3A_81 = vector.shape_cast %swap3A_80 : vector<1x16xf32> to vector<16xf32>
      %swap3A_82 = vector.shape_cast %broadcast_in_dim3A_5 : vector<16xf32> to vector<1x16xf32>
      tpu.vector_store %arg16[%swap3A_78, %swap3A_79], %swap3A_82 {strides = array<i32>} : memref<320x64xf32, #tpu.memory_space<vmem>>, vector<1x16xf32>,
      %swap3A_83 = arith.index_cast %scan3A_47 : i32 to index
      %swap3A_84 = arith.constant 16 : index
      %swap3A_85 = tpu.vector_load %arg17[%swap3A_83, %swap3A_84] {strides = array<i32>} : memref<320x64xf32, #tpu.memory_space<vmem>>, vector<1x16xf32>,
      %swap3A_86 = vector.shape_cast %swap3A_85 : vector<1x16xf32> to vector<16xf32>
      %swap3A_87 = vector.shape_cast %broadcast_in_dim3A_7 : vector<16xf32> to vector<1x16xf32>
      tpu.vector_store %arg17[%swap3A_83, %swap3A_84], %swap3A_87 {strides = array<i32>} : memref<320x64xf32, #tpu.memory_space<vmem>>, vector<1x16xf32>,
      %swap3A_88 = arith.index_cast %scan3A_47 : i32 to index
      %swap3A_89 = arith.constant 32 : index
      %swap3A_90 = tpu.vector_load %arg14[%swap3A_88, %swap3A_89] {strides = array<i32>} : memref<320x64xf32, #tpu.memory_space<vmem>>, vector<1x16xf32>,
      %swap3A_91 = vector.shape_cast %swap3A_90 : vector<1x16xf32> to vector<16xf32>
      %swap3A_92 = vector.shape_cast %broadcast_in_dim3A_3 : vector<16xf32> to vector<1x16xf32>
      tpu.vector_store %arg14[%swap3A_88, %swap3A_89], %swap3A_92 {strides = array<i32>} : memref<320x64xf32, #tpu.memory_space<vmem>>, vector<1x16xf32>,
      %swap3A_93 = arith.index_cast %scan3A_47 : i32 to index
      %swap3A_94 = arith.constant 32 : index
      %swap3A_95 = tpu.vector_load %arg15[%swap3A_93, %swap3A_94] {strides = array<i32>} : memref<320x64xf32, #tpu.memory_space<vmem>>, vector<1x16xf32>,
      %swap3A_96 = vector.shape_cast %swap3A_95 : vector<1x16xf32> to vector<16xf32>
      %swap3A_97 = vector.shape_cast %broadcast_in_dim3A_3 : vector<16xf32> to vector<1x16xf32>
      tpu.vector_store %arg15[%swap3A_93, %swap3A_94], %swap3A_97 {strides = array<i32>} : memref<320x64xf32, #tpu.memory_space<vmem>>, vector<1x16xf32>,
      %swap3A_98 = arith.index_cast %scan3A_47 : i32 to index
      %swap3A_99 = arith.constant 32 : index
      %swap3A_100 = tpu.vector_load %arg16[%swap3A_98, %swap3A_99] {strides = array<i32>} : memref<320x64xf32, #tpu.memory_space<vmem>>, vector<1x16xf32>,
      %swap3A_101 = vector.shape_cast %swap3A_100 : vector<1x16xf32> to vector<16xf32>
      %swap3A_102 = vector.shape_cast %broadcast_in_dim3A_5 : vector<16xf32> to vector<1x16xf32>
      tpu.vector_store %arg16[%swap3A_98, %swap3A_99], %swap3A_102 {strides = array<i32>} : memref<320x64xf32, #tpu.memory_space<vmem>>, vector<1x16xf32>,
      %swap3A_103 = arith.index_cast %scan3A_47 : i32 to index
      %swap3A_104 = arith.constant 32 : index
      %swap3A_105 = tpu.vector_load %arg17[%swap3A_103, %swap3A_104] {strides = array<i32>} : memref<320x64xf32, #tpu.memory_space<vmem>>, vector<1x16xf32>,
      %swap3A_106 = vector.shape_cast %swap3A_105 : vector<1x16xf32> to vector<16xf32>
      %swap3A_107 = vector.shape_cast %broadcast_in_dim3A_7 : vector<16xf32> to vector<1x16xf32>
      tpu.vector_store %arg17[%swap3A_103, %swap3A_104], %swap3A_107 {strides = array<i32>} : memref<320x64xf32, #tpu.memory_space<vmem>>, vector<1x16xf32>,
      %swap3A_108 = arith.index_cast %scan3A_47 : i32 to index
      %swap3A_109 = arith.constant 48 : index
      %swap3A_110 = tpu.vector_load %arg14[%swap3A_108, %swap3A_109] {strides = array<i32>} : memref<320x64xf32, #tpu.memory_space<vmem>>, vector<1x16xf32>,
      %swap3A_111 = vector.shape_cast %swap3A_110 : vector<1x16xf32> to vector<16xf32>
      %swap3A_112 = vector.shape_cast %broadcast_in_dim3A_3 : vector<16xf32> to vector<1x16xf32>
      tpu.vector_store %arg14[%swap3A_108, %swap3A_109], %swap3A_112 {strides = array<i32>} : memref<320x64xf32, #tpu.memory_space<vmem>>, vector<1x16xf32>,
      %swap3A_113 = arith.index_cast %scan3A_47 : i32 to index
      %swap3A_114 = arith.constant 48 : index
      %swap3A_115 = tpu.vector_load %arg15[%swap3A_113, %swap3A_114] {strides = array<i32>} : memref<320x64xf32, #tpu.memory_space<vmem>>, vector<1x16xf32>,
      %swap3A_116 = vector.shape_cast %swap3A_115 : vector<1x16xf32> to vector<16xf32>
      %swap3A_117 = vector.shape_cast %broadcast_in_dim3A_3 : vector<16xf32> to vector<1x16xf32>
      tpu.vector_store %arg15[%swap3A_113, %swap3A_114], %swap3A_117 {strides = array<i32>} : memref<320x64xf32, #tpu.memory_space<vmem>>, vector<1x16xf32>,
      %swap3A_118 = arith.index_cast %scan3A_47 : i32 to index
      %swap3A_119 = arith.constant 48 : index
      %swap3A_120 = tpu.vector_load %arg16[%swap3A_118, %swap3A_119] {strides = array<i32>} : memref<320x64xf32, #tpu.memory_space<vmem>>, vector<1x16xf32>,
      %swap3A_121 = vector.shape_cast %swap3A_120 : vector<1x16xf32> to vector<16xf32>
      %swap3A_122 = vector.shape_cast %broadcast_in_dim3A_5 : vector<16xf32> to vector<1x16xf32>
      tpu.vector_store %arg16[%swap3A_118, %swap3A_119], %swap3A_122 {strides = array<i32>} : memref<320x64xf32, #tpu.memory_space<vmem>>, vector<1x16xf32>,
      %swap3A_123 = arith.index_cast %scan3A_47 : i32 to index
      %swap3A_124 = arith.constant 48 : index
      %swap3A_125 = tpu.vector_load %arg17[%swap3A_123, %swap3A_124] {strides = array<i32>} : memref<320x64xf32, #tpu.memory_space<vmem>>, vector<1x16xf32>,
      %swap3A_126 = vector.shape_cast %swap3A_125 : vector<1x16xf32> to vector<16xf32>
      %swap3A_127 = vector.shape_cast %broadcast_in_dim3A_7 : vector<16xf32> to vector<1x16xf32>
      tpu.vector_store %arg17[%swap3A_123, %swap3A_124], %swap3A_127 {strides = array<i32>} : memref<320x64xf32, #tpu.memory_space<vmem>>, vector<1x16xf32>,
      %scan3A_128 = arith.constant 0 : i32
      scf.yield %scan3A_128 : i32
    }
    %scan3A_13 = arith.constant 320 : i32
    %scan3A_14 = arith.constant 0 : i32
    %scan3A_15 = arith.constant 0 : i32
    %scan3A_16 = arith.constant 20 : i32
    %scan3A_17 = arith.addi %scan3A_15, %scan3A_16 : i32
    %scan3A_18 = arith.constant 1 : i32
    %scan3A_19 = scf.for %scan3A_47 = %scan3A_15 to %scan3A_17 step %scan3A_18 iter_args(%scan3A_48 = %scan3A_14) -> (i32)  : i32 {
      %swap3A = arith.index_cast %scan3A_47 : i32 to index
      %swap3A_49 = arith.constant 0 : index
      %swap3A_50 = tpu.vector_load %arg18[%swap3A, %swap3A_49] {strides = array<i32>} : memref<20x16xf32, #tpu.memory_space<vmem>>, vector<1x16xf32>,
      %swap3A_51 = vector.shape_cast %swap3A_50 : vector<1x16xf32> to vector<16xf32>
      %swap3A_52 = vector.shape_cast %broadcast_in_dim3A_3 : vector<16xf32> to vector<1x16xf32>
      tpu.vector_store %arg18[%swap3A, %swap3A_49], %swap3A_52 {strides = array<i32>} : memref<20x16xf32, #tpu.memory_space<vmem>>, vector<1x16xf32>,
      %scan3A_53 = arith.constant 0 : i32
      scf.yield %scan3A_53 : i32
    }
    %scan3A_20 = arith.constant 20 : i32
    %scan3A_21 = arith.constant 0 : i32
    %scan3A_22 = arith.constant 0 : i32
    %scan3A_23 = arith.constant 9 : i32
    %scan3A_24 = arith.addi %scan3A_22, %scan3A_23 : i32
    %scan3A_25 = arith.constant 1 : i32
    %scan3A_26 = scf.for %scan3A_47 = %scan3A_22 to %scan3A_24 step %scan3A_25 iter_args(%scan3A_48 = %scan3A_21) -> (i32)  : i32 {
      %broadcast_in_dim3A_49 = arith.constant 0 : i32
      %broadcast_in_dim3A_50 = vector.broadcast %broadcast_in_dim3A_49 : i32 to vector<16xi32>
      %mul3A_51 = arith.constant 16 : i32
      %mul3A_52 = arith.muli %scan3A_47, %mul3A_51 : i32
      %swap3A = arith.index_cast %mul3A_52 : i32 to index
      %swap3A_53 = tpu.vector_load %arg10[%swap3A] {strides = array<i32>} : memref<144xi32, #tpu.memory_space<vmem>>, vector<16xi32>,
      %swap3A_54 = vector.shape_cast %swap3A_53 : vector<16xi32> to vector<16xi32>
      %swap3A_55 = vector.shape_cast %broadcast_in_dim3A_50 : vector<16xi32> to vector<16xi32>
      tpu.vector_store %arg10[%swap3A], %swap3A_55 {strides = array<i32>} : memref<144xi32, #tpu.memory_space<vmem>>, vector<16xi32>,
      %scan3A_56 = arith.constant 0 : i32
      scf.yield %scan3A_56 : i32
    }
    %scan3A_27 = arith.constant 9 : i32
    %scan3A_28 = arith.constant 0 : i32
    %scan3A_29 = arith.constant 0 : i32
    %scan3A_30 = arith.constant 3 : i32
    %scan3A_31 = arith.addi %scan3A_29, %scan3A_30 : i32
    %scan3A_32 = arith.constant 1 : i32
    %scan3A_33 = scf.for %scan3A_47 = %scan3A_29 to %scan3A_31 step %scan3A_32 iter_args(%scan3A_48 = %scan3A_28) -> (i32)  : i32 {
      %broadcast_in_dim3A_49 = arith.constant 0 : i32
      %broadcast_in_dim3A_50 = vector.broadcast %broadcast_in_dim3A_49 : i32 to vector<16xi32>
      %mul3A_51 = arith.constant 16 : i32
      %mul3A_52 = arith.muli %scan3A_47, %mul3A_51 : i32
      %swap3A = arith.index_cast %mul3A_52 : i32 to index
      %swap3A_53 = tpu.vector_load %arg12[%swap3A] {strides = array<i32>} : memref<48xi32, #tpu.memory_space<vmem>>, vector<16xi32>,
      %swap3A_54 = vector.shape_cast %swap3A_53 : vector<16xi32> to vector<16xi32>
      %swap3A_55 = vector.shape_cast %broadcast_in_dim3A_50 : vector<16xi32> to vector<16xi32>
      tpu.vector_store %arg12[%swap3A], %swap3A_55 {strides = array<i32>} : memref<48xi32, #tpu.memory_space<vmem>>, vector<16xi32>,
      %scan3A_56 = arith.constant 0 : i32
      scf.yield %scan3A_56 : i32
    }
    %scan3A_34 = arith.constant 3 : i32
    %broadcast_in_dim3A_35 = arith.constant 0 : i32
    %broadcast_in_dim3A_36 = vector.broadcast %broadcast_in_dim3A_35 : i32 to vector<16xi32>
    %scan3A_37 = arith.constant 0 : i32
    %scan3A_38 = arith.constant 0 : i32
    %scan3A_39 = arith.constant 160 : i32
    %scan3A_40 = arith.addi %scan3A_38, %scan3A_39 : i32
    %scan3A_41 = arith.constant 1 : i32
    %scan3A_42 = scf.for %scan3A_47 = %scan3A_38 to %scan3A_40 step %scan3A_41 iter_args(%scan3A_48 = %scan3A_37) -> (i32)  : i32 {
      %mul3A_49 = arith.constant 2000 : i32
      %mul3A_50 = arith.muli %scan3A_47, %mul3A_49 : i32
      "tpu.region"() ({
        %run_scoped3A = tpu.sem_alloc : memref<!tpu.dma_semaphore, #tpu.memory_space<semaphore_mem>>
        %dma_start3A = tpu.memref_slice %arg2[%mul3A_50] : memref<320000xi32, #tpu.memory_space<hbm>> -> memref<2000xi32, #tpu.memory_space<hbm>>
        %dma_start3A_57 = tpu.memref_slice %arg2[%mul3A_50] : memref<320000xi32, #tpu.memory_space<hbm>> -> memref<2000xi32, #tpu.memory_space<hbm>>
        tpu.enqueue_dma source(%dma_start3A_57 : memref<2000xi32, #tpu.memory_space<hbm>>) target(%arg9 : memref<2000xi32, #tpu.memory_space<vmem>>) target_semaphore(%run_scoped3A : memref<!tpu.dma_semaphore, #tpu.memory_space<semaphore_mem>>)
        %dma_wait3A = tpu.memref_slice %arg2[%mul3A_50] : memref<320000xi32, #tpu.memory_space<hbm>> -> memref<2000xi32, #tpu.memory_space<hbm>>
        %dma_wait3A_58 = tpu.memref_slice %arg2[%mul3A_50] : memref<320000xi32, #tpu.memory_space<hbm>> -> memref<2000xi32, #tpu.memory_space<hbm>>
        tpu.wait_dma2 semaphore(%run_scoped3A : memref<!tpu.dma_semaphore, #tpu.memory_space<semaphore_mem>>) src(%dma_wait3A_58 : memref<2000xi32, #tpu.memory_space<hbm>>) dst(%arg9 : memref<2000xi32, #tpu.memory_space<vmem>>)
        tpu.yield
      }) : () -> ()
      %scan3A_51 = arith.constant 0 : i32
      %scan3A_52 = arith.constant 125 : i32
      %scan3A_53 = arith.addi %scan3A_51, %scan3A_52 : i32
      %scan3A_54 = arith.constant 1 : i32
      %scan3A_55 = scf.for %scan3A_57 = %scan3A_51 to %scan3A_53 step %scan3A_54 iter_args(%scan3A_58 = %scan3A_48) -> (i32)  : i32 {
        %mul3A_59 = arith.constant 16 : i32
        %mul3A_60 = arith.muli %scan3A_57, %mul3A_59 : i32
        %get3A = arith.index_cast %mul3A_60 : i32 to index
        %get3A_61 = tpu.vector_load %arg9[%get3A] {strides = array<i32>} : memref<2000xi32, #tpu.memory_space<vmem>>, vector<16xi32>,
        %get3A_62 = vector.shape_cast %get3A_61 : vector<16xi32> to vector<16xi32>
        %ge3A = arith.constant 112 : i32
        %ge3A_63 = arith.cmpi sge, %scan3A_58, %ge3A : i32
        %convert_element_type3A_64 = arith.extui %ge3A_63 : i1 to i32
        %cond3A_65 = arith.constant 0 : i32
        %cond3A_66 = arith.cmpi ne, %convert_element_type3A_64, %cond3A_65 : i32
        %cond3A_67 = scf.if %cond3A_66 -> (i32) {
          %scan3A_118 = arith.constant 0 : i32
          %scan3A_119 = arith.constant 0 : i32
          %scan3A_120 = arith.constant 9 : i32
          %scan3A_121 = arith.addi %scan3A_119, %scan3A_120 : i32
          %scan3A_122 = arith.constant 1 : i32
          %scan3A_123 = scf.for %scan3A_141 = %scan3A_119 to %scan3A_121 step %scan3A_122 iter_args(%scan3A_142 = %scan3A_118) -> (i32)  : i32 {
            %mul3A_143 = arith.constant 16 : i32
            %mul3A_144 = arith.muli %scan3A_141, %mul3A_143 : i32
            %get3A_145 = arith.index_cast %mul3A_144 : i32 to index
            %get3A_146 = tpu.vector_load %arg10[%get3A_145] {strides = array<i32>} : memref<144xi32, #tpu.memory_space<vmem>>, vector<16xi32>,
            %get3A_147 = vector.shape_cast %get3A_146 : vector<16xi32> to vector<16xi32>
            %and3A = arith.constant 16383 : i32
            %and3A_148 = vector.broadcast %and3A : i32 to vector<16xi32>
            %and3A_149 = arith.andi %get3A_147, %and3A_148 : vector<16xi32>
            %mul3A_150 = arith.constant 16 : i32
            %mul3A_151 = arith.muli %scan3A_141, %mul3A_150 : i32
            %swap3A_152 = arith.index_cast %mul3A_151 : i32 to index
            %swap3A_153 = tpu.vector_load %arg11[%swap3A_152] {strides = array<i32>} : memref<144xi32, #tpu.memory_space<vmem>>, vector<16xi32>,
            %swap3A_154 = vector.shape_cast %swap3A_153 : vector<16xi32> to vector<16xi32>
            %swap3A_155 = vector.shape_cast %and3A_149 : vector<16xi32> to vector<16xi32>
            tpu.vector_store %arg11[%swap3A_152], %swap3A_155 {strides = array<i32>} : memref<144xi32, #tpu.memory_space<vmem>>, vector<16xi32>,
            %scan3A_156 = arith.constant 0 : i32
            scf.yield %scan3A_156 : i32
          }
          %scan3A_124 = arith.constant 9 : i32
          %dma_start3A = arith.constant 0 : i32
          %dma_start3A_125 = arith.constant 0 : i32
          %dma_start3A_126 = tpu.memref_slice %arg3[%dma_start3A, %dma_start3A_125] : memref<10000x64xf32, #tpu.memory_space<hbm>> -> memref<10000x64xf32, #tpu.memory_space<hbm>>
          tpu.enqueue_indirect_dma source(%dma_start3A_126 : memref<10000x64xf32, #tpu.memory_space<hbm>>) target(%arg13 : memref<144x64xf32, #tpu.memory_space<vmem>>) offsets(%arg11 : memref<144xi32, #tpu.memory_space<vmem>>) semaphore(%arg19 : memref<!tpu.dma_semaphore, #tpu.memory_space<semaphore_mem>>)
          %dma_wait3A = arith.constant 0 : i32
          %dma_wait3A_127 = arith.constant 0 : i32
          %dma_wait3A_128 = tpu.memref_slice %arg3[%dma_wait3A, %dma_wait3A_127] : memref<10000x64xf32, #tpu.memory_space<hbm>> -> memref<10000x64xf32, #tpu.memory_space<hbm>>
          tpu.wait_indirect_dma semaphore(%arg19 : memref<!tpu.dma_semaphore, #tpu.memory_space<semaphore_mem>>) src(%dma_wait3A_128 : memref<10000x64xf32, #tpu.memory_space<hbm>>) dst(%arg13 : memref<144x64xf32, #tpu.memory_space<vmem>>)
          %while3A = arith.constant 0 : i32
          %while3A_129 = arith.constant 0 : i32
          %while3A_130 = arith.subi %scan3A_58, %while3A : i32
          %while3A_131 = arith.addi %while3A, %while3A_130 : i32
          %while3A_132 = arith.constant 1 : i32
          %while3A_133 = arith.divsi %while3A_130, %while3A_132 : i32
          %while3A_134 = arith.muli %while3A_133, %while3A_132 : i32
          %while3A_135 = arith.addi %while3A, %while3A_134 : i32
          %while3A_136 = arith.constant 1 : i32
          %while3A_137 = scf.for %while3A_141 = %while3A to %while3A_135 step %while3A_136 iter_args(%while3A_142 = %while3A_129) -> (i32)  : i32 {
            %get3A_143 = arith.index_cast %while3A_141 : i32 to index
            %get3A_144 = tpu.vector_load %arg10[%get3A_143] {strides = array<i32>} : memref<144xi32, #tpu.memory_space<vmem>>, vector<16xi32>,
            %get3A_145 = vector.shape_cast %get3A_144 : vector<16xi32> to vector<16xi32>
            %slice3A_146 = vector.extract_strided_slice %get3A_145 {offsets = [0], sizes = [1], strides = [1]} : vector<16xi32> to vector<1xi32>
            %squeeze3A_147 = vector.extract %slice3A_146[0] : i32 from vector<1xi32>
            %shift_right_logical3A_148 = arith.constant 14 : i32
            %shift_right_logical3A_149 = arith.shrui %squeeze3A_147, %shift_right_logical3A_148 : i32
            %sub3A_150 = arith.subi %shift_right_logical3A_149, %mul3A_2 : i32
            %shift_right_logical3A_151 = arith.constant 4 : i32
            %shift_right_logical3A_152 = arith.shrui %sub3A_150, %shift_right_logical3A_151 : i32
            %mul3A_153 = arith.constant 16 : i32
            %mul3A_154 = arith.muli %shift_right_logical3A_152, %mul3A_153 : i32
            %sub3A_155 = arith.subi %sub3A_150, %mul3A_154 : i32
            %sub3A_156 = vector.broadcast %sub3A_155 : i32 to vector<16xi32>
            %sub3A_157 = arith.subi %iota3A, %sub3A_156 : vector<16xi32>
            %abs3A = math.absi %sub3A_157 : vector<16xi32>
            %min3A = arith.constant 1 : i32
            %min3A_158 = vector.broadcast %min3A : i32 to vector<16xi32>
            %min3A_159 = arith.minsi %abs3A, %min3A_158 : vector<16xi32>
            %sub3A_160 = arith.constant 1 : i32
            %sub3A_161 = vector.broadcast %sub3A_160 : i32 to vector<16xi32>
            %sub3A_162 = arith.subi %sub3A_161, %min3A_159 : vector<16xi32>
            %convert_element_type3A_163 = arith.sitofp %sub3A_162 : vector<16xi32> to vector<16xf32>
            %get3A_164 = arith.index_cast %shift_right_logical3A_152 : i32 to index
            %get3A_165 = arith.constant 0 : index
            %get3A_166 = tpu.vector_load %arg18[%get3A_164, %get3A_165] {strides = array<i32>} : memref<20x16xf32, #tpu.memory_space<vmem>>, vector<1x16xf32>,
            %get3A_167 = vector.shape_cast %get3A_166 : vector<1x16xf32> to vector<16xf32>
            %add3A_168 = arith.addf %get3A_167, %convert_element_type3A_163 : vector<16xf32>
            %swap3A_169 = arith.index_cast %shift_right_logical3A_152 : i32 to index
            %swap3A_170 = arith.constant 0 : index
            %swap3A_171 = tpu.vector_load %arg18[%swap3A_169, %swap3A_170] {strides = array<i32>} : memref<20x16xf32, #tpu.memory_space<vmem>>, vector<1x16xf32>,
            %swap3A_172 = vector.shape_cast %swap3A_171 : vector<1x16xf32> to vector<16xf32>
            %swap3A_173 = vector.shape_cast %add3A_168 : vector<16xf32> to vector<1x16xf32>
            tpu.vector_store %arg18[%swap3A_169, %swap3A_170], %swap3A_173 {strides = array<i32>} : memref<20x16xf32, #tpu.memory_space<vmem>>, vector<1x16xf32>,
            %get3A_174 = arith.index_cast %while3A_141 : i32 to index
            %get3A_175 = arith.constant 0 : index
            %get3A_176 = tpu.vector_load %arg13[%get3A_174, %get3A_175] {strides = array<i32>} : memref<144x64xf32, #tpu.memory_space<vmem>>, vector<1x16xf32>,
            %get3A_177 = vector.shape_cast %get3A_176 : vector<1x16xf32> to vector<16xf32>
            %get3A_178 = arith.index_cast %sub3A_150 : i32 to index
            %get3A_179 = arith.constant 0 : index
            %get3A_180 = tpu.vector_load %arg14[%get3A_178, %get3A_179] {strides = array<i32>} : memref<320x64xf32, #tpu.memory_space<vmem>>, vector<1x16xf32>,
            %get3A_181 = vector.shape_cast %get3A_180 : vector<1x16xf32> to vector<16xf32>
            %add3A_182 = arith.addf %get3A_181, %get3A_177 : vector<16xf32>
            %swap3A_183 = arith.index_cast %sub3A_150 : i32 to index
            %swap3A_184 = arith.constant 0 : index
            %swap3A_185 = tpu.vector_load %arg14[%swap3A_183, %swap3A_184] {strides = array<i32>} : memref<320x64xf32, #tpu.memory_space<vmem>>, vector<1x16xf32>,
            %swap3A_186 = vector.shape_cast %swap3A_185 : vector<1x16xf32> to vector<16xf32>
            %swap3A_187 = vector.shape_cast %add3A_182 : vector<16xf32> to vector<1x16xf32>
            tpu.vector_store %arg14[%swap3A_183, %swap3A_184], %swap3A_187 {strides = array<i32>} : memref<320x64xf32, #tpu.memory_space<vmem>>, vector<1x16xf32>,
            %get3A_188 = arith.index_cast %sub3A_150 : i32 to index
            %get3A_189 = arith.constant 0 : index
            %get3A_190 = tpu.vector_load %arg15[%get3A_188, %get3A_189] {strides = array<i32>} : memref<320x64xf32, #tpu.memory_space<vmem>>, vector<1x16xf32>,
            %get3A_191 = vector.shape_cast %get3A_190 : vector<1x16xf32> to vector<16xf32>
            %mul3A_192 = arith.mulf %get3A_177, %get3A_177 : vector<16xf32>
            %add3A_193 = arith.addf %get3A_191, %mul3A_192 : vector<16xf32>
            %swap3A_194 = arith.index_cast %sub3A_150 : i32 to index
            %swap3A_195 = arith.constant 0 : index
            %swap3A_196 = tpu.vector_load %arg15[%swap3A_194, %swap3A_195] {strides = array<i32>} : memref<320x64xf32, #tpu.memory_space<vmem>>, vector<1x16xf32>,
            %swap3A_197 = vector.shape_cast %swap3A_196 : vector<1x16xf32> to vector<16xf32>
            %swap3A_198 = vector.shape_cast %add3A_193 : vector<16xf32> to vector<1x16xf32>
            tpu.vector_store %arg15[%swap3A_194, %swap3A_195], %swap3A_198 {strides = array<i32>} : memref<320x64xf32, #tpu.memory_space<vmem>>, vector<1x16xf32>,
            %get3A_199 = arith.index_cast %sub3A_150 : i32 to index
            %get3A_200 = arith.constant 0 : index
            %get3A_201 = tpu.vector_load %arg16[%get3A_199, %get3A_200] {strides = array<i32>} : memref<320x64xf32, #tpu.memory_space<vmem>>, vector<1x16xf32>,
            %get3A_202 = vector.shape_cast %get3A_201 : vector<1x16xf32> to vector<16xf32>
            %max3A = arith.maximumf %get3A_202, %get3A_177 : vector<16xf32>
            %swap3A_203 = arith.index_cast %sub3A_150 : i32 to index
            %swap3A_204 = arith.constant 0 : index
            %swap3A_205 = tpu.vector_load %arg16[%swap3A_203, %swap3A_204] {strides = array<i32>} : memref<320x64xf32, #tpu.memory_space<vmem>>, vector<1x16xf32>,
            %swap3A_206 = vector.shape_cast %swap3A_205 : vector<1x16xf32> to vector<16xf32>
            %swap3A_207 = vector.shape_cast %max3A : vector<16xf32> to vector<1x16xf32>
            tpu.vector_store %arg16[%swap3A_203, %swap3A_204], %swap3A_207 {strides = array<i32>} : memref<320x64xf32, #tpu.memory_space<vmem>>, vector<1x16xf32>,
            %get3A_208 = arith.index_cast %sub3A_150 : i32 to index
            %get3A_209 = arith.constant 0 : index
            %get3A_210 = tpu.vector_load %arg17[%get3A_208, %get3A_209] {strides = array<i32>} : memref<320x64xf32, #tpu.memory_space<vmem>>, vector<1x16xf32>,
            %get3A_211 = vector.shape_cast %get3A_210 : vector<1x16xf32> to vector<16xf32>
            %min3A_212 = arith.minimumf %get3A_211, %get3A_177 : vector<16xf32>
            %swap3A_213 = arith.index_cast %sub3A_150 : i32 to index
            %swap3A_214 = arith.constant 0 : index
            %swap3A_215 = tpu.vector_load %arg17[%swap3A_213, %swap3A_214] {strides = array<i32>} : memref<320x64xf32, #tpu.memory_space<vmem>>, vector<1x16xf32>,
            %swap3A_216 = vector.shape_cast %swap3A_215 : vector<1x16xf32> to vector<16xf32>
            %swap3A_217 = vector.shape_cast %min3A_212 : vector<16xf32> to vector<1x16xf32>
            tpu.vector_store %arg17[%swap3A_213, %swap3A_214], %swap3A_217 {strides = array<i32>} : memref<320x64xf32, #tpu.memory_space<vmem>>, vector<1x16xf32>,
            %get3A_218 = arith.index_cast %while3A_141 : i32 to index
            %get3A_219 = arith.constant 16 : index
            %get3A_220 = tpu.vector_load %arg13[%get3A_218, %get3A_219] {strides = array<i32>} : memref<144x64xf32, #tpu.memory_space<vmem>>, vector<1x16xf32>,
            %get3A_221 = vector.shape_cast %get3A_220 : vector<1x16xf32> to vector<16xf32>
            %get3A_222 = arith.index_cast %sub3A_150 : i32 to index
            %get3A_223 = arith.constant 16 : index
            %get3A_224 = tpu.vector_load %arg14[%get3A_222, %get3A_223] {strides = array<i32>} : memref<320x64xf32, #tpu.memory_space<vmem>>, vector<1x16xf32>,
            %get3A_225 = vector.shape_cast %get3A_224 : vector<1x16xf32> to vector<16xf32>
            %add3A_226 = arith.addf %get3A_225, %get3A_221 : vector<16xf32>
            %swap3A_227 = arith.index_cast %sub3A_150 : i32 to index
            %swap3A_228 = arith.constant 16 : index
            %swap3A_229 = tpu.vector_load %arg14[%swap3A_227, %swap3A_228] {strides = array<i32>} : memref<320x64xf32, #tpu.memory_space<vmem>>, vector<1x16xf32>,
            %swap3A_230 = vector.shape_cast %swap3A_229 : vector<1x16xf32> to vector<16xf32>
            %swap3A_231 = vector.shape_cast %add3A_226 : vector<16xf32> to vector<1x16xf32>
            tpu.vector_store %arg14[%swap3A_227, %swap3A_228], %swap3A_231 {strides = array<i32>} : memref<320x64xf32, #tpu.memory_space<vmem>>, vector<1x16xf32>,
            %get3A_232 = arith.index_cast %sub3A_150 : i32 to index
            %get3A_233 = arith.constant 16 : index
            %get3A_234 = tpu.vector_load %arg15[%get3A_232, %get3A_233] {strides = array<i32>} : memref<320x64xf32, #tpu.memory_space<vmem>>, vector<1x16xf32>,
            %get3A_235 = vector.shape_cast %get3A_234 : vector<1x16xf32> to vector<16xf32>
            %mul3A_236 = arith.mulf %get3A_221, %get3A_221 : vector<16xf32>
            %add3A_237 = arith.addf %get3A_235, %mul3A_236 : vector<16xf32>
            %swap3A_238 = arith.index_cast %sub3A_150 : i32 to index
            %swap3A_239 = arith.constant 16 : index
            %swap3A_240 = tpu.vector_load %arg15[%swap3A_238, %swap3A_239] {strides = array<i32>} : memref<320x64xf32, #tpu.memory_space<vmem>>, vector<1x16xf32>,
            %swap3A_241 = vector.shape_cast %swap3A_240 : vector<1x16xf32> to vector<16xf32>
            %swap3A_242 = vector.shape_cast %add3A_237 : vector<16xf32> to vector<1x16xf32>
            tpu.vector_store %arg15[%swap3A_238, %swap3A_239], %swap3A_242 {strides = array<i32>} : memref<320x64xf32, #tpu.memory_space<vmem>>, vector<1x16xf32>,
            %get3A_243 = arith.index_cast %sub3A_150 : i32 to index
            %get3A_244 = arith.constant 16 : index
            %get3A_245 = tpu.vector_load %arg16[%get3A_243, %get3A_244] {strides = array<i32>} : memref<320x64xf32, #tpu.memory_space<vmem>>, vector<1x16xf32>,
            %get3A_246 = vector.shape_cast %get3A_245 : vector<1x16xf32> to vector<16xf32>
            %max3A_247 = arith.maximumf %get3A_246, %get3A_221 : vector<16xf32>
            %swap3A_248 = arith.index_cast %sub3A_150 : i32 to index
            %swap3A_249 = arith.constant 16 : index
            %swap3A_250 = tpu.vector_load %arg16[%swap3A_248, %swap3A_249] {strides = array<i32>} : memref<320x64xf32, #tpu.memory_space<vmem>>, vector<1x16xf32>,
            %swap3A_251 = vector.shape_cast %swap3A_250 : vector<1x16xf32> to vector<16xf32>
            %swap3A_252 = vector.shape_cast %max3A_247 : vector<16xf32> to vector<1x16xf32>
            tpu.vector_store %arg16[%swap3A_248, %swap3A_249], %swap3A_252 {strides = array<i32>} : memref<320x64xf32, #tpu.memory_space<vmem>>, vector<1x16xf32>,
            %get3A_253 = arith.index_cast %sub3A_150 : i32 to index
            %get3A_254 = arith.constant 16 : index
            %get3A_255 = tpu.vector_load %arg17[%get3A_253, %get3A_254] {strides = array<i32>} : memref<320x64xf32, #tpu.memory_space<vmem>>, vector<1x16xf32>,
            %get3A_256 = vector.shape_cast %get3A_255 : vector<1x16xf32> to vector<16xf32>
            %min3A_257 = arith.minimumf %get3A_256, %get3A_221 : vector<16xf32>
            %swap3A_258 = arith.index_cast %sub3A_150 : i32 to index
            %swap3A_259 = arith.constant 16 : index
            %swap3A_260 = tpu.vector_load %arg17[%swap3A_258, %swap3A_259] {strides = array<i32>} : memref<320x64xf32, #tpu.memory_space<vmem>>, vector<1x16xf32>,
            %swap3A_261 = vector.shape_cast %swap3A_260 : vector<1x16xf32> to vector<16xf32>
            %swap3A_262 = vector.shape_cast %min3A_257 : vector<16xf32> to vector<1x16xf32>
            tpu.vector_store %arg17[%swap3A_258, %swap3A_259], %swap3A_262 {strides = array<i32>} : memref<320x64xf32, #tpu.memory_space<vmem>>, vector<1x16xf32>,
            %get3A_263 = arith.index_cast %while3A_141 : i32 to index
            %get3A_264 = arith.constant 32 : index
            %get3A_265 = tpu.vector_load %arg13[%get3A_263, %get3A_264] {strides = array<i32>} : memref<144x64xf32, #tpu.memory_space<vmem>>, vector<1x16xf32>,
            %get3A_266 = vector.shape_cast %get3A_265 : vector<1x16xf32> to vector<16xf32>
            %get3A_267 = arith.index_cast %sub3A_150 : i32 to index
            %get3A_268 = arith.constant 32 : index
            %get3A_269 = tpu.vector_load %arg14[%get3A_267, %get3A_268] {strides = array<i32>} : memref<320x64xf32, #tpu.memory_space<vmem>>, vector<1x16xf32>,
            %get3A_270 = vector.shape_cast %get3A_269 : vector<1x16xf32> to vector<16xf32>
            %add3A_271 = arith.addf %get3A_270, %get3A_266 : vector<16xf32>
            %swap3A_272 = arith.index_cast %sub3A_150 : i32 to index
            %swap3A_273 = arith.constant 32 : index
            %swap3A_274 = tpu.vector_load %arg14[%swap3A_272, %swap3A_273] {strides = array<i32>} : memref<320x64xf32, #tpu.memory_space<vmem>>, vector<1x16xf32>,
            %swap3A_275 = vector.shape_cast %swap3A_274 : vector<1x16xf32> to vector<16xf32>
            %swap3A_276 = vector.shape_cast %add3A_271 : vector<16xf32> to vector<1x16xf32>
            tpu.vector_store %arg14[%swap3A_272, %swap3A_273], %swap3A_276 {strides = array<i32>} : memref<320x64xf32, #tpu.memory_space<vmem>>, vector<1x16xf32>,
            %get3A_277 = arith.index_cast %sub3A_150 : i32 to index
            %get3A_278 = arith.constant 32 : index
            %get3A_279 = tpu.vector_load %arg15[%get3A_277, %get3A_278] {strides = array<i32>} : memref<320x64xf32, #tpu.memory_space<vmem>>, vector<1x16xf32>,
            %get3A_280 = vector.shape_cast %get3A_279 : vector<1x16xf32> to vector<16xf32>
            %mul3A_281 = arith.mulf %get3A_266, %get3A_266 : vector<16xf32>
            %add3A_282 = arith.addf %get3A_280, %mul3A_281 : vector<16xf32>
            %swap3A_283 = arith.index_cast %sub3A_150 : i32 to index
            %swap3A_284 = arith.constant 32 : index
            %swap3A_285 = tpu.vector_load %arg15[%swap3A_283, %swap3A_284] {strides = array<i32>} : memref<320x64xf32, #tpu.memory_space<vmem>>, vector<1x16xf32>,
            %swap3A_286 = vector.shape_cast %swap3A_285 : vector<1x16xf32> to vector<16xf32>
            %swap3A_287 = vector.shape_cast %add3A_282 : vector<16xf32> to vector<1x16xf32>
            tpu.vector_store %arg15[%swap3A_283, %swap3A_284], %swap3A_287 {strides = array<i32>} : memref<320x64xf32, #tpu.memory_space<vmem>>, vector<1x16xf32>,
            %get3A_288 = arith.index_cast %sub3A_150 : i32 to index
            %get3A_289 = arith.constant 32 : index
            %get3A_290 = tpu.vector_load %arg16[%get3A_288, %get3A_289] {strides = array<i32>} : memref<320x64xf32, #tpu.memory_space<vmem>>, vector<1x16xf32>,
            %get3A_291 = vector.shape_cast %get3A_290 : vector<1x16xf32> to vector<16xf32>
            %max3A_292 = arith.maximumf %get3A_291, %get3A_266 : vector<16xf32>
            %swap3A_293 = arith.index_cast %sub3A_150 : i32 to index
            %swap3A_294 = arith.constant 32 : index
            %swap3A_295 = tpu.vector_load %arg16[%swap3A_293, %swap3A_294] {strides = array<i32>} : memref<320x64xf32, #tpu.memory_space<vmem>>, vector<1x16xf32>,
            %swap3A_296 = vector.shape_cast %swap3A_295 : vector<1x16xf32> to vector<16xf32>
            %swap3A_297 = vector.shape_cast %max3A_292 : vector<16xf32> to vector<1x16xf32>
            tpu.vector_store %arg16[%swap3A_293, %swap3A_294], %swap3A_297 {strides = array<i32>} : memref<320x64xf32, #tpu.memory_space<vmem>>, vector<1x16xf32>,
            %get3A_298 = arith.index_cast %sub3A_150 : i32 to index
            %get3A_299 = arith.constant 32 : index
            %get3A_300 = tpu.vector_load %arg17[%get3A_298, %get3A_299] {strides = array<i32>} : memref<320x64xf32, #tpu.memory_space<vmem>>, vector<1x16xf32>,
            %get3A_301 = vector.shape_cast %get3A_300 : vector<1x16xf32> to vector<16xf32>
            %min3A_302 = arith.minimumf %get3A_301, %get3A_266 : vector<16xf32>
            %swap3A_303 = arith.index_cast %sub3A_150 : i32 to index
            %swap3A_304 = arith.constant 32 : index
            %swap3A_305 = tpu.vector_load %arg17[%swap3A_303, %swap3A_304] {strides = array<i32>} : memref<320x64xf32, #tpu.memory_space<vmem>>, vector<1x16xf32>,
            %swap3A_306 = vector.shape_cast %swap3A_305 : vector<1x16xf32> to vector<16xf32>
            %swap3A_307 = vector.shape_cast %min3A_302 : vector<16xf32> to vector<1x16xf32>
            tpu.vector_store %arg17[%swap3A_303, %swap3A_304], %swap3A_307 {strides = array<i32>} : memref<320x64xf32, #tpu.memory_space<vmem>>, vector<1x16xf32>,
            %get3A_308 = arith.index_cast %while3A_141 : i32 to index
            %get3A_309 = arith.constant 48 : index
            %get3A_310 = tpu.vector_load %arg13[%get3A_308, %get3A_309] {strides = array<i32>} : memref<144x64xf32, #tpu.memory_space<vmem>>, vector<1x16xf32>,
            %get3A_311 = vector.shape_cast %get3A_310 : vector<1x16xf32> to vector<16xf32>
            %get3A_312 = arith.index_cast %sub3A_150 : i32 to index
            %get3A_313 = arith.constant 48 : index
            %get3A_314 = tpu.vector_load %arg14[%get3A_312, %get3A_313] {strides = array<i32>} : memref<320x64xf32, #tpu.memory_space<vmem>>, vector<1x16xf32>,
            %get3A_315 = vector.shape_cast %get3A_314 : vector<1x16xf32> to vector<16xf32>
            %add3A_316 = arith.addf %get3A_315, %get3A_311 : vector<16xf32>
            %swap3A_317 = arith.index_cast %sub3A_150 : i32 to index
            %swap3A_318 = arith.constant 48 : index
            %swap3A_319 = tpu.vector_load %arg14[%swap3A_317, %swap3A_318] {strides = array<i32>} : memref<320x64xf32, #tpu.memory_space<vmem>>, vector<1x16xf32>,
            %swap3A_320 = vector.shape_cast %swap3A_319 : vector<1x16xf32> to vector<16xf32>
            %swap3A_321 = vector.shape_cast %add3A_316 : vector<16xf32> to vector<1x16xf32>
            tpu.vector_store %arg14[%swap3A_317, %swap3A_318], %swap3A_321 {strides = array<i32>} : memref<320x64xf32, #tpu.memory_space<vmem>>, vector<1x16xf32>,
            %get3A_322 = arith.index_cast %sub3A_150 : i32 to index
            %get3A_323 = arith.constant 48 : index
            %get3A_324 = tpu.vector_load %arg15[%get3A_322, %get3A_323] {strides = array<i32>} : memref<320x64xf32, #tpu.memory_space<vmem>>, vector<1x16xf32>,
            %get3A_325 = vector.shape_cast %get3A_324 : vector<1x16xf32> to vector<16xf32>
            %mul3A_326 = arith.mulf %get3A_311, %get3A_311 : vector<16xf32>
            %add3A_327 = arith.addf %get3A_325, %mul3A_326 : vector<16xf32>
            %swap3A_328 = arith.index_cast %sub3A_150 : i32 to index
            %swap3A_329 = arith.constant 48 : index
            %swap3A_330 = tpu.vector_load %arg15[%swap3A_328, %swap3A_329] {strides = array<i32>} : memref<320x64xf32, #tpu.memory_space<vmem>>, vector<1x16xf32>,
            %swap3A_331 = vector.shape_cast %swap3A_330 : vector<1x16xf32> to vector<16xf32>
            %swap3A_332 = vector.shape_cast %add3A_327 : vector<16xf32> to vector<1x16xf32>
            tpu.vector_store %arg15[%swap3A_328, %swap3A_329], %swap3A_332 {strides = array<i32>} : memref<320x64xf32, #tpu.memory_space<vmem>>, vector<1x16xf32>,
            %get3A_333 = arith.index_cast %sub3A_150 : i32 to index
            %get3A_334 = arith.constant 48 : index
            %get3A_335 = tpu.vector_load %arg16[%get3A_333, %get3A_334] {strides = array<i32>} : memref<320x64xf32, #tpu.memory_space<vmem>>, vector<1x16xf32>,
            %get3A_336 = vector.shape_cast %get3A_335 : vector<1x16xf32> to vector<16xf32>
            %max3A_337 = arith.maximumf %get3A_336, %get3A_311 : vector<16xf32>
            %swap3A_338 = arith.index_cast %sub3A_150 : i32 to index
            %swap3A_339 = arith.constant 48 : index
            %swap3A_340 = tpu.vector_load %arg16[%swap3A_338, %swap3A_339] {strides = array<i32>} : memref<320x64xf32, #tpu.memory_space<vmem>>, vector<1x16xf32>,
            %swap3A_341 = vector.shape_cast %swap3A_340 : vector<1x16xf32> to vector<16xf32>
            %swap3A_342 = vector.shape_cast %max3A_337 : vector<16xf32> to vector<1x16xf32>
            tpu.vector_store %arg16[%swap3A_338, %swap3A_339], %swap3A_342 {strides = array<i32>} : memref<320x64xf32, #tpu.memory_space<vmem>>, vector<1x16xf32>,
            %get3A_343 = arith.index_cast %sub3A_150 : i32 to index
            %get3A_344 = arith.constant 48 : index
            %get3A_345 = tpu.vector_load %arg17[%get3A_343, %get3A_344] {strides = array<i32>} : memref<320x64xf32, #tpu.memory_space<vmem>>, vector<1x16xf32>,
            %get3A_346 = vector.shape_cast %get3A_345 : vector<1x16xf32> to vector<16xf32>
            %min3A_347 = arith.minimumf %get3A_346, %get3A_311 : vector<16xf32>
            %swap3A_348 = arith.index_cast %sub3A_150 : i32 to index
            %swap3A_349 = arith.constant 48 : index
            %swap3A_350 = tpu.vector_load %arg17[%swap3A_348, %swap3A_349] {strides = array<i32>} : memref<320x64xf32, #tpu.memory_space<vmem>>, vector<1x16xf32>,
            %swap3A_351 = vector.shape_cast %swap3A_350 : vector<1x16xf32> to vector<16xf32>
            %swap3A_352 = vector.shape_cast %min3A_347 : vector<16xf32> to vector<1x16xf32>
            tpu.vector_store %arg17[%swap3A_348, %swap3A_349], %swap3A_352 {strides = array<i32>} : memref<320x64xf32, #tpu.memory_space<vmem>>, vector<1x16xf32>,
            %while3A_353 = arith.constant 0 : i32
            scf.yield %while3A_353 : i32
          }
          %while3A_138 = arith.constant 1 : i32
          %while3A_139 = scf.for %while3A_141 = %while3A_135 to %while3A_131 step %while3A_138 iter_args(%while3A_142 = %while3A_137) -> (i32)  : i32 {
            %get3A_143 = arith.index_cast %while3A_141 : i32 to index
            %get3A_144 = tpu.vector_load %arg10[%get3A_143] {strides = array<i32>} : memref<144xi32, #tpu.memory_space<vmem>>, vector<16xi32>,
            %get3A_145 = vector.shape_cast %get3A_144 : vector<16xi32> to vector<16xi32>
            %slice3A_146 = vector.extract_strided_slice %get3A_145 {offsets = [0], sizes = [1], strides = [1]} : vector<16xi32> to vector<1xi32>
            %squeeze3A_147 = vector.extract %slice3A_146[0] : i32 from vector<1xi32>
            %shift_right_logical3A_148 = arith.constant 14 : i32
            %shift_right_logical3A_149 = arith.shrui %squeeze3A_147, %shift_right_logical3A_148 : i32
            %sub3A_150 = arith.subi %shift_right_logical3A_149, %mul3A_2 : i32
            %shift_right_logical3A_151 = arith.constant 4 : i32
            %shift_right_logical3A_152 = arith.shrui %sub3A_150, %shift_right_logical3A_151 : i32
            %mul3A_153 = arith.constant 16 : i32
            %mul3A_154 = arith.muli %shift_right_logical3A_152, %mul3A_153 : i32
            %sub3A_155 = arith.subi %sub3A_150, %mul3A_154 : i32
            %sub3A_156 = vector.broadcast %sub3A_155 : i32 to vector<16xi32>
            %sub3A_157 = arith.subi %iota3A, %sub3A_156 : vector<16xi32>
            %abs3A = math.absi %sub3A_157 : vector<16xi32>
            %min3A = arith.constant 1 : i32
            %min3A_158 = vector.broadcast %min3A : i32 to vector<16xi32>
            %min3A_159 = arith.minsi %abs3A, %min3A_158 : vector<16xi32>
            %sub3A_160 = arith.constant 1 : i32
            %sub3A_161 = vector.broadcast %sub3A_160 : i32 to vector<16xi32>
            %sub3A_162 = arith.subi %sub3A_161, %min3A_159 : vector<16xi32>
            %convert_element_type3A_163 = arith.sitofp %sub3A_162 : vector<16xi32> to vector<16xf32>
            %get3A_164 = arith.index_cast %shift_right_logical3A_152 : i32 to index
            %get3A_165 = arith.constant 0 : index
            %get3A_166 = tpu.vector_load %arg18[%get3A_164, %get3A_165] {strides = array<i32>} : memref<20x16xf32, #tpu.memory_space<vmem>>, vector<1x16xf32>,
            %get3A_167 = vector.shape_cast %get3A_166 : vector<1x16xf32> to vector<16xf32>
            %add3A_168 = arith.addf %get3A_167, %convert_element_type3A_163 : vector<16xf32>
            %swap3A_169 = arith.index_cast %shift_right_logical3A_152 : i32 to index
            %swap3A_170 = arith.constant 0 : index
            %swap3A_171 = tpu.vector_load %arg18[%swap3A_169, %swap3A_170] {strides = array<i32>} : memref<20x16xf32, #tpu.memory_space<vmem>>, vector<1x16xf32>,
            %swap3A_172 = vector.shape_cast %swap3A_171 : vector<1x16xf32> to vector<16xf32>
            %swap3A_173 = vector.shape_cast %add3A_168 : vector<16xf32> to vector<1x16xf32>
            tpu.vector_store %arg18[%swap3A_169, %swap3A_170], %swap3A_173 {strides = array<i32>} : memref<20x16xf32, #tpu.memory_space<vmem>>, vector<1x16xf32>,
            %get3A_174 = arith.index_cast %while3A_141 : i32 to index
            %get3A_175 = arith.constant 0 : index
            %get3A_176 = tpu.vector_load %arg13[%get3A_174, %get3A_175] {strides = array<i32>} : memref<144x64xf32, #tpu.memory_space<vmem>>, vector<1x16xf32>,
            %get3A_177 = vector.shape_cast %get3A_176 : vector<1x16xf32> to vector<16xf32>
            %get3A_178 = arith.index_cast %sub3A_150 : i32 to index
            %get3A_179 = arith.constant 0 : index
            %get3A_180 = tpu.vector_load %arg14[%get3A_178, %get3A_179] {strides = array<i32>} : memref<320x64xf32, #tpu.memory_space<vmem>>, vector<1x16xf32>,
            %get3A_181 = vector.shape_cast %get3A_180 : vector<1x16xf32> to vector<16xf32>
            %add3A_182 = arith.addf %get3A_181, %get3A_177 : vector<16xf32>
            %swap3A_183 = arith.index_cast %sub3A_150 : i32 to index
            %swap3A_184 = arith.constant 0 : index
            %swap3A_185 = tpu.vector_load %arg14[%swap3A_183, %swap3A_184] {strides = array<i32>} : memref<320x64xf32, #tpu.memory_space<vmem>>, vector<1x16xf32>,
            %swap3A_186 = vector.shape_cast %swap3A_185 : vector<1x16xf32> to vector<16xf32>
            %swap3A_187 = vector.shape_cast %add3A_182 : vector<16xf32> to vector<1x16xf32>
            tpu.vector_store %arg14[%swap3A_183, %swap3A_184], %swap3A_187 {strides = array<i32>} : memref<320x64xf32, #tpu.memory_space<vmem>>, vector<1x16xf32>,
            %get3A_188 = arith.index_cast %sub3A_150 : i32 to index
            %get3A_189 = arith.constant 0 : index
            %get3A_190 = tpu.vector_load %arg15[%get3A_188, %get3A_189] {strides = array<i32>} : memref<320x64xf32, #tpu.memory_space<vmem>>, vector<1x16xf32>,
            %get3A_191 = vector.shape_cast %get3A_190 : vector<1x16xf32> to vector<16xf32>
            %mul3A_192 = arith.mulf %get3A_177, %get3A_177 : vector<16xf32>
            %add3A_193 = arith.addf %get3A_191, %mul3A_192 : vector<16xf32>
            %swap3A_194 = arith.index_cast %sub3A_150 : i32 to index
            %swap3A_195 = arith.constant 0 : index
            %swap3A_196 = tpu.vector_load %arg15[%swap3A_194, %swap3A_195] {strides = array<i32>} : memref<320x64xf32, #tpu.memory_space<vmem>>, vector<1x16xf32>,
            %swap3A_197 = vector.shape_cast %swap3A_196 : vector<1x16xf32> to vector<16xf32>
            %swap3A_198 = vector.shape_cast %add3A_193 : vector<16xf32> to vector<1x16xf32>
            tpu.vector_store %arg15[%swap3A_194, %swap3A_195], %swap3A_198 {strides = array<i32>} : memref<320x64xf32, #tpu.memory_space<vmem>>, vector<1x16xf32>,
            %get3A_199 = arith.index_cast %sub3A_150 : i32 to index
            %get3A_200 = arith.constant 0 : index
            %get3A_201 = tpu.vector_load %arg16[%get3A_199, %get3A_200] {strides = array<i32>} : memref<320x64xf32, #tpu.memory_space<vmem>>, vector<1x16xf32>,
            %get3A_202 = vector.shape_cast %get3A_201 : vector<1x16xf32> to vector<16xf32>
            %max3A = arith.maximumf %get3A_202, %get3A_177 : vector<16xf32>
            %swap3A_203 = arith.index_cast %sub3A_150 : i32 to index
            %swap3A_204 = arith.constant 0 : index
            %swap3A_205 = tpu.vector_load %arg16[%swap3A_203, %swap3A_204] {strides = array<i32>} : memref<320x64xf32, #tpu.memory_space<vmem>>, vector<1x16xf32>,
            %swap3A_206 = vector.shape_cast %swap3A_205 : vector<1x16xf32> to vector<16xf32>
            %swap3A_207 = vector.shape_cast %max3A : vector<16xf32> to vector<1x16xf32>
            tpu.vector_store %arg16[%swap3A_203, %swap3A_204], %swap3A_207 {strides = array<i32>} : memref<320x64xf32, #tpu.memory_space<vmem>>, vector<1x16xf32>,
            %get3A_208 = arith.index_cast %sub3A_150 : i32 to index
            %get3A_209 = arith.constant 0 : index
            %get3A_210 = tpu.vector_load %arg17[%get3A_208, %get3A_209] {strides = array<i32>} : memref<320x64xf32, #tpu.memory_space<vmem>>, vector<1x16xf32>,
            %get3A_211 = vector.shape_cast %get3A_210 : vector<1x16xf32> to vector<16xf32>
            %min3A_212 = arith.minimumf %get3A_211, %get3A_177 : vector<16xf32>
            %swap3A_213 = arith.index_cast %sub3A_150 : i32 to index
            %swap3A_214 = arith.constant 0 : index
            %swap3A_215 = tpu.vector_load %arg17[%swap3A_213, %swap3A_214] {strides = array<i32>} : memref<320x64xf32, #tpu.memory_space<vmem>>, vector<1x16xf32>,
            %swap3A_216 = vector.shape_cast %swap3A_215 : vector<1x16xf32> to vector<16xf32>
            %swap3A_217 = vector.shape_cast %min3A_212 : vector<16xf32> to vector<1x16xf32>
            tpu.vector_store %arg17[%swap3A_213, %swap3A_214], %swap3A_217 {strides = array<i32>} : memref<320x64xf32, #tpu.memory_space<vmem>>, vector<1x16xf32>,
            %get3A_218 = arith.index_cast %while3A_141 : i32 to index
            %get3A_219 = arith.constant 16 : index
            %get3A_220 = tpu.vector_load %arg13[%get3A_218, %get3A_219] {strides = array<i32>} : memref<144x64xf32, #tpu.memory_space<vmem>>, vector<1x16xf32>,
            %get3A_221 = vector.shape_cast %get3A_220 : vector<1x16xf32> to vector<16xf32>
            %get3A_222 = arith.index_cast %sub3A_150 : i32 to index
            %get3A_223 = arith.constant 16 : index
            %get3A_224 = tpu.vector_load %arg14[%get3A_222, %get3A_223] {strides = array<i32>} : memref<320x64xf32, #tpu.memory_space<vmem>>, vector<1x16xf32>,
            %get3A_225 = vector.shape_cast %get3A_224 : vector<1x16xf32> to vector<16xf32>
            %add3A_226 = arith.addf %get3A_225, %get3A_221 : vector<16xf32>
            %swap3A_227 = arith.index_cast %sub3A_150 : i32 to index
            %swap3A_228 = arith.constant 16 : index
            %swap3A_229 = tpu.vector_load %arg14[%swap3A_227, %swap3A_228] {strides = array<i32>} : memref<320x64xf32, #tpu.memory_space<vmem>>, vector<1x16xf32>,
            %swap3A_230 = vector.shape_cast %swap3A_229 : vector<1x16xf32> to vector<16xf32>
            %swap3A_231 = vector.shape_cast %add3A_226 : vector<16xf32> to vector<1x16xf32>
            tpu.vector_store %arg14[%swap3A_227, %swap3A_228], %swap3A_231 {strides = array<i32>} : memref<320x64xf32, #tpu.memory_space<vmem>>, vector<1x16xf32>,
            %get3A_232 = arith.index_cast %sub3A_150 : i32 to index
            %get3A_233 = arith.constant 16 : index
            %get3A_234 = tpu.vector_load %arg15[%get3A_232, %get3A_233] {strides = array<i32>} : memref<320x64xf32, #tpu.memory_space<vmem>>, vector<1x16xf32>,
            %get3A_235 = vector.shape_cast %get3A_234 : vector<1x16xf32> to vector<16xf32>
            %mul3A_236 = arith.mulf %get3A_221, %get3A_221 : vector<16xf32>
            %add3A_237 = arith.addf %get3A_235, %mul3A_236 : vector<16xf32>
            %swap3A_238 = arith.index_cast %sub3A_150 : i32 to index
            %swap3A_239 = arith.constant 16 : index
            %swap3A_240 = tpu.vector_load %arg15[%swap3A_238, %swap3A_239] {strides = array<i32>} : memref<320x64xf32, #tpu.memory_space<vmem>>, vector<1x16xf32>,
            %swap3A_241 = vector.shape_cast %swap3A_240 : vector<1x16xf32> to vector<16xf32>
            %swap3A_242 = vector.shape_cast %add3A_237 : vector<16xf32> to vector<1x16xf32>
            tpu.vector_store %arg15[%swap3A_238, %swap3A_239], %swap3A_242 {strides = array<i32>} : memref<320x64xf32, #tpu.memory_space<vmem>>, vector<1x16xf32>,
            %get3A_243 = arith.index_cast %sub3A_150 : i32 to index
            %get3A_244 = arith.constant 16 : index
            %get3A_245 = tpu.vector_load %arg16[%get3A_243, %get3A_244] {strides = array<i32>} : memref<320x64xf32, #tpu.memory_space<vmem>>, vector<1x16xf32>,
            %get3A_246 = vector.shape_cast %get3A_245 : vector<1x16xf32> to vector<16xf32>
            %max3A_247 = arith.maximumf %get3A_246, %get3A_221 : vector<16xf32>
            %swap3A_248 = arith.index_cast %sub3A_150 : i32 to index
            %swap3A_249 = arith.constant 16 : index
            %swap3A_250 = tpu.vector_load %arg16[%swap3A_248, %swap3A_249] {strides = array<i32>} : memref<320x64xf32, #tpu.memory_space<vmem>>, vector<1x16xf32>,
            %swap3A_251 = vector.shape_cast %swap3A_250 : vector<1x16xf32> to vector<16xf32>
            %swap3A_252 = vector.shape_cast %max3A_247 : vector<16xf32> to vector<1x16xf32>
            tpu.vector_store %arg16[%swap3A_248, %swap3A_249], %swap3A_252 {strides = array<i32>} : memref<320x64xf32, #tpu.memory_space<vmem>>, vector<1x16xf32>,
            %get3A_253 = arith.index_cast %sub3A_150 : i32 to index
            %get3A_254 = arith.constant 16 : index
            %get3A_255 = tpu.vector_load %arg17[%get3A_253, %get3A_254] {strides = array<i32>} : memref<320x64xf32, #tpu.memory_space<vmem>>, vector<1x16xf32>,
            %get3A_256 = vector.shape_cast %get3A_255 : vector<1x16xf32> to vector<16xf32>
            %min3A_257 = arith.minimumf %get3A_256, %get3A_221 : vector<16xf32>
            %swap3A_258 = arith.index_cast %sub3A_150 : i32 to index
            %swap3A_259 = arith.constant 16 : index
            %swap3A_260 = tpu.vector_load %arg17[%swap3A_258, %swap3A_259] {strides = array<i32>} : memref<320x64xf32, #tpu.memory_space<vmem>>, vector<1x16xf32>,
            %swap3A_261 = vector.shape_cast %swap3A_260 : vector<1x16xf32> to vector<16xf32>
            %swap3A_262 = vector.shape_cast %min3A_257 : vector<16xf32> to vector<1x16xf32>
            tpu.vector_store %arg17[%swap3A_258, %swap3A_259], %swap3A_262 {strides = array<i32>} : memref<320x64xf32, #tpu.memory_space<vmem>>, vector<1x16xf32>,
            %get3A_263 = arith.index_cast %while3A_141 : i32 to index
            %get3A_264 = arith.constant 32 : index
            %get3A_265 = tpu.vector_load %arg13[%get3A_263, %get3A_264] {strides = array<i32>} : memref<144x64xf32, #tpu.memory_space<vmem>>, vector<1x16xf32>,
            %get3A_266 = vector.shape_cast %get3A_265 : vector<1x16xf32> to vector<16xf32>
            %get3A_267 = arith.index_cast %sub3A_150 : i32 to index
            %get3A_268 = arith.constant 32 : index
            %get3A_269 = tpu.vector_load %arg14[%get3A_267, %get3A_268] {strides = array<i32>} : memref<320x64xf32, #tpu.memory_space<vmem>>, vector<1x16xf32>,
            %get3A_270 = vector.shape_cast %get3A_269 : vector<1x16xf32> to vector<16xf32>
            %add3A_271 = arith.addf %get3A_270, %get3A_266 : vector<16xf32>
            %swap3A_272 = arith.index_cast %sub3A_150 : i32 to index
            %swap3A_273 = arith.constant 32 : index
            %swap3A_274 = tpu.vector_load %arg14[%swap3A_272, %swap3A_273] {strides = array<i32>} : memref<320x64xf32, #tpu.memory_space<vmem>>, vector<1x16xf32>,
            %swap3A_275 = vector.shape_cast %swap3A_274 : vector<1x16xf32> to vector<16xf32>
            %swap3A_276 = vector.shape_cast %add3A_271 : vector<16xf32> to vector<1x16xf32>
            tpu.vector_store %arg14[%swap3A_272, %swap3A_273], %swap3A_276 {strides = array<i32>} : memref<320x64xf32, #tpu.memory_space<vmem>>, vector<1x16xf32>,
            %get3A_277 = arith.index_cast %sub3A_150 : i32 to index
            %get3A_278 = arith.constant 32 : index
            %get3A_279 = tpu.vector_load %arg15[%get3A_277, %get3A_278] {strides = array<i32>} : memref<320x64xf32, #tpu.memory_space<vmem>>, vector<1x16xf32>,
            %get3A_280 = vector.shape_cast %get3A_279 : vector<1x16xf32> to vector<16xf32>
            %mul3A_281 = arith.mulf %get3A_266, %get3A_266 : vector<16xf32>
            %add3A_282 = arith.addf %get3A_280, %mul3A_281 : vector<16xf32>
            %swap3A_283 = arith.index_cast %sub3A_150 : i32 to index
            %swap3A_284 = arith.constant 32 : index
            %swap3A_285 = tpu.vector_load %arg15[%swap3A_283, %swap3A_284] {strides = array<i32>} : memref<320x64xf32, #tpu.memory_space<vmem>>, vector<1x16xf32>,
            %swap3A_286 = vector.shape_cast %swap3A_285 : vector<1x16xf32> to vector<16xf32>
            %swap3A_287 = vector.shape_cast %add3A_282 : vector<16xf32> to vector<1x16xf32>
            tpu.vector_store %arg15[%swap3A_283, %swap3A_284], %swap3A_287 {strides = array<i32>} : memref<320x64xf32, #tpu.memory_space<vmem>>, vector<1x16xf32>,
            %get3A_288 = arith.index_cast %sub3A_150 : i32 to index
            %get3A_289 = arith.constant 32 : index
            %get3A_290 = tpu.vector_load %arg16[%get3A_288, %get3A_289] {strides = array<i32>} : memref<320x64xf32, #tpu.memory_space<vmem>>, vector<1x16xf32>,
            %get3A_291 = vector.shape_cast %get3A_290 : vector<1x16xf32> to vector<16xf32>
            %max3A_292 = arith.maximumf %get3A_291, %get3A_266 : vector<16xf32>
            %swap3A_293 = arith.index_cast %sub3A_150 : i32 to index
            %swap3A_294 = arith.constant 32 : index
            %swap3A_295 = tpu.vector_load %arg16[%swap3A_293, %swap3A_294] {strides = array<i32>} : memref<320x64xf32, #tpu.memory_space<vmem>>, vector<1x16xf32>,
            %swap3A_296 = vector.shape_cast %swap3A_295 : vector<1x16xf32> to vector<16xf32>
            %swap3A_297 = vector.shape_cast %max3A_292 : vector<16xf32> to vector<1x16xf32>
            tpu.vector_store %arg16[%swap3A_293, %swap3A_294], %swap3A_297 {strides = array<i32>} : memref<320x64xf32, #tpu.memory_space<vmem>>, vector<1x16xf32>,
            %get3A_298 = arith.index_cast %sub3A_150 : i32 to index
            %get3A_299 = arith.constant 32 : index
            %get3A_300 = tpu.vector_load %arg17[%get3A_298, %get3A_299] {strides = array<i32>} : memref<320x64xf32, #tpu.memory_space<vmem>>, vector<1x16xf32>,
            %get3A_301 = vector.shape_cast %get3A_300 : vector<1x16xf32> to vector<16xf32>
            %min3A_302 = arith.minimumf %get3A_301, %get3A_266 : vector<16xf32>
            %swap3A_303 = arith.index_cast %sub3A_150 : i32 to index
            %swap3A_304 = arith.constant 32 : index
            %swap3A_305 = tpu.vector_load %arg17[%swap3A_303, %swap3A_304] {strides = array<i32>} : memref<320x64xf32, #tpu.memory_space<vmem>>, vector<1x16xf32>,
            %swap3A_306 = vector.shape_cast %swap3A_305 : vector<1x16xf32> to vector<16xf32>
            %swap3A_307 = vector.shape_cast %min3A_302 : vector<16xf32> to vector<1x16xf32>
            tpu.vector_store %arg17[%swap3A_303, %swap3A_304], %swap3A_307 {strides = array<i32>} : memref<320x64xf32, #tpu.memory_space<vmem>>, vector<1x16xf32>,
            %get3A_308 = arith.index_cast %while3A_141 : i32 to index
            %get3A_309 = arith.constant 48 : index
            %get3A_310 = tpu.vector_load %arg13[%get3A_308, %get3A_309] {strides = array<i32>} : memref<144x64xf32, #tpu.memory_space<vmem>>, vector<1x16xf32>,
            %get3A_311 = vector.shape_cast %get3A_310 : vector<1x16xf32> to vector<16xf32>
            %get3A_312 = arith.index_cast %sub3A_150 : i32 to index
            %get3A_313 = arith.constant 48 : index
            %get3A_314 = tpu.vector_load %arg14[%get3A_312, %get3A_313] {strides = array<i32>} : memref<320x64xf32, #tpu.memory_space<vmem>>, vector<1x16xf32>,
            %get3A_315 = vector.shape_cast %get3A_314 : vector<1x16xf32> to vector<16xf32>
            %add3A_316 = arith.addf %get3A_315, %get3A_311 : vector<16xf32>
            %swap3A_317 = arith.index_cast %sub3A_150 : i32 to index
            %swap3A_318 = arith.constant 48 : index
            %swap3A_319 = tpu.vector_load %arg14[%swap3A_317, %swap3A_318] {strides = array<i32>} : memref<320x64xf32, #tpu.memory_space<vmem>>, vector<1x16xf32>,
            %swap3A_320 = vector.shape_cast %swap3A_319 : vector<1x16xf32> to vector<16xf32>
            %swap3A_321 = vector.shape_cast %add3A_316 : vector<16xf32> to vector<1x16xf32>
            tpu.vector_store %arg14[%swap3A_317, %swap3A_318], %swap3A_321 {strides = array<i32>} : memref<320x64xf32, #tpu.memory_space<vmem>>, vector<1x16xf32>,
            %get3A_322 = arith.index_cast %sub3A_150 : i32 to index
            %get3A_323 = arith.constant 48 : index
            %get3A_324 = tpu.vector_load %arg15[%get3A_322, %get3A_323] {strides = array<i32>} : memref<320x64xf32, #tpu.memory_space<vmem>>, vector<1x16xf32>,
            %get3A_325 = vector.shape_cast %get3A_324 : vector<1x16xf32> to vector<16xf32>
            %mul3A_326 = arith.mulf %get3A_311, %get3A_311 : vector<16xf32>
            %add3A_327 = arith.addf %get3A_325, %mul3A_326 : vector<16xf32>
            %swap3A_328 = arith.index_cast %sub3A_150 : i32 to index
            %swap3A_329 = arith.constant 48 : index
            %swap3A_330 = tpu.vector_load %arg15[%swap3A_328, %swap3A_329] {strides = array<i32>} : memref<320x64xf32, #tpu.memory_space<vmem>>, vector<1x16xf32>,
            %swap3A_331 = vector.shape_cast %swap3A_330 : vector<1x16xf32> to vector<16xf32>
            %swap3A_332 = vector.shape_cast %add3A_327 : vector<16xf32> to vector<1x16xf32>
            tpu.vector_store %arg15[%swap3A_328, %swap3A_329], %swap3A_332 {strides = array<i32>} : memref<320x64xf32, #tpu.memory_space<vmem>>, vector<1x16xf32>,
            %get3A_333 = arith.index_cast %sub3A_150 : i32 to index
            %get3A_334 = arith.constant 48 : index
            %get3A_335 = tpu.vector_load %arg16[%get3A_333, %get3A_334] {strides = array<i32>} : memref<320x64xf32, #tpu.memory_space<vmem>>, vector<1x16xf32>,
            %get3A_336 = vector.shape_cast %get3A_335 : vector<1x16xf32> to vector<16xf32>
            %max3A_337 = arith.maximumf %get3A_336, %get3A_311 : vector<16xf32>
            %swap3A_338 = arith.index_cast %sub3A_150 : i32 to index
            %swap3A_339 = arith.constant 48 : index
            %swap3A_340 = tpu.vector_load %arg16[%swap3A_338, %swap3A_339] {strides = array<i32>} : memref<320x64xf32, #tpu.memory_space<vmem>>, vector<1x16xf32>,
            %swap3A_341 = vector.shape_cast %swap3A_340 : vector<1x16xf32> to vector<16xf32>
            %swap3A_342 = vector.shape_cast %max3A_337 : vector<16xf32> to vector<1x16xf32>
            tpu.vector_store %arg16[%swap3A_338, %swap3A_339], %swap3A_342 {strides = array<i32>} : memref<320x64xf32, #tpu.memory_space<vmem>>, vector<1x16xf32>,
            %get3A_343 = arith.index_cast %sub3A_150 : i32 to index
            %get3A_344 = arith.constant 48 : index
            %get3A_345 = tpu.vector_load %arg17[%get3A_343, %get3A_344] {strides = array<i32>} : memref<320x64xf32, #tpu.memory_space<vmem>>, vector<1x16xf32>,
            %get3A_346 = vector.shape_cast %get3A_345 : vector<1x16xf32> to vector<16xf32>
            %min3A_347 = arith.minimumf %get3A_346, %get3A_311 : vector<16xf32>
            %swap3A_348 = arith.index_cast %sub3A_150 : i32 to index
            %swap3A_349 = arith.constant 48 : index
            %swap3A_350 = tpu.vector_load %arg17[%swap3A_348, %swap3A_349] {strides = array<i32>} : memref<320x64xf32, #tpu.memory_space<vmem>>, vector<1x16xf32>,
            %swap3A_351 = vector.shape_cast %swap3A_350 : vector<1x16xf32> to vector<16xf32>
            %swap3A_352 = vector.shape_cast %min3A_347 : vector<16xf32> to vector<1x16xf32>
            tpu.vector_store %arg17[%swap3A_348, %swap3A_349], %swap3A_352 {strides = array<i32>} : memref<320x64xf32, #tpu.memory_space<vmem>>, vector<1x16xf32>,
            %while3A_353 = arith.constant 0 : i32
            scf.yield %while3A_353 : i32
          }
          %cond3A_140 = arith.constant 0 : i32
          scf.yield %cond3A_140 : i32
        } else {
          scf.yield %scan3A_58 : i32
        }
        %shift_right_logical3A = arith.constant 14 : i32
        %shift_right_logical3A_68 = vector.broadcast %shift_right_logical3A : i32 to vector<16xi32>
        %shift_right_logical3A_69 = arith.shrui %get3A_62, %shift_right_logical3A_68 : vector<16xi32>
        %sub3A = vector.broadcast %mul3A_2 : i32 to vector<16xi32>
        %sub3A_70 = arith.subi %shift_right_logical3A_69, %sub3A : vector<16xi32>
        %sub3A_71 = arith.constant 319 : i32
        %sub3A_72 = vector.broadcast %sub3A_71 : i32 to vector<16xi32>
        %sub3A_73 = arith.subi %sub3A_72, %sub3A_70 : vector<16xi32>
        %or3A = arith.ori %sub3A_70, %sub3A_73 : vector<16xi32>
        %shift_right_logical3A_74 = arith.constant 31 : i32
        %shift_right_logical3A_75 = vector.broadcast %shift_right_logical3A_74 : i32 to vector<16xi32>
        %shift_right_logical3A_76 = arith.shrui %or3A, %shift_right_logical3A_75 : vector<16xi32>
        %sub3A_77 = arith.constant 1 : i32
        %sub3A_78 = vector.broadcast %sub3A_77 : i32 to vector<16xi32>
        %sub3A_79 = arith.subi %sub3A_78, %shift_right_logical3A_76 : vector<16xi32>
        %swap3A = arith.constant 16 : index
        %swap3A_80 = tpu.vector_load %arg12[%swap3A] {strides = array<i32>} : memref<48xi32, #tpu.memory_space<vmem>>, vector<16xi32>,
        %swap3A_81 = vector.shape_cast %swap3A_80 : vector<16xi32> to vector<16xi32>
        %swap3A_82 = vector.shape_cast %sub3A_79 : vector<16xi32> to vector<16xi32>
        tpu.vector_store %arg12[%swap3A], %swap3A_82 {strides = array<i32>} : memref<48xi32, #tpu.memory_space<vmem>>, vector<16xi32>,
        %get3A_83 = arith.constant 15 : index
        %get3A_84 = tpu.vector_load %arg12[%get3A_83] {strides = array<i32>} : memref<48xi32, #tpu.memory_space<vmem>>, vector<16xi32>,
        %get3A_85 = vector.shape_cast %get3A_84 : vector<16xi32> to vector<16xi32>
        %add3A_86 = arith.addi %sub3A_79, %get3A_85 : vector<16xi32>
        %swap3A_87 = arith.constant 16 : index
        %swap3A_88 = tpu.vector_load %arg12[%swap3A_87] {strides = array<i32>} : memref<48xi32, #tpu.memory_space<vmem>>, vector<16xi32>,
        %swap3A_89 = vector.shape_cast %swap3A_88 : vector<16xi32> to vector<16xi32>
        %swap3A_90 = vector.shape_cast %add3A_86 : vector<16xi32> to vector<16xi32>
        tpu.vector_store %arg12[%swap3A_87], %swap3A_90 {strides = array<i32>} : memref<48xi32, #tpu.memory_space<vmem>>, vector<16xi32>,
        %get3A_91 = arith.constant 14 : index
        %get3A_92 = tpu.vector_load %arg12[%get3A_91] {strides = array<i32>} : memref<48xi32, #tpu.memory_space<vmem>>, vector<16xi32>,
        %get3A_93 = vector.shape_cast %get3A_92 : vector<16xi32> to vector<16xi32>
        %add3A_94 = arith.addi %add3A_86, %get3A_93 : vector<16xi32>
        %swap3A_95 = arith.constant 16 : index
        %swap3A_96 = tpu.vector_load %arg12[%swap3A_95] {strides = array<i32>} : memref<48xi32, #tpu.memory_space<vmem>>, vector<16xi32>,
        %swap3A_97 = vector.shape_cast %swap3A_96 : vector<16xi32> to vector<16xi32>
        %swap3A_98 = vector.shape_cast %add3A_94 : vector<16xi32> to vector<16xi32>
        tpu.vector_store %arg12[%swap3A_95], %swap3A_98 {strides = array<i32>} : memref<48xi32, #tpu.memory_space<vmem>>, vector<16xi32>,
        %get3A_99 = arith.constant 12 : index
        %get3A_100 = tpu.vector_load %arg12[%get3A_99] {strides = array<i32>} : memref<48xi32, #tpu.memory_space<vmem>>, vector<16xi32>,
        %get3A_101 = vector.shape_cast %get3A_100 : vector<16xi32> to vector<16xi32>
        %add3A_102 = arith.addi %add3A_94, %get3A_101 : vector<16xi32>
        %swap3A_103 = arith.constant 16 : index
        %swap3A_104 = tpu.vector_load %arg12[%swap3A_103] {strides = array<i32>} : memref<48xi32, #tpu.memory_space<vmem>>, vector<16xi32>,
        %swap3A_105 = vector.shape_cast %swap3A_104 : vector<16xi32> to vector<16xi32>
        %swap3A_106 = vector.shape_cast %add3A_102 : vector<16xi32> to vector<16xi32>
        tpu.vector_store %arg12[%swap3A_103], %swap3A_106 {strides = array<i32>} : memref<48xi32, #tpu.memory_space<vmem>>, vector<16xi32>,
        %get3A_107 = arith.constant 8 : index
        %get3A_108 = tpu.vector_load %arg12[%get3A_107] {strides = array<i32>} : memref<48xi32, #tpu.memory_space<vmem>>, vector<16xi32>,
        %get3A_109 = vector.shape_cast %get3A_108 : vector<16xi32> to vector<16xi32>
        %add3A_110 = arith.addi %add3A_102, %get3A_109 : vector<16xi32>
        %slice3A = vector.extract_strided_slice %add3A_110 {offsets = [15], sizes = [1], strides = [1]} : vector<16xi32> to vector<1xi32>
        %squeeze3A = vector.extract %slice3A[0] : i32 from vector<1xi32>
        %sub3A_111 = arith.subi %add3A_110, %sub3A_79 : vector<16xi32>
        %gt3A_112 = arith.constant 0 : i32
        %gt3A_113 = arith.cmpi sgt, %squeeze3A, %gt3A_112 : i32
        %convert_element_type3A_114 = arith.extui %gt3A_113 : i1 to i32
        %cond3A_115 = arith.constant 0 : i32
        %cond3A_116 = arith.cmpi ne, %convert_element_type3A_114, %cond3A_115 : i32
        %cond3A_117 = scf.if %cond3A_116 -> (i32) {
          %slice3A_118 = vector.extract_strided_slice %get3A_62 {offsets = [0], sizes = [1], strides = [1]} : vector<16xi32> to vector<1xi32>
          %squeeze3A_119 = vector.extract %slice3A_118[0] : i32 from vector<1xi32>
          %add3A_120 = vector.broadcast %squeeze3A_119 : i32 to vector<16xi32>
          %add3A_121 = arith.addi %add3A_120, %broadcast_in_dim3A_36 : vector<16xi32>
          %slice3A_122 = vector.extract_strided_slice %sub3A_111 {offsets = [0], sizes = [1], strides = [1]} : vector<16xi32> to vector<1xi32>
          %squeeze3A_123 = vector.extract %slice3A_122[0] : i32 from vector<1xi32>
          %add3A_124 = arith.addi %cond3A_67, %squeeze3A_123 : i32
          %swap3A_125 = arith.index_cast %add3A_124 : i32 to index
          %swap3A_126 = tpu.vector_load %arg10[%swap3A_125] {strides = array<i32>} : memref<144xi32, #tpu.memory_space<vmem>>, vector<16xi32>,
          %swap3A_127 = vector.shape_cast %swap3A_126 : vector<16xi32> to vector<16xi32>
          %swap3A_128 = vector.shape_cast %add3A_121 : vector<16xi32> to vector<16xi32>
          tpu.vector_store %arg10[%swap3A_125], %swap3A_128 {strides = array<i32>} : memref<144xi32, #tpu.memory_space<vmem>>, vector<16xi32>,
          %slice3A_129 = vector.extract_strided_slice %get3A_62 {offsets = [1], sizes = [1], strides = [1]} : vector<16xi32> to vector<1xi32>
          %squeeze3A_130 = vector.extract %slice3A_129[0] : i32 from vector<1xi32>
          %add3A_131 = vector.broadcast %squeeze3A_130 : i32 to vector<16xi32>
          %add3A_132 = arith.addi %add3A_131, %broadcast_in_dim3A_36 : vector<16xi32>
          %slice3A_133 = vector.extract_strided_slice %sub3A_111 {offsets = [1], sizes = [1], strides = [1]} : vector<16xi32> to vector<1xi32>
          %squeeze3A_134 = vector.extract %slice3A_133[0] : i32 from vector<1xi32>
          %add3A_135 = arith.addi %cond3A_67, %squeeze3A_134 : i32
          %swap3A_136 = arith.index_cast %add3A_135 : i32 to index
          %swap3A_137 = tpu.vector_load %arg10[%swap3A_136] {strides = array<i32>} : memref<144xi32, #tpu.memory_space<vmem>>, vector<16xi32>,
          %swap3A_138 = vector.shape_cast %swap3A_137 : vector<16xi32> to vector<16xi32>
          %swap3A_139 = vector.shape_cast %add3A_132 : vector<16xi32> to vector<16xi32>
          tpu.vector_store %arg10[%swap3A_136], %swap3A_139 {strides = array<i32>} : memref<144xi32, #tpu.memory_space<vmem>>, vector<16xi32>,
          %slice3A_140 = vector.extract_strided_slice %get3A_62 {offsets = [2], sizes = [1], strides = [1]} : vector<16xi32> to vector<1xi32>
          %squeeze3A_141 = vector.extract %slice3A_140[0] : i32 from vector<1xi32>
          %add3A_142 = vector.broadcast %squeeze3A_141 : i32 to vector<16xi32>
          %add3A_143 = arith.addi %add3A_142, %broadcast_in_dim3A_36 : vector<16xi32>
          %slice3A_144 = vector.extract_strided_slice %sub3A_111 {offsets = [2], sizes = [1], strides = [1]} : vector<16xi32> to vector<1xi32>
          %squeeze3A_145 = vector.extract %slice3A_144[0] : i32 from vector<1xi32>
          %add3A_146 = arith.addi %cond3A_67, %squeeze3A_145 : i32
          %swap3A_147 = arith.index_cast %add3A_146 : i32 to index
          %swap3A_148 = tpu.vector_load %arg10[%swap3A_147] {strides = array<i32>} : memref<144xi32, #tpu.memory_space<vmem>>, vector<16xi32>,
          %swap3A_149 = vector.shape_cast %swap3A_148 : vector<16xi32> to vector<16xi32>
          %swap3A_150 = vector.shape_cast %add3A_143 : vector<16xi32> to vector<16xi32>
          tpu.vector_store %arg10[%swap3A_147], %swap3A_150 {strides = array<i32>} : memref<144xi32, #tpu.memory_space<vmem>>, vector<16xi32>,
          %slice3A_151 = vector.extract_strided_slice %get3A_62 {offsets = [3], sizes = [1], strides = [1]} : vector<16xi32> to vector<1xi32>
          %squeeze3A_152 = vector.extract %slice3A_151[0] : i32 from vector<1xi32>
          %add3A_153 = vector.broadcast %squeeze3A_152 : i32 to vector<16xi32>
          %add3A_154 = arith.addi %add3A_153, %broadcast_in_dim3A_36 : vector<16xi32>
          %slice3A_155 = vector.extract_strided_slice %sub3A_111 {offsets = [3], sizes = [1], strides = [1]} : vector<16xi32> to vector<1xi32>
          %squeeze3A_156 = vector.extract %slice3A_155[0] : i32 from vector<1xi32>
          %add3A_157 = arith.addi %cond3A_67, %squeeze3A_156 : i32
          %swap3A_158 = arith.index_cast %add3A_157 : i32 to index
          %swap3A_159 = tpu.vector_load %arg10[%swap3A_158] {strides = array<i32>} : memref<144xi32, #tpu.memory_space<vmem>>, vector<16xi32>,
          %swap3A_160 = vector.shape_cast %swap3A_159 : vector<16xi32> to vector<16xi32>
          %swap3A_161 = vector.shape_cast %add3A_154 : vector<16xi32> to vector<16xi32>
          tpu.vector_store %arg10[%swap3A_158], %swap3A_161 {strides = array<i32>} : memref<144xi32, #tpu.memory_space<vmem>>, vector<16xi32>,
          %slice3A_162 = vector.extract_strided_slice %get3A_62 {offsets = [4], sizes = [1], strides = [1]} : vector<16xi32> to vector<1xi32>
          %squeeze3A_163 = vector.extract %slice3A_162[0] : i32 from vector<1xi32>
          %add3A_164 = vector.broadcast %squeeze3A_163 : i32 to vector<16xi32>
          %add3A_165 = arith.addi %add3A_164, %broadcast_in_dim3A_36 : vector<16xi32>
          %slice3A_166 = vector.extract_strided_slice %sub3A_111 {offsets = [4], sizes = [1], strides = [1]} : vector<16xi32> to vector<1xi32>
          %squeeze3A_167 = vector.extract %slice3A_166[0] : i32 from vector<1xi32>
          %add3A_168 = arith.addi %cond3A_67, %squeeze3A_167 : i32
          %swap3A_169 = arith.index_cast %add3A_168 : i32 to index
          %swap3A_170 = tpu.vector_load %arg10[%swap3A_169] {strides = array<i32>} : memref<144xi32, #tpu.memory_space<vmem>>, vector<16xi32>,
          %swap3A_171 = vector.shape_cast %swap3A_170 : vector<16xi32> to vector<16xi32>
          %swap3A_172 = vector.shape_cast %add3A_165 : vector<16xi32> to vector<16xi32>
          tpu.vector_store %arg10[%swap3A_169], %swap3A_172 {strides = array<i32>} : memref<144xi32, #tpu.memory_space<vmem>>, vector<16xi32>,
          %slice3A_173 = vector.extract_strided_slice %get3A_62 {offsets = [5], sizes = [1], strides = [1]} : vector<16xi32> to vector<1xi32>
          %squeeze3A_174 = vector.extract %slice3A_173[0] : i32 from vector<1xi32>
          %add3A_175 = vector.broadcast %squeeze3A_174 : i32 to vector<16xi32>
          %add3A_176 = arith.addi %add3A_175, %broadcast_in_dim3A_36 : vector<16xi32>
          %slice3A_177 = vector.extract_strided_slice %sub3A_111 {offsets = [5], sizes = [1], strides = [1]} : vector<16xi32> to vector<1xi32>
          %squeeze3A_178 = vector.extract %slice3A_177[0] : i32 from vector<1xi32>
          %add3A_179 = arith.addi %cond3A_67, %squeeze3A_178 : i32
          %swap3A_180 = arith.index_cast %add3A_179 : i32 to index
          %swap3A_181 = tpu.vector_load %arg10[%swap3A_180] {strides = array<i32>} : memref<144xi32, #tpu.memory_space<vmem>>, vector<16xi32>,
          %swap3A_182 = vector.shape_cast %swap3A_181 : vector<16xi32> to vector<16xi32>
          %swap3A_183 = vector.shape_cast %add3A_176 : vector<16xi32> to vector<16xi32>
          tpu.vector_store %arg10[%swap3A_180], %swap3A_183 {strides = array<i32>} : memref<144xi32, #tpu.memory_space<vmem>>, vector<16xi32>,
          %slice3A_184 = vector.extract_strided_slice %get3A_62 {offsets = [6], sizes = [1], strides = [1]} : vector<16xi32> to vector<1xi32>
          %squeeze3A_185 = vector.extract %slice3A_184[0] : i32 from vector<1xi32>
          %add3A_186 = vector.broadcast %squeeze3A_185 : i32 to vector<16xi32>
          %add3A_187 = arith.addi %add3A_186, %broadcast_in_dim3A_36 : vector<16xi32>
          %slice3A_188 = vector.extract_strided_slice %sub3A_111 {offsets = [6], sizes = [1], strides = [1]} : vector<16xi32> to vector<1xi32>
          %squeeze3A_189 = vector.extract %slice3A_188[0] : i32 from vector<1xi32>
          %add3A_190 = arith.addi %cond3A_67, %squeeze3A_189 : i32
          %swap3A_191 = arith.index_cast %add3A_190 : i32 to index
          %swap3A_192 = tpu.vector_load %arg10[%swap3A_191] {strides = array<i32>} : memref<144xi32, #tpu.memory_space<vmem>>, vector<16xi32>,
          %swap3A_193 = vector.shape_cast %swap3A_192 : vector<16xi32> to vector<16xi32>
          %swap3A_194 = vector.shape_cast %add3A_187 : vector<16xi32> to vector<16xi32>
          tpu.vector_store %arg10[%swap3A_191], %swap3A_194 {strides = array<i32>} : memref<144xi32, #tpu.memory_space<vmem>>, vector<16xi32>,
          %slice3A_195 = vector.extract_strided_slice %get3A_62 {offsets = [7], sizes = [1], strides = [1]} : vector<16xi32> to vector<1xi32>
          %squeeze3A_196 = vector.extract %slice3A_195[0] : i32 from vector<1xi32>
          %add3A_197 = vector.broadcast %squeeze3A_196 : i32 to vector<16xi32>
          %add3A_198 = arith.addi %add3A_197, %broadcast_in_dim3A_36 : vector<16xi32>
          %slice3A_199 = vector.extract_strided_slice %sub3A_111 {offsets = [7], sizes = [1], strides = [1]} : vector<16xi32> to vector<1xi32>
          %squeeze3A_200 = vector.extract %slice3A_199[0] : i32 from vector<1xi32>
          %add3A_201 = arith.addi %cond3A_67, %squeeze3A_200 : i32
          %swap3A_202 = arith.index_cast %add3A_201 : i32 to index
          %swap3A_203 = tpu.vector_load %arg10[%swap3A_202] {strides = array<i32>} : memref<144xi32, #tpu.memory_space<vmem>>, vector<16xi32>,
          %swap3A_204 = vector.shape_cast %swap3A_203 : vector<16xi32> to vector<16xi32>
          %swap3A_205 = vector.shape_cast %add3A_198 : vector<16xi32> to vector<16xi32>
          tpu.vector_store %arg10[%swap3A_202], %swap3A_205 {strides = array<i32>} : memref<144xi32, #tpu.memory_space<vmem>>, vector<16xi32>,
          %slice3A_206 = vector.extract_strided_slice %get3A_62 {offsets = [8], sizes = [1], strides = [1]} : vector<16xi32> to vector<1xi32>
          %squeeze3A_207 = vector.extract %slice3A_206[0] : i32 from vector<1xi32>
          %add3A_208 = vector.broadcast %squeeze3A_207 : i32 to vector<16xi32>
          %add3A_209 = arith.addi %add3A_208, %broadcast_in_dim3A_36 : vector<16xi32>
          %slice3A_210 = vector.extract_strided_slice %sub3A_111 {offsets = [8], sizes = [1], strides = [1]} : vector<16xi32> to vector<1xi32>
          %squeeze3A_211 = vector.extract %slice3A_210[0] : i32 from vector<1xi32>
          %add3A_212 = arith.addi %cond3A_67, %squeeze3A_211 : i32
          %swap3A_213 = arith.index_cast %add3A_212 : i32 to index
          %swap3A_214 = tpu.vector_load %arg10[%swap3A_213] {strides = array<i32>} : memref<144xi32, #tpu.memory_space<vmem>>, vector<16xi32>,
          %swap3A_215 = vector.shape_cast %swap3A_214 : vector<16xi32> to vector<16xi32>
          %swap3A_216 = vector.shape_cast %add3A_209 : vector<16xi32> to vector<16xi32>
          tpu.vector_store %arg10[%swap3A_213], %swap3A_216 {strides = array<i32>} : memref<144xi32, #tpu.memory_space<vmem>>, vector<16xi32>,
          %slice3A_217 = vector.extract_strided_slice %get3A_62 {offsets = [9], sizes = [1], strides = [1]} : vector<16xi32> to vector<1xi32>
          %squeeze3A_218 = vector.extract %slice3A_217[0] : i32 from vector<1xi32>
          %add3A_219 = vector.broadcast %squeeze3A_218 : i32 to vector<16xi32>
          %add3A_220 = arith.addi %add3A_219, %broadcast_in_dim3A_36 : vector<16xi32>
          %slice3A_221 = vector.extract_strided_slice %sub3A_111 {offsets = [9], sizes = [1], strides = [1]} : vector<16xi32> to vector<1xi32>
          %squeeze3A_222 = vector.extract %slice3A_221[0] : i32 from vector<1xi32>
          %add3A_223 = arith.addi %cond3A_67, %squeeze3A_222 : i32
          %swap3A_224 = arith.index_cast %add3A_223 : i32 to index
          %swap3A_225 = tpu.vector_load %arg10[%swap3A_224] {strides = array<i32>} : memref<144xi32, #tpu.memory_space<vmem>>, vector<16xi32>,
          %swap3A_226 = vector.shape_cast %swap3A_225 : vector<16xi32> to vector<16xi32>
          %swap3A_227 = vector.shape_cast %add3A_220 : vector<16xi32> to vector<16xi32>
          tpu.vector_store %arg10[%swap3A_224], %swap3A_227 {strides = array<i32>} : memref<144xi32, #tpu.memory_space<vmem>>, vector<16xi32>,
          %slice3A_228 = vector.extract_strided_slice %get3A_62 {offsets = [10], sizes = [1], strides = [1]} : vector<16xi32> to vector<1xi32>
          %squeeze3A_229 = vector.extract %slice3A_228[0] : i32 from vector<1xi32>
          %add3A_230 = vector.broadcast %squeeze3A_229 : i32 to vector<16xi32>
          %add3A_231 = arith.addi %add3A_230, %broadcast_in_dim3A_36 : vector<16xi32>
          %slice3A_232 = vector.extract_strided_slice %sub3A_111 {offsets = [10], sizes = [1], strides = [1]} : vector<16xi32> to vector<1xi32>
          %squeeze3A_233 = vector.extract %slice3A_232[0] : i32 from vector<1xi32>
          %add3A_234 = arith.addi %cond3A_67, %squeeze3A_233 : i32
          %swap3A_235 = arith.index_cast %add3A_234 : i32 to index
          %swap3A_236 = tpu.vector_load %arg10[%swap3A_235] {strides = array<i32>} : memref<144xi32, #tpu.memory_space<vmem>>, vector<16xi32>,
          %swap3A_237 = vector.shape_cast %swap3A_236 : vector<16xi32> to vector<16xi32>
          %swap3A_238 = vector.shape_cast %add3A_231 : vector<16xi32> to vector<16xi32>
          tpu.vector_store %arg10[%swap3A_235], %swap3A_238 {strides = array<i32>} : memref<144xi32, #tpu.memory_space<vmem>>, vector<16xi32>,
          %slice3A_239 = vector.extract_strided_slice %get3A_62 {offsets = [11], sizes = [1], strides = [1]} : vector<16xi32> to vector<1xi32>
          %squeeze3A_240 = vector.extract %slice3A_239[0] : i32 from vector<1xi32>
          %add3A_241 = vector.broadcast %squeeze3A_240 : i32 to vector<16xi32>
          %add3A_242 = arith.addi %add3A_241, %broadcast_in_dim3A_36 : vector<16xi32>
          %slice3A_243 = vector.extract_strided_slice %sub3A_111 {offsets = [11], sizes = [1], strides = [1]} : vector<16xi32> to vector<1xi32>
          %squeeze3A_244 = vector.extract %slice3A_243[0] : i32 from vector<1xi32>
          %add3A_245 = arith.addi %cond3A_67, %squeeze3A_244 : i32
          %swap3A_246 = arith.index_cast %add3A_245 : i32 to index
          %swap3A_247 = tpu.vector_load %arg10[%swap3A_246] {strides = array<i32>} : memref<144xi32, #tpu.memory_space<vmem>>, vector<16xi32>,
          %swap3A_248 = vector.shape_cast %swap3A_247 : vector<16xi32> to vector<16xi32>
          %swap3A_249 = vector.shape_cast %add3A_242 : vector<16xi32> to vector<16xi32>
          tpu.vector_store %arg10[%swap3A_246], %swap3A_249 {strides = array<i32>} : memref<144xi32, #tpu.memory_space<vmem>>, vector<16xi32>,
          %slice3A_250 = vector.extract_strided_slice %get3A_62 {offsets = [12], sizes = [1], strides = [1]} : vector<16xi32> to vector<1xi32>
          %squeeze3A_251 = vector.extract %slice3A_250[0] : i32 from vector<1xi32>
          %add3A_252 = vector.broadcast %squeeze3A_251 : i32 to vector<16xi32>
          %add3A_253 = arith.addi %add3A_252, %broadcast_in_dim3A_36 : vector<16xi32>
          %slice3A_254 = vector.extract_strided_slice %sub3A_111 {offsets = [12], sizes = [1], strides = [1]} : vector<16xi32> to vector<1xi32>
          %squeeze3A_255 = vector.extract %slice3A_254[0] : i32 from vector<1xi32>
          %add3A_256 = arith.addi %cond3A_67, %squeeze3A_255 : i32
          %swap3A_257 = arith.index_cast %add3A_256 : i32 to index
          %swap3A_258 = tpu.vector_load %arg10[%swap3A_257] {strides = array<i32>} : memref<144xi32, #tpu.memory_space<vmem>>, vector<16xi32>,
          %swap3A_259 = vector.shape_cast %swap3A_258 : vector<16xi32> to vector<16xi32>
          %swap3A_260 = vector.shape_cast %add3A_253 : vector<16xi32> to vector<16xi32>
          tpu.vector_store %arg10[%swap3A_257], %swap3A_260 {strides = array<i32>} : memref<144xi32, #tpu.memory_space<vmem>>, vector<16xi32>,
          %slice3A_261 = vector.extract_strided_slice %get3A_62 {offsets = [13], sizes = [1], strides = [1]} : vector<16xi32> to vector<1xi32>
          %squeeze3A_262 = vector.extract %slice3A_261[0] : i32 from vector<1xi32>
          %add3A_263 = vector.broadcast %squeeze3A_262 : i32 to vector<16xi32>
          %add3A_264 = arith.addi %add3A_263, %broadcast_in_dim3A_36 : vector<16xi32>
          %slice3A_265 = vector.extract_strided_slice %sub3A_111 {offsets = [13], sizes = [1], strides = [1]} : vector<16xi32> to vector<1xi32>
          %squeeze3A_266 = vector.extract %slice3A_265[0] : i32 from vector<1xi32>
          %add3A_267 = arith.addi %cond3A_67, %squeeze3A_266 : i32
          %swap3A_268 = arith.index_cast %add3A_267 : i32 to index
          %swap3A_269 = tpu.vector_load %arg10[%swap3A_268] {strides = array<i32>} : memref<144xi32, #tpu.memory_space<vmem>>, vector<16xi32>,
          %swap3A_270 = vector.shape_cast %swap3A_269 : vector<16xi32> to vector<16xi32>
          %swap3A_271 = vector.shape_cast %add3A_264 : vector<16xi32> to vector<16xi32>
          tpu.vector_store %arg10[%swap3A_268], %swap3A_271 {strides = array<i32>} : memref<144xi32, #tpu.memory_space<vmem>>, vector<16xi32>,
          %slice3A_272 = vector.extract_strided_slice %get3A_62 {offsets = [14], sizes = [1], strides = [1]} : vector<16xi32> to vector<1xi32>
          %squeeze3A_273 = vector.extract %slice3A_272[0] : i32 from vector<1xi32>
          %add3A_274 = vector.broadcast %squeeze3A_273 : i32 to vector<16xi32>
          %add3A_275 = arith.addi %add3A_274, %broadcast_in_dim3A_36 : vector<16xi32>
          %slice3A_276 = vector.extract_strided_slice %sub3A_111 {offsets = [14], sizes = [1], strides = [1]} : vector<16xi32> to vector<1xi32>
          %squeeze3A_277 = vector.extract %slice3A_276[0] : i32 from vector<1xi32>
          %add3A_278 = arith.addi %cond3A_67, %squeeze3A_277 : i32
          %swap3A_279 = arith.index_cast %add3A_278 : i32 to index
          %swap3A_280 = tpu.vector_load %arg10[%swap3A_279] {strides = array<i32>} : memref<144xi32, #tpu.memory_space<vmem>>, vector<16xi32>,
          %swap3A_281 = vector.shape_cast %swap3A_280 : vector<16xi32> to vector<16xi32>
          %swap3A_282 = vector.shape_cast %add3A_275 : vector<16xi32> to vector<16xi32>
          tpu.vector_store %arg10[%swap3A_279], %swap3A_282 {strides = array<i32>} : memref<144xi32, #tpu.memory_space<vmem>>, vector<16xi32>,
          %slice3A_283 = vector.extract_strided_slice %get3A_62 {offsets = [15], sizes = [1], strides = [1]} : vector<16xi32> to vector<1xi32>
          %squeeze3A_284 = vector.extract %slice3A_283[0] : i32 from vector<1xi32>
          %add3A_285 = vector.broadcast %squeeze3A_284 : i32 to vector<16xi32>
          %add3A_286 = arith.addi %add3A_285, %broadcast_in_dim3A_36 : vector<16xi32>
          %slice3A_287 = vector.extract_strided_slice %sub3A_111 {offsets = [15], sizes = [1], strides = [1]} : vector<16xi32> to vector<1xi32>
          %squeeze3A_288 = vector.extract %slice3A_287[0] : i32 from vector<1xi32>
          %add3A_289 = arith.addi %cond3A_67, %squeeze3A_288 : i32
          %swap3A_290 = arith.index_cast %add3A_289 : i32 to index
          %swap3A_291 = tpu.vector_load %arg10[%swap3A_290] {strides = array<i32>} : memref<144xi32, #tpu.memory_space<vmem>>, vector<16xi32>,
          %swap3A_292 = vector.shape_cast %swap3A_291 : vector<16xi32> to vector<16xi32>
          %swap3A_293 = vector.shape_cast %add3A_286 : vector<16xi32> to vector<16xi32>
          tpu.vector_store %arg10[%swap3A_290], %swap3A_293 {strides = array<i32>} : memref<144xi32, #tpu.memory_space<vmem>>, vector<16xi32>,
          %add3A_294 = arith.addi %cond3A_67, %squeeze3A : i32
          scf.yield %add3A_294 : i32
        } else {
          scf.yield %cond3A_67 : i32
        }
        scf.yield %cond3A_117 : i32
      }
      %scan3A_56 = arith.constant 125 : i32
      scf.yield %scan3A_55 : i32
    }
    %scan3A_43 = arith.constant 160 : i32
    %gt3A = arith.constant 0 : i32
    %gt3A_44 = arith.cmpi sgt, %scan3A_42, %gt3A : i32
    %convert_element_type3A = arith.extui %gt3A_44 : i1 to i32
    %cond3A = arith.constant 0 : i32
    %cond3A_45 = arith.cmpi ne, %convert_element_type3A, %cond3A : i32
    %cond3A_46 = scf.if %cond3A_45 -> (i32) {
      %scan3A_47 = arith.constant 0 : i32
      %scan3A_48 = arith.constant 0 : i32
      %scan3A_49 = arith.constant 9 : i32
      %scan3A_50 = arith.addi %scan3A_48, %scan3A_49 : i32
      %scan3A_51 = arith.constant 1 : i32
      %scan3A_52 = scf.for %scan3A_70 = %scan3A_48 to %scan3A_50 step %scan3A_51 iter_args(%scan3A_71 = %scan3A_47) -> (i32)  : i32 {
        %mul3A_72 = arith.constant 16 : i32
        %mul3A_73 = arith.muli %scan3A_70, %mul3A_72 : i32
        %get3A = arith.index_cast %mul3A_73 : i32 to index
        %get3A_74 = tpu.vector_load %arg10[%get3A] {strides = array<i32>} : memref<144xi32, #tpu.memory_space<vmem>>, vector<16xi32>,
        %get3A_75 = vector.shape_cast %get3A_74 : vector<16xi32> to vector<16xi32>
        %and3A = arith.constant 16383 : i32
        %and3A_76 = vector.broadcast %and3A : i32 to vector<16xi32>
        %and3A_77 = arith.andi %get3A_75, %and3A_76 : vector<16xi32>
        %mul3A_78 = arith.constant 16 : i32
        %mul3A_79 = arith.muli %scan3A_70, %mul3A_78 : i32
        %swap3A = arith.index_cast %mul3A_79 : i32 to index
        %swap3A_80 = tpu.vector_load %arg11[%swap3A] {strides = array<i32>} : memref<144xi32, #tpu.memory_space<vmem>>, vector<16xi32>,
        %swap3A_81 = vector.shape_cast %swap3A_80 : vector<16xi32> to vector<16xi32>
        %swap3A_82 = vector.shape_cast %and3A_77 : vector<16xi32> to vector<16xi32>
        tpu.vector_store %arg11[%swap3A], %swap3A_82 {strides = array<i32>} : memref<144xi32, #tpu.memory_space<vmem>>, vector<16xi32>,
        %scan3A_83 = arith.constant 0 : i32
        scf.yield %scan3A_83 : i32
      }
      %scan3A_53 = arith.constant 9 : i32
      %dma_start3A = arith.constant 0 : i32
      %dma_start3A_54 = arith.constant 0 : i32
      %dma_start3A_55 = tpu.memref_slice %arg3[%dma_start3A, %dma_start3A_54] : memref<10000x64xf32, #tpu.memory_space<hbm>> -> memref<10000x64xf32, #tpu.memory_space<hbm>>
      tpu.enqueue_indirect_dma source(%dma_start3A_55 : memref<10000x64xf32, #tpu.memory_space<hbm>>) target(%arg13 : memref<144x64xf32, #tpu.memory_space<vmem>>) offsets(%arg11 : memref<144xi32, #tpu.memory_space<vmem>>) semaphore(%arg19 : memref<!tpu.dma_semaphore, #tpu.memory_space<semaphore_mem>>)
      %dma_wait3A = arith.constant 0 : i32
      %dma_wait3A_56 = arith.constant 0 : i32
      %dma_wait3A_57 = tpu.memref_slice %arg3[%dma_wait3A, %dma_wait3A_56] : memref<10000x64xf32, #tpu.memory_space<hbm>> -> memref<10000x64xf32, #tpu.memory_space<hbm>>
      tpu.wait_indirect_dma semaphore(%arg19 : memref<!tpu.dma_semaphore, #tpu.memory_space<semaphore_mem>>) src(%dma_wait3A_57 : memref<10000x64xf32, #tpu.memory_space<hbm>>) dst(%arg13 : memref<144x64xf32, #tpu.memory_space<vmem>>)
      %while3A = arith.constant 0 : i32
      %while3A_58 = arith.constant 0 : i32
      %while3A_59 = arith.subi %scan3A_42, %while3A : i32
      %while3A_60 = arith.addi %while3A, %while3A_59 : i32
      %while3A_61 = arith.constant 1 : i32
      %while3A_62 = arith.divsi %while3A_59, %while3A_61 : i32
      %while3A_63 = arith.muli %while3A_62, %while3A_61 : i32
      %while3A_64 = arith.addi %while3A, %while3A_63 : i32
      %while3A_65 = arith.constant 1 : i32
      %while3A_66 = scf.for %while3A_70 = %while3A to %while3A_64 step %while3A_65 iter_args(%while3A_71 = %while3A_58) -> (i32)  : i32 {
        %get3A = arith.index_cast %while3A_70 : i32 to index
        %get3A_72 = tpu.vector_load %arg10[%get3A] {strides = array<i32>} : memref<144xi32, #tpu.memory_space<vmem>>, vector<16xi32>,
        %get3A_73 = vector.shape_cast %get3A_72 : vector<16xi32> to vector<16xi32>
        %slice3A = vector.extract_strided_slice %get3A_73 {offsets = [0], sizes = [1], strides = [1]} : vector<16xi32> to vector<1xi32>
        %squeeze3A = vector.extract %slice3A[0] : i32 from vector<1xi32>
        %shift_right_logical3A = arith.constant 14 : i32
        %shift_right_logical3A_74 = arith.shrui %squeeze3A, %shift_right_logical3A : i32
        %sub3A = arith.subi %shift_right_logical3A_74, %mul3A_2 : i32
        %shift_right_logical3A_75 = arith.constant 4 : i32
        %shift_right_logical3A_76 = arith.shrui %sub3A, %shift_right_logical3A_75 : i32
        %mul3A_77 = arith.constant 16 : i32
        %mul3A_78 = arith.muli %shift_right_logical3A_76, %mul3A_77 : i32
        %sub3A_79 = arith.subi %sub3A, %mul3A_78 : i32
        %sub3A_80 = vector.broadcast %sub3A_79 : i32 to vector<16xi32>
        %sub3A_81 = arith.subi %iota3A, %sub3A_80 : vector<16xi32>
        %abs3A = math.absi %sub3A_81 : vector<16xi32>
        %min3A = arith.constant 1 : i32
        %min3A_82 = vector.broadcast %min3A : i32 to vector<16xi32>
        %min3A_83 = arith.minsi %abs3A, %min3A_82 : vector<16xi32>
        %sub3A_84 = arith.constant 1 : i32
        %sub3A_85 = vector.broadcast %sub3A_84 : i32 to vector<16xi32>
        %sub3A_86 = arith.subi %sub3A_85, %min3A_83 : vector<16xi32>
        %convert_element_type3A_87 = arith.sitofp %sub3A_86 : vector<16xi32> to vector<16xf32>
        %get3A_88 = arith.index_cast %shift_right_logical3A_76 : i32 to index
        %get3A_89 = arith.constant 0 : index
        %get3A_90 = tpu.vector_load %arg18[%get3A_88, %get3A_89] {strides = array<i32>} : memref<20x16xf32, #tpu.memory_space<vmem>>, vector<1x16xf32>,
        %get3A_91 = vector.shape_cast %get3A_90 : vector<1x16xf32> to vector<16xf32>
        %add3A_92 = arith.addf %get3A_91, %convert_element_type3A_87 : vector<16xf32>
        %swap3A = arith.index_cast %shift_right_logical3A_76 : i32 to index
        %swap3A_93 = arith.constant 0 : index
        %swap3A_94 = tpu.vector_load %arg18[%swap3A, %swap3A_93] {strides = array<i32>} : memref<20x16xf32, #tpu.memory_space<vmem>>, vector<1x16xf32>,
        %swap3A_95 = vector.shape_cast %swap3A_94 : vector<1x16xf32> to vector<16xf32>
        %swap3A_96 = vector.shape_cast %add3A_92 : vector<16xf32> to vector<1x16xf32>
        tpu.vector_store %arg18[%swap3A, %swap3A_93], %swap3A_96 {strides = array<i32>} : memref<20x16xf32, #tpu.memory_space<vmem>>, vector<1x16xf32>,
        %get3A_97 = arith.index_cast %while3A_70 : i32 to index
        %get3A_98 = arith.constant 0 : index
        %get3A_99 = tpu.vector_load %arg13[%get3A_97, %get3A_98] {strides = array<i32>} : memref<144x64xf32, #tpu.memory_space<vmem>>, vector<1x16xf32>,
        %get3A_100 = vector.shape_cast %get3A_99 : vector<1x16xf32> to vector<16xf32>
        %get3A_101 = arith.index_cast %sub3A : i32 to index
        %get3A_102 = arith.constant 0 : index
        %get3A_103 = tpu.vector_load %arg14[%get3A_101, %get3A_102] {strides = array<i32>} : memref<320x64xf32, #tpu.memory_space<vmem>>, vector<1x16xf32>,
        %get3A_104 = vector.shape_cast %get3A_103 : vector<1x16xf32> to vector<16xf32>
        %add3A_105 = arith.addf %get3A_104, %get3A_100 : vector<16xf32>
        %swap3A_106 = arith.index_cast %sub3A : i32 to index
        %swap3A_107 = arith.constant 0 : index
        %swap3A_108 = tpu.vector_load %arg14[%swap3A_106, %swap3A_107] {strides = array<i32>} : memref<320x64xf32, #tpu.memory_space<vmem>>, vector<1x16xf32>,
        %swap3A_109 = vector.shape_cast %swap3A_108 : vector<1x16xf32> to vector<16xf32>
        %swap3A_110 = vector.shape_cast %add3A_105 : vector<16xf32> to vector<1x16xf32>
        tpu.vector_store %arg14[%swap3A_106, %swap3A_107], %swap3A_110 {strides = array<i32>} : memref<320x64xf32, #tpu.memory_space<vmem>>, vector<1x16xf32>,
        %get3A_111 = arith.index_cast %sub3A : i32 to index
        %get3A_112 = arith.constant 0 : index
        %get3A_113 = tpu.vector_load %arg15[%get3A_111, %get3A_112] {strides = array<i32>} : memref<320x64xf32, #tpu.memory_space<vmem>>, vector<1x16xf32>,
        %get3A_114 = vector.shape_cast %get3A_113 : vector<1x16xf32> to vector<16xf32>
        %mul3A_115 = arith.mulf %get3A_100, %get3A_100 : vector<16xf32>
        %add3A_116 = arith.addf %get3A_114, %mul3A_115 : vector<16xf32>
        %swap3A_117 = arith.index_cast %sub3A : i32 to index
        %swap3A_118 = arith.constant 0 : index
        %swap3A_119 = tpu.vector_load %arg15[%swap3A_117, %swap3A_118] {strides = array<i32>} : memref<320x64xf32, #tpu.memory_space<vmem>>, vector<1x16xf32>,
        %swap3A_120 = vector.shape_cast %swap3A_119 : vector<1x16xf32> to vector<16xf32>
        %swap3A_121 = vector.shape_cast %add3A_116 : vector<16xf32> to vector<1x16xf32>
        tpu.vector_store %arg15[%swap3A_117, %swap3A_118], %swap3A_121 {strides = array<i32>} : memref<320x64xf32, #tpu.memory_space<vmem>>, vector<1x16xf32>,
        %get3A_122 = arith.index_cast %sub3A : i32 to index
        %get3A_123 = arith.constant 0 : index
        %get3A_124 = tpu.vector_load %arg16[%get3A_122, %get3A_123] {strides = array<i32>} : memref<320x64xf32, #tpu.memory_space<vmem>>, vector<1x16xf32>,
        %get3A_125 = vector.shape_cast %get3A_124 : vector<1x16xf32> to vector<16xf32>
        %max3A = arith.maximumf %get3A_125, %get3A_100 : vector<16xf32>
        %swap3A_126 = arith.index_cast %sub3A : i32 to index
        %swap3A_127 = arith.constant 0 : index
        %swap3A_128 = tpu.vector_load %arg16[%swap3A_126, %swap3A_127] {strides = array<i32>} : memref<320x64xf32, #tpu.memory_space<vmem>>, vector<1x16xf32>,
        %swap3A_129 = vector.shape_cast %swap3A_128 : vector<1x16xf32> to vector<16xf32>
        %swap3A_130 = vector.shape_cast %max3A : vector<16xf32> to vector<1x16xf32>
        tpu.vector_store %arg16[%swap3A_126, %swap3A_127], %swap3A_130 {strides = array<i32>} : memref<320x64xf32, #tpu.memory_space<vmem>>, vector<1x16xf32>,
        %get3A_131 = arith.index_cast %sub3A : i32 to index
        %get3A_132 = arith.constant 0 : index
        %get3A_133 = tpu.vector_load %arg17[%get3A_131, %get3A_132] {strides = array<i32>} : memref<320x64xf32, #tpu.memory_space<vmem>>, vector<1x16xf32>,
        %get3A_134 = vector.shape_cast %get3A_133 : vector<1x16xf32> to vector<16xf32>
        %min3A_135 = arith.minimumf %get3A_134, %get3A_100 : vector<16xf32>
        %swap3A_136 = arith.index_cast %sub3A : i32 to index
        %swap3A_137 = arith.constant 0 : index
        %swap3A_138 = tpu.vector_load %arg17[%swap3A_136, %swap3A_137] {strides = array<i32>} : memref<320x64xf32, #tpu.memory_space<vmem>>, vector<1x16xf32>,
        %swap3A_139 = vector.shape_cast %swap3A_138 : vector<1x16xf32> to vector<16xf32>
        %swap3A_140 = vector.shape_cast %min3A_135 : vector<16xf32> to vector<1x16xf32>
        tpu.vector_store %arg17[%swap3A_136, %swap3A_137], %swap3A_140 {strides = array<i32>} : memref<320x64xf32, #tpu.memory_space<vmem>>, vector<1x16xf32>,
        %get3A_141 = arith.index_cast %while3A_70 : i32 to index
        %get3A_142 = arith.constant 16 : index
        %get3A_143 = tpu.vector_load %arg13[%get3A_141, %get3A_142] {strides = array<i32>} : memref<144x64xf32, #tpu.memory_space<vmem>>, vector<1x16xf32>,
        %get3A_144 = vector.shape_cast %get3A_143 : vector<1x16xf32> to vector<16xf32>
        %get3A_145 = arith.index_cast %sub3A : i32 to index
        %get3A_146 = arith.constant 16 : index
        %get3A_147 = tpu.vector_load %arg14[%get3A_145, %get3A_146] {strides = array<i32>} : memref<320x64xf32, #tpu.memory_space<vmem>>, vector<1x16xf32>,
        %get3A_148 = vector.shape_cast %get3A_147 : vector<1x16xf32> to vector<16xf32>
        %add3A_149 = arith.addf %get3A_148, %get3A_144 : vector<16xf32>
        %swap3A_150 = arith.index_cast %sub3A : i32 to index
        %swap3A_151 = arith.constant 16 : index
        %swap3A_152 = tpu.vector_load %arg14[%swap3A_150, %swap3A_151] {strides = array<i32>} : memref<320x64xf32, #tpu.memory_space<vmem>>, vector<1x16xf32>,
        %swap3A_153 = vector.shape_cast %swap3A_152 : vector<1x16xf32> to vector<16xf32>
        %swap3A_154 = vector.shape_cast %add3A_149 : vector<16xf32> to vector<1x16xf32>
        tpu.vector_store %arg14[%swap3A_150, %swap3A_151], %swap3A_154 {strides = array<i32>} : memref<320x64xf32, #tpu.memory_space<vmem>>, vector<1x16xf32>,
        %get3A_155 = arith.index_cast %sub3A : i32 to index
        %get3A_156 = arith.constant 16 : index
        %get3A_157 = tpu.vector_load %arg15[%get3A_155, %get3A_156] {strides = array<i32>} : memref<320x64xf32, #tpu.memory_space<vmem>>, vector<1x16xf32>,
        %get3A_158 = vector.shape_cast %get3A_157 : vector<1x16xf32> to vector<16xf32>
        %mul3A_159 = arith.mulf %get3A_144, %get3A_144 : vector<16xf32>
        %add3A_160 = arith.addf %get3A_158, %mul3A_159 : vector<16xf32>
        %swap3A_161 = arith.index_cast %sub3A : i32 to index
        %swap3A_162 = arith.constant 16 : index
        %swap3A_163 = tpu.vector_load %arg15[%swap3A_161, %swap3A_162] {strides = array<i32>} : memref<320x64xf32, #tpu.memory_space<vmem>>, vector<1x16xf32>,
        %swap3A_164 = vector.shape_cast %swap3A_163 : vector<1x16xf32> to vector<16xf32>
        %swap3A_165 = vector.shape_cast %add3A_160 : vector<16xf32> to vector<1x16xf32>
        tpu.vector_store %arg15[%swap3A_161, %swap3A_162], %swap3A_165 {strides = array<i32>} : memref<320x64xf32, #tpu.memory_space<vmem>>, vector<1x16xf32>,
        %get3A_166 = arith.index_cast %sub3A : i32 to index
        %get3A_167 = arith.constant 16 : index
        %get3A_168 = tpu.vector_load %arg16[%get3A_166, %get3A_167] {strides = array<i32>} : memref<320x64xf32, #tpu.memory_space<vmem>>, vector<1x16xf32>,
        %get3A_169 = vector.shape_cast %get3A_168 : vector<1x16xf32> to vector<16xf32>
        %max3A_170 = arith.maximumf %get3A_169, %get3A_144 : vector<16xf32>
        %swap3A_171 = arith.index_cast %sub3A : i32 to index
        %swap3A_172 = arith.constant 16 : index
        %swap3A_173 = tpu.vector_load %arg16[%swap3A_171, %swap3A_172] {strides = array<i32>} : memref<320x64xf32, #tpu.memory_space<vmem>>, vector<1x16xf32>,
        %swap3A_174 = vector.shape_cast %swap3A_173 : vector<1x16xf32> to vector<16xf32>
        %swap3A_175 = vector.shape_cast %max3A_170 : vector<16xf32> to vector<1x16xf32>
        tpu.vector_store %arg16[%swap3A_171, %swap3A_172], %swap3A_175 {strides = array<i32>} : memref<320x64xf32, #tpu.memory_space<vmem>>, vector<1x16xf32>,
        %get3A_176 = arith.index_cast %sub3A : i32 to index
        %get3A_177 = arith.constant 16 : index
        %get3A_178 = tpu.vector_load %arg17[%get3A_176, %get3A_177] {strides = array<i32>} : memref<320x64xf32, #tpu.memory_space<vmem>>, vector<1x16xf32>,
        %get3A_179 = vector.shape_cast %get3A_178 : vector<1x16xf32> to vector<16xf32>
        %min3A_180 = arith.minimumf %get3A_179, %get3A_144 : vector<16xf32>
        %swap3A_181 = arith.index_cast %sub3A : i32 to index
        %swap3A_182 = arith.constant 16 : index
        %swap3A_183 = tpu.vector_load %arg17[%swap3A_181, %swap3A_182] {strides = array<i32>} : memref<320x64xf32, #tpu.memory_space<vmem>>, vector<1x16xf32>,
        %swap3A_184 = vector.shape_cast %swap3A_183 : vector<1x16xf32> to vector<16xf32>
        %swap3A_185 = vector.shape_cast %min3A_180 : vector<16xf32> to vector<1x16xf32>
        tpu.vector_store %arg17[%swap3A_181, %swap3A_182], %swap3A_185 {strides = array<i32>} : memref<320x64xf32, #tpu.memory_space<vmem>>, vector<1x16xf32>,
        %get3A_186 = arith.index_cast %while3A_70 : i32 to index
        %get3A_187 = arith.constant 32 : index
        %get3A_188 = tpu.vector_load %arg13[%get3A_186, %get3A_187] {strides = array<i32>} : memref<144x64xf32, #tpu.memory_space<vmem>>, vector<1x16xf32>,
        %get3A_189 = vector.shape_cast %get3A_188 : vector<1x16xf32> to vector<16xf32>
        %get3A_190 = arith.index_cast %sub3A : i32 to index
        %get3A_191 = arith.constant 32 : index
        %get3A_192 = tpu.vector_load %arg14[%get3A_190, %get3A_191] {strides = array<i32>} : memref<320x64xf32, #tpu.memory_space<vmem>>, vector<1x16xf32>,
        %get3A_193 = vector.shape_cast %get3A_192 : vector<1x16xf32> to vector<16xf32>
        %add3A_194 = arith.addf %get3A_193, %get3A_189 : vector<16xf32>
        %swap3A_195 = arith.index_cast %sub3A : i32 to index
        %swap3A_196 = arith.constant 32 : index
        %swap3A_197 = tpu.vector_load %arg14[%swap3A_195, %swap3A_196] {strides = array<i32>} : memref<320x64xf32, #tpu.memory_space<vmem>>, vector<1x16xf32>,
        %swap3A_198 = vector.shape_cast %swap3A_197 : vector<1x16xf32> to vector<16xf32>
        %swap3A_199 = vector.shape_cast %add3A_194 : vector<16xf32> to vector<1x16xf32>
        tpu.vector_store %arg14[%swap3A_195, %swap3A_196], %swap3A_199 {strides = array<i32>} : memref<320x64xf32, #tpu.memory_space<vmem>>, vector<1x16xf32>,
        %get3A_200 = arith.index_cast %sub3A : i32 to index
        %get3A_201 = arith.constant 32 : index
        %get3A_202 = tpu.vector_load %arg15[%get3A_200, %get3A_201] {strides = array<i32>} : memref<320x64xf32, #tpu.memory_space<vmem>>, vector<1x16xf32>,
        %get3A_203 = vector.shape_cast %get3A_202 : vector<1x16xf32> to vector<16xf32>
        %mul3A_204 = arith.mulf %get3A_189, %get3A_189 : vector<16xf32>
        %add3A_205 = arith.addf %get3A_203, %mul3A_204 : vector<16xf32>
        %swap3A_206 = arith.index_cast %sub3A : i32 to index
        %swap3A_207 = arith.constant 32 : index
        %swap3A_208 = tpu.vector_load %arg15[%swap3A_206, %swap3A_207] {strides = array<i32>} : memref<320x64xf32, #tpu.memory_space<vmem>>, vector<1x16xf32>,
        %swap3A_209 = vector.shape_cast %swap3A_208 : vector<1x16xf32> to vector<16xf32>
        %swap3A_210 = vector.shape_cast %add3A_205 : vector<16xf32> to vector<1x16xf32>
        tpu.vector_store %arg15[%swap3A_206, %swap3A_207], %swap3A_210 {strides = array<i32>} : memref<320x64xf32, #tpu.memory_space<vmem>>, vector<1x16xf32>,
        %get3A_211 = arith.index_cast %sub3A : i32 to index
        %get3A_212 = arith.constant 32 : index
        %get3A_213 = tpu.vector_load %arg16[%get3A_211, %get3A_212] {strides = array<i32>} : memref<320x64xf32, #tpu.memory_space<vmem>>, vector<1x16xf32>,
        %get3A_214 = vector.shape_cast %get3A_213 : vector<1x16xf32> to vector<16xf32>
        %max3A_215 = arith.maximumf %get3A_214, %get3A_189 : vector<16xf32>
        %swap3A_216 = arith.index_cast %sub3A : i32 to index
        %swap3A_217 = arith.constant 32 : index
        %swap3A_218 = tpu.vector_load %arg16[%swap3A_216, %swap3A_217] {strides = array<i32>} : memref<320x64xf32, #tpu.memory_space<vmem>>, vector<1x16xf32>,
        %swap3A_219 = vector.shape_cast %swap3A_218 : vector<1x16xf32> to vector<16xf32>
        %swap3A_220 = vector.shape_cast %max3A_215 : vector<16xf32> to vector<1x16xf32>
        tpu.vector_store %arg16[%swap3A_216, %swap3A_217], %swap3A_220 {strides = array<i32>} : memref<320x64xf32, #tpu.memory_space<vmem>>, vector<1x16xf32>,
        %get3A_221 = arith.index_cast %sub3A : i32 to index
        %get3A_222 = arith.constant 32 : index
        %get3A_223 = tpu.vector_load %arg17[%get3A_221, %get3A_222] {strides = array<i32>} : memref<320x64xf32, #tpu.memory_space<vmem>>, vector<1x16xf32>,
        %get3A_224 = vector.shape_cast %get3A_223 : vector<1x16xf32> to vector<16xf32>
        %min3A_225 = arith.minimumf %get3A_224, %get3A_189 : vector<16xf32>
        %swap3A_226 = arith.index_cast %sub3A : i32 to index
        %swap3A_227 = arith.constant 32 : index
        %swap3A_228 = tpu.vector_load %arg17[%swap3A_226, %swap3A_227] {strides = array<i32>} : memref<320x64xf32, #tpu.memory_space<vmem>>, vector<1x16xf32>,
        %swap3A_229 = vector.shape_cast %swap3A_228 : vector<1x16xf32> to vector<16xf32>
        %swap3A_230 = vector.shape_cast %min3A_225 : vector<16xf32> to vector<1x16xf32>
        tpu.vector_store %arg17[%swap3A_226, %swap3A_227], %swap3A_230 {strides = array<i32>} : memref<320x64xf32, #tpu.memory_space<vmem>>, vector<1x16xf32>,
        %get3A_231 = arith.index_cast %while3A_70 : i32 to index
        %get3A_232 = arith.constant 48 : index
        %get3A_233 = tpu.vector_load %arg13[%get3A_231, %get3A_232] {strides = array<i32>} : memref<144x64xf32, #tpu.memory_space<vmem>>, vector<1x16xf32>,
        %get3A_234 = vector.shape_cast %get3A_233 : vector<1x16xf32> to vector<16xf32>
        %get3A_235 = arith.index_cast %sub3A : i32 to index
        %get3A_236 = arith.constant 48 : index
        %get3A_237 = tpu.vector_load %arg14[%get3A_235, %get3A_236] {strides = array<i32>} : memref<320x64xf32, #tpu.memory_space<vmem>>, vector<1x16xf32>,
        %get3A_238 = vector.shape_cast %get3A_237 : vector<1x16xf32> to vector<16xf32>
        %add3A_239 = arith.addf %get3A_238, %get3A_234 : vector<16xf32>
        %swap3A_240 = arith.index_cast %sub3A : i32 to index
        %swap3A_241 = arith.constant 48 : index
        %swap3A_242 = tpu.vector_load %arg14[%swap3A_240, %swap3A_241] {strides = array<i32>} : memref<320x64xf32, #tpu.memory_space<vmem>>, vector<1x16xf32>,
        %swap3A_243 = vector.shape_cast %swap3A_242 : vector<1x16xf32> to vector<16xf32>
        %swap3A_244 = vector.shape_cast %add3A_239 : vector<16xf32> to vector<1x16xf32>
        tpu.vector_store %arg14[%swap3A_240, %swap3A_241], %swap3A_244 {strides = array<i32>} : memref<320x64xf32, #tpu.memory_space<vmem>>, vector<1x16xf32>,
        %get3A_245 = arith.index_cast %sub3A : i32 to index
        %get3A_246 = arith.constant 48 : index
        %get3A_247 = tpu.vector_load %arg15[%get3A_245, %get3A_246] {strides = array<i32>} : memref<320x64xf32, #tpu.memory_space<vmem>>, vector<1x16xf32>,
        %get3A_248 = vector.shape_cast %get3A_247 : vector<1x16xf32> to vector<16xf32>
        %mul3A_249 = arith.mulf %get3A_234, %get3A_234 : vector<16xf32>
        %add3A_250 = arith.addf %get3A_248, %mul3A_249 : vector<16xf32>
        %swap3A_251 = arith.index_cast %sub3A : i32 to index
        %swap3A_252 = arith.constant 48 : index
        %swap3A_253 = tpu.vector_load %arg15[%swap3A_251, %swap3A_252] {strides = array<i32>} : memref<320x64xf32, #tpu.memory_space<vmem>>, vector<1x16xf32>,
        %swap3A_254 = vector.shape_cast %swap3A_253 : vector<1x16xf32> to vector<16xf32>
        %swap3A_255 = vector.shape_cast %add3A_250 : vector<16xf32> to vector<1x16xf32>
        tpu.vector_store %arg15[%swap3A_251, %swap3A_252], %swap3A_255 {strides = array<i32>} : memref<320x64xf32, #tpu.memory_space<vmem>>, vector<1x16xf32>,
        %get3A_256 = arith.index_cast %sub3A : i32 to index
        %get3A_257 = arith.constant 48 : index
        %get3A_258 = tpu.vector_load %arg16[%get3A_256, %get3A_257] {strides = array<i32>} : memref<320x64xf32, #tpu.memory_space<vmem>>, vector<1x16xf32>,
        %get3A_259 = vector.shape_cast %get3A_258 : vector<1x16xf32> to vector<16xf32>
        %max3A_260 = arith.maximumf %get3A_259, %get3A_234 : vector<16xf32>
        %swap3A_261 = arith.index_cast %sub3A : i32 to index
        %swap3A_262 = arith.constant 48 : index
        %swap3A_263 = tpu.vector_load %arg16[%swap3A_261, %swap3A_262] {strides = array<i32>} : memref<320x64xf32, #tpu.memory_space<vmem>>, vector<1x16xf32>,
        %swap3A_264 = vector.shape_cast %swap3A_263 : vector<1x16xf32> to vector<16xf32>
        %swap3A_265 = vector.shape_cast %max3A_260 : vector<16xf32> to vector<1x16xf32>
        tpu.vector_store %arg16[%swap3A_261, %swap3A_262], %swap3A_265 {strides = array<i32>} : memref<320x64xf32, #tpu.memory_space<vmem>>, vector<1x16xf32>,
        %get3A_266 = arith.index_cast %sub3A : i32 to index
        %get3A_267 = arith.constant 48 : index
        %get3A_268 = tpu.vector_load %arg17[%get3A_266, %get3A_267] {strides = array<i32>} : memref<320x64xf32, #tpu.memory_space<vmem>>, vector<1x16xf32>,
        %get3A_269 = vector.shape_cast %get3A_268 : vector<1x16xf32> to vector<16xf32>
        %min3A_270 = arith.minimumf %get3A_269, %get3A_234 : vector<16xf32>
        %swap3A_271 = arith.index_cast %sub3A : i32 to index
        %swap3A_272 = arith.constant 48 : index
        %swap3A_273 = tpu.vector_load %arg17[%swap3A_271, %swap3A_272] {strides = array<i32>} : memref<320x64xf32, #tpu.memory_space<vmem>>, vector<1x16xf32>,
        %swap3A_274 = vector.shape_cast %swap3A_273 : vector<1x16xf32> to vector<16xf32>
        %swap3A_275 = vector.shape_cast %min3A_270 : vector<16xf32> to vector<1x16xf32>
        tpu.vector_store %arg17[%swap3A_271, %swap3A_272], %swap3A_275 {strides = array<i32>} : memref<320x64xf32, #tpu.memory_space<vmem>>, vector<1x16xf32>,
        %while3A_276 = arith.constant 0 : i32
        scf.yield %while3A_276 : i32
      }
      %while3A_67 = arith.constant 1 : i32
      %while3A_68 = scf.for %while3A_70 = %while3A_64 to %while3A_60 step %while3A_67 iter_args(%while3A_71 = %while3A_66) -> (i32)  : i32 {
        %get3A = arith.index_cast %while3A_70 : i32 to index
        %get3A_72 = tpu.vector_load %arg10[%get3A] {strides = array<i32>} : memref<144xi32, #tpu.memory_space<vmem>>, vector<16xi32>,
        %get3A_73 = vector.shape_cast %get3A_72 : vector<16xi32> to vector<16xi32>
        %slice3A = vector.extract_strided_slice %get3A_73 {offsets = [0], sizes = [1], strides = [1]} : vector<16xi32> to vector<1xi32>
        %squeeze3A = vector.extract %slice3A[0] : i32 from vector<1xi32>
        %shift_right_logical3A = arith.constant 14 : i32
        %shift_right_logical3A_74 = arith.shrui %squeeze3A, %shift_right_logical3A : i32
        %sub3A = arith.subi %shift_right_logical3A_74, %mul3A_2 : i32
        %shift_right_logical3A_75 = arith.constant 4 : i32
        %shift_right_logical3A_76 = arith.shrui %sub3A, %shift_right_logical3A_75 : i32
        %mul3A_77 = arith.constant 16 : i32
        %mul3A_78 = arith.muli %shift_right_logical3A_76, %mul3A_77 : i32
        %sub3A_79 = arith.subi %sub3A, %mul3A_78 : i32
        %sub3A_80 = vector.broadcast %sub3A_79 : i32 to vector<16xi32>
        %sub3A_81 = arith.subi %iota3A, %sub3A_80 : vector<16xi32>
        %abs3A = math.absi %sub3A_81 : vector<16xi32>
        %min3A = arith.constant 1 : i32
        %min3A_82 = vector.broadcast %min3A : i32 to vector<16xi32>
        %min3A_83 = arith.minsi %abs3A, %min3A_82 : vector<16xi32>
        %sub3A_84 = arith.constant 1 : i32
        %sub3A_85 = vector.broadcast %sub3A_84 : i32 to vector<16xi32>
        %sub3A_86 = arith.subi %sub3A_85, %min3A_83 : vector<16xi32>
        %convert_element_type3A_87 = arith.sitofp %sub3A_86 : vector<16xi32> to vector<16xf32>
        %get3A_88 = arith.index_cast %shift_right_logical3A_76 : i32 to index
        %get3A_89 = arith.constant 0 : index
        %get3A_90 = tpu.vector_load %arg18[%get3A_88, %get3A_89] {strides = array<i32>} : memref<20x16xf32, #tpu.memory_space<vmem>>, vector<1x16xf32>,
        %get3A_91 = vector.shape_cast %get3A_90 : vector<1x16xf32> to vector<16xf32>
        %add3A_92 = arith.addf %get3A_91, %convert_element_type3A_87 : vector<16xf32>
        %swap3A = arith.index_cast %shift_right_logical3A_76 : i32 to index
        %swap3A_93 = arith.constant 0 : index
        %swap3A_94 = tpu.vector_load %arg18[%swap3A, %swap3A_93] {strides = array<i32>} : memref<20x16xf32, #tpu.memory_space<vmem>>, vector<1x16xf32>,
        %swap3A_95 = vector.shape_cast %swap3A_94 : vector<1x16xf32> to vector<16xf32>
        %swap3A_96 = vector.shape_cast %add3A_92 : vector<16xf32> to vector<1x16xf32>
        tpu.vector_store %arg18[%swap3A, %swap3A_93], %swap3A_96 {strides = array<i32>} : memref<20x16xf32, #tpu.memory_space<vmem>>, vector<1x16xf32>,
        %get3A_97 = arith.index_cast %while3A_70 : i32 to index
        %get3A_98 = arith.constant 0 : index
        %get3A_99 = tpu.vector_load %arg13[%get3A_97, %get3A_98] {strides = array<i32>} : memref<144x64xf32, #tpu.memory_space<vmem>>, vector<1x16xf32>,
        %get3A_100 = vector.shape_cast %get3A_99 : vector<1x16xf32> to vector<16xf32>
        %get3A_101 = arith.index_cast %sub3A : i32 to index
        %get3A_102 = arith.constant 0 : index
        %get3A_103 = tpu.vector_load %arg14[%get3A_101, %get3A_102] {strides = array<i32>} : memref<320x64xf32, #tpu.memory_space<vmem>>, vector<1x16xf32>,
        %get3A_104 = vector.shape_cast %get3A_103 : vector<1x16xf32> to vector<16xf32>
        %add3A_105 = arith.addf %get3A_104, %get3A_100 : vector<16xf32>
        %swap3A_106 = arith.index_cast %sub3A : i32 to index
        %swap3A_107 = arith.constant 0 : index
        %swap3A_108 = tpu.vector_load %arg14[%swap3A_106, %swap3A_107] {strides = array<i32>} : memref<320x64xf32, #tpu.memory_space<vmem>>, vector<1x16xf32>,
        %swap3A_109 = vector.shape_cast %swap3A_108 : vector<1x16xf32> to vector<16xf32>
        %swap3A_110 = vector.shape_cast %add3A_105 : vector<16xf32> to vector<1x16xf32>
        tpu.vector_store %arg14[%swap3A_106, %swap3A_107], %swap3A_110 {strides = array<i32>} : memref<320x64xf32, #tpu.memory_space<vmem>>, vector<1x16xf32>,
        %get3A_111 = arith.index_cast %sub3A : i32 to index
        %get3A_112 = arith.constant 0 : index
        %get3A_113 = tpu.vector_load %arg15[%get3A_111, %get3A_112] {strides = array<i32>} : memref<320x64xf32, #tpu.memory_space<vmem>>, vector<1x16xf32>,
        %get3A_114 = vector.shape_cast %get3A_113 : vector<1x16xf32> to vector<16xf32>
        %mul3A_115 = arith.mulf %get3A_100, %get3A_100 : vector<16xf32>
        %add3A_116 = arith.addf %get3A_114, %mul3A_115 : vector<16xf32>
        %swap3A_117 = arith.index_cast %sub3A : i32 to index
        %swap3A_118 = arith.constant 0 : index
        %swap3A_119 = tpu.vector_load %arg15[%swap3A_117, %swap3A_118] {strides = array<i32>} : memref<320x64xf32, #tpu.memory_space<vmem>>, vector<1x16xf32>,
        %swap3A_120 = vector.shape_cast %swap3A_119 : vector<1x16xf32> to vector<16xf32>
        %swap3A_121 = vector.shape_cast %add3A_116 : vector<16xf32> to vector<1x16xf32>
        tpu.vector_store %arg15[%swap3A_117, %swap3A_118], %swap3A_121 {strides = array<i32>} : memref<320x64xf32, #tpu.memory_space<vmem>>, vector<1x16xf32>,
        %get3A_122 = arith.index_cast %sub3A : i32 to index
        %get3A_123 = arith.constant 0 : index
        %get3A_124 = tpu.vector_load %arg16[%get3A_122, %get3A_123] {strides = array<i32>} : memref<320x64xf32, #tpu.memory_space<vmem>>, vector<1x16xf32>,
        %get3A_125 = vector.shape_cast %get3A_124 : vector<1x16xf32> to vector<16xf32>
        %max3A = arith.maximumf %get3A_125, %get3A_100 : vector<16xf32>
        %swap3A_126 = arith.index_cast %sub3A : i32 to index
        %swap3A_127 = arith.constant 0 : index
        %swap3A_128 = tpu.vector_load %arg16[%swap3A_126, %swap3A_127] {strides = array<i32>} : memref<320x64xf32, #tpu.memory_space<vmem>>, vector<1x16xf32>,
        %swap3A_129 = vector.shape_cast %swap3A_128 : vector<1x16xf32> to vector<16xf32>
        %swap3A_130 = vector.shape_cast %max3A : vector<16xf32> to vector<1x16xf32>
        tpu.vector_store %arg16[%swap3A_126, %swap3A_127], %swap3A_130 {strides = array<i32>} : memref<320x64xf32, #tpu.memory_space<vmem>>, vector<1x16xf32>,
        %get3A_131 = arith.index_cast %sub3A : i32 to index
        %get3A_132 = arith.constant 0 : index
        %get3A_133 = tpu.vector_load %arg17[%get3A_131, %get3A_132] {strides = array<i32>} : memref<320x64xf32, #tpu.memory_space<vmem>>, vector<1x16xf32>,
        %get3A_134 = vector.shape_cast %get3A_133 : vector<1x16xf32> to vector<16xf32>
        %min3A_135 = arith.minimumf %get3A_134, %get3A_100 : vector<16xf32>
        %swap3A_136 = arith.index_cast %sub3A : i32 to index
        %swap3A_137 = arith.constant 0 : index
        %swap3A_138 = tpu.vector_load %arg17[%swap3A_136, %swap3A_137] {strides = array<i32>} : memref<320x64xf32, #tpu.memory_space<vmem>>, vector<1x16xf32>,
        %swap3A_139 = vector.shape_cast %swap3A_138 : vector<1x16xf32> to vector<16xf32>
        %swap3A_140 = vector.shape_cast %min3A_135 : vector<16xf32> to vector<1x16xf32>
        tpu.vector_store %arg17[%swap3A_136, %swap3A_137], %swap3A_140 {strides = array<i32>} : memref<320x64xf32, #tpu.memory_space<vmem>>, vector<1x16xf32>,
        %get3A_141 = arith.index_cast %while3A_70 : i32 to index
        %get3A_142 = arith.constant 16 : index
        %get3A_143 = tpu.vector_load %arg13[%get3A_141, %get3A_142] {strides = array<i32>} : memref<144x64xf32, #tpu.memory_space<vmem>>, vector<1x16xf32>,
        %get3A_144 = vector.shape_cast %get3A_143 : vector<1x16xf32> to vector<16xf32>
        %get3A_145 = arith.index_cast %sub3A : i32 to index
        %get3A_146 = arith.constant 16 : index
        %get3A_147 = tpu.vector_load %arg14[%get3A_145, %get3A_146] {strides = array<i32>} : memref<320x64xf32, #tpu.memory_space<vmem>>, vector<1x16xf32>,
        %get3A_148 = vector.shape_cast %get3A_147 : vector<1x16xf32> to vector<16xf32>
        %add3A_149 = arith.addf %get3A_148, %get3A_144 : vector<16xf32>
        %swap3A_150 = arith.index_cast %sub3A : i32 to index
        %swap3A_151 = arith.constant 16 : index
        %swap3A_152 = tpu.vector_load %arg14[%swap3A_150, %swap3A_151] {strides = array<i32>} : memref<320x64xf32, #tpu.memory_space<vmem>>, vector<1x16xf32>,
        %swap3A_153 = vector.shape_cast %swap3A_152 : vector<1x16xf32> to vector<16xf32>
        %swap3A_154 = vector.shape_cast %add3A_149 : vector<16xf32> to vector<1x16xf32>
        tpu.vector_store %arg14[%swap3A_150, %swap3A_151], %swap3A_154 {strides = array<i32>} : memref<320x64xf32, #tpu.memory_space<vmem>>, vector<1x16xf32>,
        %get3A_155 = arith.index_cast %sub3A : i32 to index
        %get3A_156 = arith.constant 16 : index
        %get3A_157 = tpu.vector_load %arg15[%get3A_155, %get3A_156] {strides = array<i32>} : memref<320x64xf32, #tpu.memory_space<vmem>>, vector<1x16xf32>,
        %get3A_158 = vector.shape_cast %get3A_157 : vector<1x16xf32> to vector<16xf32>
        %mul3A_159 = arith.mulf %get3A_144, %get3A_144 : vector<16xf32>
        %add3A_160 = arith.addf %get3A_158, %mul3A_159 : vector<16xf32>
        %swap3A_161 = arith.index_cast %sub3A : i32 to index
        %swap3A_162 = arith.constant 16 : index
        %swap3A_163 = tpu.vector_load %arg15[%swap3A_161, %swap3A_162] {strides = array<i32>} : memref<320x64xf32, #tpu.memory_space<vmem>>, vector<1x16xf32>,
        %swap3A_164 = vector.shape_cast %swap3A_163 : vector<1x16xf32> to vector<16xf32>
        %swap3A_165 = vector.shape_cast %add3A_160 : vector<16xf32> to vector<1x16xf32>
        tpu.vector_store %arg15[%swap3A_161, %swap3A_162], %swap3A_165 {strides = array<i32>} : memref<320x64xf32, #tpu.memory_space<vmem>>, vector<1x16xf32>,
        %get3A_166 = arith.index_cast %sub3A : i32 to index
        %get3A_167 = arith.constant 16 : index
        %get3A_168 = tpu.vector_load %arg16[%get3A_166, %get3A_167] {strides = array<i32>} : memref<320x64xf32, #tpu.memory_space<vmem>>, vector<1x16xf32>,
        %get3A_169 = vector.shape_cast %get3A_168 : vector<1x16xf32> to vector<16xf32>
        %max3A_170 = arith.maximumf %get3A_169, %get3A_144 : vector<16xf32>
        %swap3A_171 = arith.index_cast %sub3A : i32 to index
        %swap3A_172 = arith.constant 16 : index
        %swap3A_173 = tpu.vector_load %arg16[%swap3A_171, %swap3A_172] {strides = array<i32>} : memref<320x64xf32, #tpu.memory_space<vmem>>, vector<1x16xf32>,
        %swap3A_174 = vector.shape_cast %swap3A_173 : vector<1x16xf32> to vector<16xf32>
        %swap3A_175 = vector.shape_cast %max3A_170 : vector<16xf32> to vector<1x16xf32>
        tpu.vector_store %arg16[%swap3A_171, %swap3A_172], %swap3A_175 {strides = array<i32>} : memref<320x64xf32, #tpu.memory_space<vmem>>, vector<1x16xf32>,
        %get3A_176 = arith.index_cast %sub3A : i32 to index
        %get3A_177 = arith.constant 16 : index
        %get3A_178 = tpu.vector_load %arg17[%get3A_176, %get3A_177] {strides = array<i32>} : memref<320x64xf32, #tpu.memory_space<vmem>>, vector<1x16xf32>,
        %get3A_179 = vector.shape_cast %get3A_178 : vector<1x16xf32> to vector<16xf32>
        %min3A_180 = arith.minimumf %get3A_179, %get3A_144 : vector<16xf32>
        %swap3A_181 = arith.index_cast %sub3A : i32 to index
        %swap3A_182 = arith.constant 16 : index
        %swap3A_183 = tpu.vector_load %arg17[%swap3A_181, %swap3A_182] {strides = array<i32>} : memref<320x64xf32, #tpu.memory_space<vmem>>, vector<1x16xf32>,
        %swap3A_184 = vector.shape_cast %swap3A_183 : vector<1x16xf32> to vector<16xf32>
        %swap3A_185 = vector.shape_cast %min3A_180 : vector<16xf32> to vector<1x16xf32>
        tpu.vector_store %arg17[%swap3A_181, %swap3A_182], %swap3A_185 {strides = array<i32>} : memref<320x64xf32, #tpu.memory_space<vmem>>, vector<1x16xf32>,
        %get3A_186 = arith.index_cast %while3A_70 : i32 to index
        %get3A_187 = arith.constant 32 : index
        %get3A_188 = tpu.vector_load %arg13[%get3A_186, %get3A_187] {strides = array<i32>} : memref<144x64xf32, #tpu.memory_space<vmem>>, vector<1x16xf32>,
        %get3A_189 = vector.shape_cast %get3A_188 : vector<1x16xf32> to vector<16xf32>
        %get3A_190 = arith.index_cast %sub3A : i32 to index
        %get3A_191 = arith.constant 32 : index
        %get3A_192 = tpu.vector_load %arg14[%get3A_190, %get3A_191] {strides = array<i32>} : memref<320x64xf32, #tpu.memory_space<vmem>>, vector<1x16xf32>,
        %get3A_193 = vector.shape_cast %get3A_192 : vector<1x16xf32> to vector<16xf32>
        %add3A_194 = arith.addf %get3A_193, %get3A_189 : vector<16xf32>
        %swap3A_195 = arith.index_cast %sub3A : i32 to index
        %swap3A_196 = arith.constant 32 : index
        %swap3A_197 = tpu.vector_load %arg14[%swap3A_195, %swap3A_196] {strides = array<i32>} : memref<320x64xf32, #tpu.memory_space<vmem>>, vector<1x16xf32>,
        %swap3A_198 = vector.shape_cast %swap3A_197 : vector<1x16xf32> to vector<16xf32>
        %swap3A_199 = vector.shape_cast %add3A_194 : vector<16xf32> to vector<1x16xf32>
        tpu.vector_store %arg14[%swap3A_195, %swap3A_196], %swap3A_199 {strides = array<i32>} : memref<320x64xf32, #tpu.memory_space<vmem>>, vector<1x16xf32>,
        %get3A_200 = arith.index_cast %sub3A : i32 to index
        %get3A_201 = arith.constant 32 : index
        %get3A_202 = tpu.vector_load %arg15[%get3A_200, %get3A_201] {strides = array<i32>} : memref<320x64xf32, #tpu.memory_space<vmem>>, vector<1x16xf32>,
        %get3A_203 = vector.shape_cast %get3A_202 : vector<1x16xf32> to vector<16xf32>
        %mul3A_204 = arith.mulf %get3A_189, %get3A_189 : vector<16xf32>
        %add3A_205 = arith.addf %get3A_203, %mul3A_204 : vector<16xf32>
        %swap3A_206 = arith.index_cast %sub3A : i32 to index
        %swap3A_207 = arith.constant 32 : index
        %swap3A_208 = tpu.vector_load %arg15[%swap3A_206, %swap3A_207] {strides = array<i32>} : memref<320x64xf32, #tpu.memory_space<vmem>>, vector<1x16xf32>,
        %swap3A_209 = vector.shape_cast %swap3A_208 : vector<1x16xf32> to vector<16xf32>
        %swap3A_210 = vector.shape_cast %add3A_205 : vector<16xf32> to vector<1x16xf32>
        tpu.vector_store %arg15[%swap3A_206, %swap3A_207], %swap3A_210 {strides = array<i32>} : memref<320x64xf32, #tpu.memory_space<vmem>>, vector<1x16xf32>,
        %get3A_211 = arith.index_cast %sub3A : i32 to index
        %get3A_212 = arith.constant 32 : index
        %get3A_213 = tpu.vector_load %arg16[%get3A_211, %get3A_212] {strides = array<i32>} : memref<320x64xf32, #tpu.memory_space<vmem>>, vector<1x16xf32>,
        %get3A_214 = vector.shape_cast %get3A_213 : vector<1x16xf32> to vector<16xf32>
        %max3A_215 = arith.maximumf %get3A_214, %get3A_189 : vector<16xf32>
        %swap3A_216 = arith.index_cast %sub3A : i32 to index
        %swap3A_217 = arith.constant 32 : index
        %swap3A_218 = tpu.vector_load %arg16[%swap3A_216, %swap3A_217] {strides = array<i32>} : memref<320x64xf32, #tpu.memory_space<vmem>>, vector<1x16xf32>,
        %swap3A_219 = vector.shape_cast %swap3A_218 : vector<1x16xf32> to vector<16xf32>
        %swap3A_220 = vector.shape_cast %max3A_215 : vector<16xf32> to vector<1x16xf32>
        tpu.vector_store %arg16[%swap3A_216, %swap3A_217], %swap3A_220 {strides = array<i32>} : memref<320x64xf32, #tpu.memory_space<vmem>>, vector<1x16xf32>,
        %get3A_221 = arith.index_cast %sub3A : i32 to index
        %get3A_222 = arith.constant 32 : index
        %get3A_223 = tpu.vector_load %arg17[%get3A_221, %get3A_222] {strides = array<i32>} : memref<320x64xf32, #tpu.memory_space<vmem>>, vector<1x16xf32>,
        %get3A_224 = vector.shape_cast %get3A_223 : vector<1x16xf32> to vector<16xf32>
        %min3A_225 = arith.minimumf %get3A_224, %get3A_189 : vector<16xf32>
        %swap3A_226 = arith.index_cast %sub3A : i32 to index
        %swap3A_227 = arith.constant 32 : index
        %swap3A_228 = tpu.vector_load %arg17[%swap3A_226, %swap3A_227] {strides = array<i32>} : memref<320x64xf32, #tpu.memory_space<vmem>>, vector<1x16xf32>,
        %swap3A_229 = vector.shape_cast %swap3A_228 : vector<1x16xf32> to vector<16xf32>
        %swap3A_230 = vector.shape_cast %min3A_225 : vector<16xf32> to vector<1x16xf32>
        tpu.vector_store %arg17[%swap3A_226, %swap3A_227], %swap3A_230 {strides = array<i32>} : memref<320x64xf32, #tpu.memory_space<vmem>>, vector<1x16xf32>,
        %get3A_231 = arith.index_cast %while3A_70 : i32 to index
        %get3A_232 = arith.constant 48 : index
        %get3A_233 = tpu.vector_load %arg13[%get3A_231, %get3A_232] {strides = array<i32>} : memref<144x64xf32, #tpu.memory_space<vmem>>, vector<1x16xf32>,
        %get3A_234 = vector.shape_cast %get3A_233 : vector<1x16xf32> to vector<16xf32>
        %get3A_235 = arith.index_cast %sub3A : i32 to index
        %get3A_236 = arith.constant 48 : index
        %get3A_237 = tpu.vector_load %arg14[%get3A_235, %get3A_236] {strides = array<i32>} : memref<320x64xf32, #tpu.memory_space<vmem>>, vector<1x16xf32>,
        %get3A_238 = vector.shape_cast %get3A_237 : vector<1x16xf32> to vector<16xf32>
        %add3A_239 = arith.addf %get3A_238, %get3A_234 : vector<16xf32>
        %swap3A_240 = arith.index_cast %sub3A : i32 to index
        %swap3A_241 = arith.constant 48 : index
        %swap3A_242 = tpu.vector_load %arg14[%swap3A_240, %swap3A_241] {strides = array<i32>} : memref<320x64xf32, #tpu.memory_space<vmem>>, vector<1x16xf32>,
        %swap3A_243 = vector.shape_cast %swap3A_242 : vector<1x16xf32> to vector<16xf32>
        %swap3A_244 = vector.shape_cast %add3A_239 : vector<16xf32> to vector<1x16xf32>
        tpu.vector_store %arg14[%swap3A_240, %swap3A_241], %swap3A_244 {strides = array<i32>} : memref<320x64xf32, #tpu.memory_space<vmem>>, vector<1x16xf32>,
        %get3A_245 = arith.index_cast %sub3A : i32 to index
        %get3A_246 = arith.constant 48 : index
        %get3A_247 = tpu.vector_load %arg15[%get3A_245, %get3A_246] {strides = array<i32>} : memref<320x64xf32, #tpu.memory_space<vmem>>, vector<1x16xf32>,
        %get3A_248 = vector.shape_cast %get3A_247 : vector<1x16xf32> to vector<16xf32>
        %mul3A_249 = arith.mulf %get3A_234, %get3A_234 : vector<16xf32>
        %add3A_250 = arith.addf %get3A_248, %mul3A_249 : vector<16xf32>
        %swap3A_251 = arith.index_cast %sub3A : i32 to index
        %swap3A_252 = arith.constant 48 : index
        %swap3A_253 = tpu.vector_load %arg15[%swap3A_251, %swap3A_252] {strides = array<i32>} : memref<320x64xf32, #tpu.memory_space<vmem>>, vector<1x16xf32>,
        %swap3A_254 = vector.shape_cast %swap3A_253 : vector<1x16xf32> to vector<16xf32>
        %swap3A_255 = vector.shape_cast %add3A_250 : vector<16xf32> to vector<1x16xf32>
        tpu.vector_store %arg15[%swap3A_251, %swap3A_252], %swap3A_255 {strides = array<i32>} : memref<320x64xf32, #tpu.memory_space<vmem>>, vector<1x16xf32>,
        %get3A_256 = arith.index_cast %sub3A : i32 to index
        %get3A_257 = arith.constant 48 : index
        %get3A_258 = tpu.vector_load %arg16[%get3A_256, %get3A_257] {strides = array<i32>} : memref<320x64xf32, #tpu.memory_space<vmem>>, vector<1x16xf32>,
        %get3A_259 = vector.shape_cast %get3A_258 : vector<1x16xf32> to vector<16xf32>
        %max3A_260 = arith.maximumf %get3A_259, %get3A_234 : vector<16xf32>
        %swap3A_261 = arith.index_cast %sub3A : i32 to index
        %swap3A_262 = arith.constant 48 : index
        %swap3A_263 = tpu.vector_load %arg16[%swap3A_261, %swap3A_262] {strides = array<i32>} : memref<320x64xf32, #tpu.memory_space<vmem>>, vector<1x16xf32>,
        %swap3A_264 = vector.shape_cast %swap3A_263 : vector<1x16xf32> to vector<16xf32>
        %swap3A_265 = vector.shape_cast %max3A_260 : vector<16xf32> to vector<1x16xf32>
        tpu.vector_store %arg16[%swap3A_261, %swap3A_262], %swap3A_265 {strides = array<i32>} : memref<320x64xf32, #tpu.memory_space<vmem>>, vector<1x16xf32>,
        %get3A_266 = arith.index_cast %sub3A : i32 to index
        %get3A_267 = arith.constant 48 : index
        %get3A_268 = tpu.vector_load %arg17[%get3A_266, %get3A_267] {strides = array<i32>} : memref<320x64xf32, #tpu.memory_space<vmem>>, vector<1x16xf32>,
        %get3A_269 = vector.shape_cast %get3A_268 : vector<1x16xf32> to vector<16xf32>
        %min3A_270 = arith.minimumf %get3A_269, %get3A_234 : vector<16xf32>
        %swap3A_271 = arith.index_cast %sub3A : i32 to index
        %swap3A_272 = arith.constant 48 : index
        %swap3A_273 = tpu.vector_load %arg17[%swap3A_271, %swap3A_272] {strides = array<i32>} : memref<320x64xf32, #tpu.memory_space<vmem>>, vector<1x16xf32>,
        %swap3A_274 = vector.shape_cast %swap3A_273 : vector<1x16xf32> to vector<16xf32>
        %swap3A_275 = vector.shape_cast %min3A_270 : vector<16xf32> to vector<1x16xf32>
        tpu.vector_store %arg17[%swap3A_271, %swap3A_272], %swap3A_275 {strides = array<i32>} : memref<320x64xf32, #tpu.memory_space<vmem>>, vector<1x16xf32>,
        %while3A_276 = arith.constant 0 : i32
        scf.yield %while3A_276 : i32
      }
      %cond3A_69 = arith.constant 0 : i32
      scf.yield %cond3A_69 : i32
    } else {
      %cond3A_47 = arith.constant 0 : i32
      scf.yield %cond3A_47 : i32
    }
    "tpu.region"() ({
      %run_scoped3A = tpu.sem_alloc : memref<!tpu.dma_semaphore, #tpu.memory_space<semaphore_mem>>
      %dma_start3A = arith.constant 0 : i32
      %dma_start3A_47 = tpu.memref_slice %arg4[%mul3A_2, %dma_start3A] : memref<10240x64xf32, #tpu.memory_space<hbm>> -> memref<320x64xf32, #tpu.memory_space<hbm>>
      %dma_start3A_48 = arith.constant 0 : i32
      %dma_start3A_49 = tpu.memref_slice %arg4[%mul3A_2, %dma_start3A_48] : memref<10240x64xf32, #tpu.memory_space<hbm>> -> memref<320x64xf32, #tpu.memory_space<hbm>>
      tpu.enqueue_dma source(%arg14 : memref<320x64xf32, #tpu.memory_space<vmem>>) target(%dma_start3A_49 : memref<320x64xf32, #tpu.memory_space<hbm>>) target_semaphore(%run_scoped3A : memref<!tpu.dma_semaphore, #tpu.memory_space<semaphore_mem>>)
      %dma_wait3A = arith.constant 0 : i32
      %dma_wait3A_50 = tpu.memref_slice %arg4[%mul3A_2, %dma_wait3A] : memref<10240x64xf32, #tpu.memory_space<hbm>> -> memref<320x64xf32, #tpu.memory_space<hbm>>
      %dma_wait3A_51 = arith.constant 0 : i32
      %dma_wait3A_52 = tpu.memref_slice %arg4[%mul3A_2, %dma_wait3A_51] : memref<10240x64xf32, #tpu.memory_space<hbm>> -> memref<320x64xf32, #tpu.memory_space<hbm>>
      tpu.wait_dma2 semaphore(%run_scoped3A : memref<!tpu.dma_semaphore, #tpu.memory_space<semaphore_mem>>) src(%arg14 : memref<320x64xf32, #tpu.memory_space<vmem>>) dst(%dma_wait3A_52 : memref<320x64xf32, #tpu.memory_space<hbm>>)
      tpu.yield
    }) : () -> ()
    "tpu.region"() ({
      %run_scoped3A = tpu.sem_alloc : memref<!tpu.dma_semaphore, #tpu.memory_space<semaphore_mem>>
      %dma_start3A = arith.constant 0 : i32
      %dma_start3A_47 = tpu.memref_slice %arg5[%mul3A_2, %dma_start3A] : memref<10240x64xf32, #tpu.memory_space<hbm>> -> memref<320x64xf32, #tpu.memory_space<hbm>>
      %dma_start3A_48 = arith.constant 0 : i32
      %dma_start3A_49 = tpu.memref_slice %arg5[%mul3A_2, %dma_start3A_48] : memref<10240x64xf32, #tpu.memory_space<hbm>> -> memref<320x64xf32, #tpu.memory_space<hbm>>
      tpu.enqueue_dma source(%arg15 : memref<320x64xf32, #tpu.memory_space<vmem>>) target(%dma_start3A_49 : memref<320x64xf32, #tpu.memory_space<hbm>>) target_semaphore(%run_scoped3A : memref<!tpu.dma_semaphore, #tpu.memory_space<semaphore_mem>>)
      %dma_wait3A = arith.constant 0 : i32
      %dma_wait3A_50 = tpu.memref_slice %arg5[%mul3A_2, %dma_wait3A] : memref<10240x64xf32, #tpu.memory_space<hbm>> -> memref<320x64xf32, #tpu.memory_space<hbm>>
      %dma_wait3A_51 = arith.constant 0 : i32
      %dma_wait3A_52 = tpu.memref_slice %arg5[%mul3A_2, %dma_wait3A_51] : memref<10240x64xf32, #tpu.memory_space<hbm>> -> memref<320x64xf32, #tpu.memory_space<hbm>>
      tpu.wait_dma2 semaphore(%run_scoped3A : memref<!tpu.dma_semaphore, #tpu.memory_space<semaphore_mem>>) src(%arg15 : memref<320x64xf32, #tpu.memory_space<vmem>>) dst(%dma_wait3A_52 : memref<320x64xf32, #tpu.memory_space<hbm>>)
      tpu.yield
    }) : () -> ()
    "tpu.region"() ({
      %run_scoped3A = tpu.sem_alloc : memref<!tpu.dma_semaphore, #tpu.memory_space<semaphore_mem>>
      %dma_start3A = arith.constant 0 : i32
      %dma_start3A_47 = tpu.memref_slice %arg6[%mul3A_2, %dma_start3A] : memref<10240x64xf32, #tpu.memory_space<hbm>> -> memref<320x64xf32, #tpu.memory_space<hbm>>
      %dma_start3A_48 = arith.constant 0 : i32
      %dma_start3A_49 = tpu.memref_slice %arg6[%mul3A_2, %dma_start3A_48] : memref<10240x64xf32, #tpu.memory_space<hbm>> -> memref<320x64xf32, #tpu.memory_space<hbm>>
      tpu.enqueue_dma source(%arg16 : memref<320x64xf32, #tpu.memory_space<vmem>>) target(%dma_start3A_49 : memref<320x64xf32, #tpu.memory_space<hbm>>) target_semaphore(%run_scoped3A : memref<!tpu.dma_semaphore, #tpu.memory_space<semaphore_mem>>)
      %dma_wait3A = arith.constant 0 : i32
      %dma_wait3A_50 = tpu.memref_slice %arg6[%mul3A_2, %dma_wait3A] : memref<10240x64xf32, #tpu.memory_space<hbm>> -> memref<320x64xf32, #tpu.memory_space<hbm>>
      %dma_wait3A_51 = arith.constant 0 : i32
      %dma_wait3A_52 = tpu.memref_slice %arg6[%mul3A_2, %dma_wait3A_51] : memref<10240x64xf32, #tpu.memory_space<hbm>> -> memref<320x64xf32, #tpu.memory_space<hbm>>
      tpu.wait_dma2 semaphore(%run_scoped3A : memref<!tpu.dma_semaphore, #tpu.memory_space<semaphore_mem>>) src(%arg16 : memref<320x64xf32, #tpu.memory_space<vmem>>) dst(%dma_wait3A_52 : memref<320x64xf32, #tpu.memory_space<hbm>>)
      tpu.yield
    }) : () -> ()
    "tpu.region"() ({
      %run_scoped3A = tpu.sem_alloc : memref<!tpu.dma_semaphore, #tpu.memory_space<semaphore_mem>>
      %dma_start3A = arith.constant 0 : i32
      %dma_start3A_47 = tpu.memref_slice %arg7[%mul3A_2, %dma_start3A] : memref<10240x64xf32, #tpu.memory_space<hbm>> -> memref<320x64xf32, #tpu.memory_space<hbm>>
      %dma_start3A_48 = arith.constant 0 : i32
      %dma_start3A_49 = tpu.memref_slice %arg7[%mul3A_2, %dma_start3A_48] : memref<10240x64xf32, #tpu.memory_space<hbm>> -> memref<320x64xf32, #tpu.memory_space<hbm>>
      tpu.enqueue_dma source(%arg17 : memref<320x64xf32, #tpu.memory_space<vmem>>) target(%dma_start3A_49 : memref<320x64xf32, #tpu.memory_space<hbm>>) target_semaphore(%run_scoped3A : memref<!tpu.dma_semaphore, #tpu.memory_space<semaphore_mem>>)
      %dma_wait3A = arith.constant 0 : i32
      %dma_wait3A_50 = tpu.memref_slice %arg7[%mul3A_2, %dma_wait3A] : memref<10240x64xf32, #tpu.memory_space<hbm>> -> memref<320x64xf32, #tpu.memory_space<hbm>>
      %dma_wait3A_51 = arith.constant 0 : i32
      %dma_wait3A_52 = tpu.memref_slice %arg7[%mul3A_2, %dma_wait3A_51] : memref<10240x64xf32, #tpu.memory_space<hbm>> -> memref<320x64xf32, #tpu.memory_space<hbm>>
      tpu.wait_dma2 semaphore(%run_scoped3A : memref<!tpu.dma_semaphore, #tpu.memory_space<semaphore_mem>>) src(%arg17 : memref<320x64xf32, #tpu.memory_space<vmem>>) dst(%dma_wait3A_52 : memref<320x64xf32, #tpu.memory_space<hbm>>)
      tpu.yield
    }) : () -> ()
    "tpu.region"() ({
      %run_scoped3A = tpu.sem_alloc : memref<!tpu.dma_semaphore, #tpu.memory_space<semaphore_mem>>
      %dma_start3A = arith.constant 0 : i32
      %dma_start3A_47 = arith.constant 0 : i32
      %dma_start3A_48 = tpu.memref_slice %arg8[%add3A, %dma_start3A, %dma_start3A_47] : memref<32x20x16xf32, #tpu.memory_space<hbm>> -> memref<1x20x16xf32, #tpu.memory_space<hbm>>
      %dma_start3A_49 = tpu.memref_squeeze %dma_start3A_48 : memref<1x20x16xf32, #tpu.memory_space<hbm>> -> memref<20x16xf32, #tpu.memory_space<hbm>>
      %dma_start3A_50 = arith.constant 0 : i32
      %dma_start3A_51 = arith.constant 0 : i32
      %dma_start3A_52 = tpu.memref_slice %arg8[%add3A, %dma_start3A_50, %dma_start3A_51] : memref<32x20x16xf32, #tpu.memory_space<hbm>> -> memref<1x20x16xf32, #tpu.memory_space<hbm>>
      %dma_start3A_53 = tpu.memref_squeeze %dma_start3A_52 : memref<1x20x16xf32, #tpu.memory_space<hbm>> -> memref<20x16xf32, #tpu.memory_space<hbm>>
      tpu.enqueue_dma source(%arg18 : memref<20x16xf32, #tpu.memory_space<vmem>>) target(%dma_start3A_53 : memref<20x16xf32, #tpu.memory_space<hbm>>) target_semaphore(%run_scoped3A : memref<!tpu.dma_semaphore, #tpu.memory_space<semaphore_mem>>)
      %dma_wait3A = arith.constant 0 : i32
      %dma_wait3A_54 = arith.constant 0 : i32
      %dma_wait3A_55 = tpu.memref_slice %arg8[%add3A, %dma_wait3A, %dma_wait3A_54] : memref<32x20x16xf32, #tpu.memory_space<hbm>> -> memref<1x20x16xf32, #tpu.memory_space<hbm>>
      %dma_wait3A_56 = tpu.memref_squeeze %dma_wait3A_55 : memref<1x20x16xf32, #tpu.memory_space<hbm>> -> memref<20x16xf32, #tpu.memory_space<hbm>>
      %dma_wait3A_57 = arith.constant 0 : i32
      %dma_wait3A_58 = arith.constant 0 : i32
      %dma_wait3A_59 = tpu.memref_slice %arg8[%add3A, %dma_wait3A_57, %dma_wait3A_58] : memref<32x20x16xf32, #tpu.memory_space<hbm>> -> memref<1x20x16xf32, #tpu.memory_space<hbm>>
      %dma_wait3A_60 = tpu.memref_squeeze %dma_wait3A_59 : memref<1x20x16xf32, #tpu.memory_space<hbm>> -> memref<20x16xf32, #tpu.memory_space<hbm>>
      tpu.wait_dma2 semaphore(%run_scoped3A : memref<!tpu.dma_semaphore, #tpu.memory_space<semaphore_mem>>) src(%arg18 : memref<20x16xf32, #tpu.memory_space<vmem>>) dst(%dma_wait3A_60 : memref<20x16xf32, #tpu.memory_space<hbm>>)
      tpu.yield
    }) : () -> ()
    return
  }
}

#map = affine_map<(d0, d1) -> (0)>
#map1 = affine_map<(d0, d1) -> (0, 0)>
#map2 = affine_map<(d0, d1) -> (0, 0, 0)>
module attributes {stable_mosaic.version = 14 : i64} {
  func.func @_sc_half_body(%arg0: i32, %arg1: i32, %arg2: memref<320000xi32, #tpu.memory_space<hbm>>, %arg3: memref<10000x64xf32, #tpu.memory_space<hbm>>, %arg4: memref<10240x64xf32, #tpu.memory_space<hbm>>, %arg5: memref<10240x64xf32, #tpu.memory_space<hbm>>, %arg6: memref<10240x64xf32, #tpu.memory_space<hbm>>, %arg7: memref<10240x64xf32, #tpu.memory_space<hbm>>, %arg8: memref<32x20x16xf32, #tpu.memory_space<hbm>>, %arg9: memref<2000xi32, #tpu.memory_space<vmem>>, %arg10: memref<144xi32, #tpu.memory_space<vmem>>, %arg11: memref<144xi32, #tpu.memory_space<vmem>>, %arg12: memref<48xi32, #tpu.memory_space<vmem>>, %arg13: memref<144x64xf32, #tpu.memory_space<vmem>>, %arg14: memref<320x64xf32, #tpu.memory_space<vmem>>, %arg15: memref<320x64xf32, #tpu.memory_space<vmem>>, %arg16: memref<320x64xf32, #tpu.memory_space<vmem>>, %arg17: memref<320x64xf32, #tpu.memory_space<vmem>>, %arg18: memref<20x16xf32, #tpu.memory_space<vmem>>, %arg19: memref<!tpu.dma_semaphore, #tpu.memory_space<semaphore_mem>>) attributes {dimension_semantics = [#tpu.dimension_semantics<core_parallel>, #tpu.dimension_semantics<subcore_parallel>], iteration_bounds = array<i64: 2, 16>, scalar_prefetch = 0 : i64, scratch_operands = 11 : i64, tpu.core_type = #tpu.core_type<sc_vector_subcore>, window_params = [{transform_indices = #map}, {transform_indices = #map1}, {transform_indices = #map1}, {transform_indices = #map1}, {transform_indices = #map1}, {transform_indices = #map1}, {transform_indices = #map2}]} {
    %mul3A = arith.constant 2 : i32
    %mul3A_0 = arith.muli %arg1, %mul3A : i32
    %add3A = arith.addi %mul3A_0, %arg0 : i32
    %mul3A_1 = arith.constant 320 : i32
    %mul3A_2 = arith.muli %add3A, %mul3A_1 : i32
    %broadcast_in_dim3A = arith.constant 0.000000e+00 : f32
    %broadcast_in_dim3A_3 = vector.broadcast %broadcast_in_dim3A : f32 to vector<16xf32>
    %broadcast_in_dim3A_4 = arith.constant 0xFF800000 : f32
    %broadcast_in_dim3A_5 = vector.broadcast %broadcast_in_dim3A_4 : f32 to vector<16xf32>
    %broadcast_in_dim3A_6 = arith.constant 0x7F800000 : f32
    %broadcast_in_dim3A_7 = vector.broadcast %broadcast_in_dim3A_6 : f32 to vector<16xf32>
    %iota3A = tpu.iota {dimensions = array<i32: 0>} : vector<16xi32>
    %scan3A = arith.constant 0 : i32
    %scan3A_8 = arith.constant 0 : i32
    %scan3A_9 = arith.constant 320 : i32
    %scan3A_10 = arith.addi %scan3A_8, %scan3A_9 : i32
    %scan3A_11 = arith.constant 1 : i32
    %scan3A_12 = scf.for %scan3A_47 = %scan3A_8 to %scan3A_10 step %scan3A_11 iter_args(%scan3A_48 = %scan3A) -> (i32)  : i32 {
      %swap3A = arith.index_cast %scan3A_47 : i32 to index
      %swap3A_49 = arith.constant 0 : index
      %swap3A_50 = tpu.vector_load %arg14[%swap3A, %swap3A_49] {strides = array<i32>} : memref<320x64xf32, #tpu.memory_space<vmem>>, vector<1x16xf32>,
      %swap3A_51 = vector.shape_cast %swap3A_50 : vector<1x16xf32> to vector<16xf32>
      %swap3A_52 = vector.shape_cast %broadcast_in_dim3A_3 : vector<16xf32> to vector<1x16xf32>
      tpu.vector_store %arg14[%swap3A, %swap3A_49], %swap3A_52 {strides = array<i32>} : memref<320x64xf32, #tpu.memory_space<vmem>>, vector<1x16xf32>,
      %swap3A_53 = arith.index_cast %scan3A_47 : i32 to index
      %swap3A_54 = arith.constant 0 : index
      %swap3A_55 = tpu.vector_load %arg15[%swap3A_53, %swap3A_54] {strides = array<i32>} : memref<320x64xf32, #tpu.memory_space<vmem>>, vector<1x16xf32>,
      %swap3A_56 = vector.shape_cast %swap3A_55 : vector<1x16xf32> to vector<16xf32>
      %swap3A_57 = vector.shape_cast %broadcast_in_dim3A_3 : vector<16xf32> to vector<1x16xf32>
      tpu.vector_store %arg15[%swap3A_53, %swap3A_54], %swap3A_57 {strides = array<i32>} : memref<320x64xf32, #tpu.memory_space<vmem>>, vector<1x16xf32>,
      %swap3A_58 = arith.index_cast %scan3A_47 : i32 to index
      %swap3A_59 = arith.constant 0 : index
      %swap3A_60 = tpu.vector_load %arg16[%swap3A_58, %swap3A_59] {strides = array<i32>} : memref<320x64xf32, #tpu.memory_space<vmem>>, vector<1x16xf32>,
      %swap3A_61 = vector.shape_cast %swap3A_60 : vector<1x16xf32> to vector<16xf32>
      %swap3A_62 = vector.shape_cast %broadcast_in_dim3A_5 : vector<16xf32> to vector<1x16xf32>
      tpu.vector_store %arg16[%swap3A_58, %swap3A_59], %swap3A_62 {strides = array<i32>} : memref<320x64xf32, #tpu.memory_space<vmem>>, vector<1x16xf32>,
      %swap3A_63 = arith.index_cast %scan3A_47 : i32 to index
      %swap3A_64 = arith.constant 0 : index
      %swap3A_65 = tpu.vector_load %arg17[%swap3A_63, %swap3A_64] {strides = array<i32>} : memref<320x64xf32, #tpu.memory_space<vmem>>, vector<1x16xf32>,
      %swap3A_66 = vector.shape_cast %swap3A_65 : vector<1x16xf32> to vector<16xf32>
      %swap3A_67 = vector.shape_cast %broadcast_in_dim3A_7 : vector<16xf32> to vector<1x16xf32>
      tpu.vector_store %arg17[%swap3A_63, %swap3A_64], %swap3A_67 {strides = array<i32>} : memref<320x64xf32, #tpu.memory_space<vmem>>, vector<1x16xf32>,
      %swap3A_68 = arith.index_cast %scan3A_47 : i32 to index
      %swap3A_69 = arith.constant 16 : index
      %swap3A_70 = tpu.vector_load %arg14[%swap3A_68, %swap3A_69] {strides = array<i32>} : memref<320x64xf32, #tpu.memory_space<vmem>>, vector<1x16xf32>,
      %swap3A_71 = vector.shape_cast %swap3A_70 : vector<1x16xf32> to vector<16xf32>
      %swap3A_72 = vector.shape_cast %broadcast_in_dim3A_3 : vector<16xf32> to vector<1x16xf32>
      tpu.vector_store %arg14[%swap3A_68, %swap3A_69], %swap3A_72 {strides = array<i32>} : memref<320x64xf32, #tpu.memory_space<vmem>>, vector<1x16xf32>,
      %swap3A_73 = arith.index_cast %scan3A_47 : i32 to index
      %swap3A_74 = arith.constant 16 : index
      %swap3A_75 = tpu.vector_load %arg15[%swap3A_73, %swap3A_74] {strides = array<i32>} : memref<320x64xf32, #tpu.memory_space<vmem>>, vector<1x16xf32>,
      %swap3A_76 = vector.shape_cast %swap3A_75 : vector<1x16xf32> to vector<16xf32>
      %swap3A_77 = vector.shape_cast %broadcast_in_dim3A_3 : vector<16xf32> to vector<1x16xf32>
      tpu.vector_store %arg15[%swap3A_73, %swap3A_74], %swap3A_77 {strides = array<i32>} : memref<320x64xf32, #tpu.memory_space<vmem>>, vector<1x16xf32>,
      %swap3A_78 = arith.index_cast %scan3A_47 : i32 to index
      %swap3A_79 = arith.constant 16 : index
      %swap3A_80 = tpu.vector_load %arg16[%swap3A_78, %swap3A_79] {strides = array<i32>} : memref<320x64xf32, #tpu.memory_space<vmem>>, vector<1x16xf32>,
      %swap3A_81 = vector.shape_cast %swap3A_80 : vector<1x16xf32> to vector<16xf32>
      %swap3A_82 = vector.shape_cast %broadcast_in_dim3A_5 : vector<16xf32> to vector<1x16xf32>
      tpu.vector_store %arg16[%swap3A_78, %swap3A_79], %swap3A_82 {strides = array<i32>} : memref<320x64xf32, #tpu.memory_space<vmem>>, vector<1x16xf32>,
      %swap3A_83 = arith.index_cast %scan3A_47 : i32 to index
      %swap3A_84 = arith.constant 16 : index
      %swap3A_85 = tpu.vector_load %arg17[%swap3A_83, %swap3A_84] {strides = array<i32>} : memref<320x64xf32, #tpu.memory_space<vmem>>, vector<1x16xf32>,
      %swap3A_86 = vector.shape_cast %swap3A_85 : vector<1x16xf32> to vector<16xf32>
      %swap3A_87 = vector.shape_cast %broadcast_in_dim3A_7 : vector<16xf32> to vector<1x16xf32>
      tpu.vector_store %arg17[%swap3A_83, %swap3A_84], %swap3A_87 {strides = array<i32>} : memref<320x64xf32, #tpu.memory_space<vmem>>, vector<1x16xf32>,
      %swap3A_88 = arith.index_cast %scan3A_47 : i32 to index
      %swap3A_89 = arith.constant 32 : index
      %swap3A_90 = tpu.vector_load %arg14[%swap3A_88, %swap3A_89] {strides = array<i32>} : memref<320x64xf32, #tpu.memory_space<vmem>>, vector<1x16xf32>,
      %swap3A_91 = vector.shape_cast %swap3A_90 : vector<1x16xf32> to vector<16xf32>
      %swap3A_92 = vector.shape_cast %broadcast_in_dim3A_3 : vector<16xf32> to vector<1x16xf32>
      tpu.vector_store %arg14[%swap3A_88, %swap3A_89], %swap3A_92 {strides = array<i32>} : memref<320x64xf32, #tpu.memory_space<vmem>>, vector<1x16xf32>,
      %swap3A_93 = arith.index_cast %scan3A_47 : i32 to index
      %swap3A_94 = arith.constant 32 : index
      %swap3A_95 = tpu.vector_load %arg15[%swap3A_93, %swap3A_94] {strides = array<i32>} : memref<320x64xf32, #tpu.memory_space<vmem>>, vector<1x16xf32>,
      %swap3A_96 = vector.shape_cast %swap3A_95 : vector<1x16xf32> to vector<16xf32>
      %swap3A_97 = vector.shape_cast %broadcast_in_dim3A_3 : vector<16xf32> to vector<1x16xf32>
      tpu.vector_store %arg15[%swap3A_93, %swap3A_94], %swap3A_97 {strides = array<i32>} : memref<320x64xf32, #tpu.memory_space<vmem>>, vector<1x16xf32>,
      %swap3A_98 = arith.index_cast %scan3A_47 : i32 to index
      %swap3A_99 = arith.constant 32 : index
      %swap3A_100 = tpu.vector_load %arg16[%swap3A_98, %swap3A_99] {strides = array<i32>} : memref<320x64xf32, #tpu.memory_space<vmem>>, vector<1x16xf32>,
      %swap3A_101 = vector.shape_cast %swap3A_100 : vector<1x16xf32> to vector<16xf32>
      %swap3A_102 = vector.shape_cast %broadcast_in_dim3A_5 : vector<16xf32> to vector<1x16xf32>
      tpu.vector_store %arg16[%swap3A_98, %swap3A_99], %swap3A_102 {strides = array<i32>} : memref<320x64xf32, #tpu.memory_space<vmem>>, vector<1x16xf32>,
      %swap3A_103 = arith.index_cast %scan3A_47 : i32 to index
      %swap3A_104 = arith.constant 32 : index
      %swap3A_105 = tpu.vector_load %arg17[%swap3A_103, %swap3A_104] {strides = array<i32>} : memref<320x64xf32, #tpu.memory_space<vmem>>, vector<1x16xf32>,
      %swap3A_106 = vector.shape_cast %swap3A_105 : vector<1x16xf32> to vector<16xf32>
      %swap3A_107 = vector.shape_cast %broadcast_in_dim3A_7 : vector<16xf32> to vector<1x16xf32>
      tpu.vector_store %arg17[%swap3A_103, %swap3A_104], %swap3A_107 {strides = array<i32>} : memref<320x64xf32, #tpu.memory_space<vmem>>, vector<1x16xf32>,
      %swap3A_108 = arith.index_cast %scan3A_47 : i32 to index
      %swap3A_109 = arith.constant 48 : index
      %swap3A_110 = tpu.vector_load %arg14[%swap3A_108, %swap3A_109] {strides = array<i32>} : memref<320x64xf32, #tpu.memory_space<vmem>>, vector<1x16xf32>,
      %swap3A_111 = vector.shape_cast %swap3A_110 : vector<1x16xf32> to vector<16xf32>
      %swap3A_112 = vector.shape_cast %broadcast_in_dim3A_3 : vector<16xf32> to vector<1x16xf32>
      tpu.vector_store %arg14[%swap3A_108, %swap3A_109], %swap3A_112 {strides = array<i32>} : memref<320x64xf32, #tpu.memory_space<vmem>>, vector<1x16xf32>,
      %swap3A_113 = arith.index_cast %scan3A_47 : i32 to index
      %swap3A_114 = arith.constant 48 : index
      %swap3A_115 = tpu.vector_load %arg15[%swap3A_113, %swap3A_114] {strides = array<i32>} : memref<320x64xf32, #tpu.memory_space<vmem>>, vector<1x16xf32>,
      %swap3A_116 = vector.shape_cast %swap3A_115 : vector<1x16xf32> to vector<16xf32>
      %swap3A_117 = vector.shape_cast %broadcast_in_dim3A_3 : vector<16xf32> to vector<1x16xf32>
      tpu.vector_store %arg15[%swap3A_113, %swap3A_114], %swap3A_117 {strides = array<i32>} : memref<320x64xf32, #tpu.memory_space<vmem>>, vector<1x16xf32>,
      %swap3A_118 = arith.index_cast %scan3A_47 : i32 to index
      %swap3A_119 = arith.constant 48 : index
      %swap3A_120 = tpu.vector_load %arg16[%swap3A_118, %swap3A_119] {strides = array<i32>} : memref<320x64xf32, #tpu.memory_space<vmem>>, vector<1x16xf32>,
      %swap3A_121 = vector.shape_cast %swap3A_120 : vector<1x16xf32> to vector<16xf32>
      %swap3A_122 = vector.shape_cast %broadcast_in_dim3A_5 : vector<16xf32> to vector<1x16xf32>
      tpu.vector_store %arg16[%swap3A_118, %swap3A_119], %swap3A_122 {strides = array<i32>} : memref<320x64xf32, #tpu.memory_space<vmem>>, vector<1x16xf32>,
      %swap3A_123 = arith.index_cast %scan3A_47 : i32 to index
      %swap3A_124 = arith.constant 48 : index
      %swap3A_125 = tpu.vector_load %arg17[%swap3A_123, %swap3A_124] {strides = array<i32>} : memref<320x64xf32, #tpu.memory_space<vmem>>, vector<1x16xf32>,
      %swap3A_126 = vector.shape_cast %swap3A_125 : vector<1x16xf32> to vector<16xf32>
      %swap3A_127 = vector.shape_cast %broadcast_in_dim3A_7 : vector<16xf32> to vector<1x16xf32>
      tpu.vector_store %arg17[%swap3A_123, %swap3A_124], %swap3A_127 {strides = array<i32>} : memref<320x64xf32, #tpu.memory_space<vmem>>, vector<1x16xf32>,
      %scan3A_128 = arith.constant 0 : i32
      scf.yield %scan3A_128 : i32
    }
    %scan3A_13 = arith.constant 320 : i32
    %scan3A_14 = arith.constant 0 : i32
    %scan3A_15 = arith.constant 0 : i32
    %scan3A_16 = arith.constant 20 : i32
    %scan3A_17 = arith.addi %scan3A_15, %scan3A_16 : i32
    %scan3A_18 = arith.constant 1 : i32
    %scan3A_19 = scf.for %scan3A_47 = %scan3A_15 to %scan3A_17 step %scan3A_18 iter_args(%scan3A_48 = %scan3A_14) -> (i32)  : i32 {
      %swap3A = arith.index_cast %scan3A_47 : i32 to index
      %swap3A_49 = arith.constant 0 : index
      %swap3A_50 = tpu.vector_load %arg18[%swap3A, %swap3A_49] {strides = array<i32>} : memref<20x16xf32, #tpu.memory_space<vmem>>, vector<1x16xf32>,
      %swap3A_51 = vector.shape_cast %swap3A_50 : vector<1x16xf32> to vector<16xf32>
      %swap3A_52 = vector.shape_cast %broadcast_in_dim3A_3 : vector<16xf32> to vector<1x16xf32>
      tpu.vector_store %arg18[%swap3A, %swap3A_49], %swap3A_52 {strides = array<i32>} : memref<20x16xf32, #tpu.memory_space<vmem>>, vector<1x16xf32>,
      %scan3A_53 = arith.constant 0 : i32
      scf.yield %scan3A_53 : i32
    }
    %scan3A_20 = arith.constant 20 : i32
    %scan3A_21 = arith.constant 0 : i32
    %scan3A_22 = arith.constant 0 : i32
    %scan3A_23 = arith.constant 9 : i32
    %scan3A_24 = arith.addi %scan3A_22, %scan3A_23 : i32
    %scan3A_25 = arith.constant 1 : i32
    %scan3A_26 = scf.for %scan3A_47 = %scan3A_22 to %scan3A_24 step %scan3A_25 iter_args(%scan3A_48 = %scan3A_21) -> (i32)  : i32 {
      %broadcast_in_dim3A_49 = arith.constant 0 : i32
      %broadcast_in_dim3A_50 = vector.broadcast %broadcast_in_dim3A_49 : i32 to vector<16xi32>
      %mul3A_51 = arith.constant 16 : i32
      %mul3A_52 = arith.muli %scan3A_47, %mul3A_51 : i32
      %swap3A = arith.index_cast %mul3A_52 : i32 to index
      %swap3A_53 = tpu.vector_load %arg10[%swap3A] {strides = array<i32>} : memref<144xi32, #tpu.memory_space<vmem>>, vector<16xi32>,
      %swap3A_54 = vector.shape_cast %swap3A_53 : vector<16xi32> to vector<16xi32>
      %swap3A_55 = vector.shape_cast %broadcast_in_dim3A_50 : vector<16xi32> to vector<16xi32>
      tpu.vector_store %arg10[%swap3A], %swap3A_55 {strides = array<i32>} : memref<144xi32, #tpu.memory_space<vmem>>, vector<16xi32>,
      %scan3A_56 = arith.constant 0 : i32
      scf.yield %scan3A_56 : i32
    }
    %scan3A_27 = arith.constant 9 : i32
    %scan3A_28 = arith.constant 0 : i32
    %scan3A_29 = arith.constant 0 : i32
    %scan3A_30 = arith.constant 3 : i32
    %scan3A_31 = arith.addi %scan3A_29, %scan3A_30 : i32
    %scan3A_32 = arith.constant 1 : i32
    %scan3A_33 = scf.for %scan3A_47 = %scan3A_29 to %scan3A_31 step %scan3A_32 iter_args(%scan3A_48 = %scan3A_28) -> (i32)  : i32 {
      %broadcast_in_dim3A_49 = arith.constant 0 : i32
      %broadcast_in_dim3A_50 = vector.broadcast %broadcast_in_dim3A_49 : i32 to vector<16xi32>
      %mul3A_51 = arith.constant 16 : i32
      %mul3A_52 = arith.muli %scan3A_47, %mul3A_51 : i32
      %swap3A = arith.index_cast %mul3A_52 : i32 to index
      %swap3A_53 = tpu.vector_load %arg12[%swap3A] {strides = array<i32>} : memref<48xi32, #tpu.memory_space<vmem>>, vector<16xi32>,
      %swap3A_54 = vector.shape_cast %swap3A_53 : vector<16xi32> to vector<16xi32>
      %swap3A_55 = vector.shape_cast %broadcast_in_dim3A_50 : vector<16xi32> to vector<16xi32>
      tpu.vector_store %arg12[%swap3A], %swap3A_55 {strides = array<i32>} : memref<48xi32, #tpu.memory_space<vmem>>, vector<16xi32>,
      %scan3A_56 = arith.constant 0 : i32
      scf.yield %scan3A_56 : i32
    }
    %scan3A_34 = arith.constant 3 : i32
    %broadcast_in_dim3A_35 = arith.constant 0 : i32
    %broadcast_in_dim3A_36 = vector.broadcast %broadcast_in_dim3A_35 : i32 to vector<16xi32>
    %scan3A_37 = arith.constant 0 : i32
    %scan3A_38 = arith.constant 0 : i32
    %scan3A_39 = arith.constant 160 : i32
    %scan3A_40 = arith.addi %scan3A_38, %scan3A_39 : i32
    %scan3A_41 = arith.constant 1 : i32
    %scan3A_42 = scf.for %scan3A_47 = %scan3A_38 to %scan3A_40 step %scan3A_41 iter_args(%scan3A_48 = %scan3A_37) -> (i32)  : i32 {
      %mul3A_49 = arith.constant 2000 : i32
      %mul3A_50 = arith.muli %scan3A_47, %mul3A_49 : i32
      "tpu.region"() ({
        %run_scoped3A = tpu.sem_alloc : memref<!tpu.dma_semaphore, #tpu.memory_space<semaphore_mem>>
        %dma_start3A = tpu.memref_slice %arg2[%mul3A_50] : memref<320000xi32, #tpu.memory_space<hbm>> -> memref<2000xi32, #tpu.memory_space<hbm>>
        %dma_start3A_57 = tpu.memref_slice %arg2[%mul3A_50] : memref<320000xi32, #tpu.memory_space<hbm>> -> memref<2000xi32, #tpu.memory_space<hbm>>
        tpu.enqueue_dma source(%dma_start3A_57 : memref<2000xi32, #tpu.memory_space<hbm>>) target(%arg9 : memref<2000xi32, #tpu.memory_space<vmem>>) target_semaphore(%run_scoped3A : memref<!tpu.dma_semaphore, #tpu.memory_space<semaphore_mem>>)
        %dma_wait3A = tpu.memref_slice %arg2[%mul3A_50] : memref<320000xi32, #tpu.memory_space<hbm>> -> memref<2000xi32, #tpu.memory_space<hbm>>
        %dma_wait3A_58 = tpu.memref_slice %arg2[%mul3A_50] : memref<320000xi32, #tpu.memory_space<hbm>> -> memref<2000xi32, #tpu.memory_space<hbm>>
        tpu.wait_dma2 semaphore(%run_scoped3A : memref<!tpu.dma_semaphore, #tpu.memory_space<semaphore_mem>>) src(%dma_wait3A_58 : memref<2000xi32, #tpu.memory_space<hbm>>) dst(%arg9 : memref<2000xi32, #tpu.memory_space<vmem>>)
        tpu.yield
      }) : () -> ()
      %scan3A_51 = arith.constant 0 : i32
      %scan3A_52 = arith.constant 125 : i32
      %scan3A_53 = arith.addi %scan3A_51, %scan3A_52 : i32
      %scan3A_54 = arith.constant 1 : i32
      %scan3A_55 = scf.for %scan3A_57 = %scan3A_51 to %scan3A_53 step %scan3A_54 iter_args(%scan3A_58 = %scan3A_48) -> (i32)  : i32 {
        %mul3A_59 = arith.constant 16 : i32
        %mul3A_60 = arith.muli %scan3A_57, %mul3A_59 : i32
        %get3A = arith.index_cast %mul3A_60 : i32 to index
        %get3A_61 = tpu.vector_load %arg9[%get3A] {strides = array<i32>} : memref<2000xi32, #tpu.memory_space<vmem>>, vector<16xi32>,
        %get3A_62 = vector.shape_cast %get3A_61 : vector<16xi32> to vector<16xi32>
        %ge3A = arith.constant 112 : i32
        %ge3A_63 = arith.cmpi sge, %scan3A_58, %ge3A : i32
        %convert_element_type3A_64 = arith.extui %ge3A_63 : i1 to i32
        %cond3A_65 = arith.constant 0 : i32
        %cond3A_66 = arith.cmpi ne, %convert_element_type3A_64, %cond3A_65 : i32
        %cond3A_67 = scf.if %cond3A_66 -> (i32) {
          %scan3A_118 = arith.constant 0 : i32
          %scan3A_119 = arith.constant 0 : i32
          %scan3A_120 = arith.constant 9 : i32
          %scan3A_121 = arith.addi %scan3A_119, %scan3A_120 : i32
          %scan3A_122 = arith.constant 1 : i32
          %scan3A_123 = scf.for %scan3A_141 = %scan3A_119 to %scan3A_121 step %scan3A_122 iter_args(%scan3A_142 = %scan3A_118) -> (i32)  : i32 {
            %mul3A_143 = arith.constant 16 : i32
            %mul3A_144 = arith.muli %scan3A_141, %mul3A_143 : i32
            %get3A_145 = arith.index_cast %mul3A_144 : i32 to index
            %get3A_146 = tpu.vector_load %arg10[%get3A_145] {strides = array<i32>} : memref<144xi32, #tpu.memory_space<vmem>>, vector<16xi32>,
            %get3A_147 = vector.shape_cast %get3A_146 : vector<16xi32> to vector<16xi32>
            %and3A = arith.constant 16383 : i32
            %and3A_148 = vector.broadcast %and3A : i32 to vector<16xi32>
            %and3A_149 = arith.andi %get3A_147, %and3A_148 : vector<16xi32>
            %mul3A_150 = arith.constant 16 : i32
            %mul3A_151 = arith.muli %scan3A_141, %mul3A_150 : i32
            %swap3A_152 = arith.index_cast %mul3A_151 : i32 to index
            %swap3A_153 = tpu.vector_load %arg11[%swap3A_152] {strides = array<i32>} : memref<144xi32, #tpu.memory_space<vmem>>, vector<16xi32>,
            %swap3A_154 = vector.shape_cast %swap3A_153 : vector<16xi32> to vector<16xi32>
            %swap3A_155 = vector.shape_cast %and3A_149 : vector<16xi32> to vector<16xi32>
            tpu.vector_store %arg11[%swap3A_152], %swap3A_155 {strides = array<i32>} : memref<144xi32, #tpu.memory_space<vmem>>, vector<16xi32>,
            %scan3A_156 = arith.constant 0 : i32
            scf.yield %scan3A_156 : i32
          }
          %scan3A_124 = arith.constant 9 : i32
          %dma_start3A = arith.constant 0 : i32
          %dma_start3A_125 = arith.constant 0 : i32
          %dma_start3A_126 = tpu.memref_slice %arg3[%dma_start3A, %dma_start3A_125] : memref<10000x64xf32, #tpu.memory_space<hbm>> -> memref<10000x64xf32, #tpu.memory_space<hbm>>
          tpu.enqueue_indirect_dma source(%dma_start3A_126 : memref<10000x64xf32, #tpu.memory_space<hbm>>) target(%arg13 : memref<144x64xf32, #tpu.memory_space<vmem>>) offsets(%arg11 : memref<144xi32, #tpu.memory_space<vmem>>) semaphore(%arg19 : memref<!tpu.dma_semaphore, #tpu.memory_space<semaphore_mem>>)
          %dma_wait3A = arith.constant 0 : i32
          %dma_wait3A_127 = arith.constant 0 : i32
          %dma_wait3A_128 = tpu.memref_slice %arg3[%dma_wait3A, %dma_wait3A_127] : memref<10000x64xf32, #tpu.memory_space<hbm>> -> memref<10000x64xf32, #tpu.memory_space<hbm>>
          tpu.wait_indirect_dma semaphore(%arg19 : memref<!tpu.dma_semaphore, #tpu.memory_space<semaphore_mem>>) src(%dma_wait3A_128 : memref<10000x64xf32, #tpu.memory_space<hbm>>) dst(%arg13 : memref<144x64xf32, #tpu.memory_space<vmem>>)
          %while3A = arith.constant 0 : i32
          %while3A_129 = arith.constant 0 : i32
          %while3A_130 = arith.subi %scan3A_58, %while3A : i32
          %while3A_131 = arith.addi %while3A, %while3A_130 : i32
          %while3A_132 = arith.constant 1 : i32
          %while3A_133 = arith.divsi %while3A_130, %while3A_132 : i32
          %while3A_134 = arith.muli %while3A_133, %while3A_132 : i32
          %while3A_135 = arith.addi %while3A, %while3A_134 : i32
          %while3A_136 = arith.constant 1 : i32
          %while3A_137 = scf.for %while3A_141 = %while3A to %while3A_135 step %while3A_136 iter_args(%while3A_142 = %while3A_129) -> (i32)  : i32 {
            %get3A_143 = arith.index_cast %while3A_141 : i32 to index
            %get3A_144 = tpu.vector_load %arg10[%get3A_143] {strides = array<i32>} : memref<144xi32, #tpu.memory_space<vmem>>, vector<16xi32>,
            %get3A_145 = vector.shape_cast %get3A_144 : vector<16xi32> to vector<16xi32>
            %slice3A_146 = vector.extract_strided_slice %get3A_145 {offsets = [0], sizes = [1], strides = [1]} : vector<16xi32> to vector<1xi32>
            %squeeze3A_147 = vector.extract %slice3A_146[0] : i32 from vector<1xi32>
            %shift_right_logical3A_148 = arith.constant 14 : i32
            %shift_right_logical3A_149 = arith.shrui %squeeze3A_147, %shift_right_logical3A_148 : i32
            %sub3A_150 = arith.subi %shift_right_logical3A_149, %mul3A_2 : i32
            %shift_right_logical3A_151 = arith.constant 4 : i32
            %shift_right_logical3A_152 = arith.shrui %sub3A_150, %shift_right_logical3A_151 : i32
            %mul3A_153 = arith.constant 16 : i32
            %mul3A_154 = arith.muli %shift_right_logical3A_152, %mul3A_153 : i32
            %sub3A_155 = arith.subi %sub3A_150, %mul3A_154 : i32
            %sub3A_156 = vector.broadcast %sub3A_155 : i32 to vector<16xi32>
            %sub3A_157 = arith.subi %iota3A, %sub3A_156 : vector<16xi32>
            %abs3A = math.absi %sub3A_157 : vector<16xi32>
            %min3A = arith.constant 1 : i32
            %min3A_158 = vector.broadcast %min3A : i32 to vector<16xi32>
            %min3A_159 = arith.minsi %abs3A, %min3A_158 : vector<16xi32>
            %sub3A_160 = arith.constant 1 : i32
            %sub3A_161 = vector.broadcast %sub3A_160 : i32 to vector<16xi32>
            %sub3A_162 = arith.subi %sub3A_161, %min3A_159 : vector<16xi32>
            %convert_element_type3A_163 = arith.sitofp %sub3A_162 : vector<16xi32> to vector<16xf32>
            %get3A_164 = arith.index_cast %shift_right_logical3A_152 : i32 to index
            %get3A_165 = arith.constant 0 : index
            %get3A_166 = tpu.vector_load %arg18[%get3A_164, %get3A_165] {strides = array<i32>} : memref<20x16xf32, #tpu.memory_space<vmem>>, vector<1x16xf32>,
            %get3A_167 = vector.shape_cast %get3A_166 : vector<1x16xf32> to vector<16xf32>
            %add3A_168 = arith.addf %get3A_167, %convert_element_type3A_163 : vector<16xf32>
            %swap3A_169 = arith.index_cast %shift_right_logical3A_152 : i32 to index
            %swap3A_170 = arith.constant 0 : index
            %swap3A_171 = tpu.vector_load %arg18[%swap3A_169, %swap3A_170] {strides = array<i32>} : memref<20x16xf32, #tpu.memory_space<vmem>>, vector<1x16xf32>,
            %swap3A_172 = vector.shape_cast %swap3A_171 : vector<1x16xf32> to vector<16xf32>
            %swap3A_173 = vector.shape_cast %add3A_168 : vector<16xf32> to vector<1x16xf32>
            tpu.vector_store %arg18[%swap3A_169, %swap3A_170], %swap3A_173 {strides = array<i32>} : memref<20x16xf32, #tpu.memory_space<vmem>>, vector<1x16xf32>,
            %get3A_174 = arith.index_cast %while3A_141 : i32 to index
            %get3A_175 = arith.constant 0 : index
            %get3A_176 = tpu.vector_load %arg13[%get3A_174, %get3A_175] {strides = array<i32>} : memref<144x64xf32, #tpu.memory_space<vmem>>, vector<1x16xf32>,
            %get3A_177 = vector.shape_cast %get3A_176 : vector<1x16xf32> to vector<16xf32>
            %get3A_178 = arith.index_cast %sub3A_150 : i32 to index
            %get3A_179 = arith.constant 0 : index
            %get3A_180 = tpu.vector_load %arg14[%get3A_178, %get3A_179] {strides = array<i32>} : memref<320x64xf32, #tpu.memory_space<vmem>>, vector<1x16xf32>,
            %get3A_181 = vector.shape_cast %get3A_180 : vector<1x16xf32> to vector<16xf32>
            %add3A_182 = arith.addf %get3A_181, %get3A_177 : vector<16xf32>
            %swap3A_183 = arith.index_cast %sub3A_150 : i32 to index
            %swap3A_184 = arith.constant 0 : index
            %swap3A_185 = tpu.vector_load %arg14[%swap3A_183, %swap3A_184] {strides = array<i32>} : memref<320x64xf32, #tpu.memory_space<vmem>>, vector<1x16xf32>,
            %swap3A_186 = vector.shape_cast %swap3A_185 : vector<1x16xf32> to vector<16xf32>
            %swap3A_187 = vector.shape_cast %add3A_182 : vector<16xf32> to vector<1x16xf32>
            tpu.vector_store %arg14[%swap3A_183, %swap3A_184], %swap3A_187 {strides = array<i32>} : memref<320x64xf32, #tpu.memory_space<vmem>>, vector<1x16xf32>,
            %get3A_188 = arith.index_cast %sub3A_150 : i32 to index
            %get3A_189 = arith.constant 0 : index
            %get3A_190 = tpu.vector_load %arg15[%get3A_188, %get3A_189] {strides = array<i32>} : memref<320x64xf32, #tpu.memory_space<vmem>>, vector<1x16xf32>,
            %get3A_191 = vector.shape_cast %get3A_190 : vector<1x16xf32> to vector<16xf32>
            %mul3A_192 = arith.mulf %get3A_177, %get3A_177 : vector<16xf32>
            %add3A_193 = arith.addf %get3A_191, %mul3A_192 : vector<16xf32>
            %swap3A_194 = arith.index_cast %sub3A_150 : i32 to index
            %swap3A_195 = arith.constant 0 : index
            %swap3A_196 = tpu.vector_load %arg15[%swap3A_194, %swap3A_195] {strides = array<i32>} : memref<320x64xf32, #tpu.memory_space<vmem>>, vector<1x16xf32>,
            %swap3A_197 = vector.shape_cast %swap3A_196 : vector<1x16xf32> to vector<16xf32>
            %swap3A_198 = vector.shape_cast %add3A_193 : vector<16xf32> to vector<1x16xf32>
            tpu.vector_store %arg15[%swap3A_194, %swap3A_195], %swap3A_198 {strides = array<i32>} : memref<320x64xf32, #tpu.memory_space<vmem>>, vector<1x16xf32>,
            %get3A_199 = arith.index_cast %sub3A_150 : i32 to index
            %get3A_200 = arith.constant 0 : index
            %get3A_201 = tpu.vector_load %arg16[%get3A_199, %get3A_200] {strides = array<i32>} : memref<320x64xf32, #tpu.memory_space<vmem>>, vector<1x16xf32>,
            %get3A_202 = vector.shape_cast %get3A_201 : vector<1x16xf32> to vector<16xf32>
            %max3A = arith.maximumf %get3A_202, %get3A_177 : vector<16xf32>
            %swap3A_203 = arith.index_cast %sub3A_150 : i32 to index
            %swap3A_204 = arith.constant 0 : index
            %swap3A_205 = tpu.vector_load %arg16[%swap3A_203, %swap3A_204] {strides = array<i32>} : memref<320x64xf32, #tpu.memory_space<vmem>>, vector<1x16xf32>,
            %swap3A_206 = vector.shape_cast %swap3A_205 : vector<1x16xf32> to vector<16xf32>
            %swap3A_207 = vector.shape_cast %max3A : vector<16xf32> to vector<1x16xf32>
            tpu.vector_store %arg16[%swap3A_203, %swap3A_204], %swap3A_207 {strides = array<i32>} : memref<320x64xf32, #tpu.memory_space<vmem>>, vector<1x16xf32>,
            %get3A_208 = arith.index_cast %sub3A_150 : i32 to index
            %get3A_209 = arith.constant 0 : index
            %get3A_210 = tpu.vector_load %arg17[%get3A_208, %get3A_209] {strides = array<i32>} : memref<320x64xf32, #tpu.memory_space<vmem>>, vector<1x16xf32>,
            %get3A_211 = vector.shape_cast %get3A_210 : vector<1x16xf32> to vector<16xf32>
            %min3A_212 = arith.minimumf %get3A_211, %get3A_177 : vector<16xf32>
            %swap3A_213 = arith.index_cast %sub3A_150 : i32 to index
            %swap3A_214 = arith.constant 0 : index
            %swap3A_215 = tpu.vector_load %arg17[%swap3A_213, %swap3A_214] {strides = array<i32>} : memref<320x64xf32, #tpu.memory_space<vmem>>, vector<1x16xf32>,
            %swap3A_216 = vector.shape_cast %swap3A_215 : vector<1x16xf32> to vector<16xf32>
            %swap3A_217 = vector.shape_cast %min3A_212 : vector<16xf32> to vector<1x16xf32>
            tpu.vector_store %arg17[%swap3A_213, %swap3A_214], %swap3A_217 {strides = array<i32>} : memref<320x64xf32, #tpu.memory_space<vmem>>, vector<1x16xf32>,
            %get3A_218 = arith.index_cast %while3A_141 : i32 to index
            %get3A_219 = arith.constant 16 : index
            %get3A_220 = tpu.vector_load %arg13[%get3A_218, %get3A_219] {strides = array<i32>} : memref<144x64xf32, #tpu.memory_space<vmem>>, vector<1x16xf32>,
            %get3A_221 = vector.shape_cast %get3A_220 : vector<1x16xf32> to vector<16xf32>
            %get3A_222 = arith.index_cast %sub3A_150 : i32 to index
            %get3A_223 = arith.constant 16 : index
            %get3A_224 = tpu.vector_load %arg14[%get3A_222, %get3A_223] {strides = array<i32>} : memref<320x64xf32, #tpu.memory_space<vmem>>, vector<1x16xf32>,
            %get3A_225 = vector.shape_cast %get3A_224 : vector<1x16xf32> to vector<16xf32>
            %add3A_226 = arith.addf %get3A_225, %get3A_221 : vector<16xf32>
            %swap3A_227 = arith.index_cast %sub3A_150 : i32 to index
            %swap3A_228 = arith.constant 16 : index
            %swap3A_229 = tpu.vector_load %arg14[%swap3A_227, %swap3A_228] {strides = array<i32>} : memref<320x64xf32, #tpu.memory_space<vmem>>, vector<1x16xf32>,
            %swap3A_230 = vector.shape_cast %swap3A_229 : vector<1x16xf32> to vector<16xf32>
            %swap3A_231 = vector.shape_cast %add3A_226 : vector<16xf32> to vector<1x16xf32>
            tpu.vector_store %arg14[%swap3A_227, %swap3A_228], %swap3A_231 {strides = array<i32>} : memref<320x64xf32, #tpu.memory_space<vmem>>, vector<1x16xf32>,
            %get3A_232 = arith.index_cast %sub3A_150 : i32 to index
            %get3A_233 = arith.constant 16 : index
            %get3A_234 = tpu.vector_load %arg15[%get3A_232, %get3A_233] {strides = array<i32>} : memref<320x64xf32, #tpu.memory_space<vmem>>, vector<1x16xf32>,
            %get3A_235 = vector.shape_cast %get3A_234 : vector<1x16xf32> to vector<16xf32>
            %mul3A_236 = arith.mulf %get3A_221, %get3A_221 : vector<16xf32>
            %add3A_237 = arith.addf %get3A_235, %mul3A_236 : vector<16xf32>
            %swap3A_238 = arith.index_cast %sub3A_150 : i32 to index
            %swap3A_239 = arith.constant 16 : index
            %swap3A_240 = tpu.vector_load %arg15[%swap3A_238, %swap3A_239] {strides = array<i32>} : memref<320x64xf32, #tpu.memory_space<vmem>>, vector<1x16xf32>,
            %swap3A_241 = vector.shape_cast %swap3A_240 : vector<1x16xf32> to vector<16xf32>
            %swap3A_242 = vector.shape_cast %add3A_237 : vector<16xf32> to vector<1x16xf32>
            tpu.vector_store %arg15[%swap3A_238, %swap3A_239], %swap3A_242 {strides = array<i32>} : memref<320x64xf32, #tpu.memory_space<vmem>>, vector<1x16xf32>,
            %get3A_243 = arith.index_cast %sub3A_150 : i32 to index
            %get3A_244 = arith.constant 16 : index
            %get3A_245 = tpu.vector_load %arg16[%get3A_243, %get3A_244] {strides = array<i32>} : memref<320x64xf32, #tpu.memory_space<vmem>>, vector<1x16xf32>,
            %get3A_246 = vector.shape_cast %get3A_245 : vector<1x16xf32> to vector<16xf32>
            %max3A_247 = arith.maximumf %get3A_246, %get3A_221 : vector<16xf32>
            %swap3A_248 = arith.index_cast %sub3A_150 : i32 to index
            %swap3A_249 = arith.constant 16 : index
            %swap3A_250 = tpu.vector_load %arg16[%swap3A_248, %swap3A_249] {strides = array<i32>} : memref<320x64xf32, #tpu.memory_space<vmem>>, vector<1x16xf32>,
            %swap3A_251 = vector.shape_cast %swap3A_250 : vector<1x16xf32> to vector<16xf32>
            %swap3A_252 = vector.shape_cast %max3A_247 : vector<16xf32> to vector<1x16xf32>
            tpu.vector_store %arg16[%swap3A_248, %swap3A_249], %swap3A_252 {strides = array<i32>} : memref<320x64xf32, #tpu.memory_space<vmem>>, vector<1x16xf32>,
            %get3A_253 = arith.index_cast %sub3A_150 : i32 to index
            %get3A_254 = arith.constant 16 : index
            %get3A_255 = tpu.vector_load %arg17[%get3A_253, %get3A_254] {strides = array<i32>} : memref<320x64xf32, #tpu.memory_space<vmem>>, vector<1x16xf32>,
            %get3A_256 = vector.shape_cast %get3A_255 : vector<1x16xf32> to vector<16xf32>
            %min3A_257 = arith.minimumf %get3A_256, %get3A_221 : vector<16xf32>
            %swap3A_258 = arith.index_cast %sub3A_150 : i32 to index
            %swap3A_259 = arith.constant 16 : index
            %swap3A_260 = tpu.vector_load %arg17[%swap3A_258, %swap3A_259] {strides = array<i32>} : memref<320x64xf32, #tpu.memory_space<vmem>>, vector<1x16xf32>,
            %swap3A_261 = vector.shape_cast %swap3A_260 : vector<1x16xf32> to vector<16xf32>
            %swap3A_262 = vector.shape_cast %min3A_257 : vector<16xf32> to vector<1x16xf32>
            tpu.vector_store %arg17[%swap3A_258, %swap3A_259], %swap3A_262 {strides = array<i32>} : memref<320x64xf32, #tpu.memory_space<vmem>>, vector<1x16xf32>,
            %get3A_263 = arith.index_cast %while3A_141 : i32 to index
            %get3A_264 = arith.constant 32 : index
            %get3A_265 = tpu.vector_load %arg13[%get3A_263, %get3A_264] {strides = array<i32>} : memref<144x64xf32, #tpu.memory_space<vmem>>, vector<1x16xf32>,
            %get3A_266 = vector.shape_cast %get3A_265 : vector<1x16xf32> to vector<16xf32>
            %get3A_267 = arith.index_cast %sub3A_150 : i32 to index
            %get3A_268 = arith.constant 32 : index
            %get3A_269 = tpu.vector_load %arg14[%get3A_267, %get3A_268] {strides = array<i32>} : memref<320x64xf32, #tpu.memory_space<vmem>>, vector<1x16xf32>,
            %get3A_270 = vector.shape_cast %get3A_269 : vector<1x16xf32> to vector<16xf32>
            %add3A_271 = arith.addf %get3A_270, %get3A_266 : vector<16xf32>
            %swap3A_272 = arith.index_cast %sub3A_150 : i32 to index
            %swap3A_273 = arith.constant 32 : index
            %swap3A_274 = tpu.vector_load %arg14[%swap3A_272, %swap3A_273] {strides = array<i32>} : memref<320x64xf32, #tpu.memory_space<vmem>>, vector<1x16xf32>,
            %swap3A_275 = vector.shape_cast %swap3A_274 : vector<1x16xf32> to vector<16xf32>
            %swap3A_276 = vector.shape_cast %add3A_271 : vector<16xf32> to vector<1x16xf32>
            tpu.vector_store %arg14[%swap3A_272, %swap3A_273], %swap3A_276 {strides = array<i32>} : memref<320x64xf32, #tpu.memory_space<vmem>>, vector<1x16xf32>,
            %get3A_277 = arith.index_cast %sub3A_150 : i32 to index
            %get3A_278 = arith.constant 32 : index
            %get3A_279 = tpu.vector_load %arg15[%get3A_277, %get3A_278] {strides = array<i32>} : memref<320x64xf32, #tpu.memory_space<vmem>>, vector<1x16xf32>,
            %get3A_280 = vector.shape_cast %get3A_279 : vector<1x16xf32> to vector<16xf32>
            %mul3A_281 = arith.mulf %get3A_266, %get3A_266 : vector<16xf32>
            %add3A_282 = arith.addf %get3A_280, %mul3A_281 : vector<16xf32>
            %swap3A_283 = arith.index_cast %sub3A_150 : i32 to index
            %swap3A_284 = arith.constant 32 : index
            %swap3A_285 = tpu.vector_load %arg15[%swap3A_283, %swap3A_284] {strides = array<i32>} : memref<320x64xf32, #tpu.memory_space<vmem>>, vector<1x16xf32>,
            %swap3A_286 = vector.shape_cast %swap3A_285 : vector<1x16xf32> to vector<16xf32>
            %swap3A_287 = vector.shape_cast %add3A_282 : vector<16xf32> to vector<1x16xf32>
            tpu.vector_store %arg15[%swap3A_283, %swap3A_284], %swap3A_287 {strides = array<i32>} : memref<320x64xf32, #tpu.memory_space<vmem>>, vector<1x16xf32>,
            %get3A_288 = arith.index_cast %sub3A_150 : i32 to index
            %get3A_289 = arith.constant 32 : index
            %get3A_290 = tpu.vector_load %arg16[%get3A_288, %get3A_289] {strides = array<i32>} : memref<320x64xf32, #tpu.memory_space<vmem>>, vector<1x16xf32>,
            %get3A_291 = vector.shape_cast %get3A_290 : vector<1x16xf32> to vector<16xf32>
            %max3A_292 = arith.maximumf %get3A_291, %get3A_266 : vector<16xf32>
            %swap3A_293 = arith.index_cast %sub3A_150 : i32 to index
            %swap3A_294 = arith.constant 32 : index
            %swap3A_295 = tpu.vector_load %arg16[%swap3A_293, %swap3A_294] {strides = array<i32>} : memref<320x64xf32, #tpu.memory_space<vmem>>, vector<1x16xf32>,
            %swap3A_296 = vector.shape_cast %swap3A_295 : vector<1x16xf32> to vector<16xf32>
            %swap3A_297 = vector.shape_cast %max3A_292 : vector<16xf32> to vector<1x16xf32>
            tpu.vector_store %arg16[%swap3A_293, %swap3A_294], %swap3A_297 {strides = array<i32>} : memref<320x64xf32, #tpu.memory_space<vmem>>, vector<1x16xf32>,
            %get3A_298 = arith.index_cast %sub3A_150 : i32 to index
            %get3A_299 = arith.constant 32 : index
            %get3A_300 = tpu.vector_load %arg17[%get3A_298, %get3A_299] {strides = array<i32>} : memref<320x64xf32, #tpu.memory_space<vmem>>, vector<1x16xf32>,
            %get3A_301 = vector.shape_cast %get3A_300 : vector<1x16xf32> to vector<16xf32>
            %min3A_302 = arith.minimumf %get3A_301, %get3A_266 : vector<16xf32>
            %swap3A_303 = arith.index_cast %sub3A_150 : i32 to index
            %swap3A_304 = arith.constant 32 : index
            %swap3A_305 = tpu.vector_load %arg17[%swap3A_303, %swap3A_304] {strides = array<i32>} : memref<320x64xf32, #tpu.memory_space<vmem>>, vector<1x16xf32>,
            %swap3A_306 = vector.shape_cast %swap3A_305 : vector<1x16xf32> to vector<16xf32>
            %swap3A_307 = vector.shape_cast %min3A_302 : vector<16xf32> to vector<1x16xf32>
            tpu.vector_store %arg17[%swap3A_303, %swap3A_304], %swap3A_307 {strides = array<i32>} : memref<320x64xf32, #tpu.memory_space<vmem>>, vector<1x16xf32>,
            %get3A_308 = arith.index_cast %while3A_141 : i32 to index
            %get3A_309 = arith.constant 48 : index
            %get3A_310 = tpu.vector_load %arg13[%get3A_308, %get3A_309] {strides = array<i32>} : memref<144x64xf32, #tpu.memory_space<vmem>>, vector<1x16xf32>,
            %get3A_311 = vector.shape_cast %get3A_310 : vector<1x16xf32> to vector<16xf32>
            %get3A_312 = arith.index_cast %sub3A_150 : i32 to index
            %get3A_313 = arith.constant 48 : index
            %get3A_314 = tpu.vector_load %arg14[%get3A_312, %get3A_313] {strides = array<i32>} : memref<320x64xf32, #tpu.memory_space<vmem>>, vector<1x16xf32>,
            %get3A_315 = vector.shape_cast %get3A_314 : vector<1x16xf32> to vector<16xf32>
            %add3A_316 = arith.addf %get3A_315, %get3A_311 : vector<16xf32>
            %swap3A_317 = arith.index_cast %sub3A_150 : i32 to index
            %swap3A_318 = arith.constant 48 : index
            %swap3A_319 = tpu.vector_load %arg14[%swap3A_317, %swap3A_318] {strides = array<i32>} : memref<320x64xf32, #tpu.memory_space<vmem>>, vector<1x16xf32>,
            %swap3A_320 = vector.shape_cast %swap3A_319 : vector<1x16xf32> to vector<16xf32>
            %swap3A_321 = vector.shape_cast %add3A_316 : vector<16xf32> to vector<1x16xf32>
            tpu.vector_store %arg14[%swap3A_317, %swap3A_318], %swap3A_321 {strides = array<i32>} : memref<320x64xf32, #tpu.memory_space<vmem>>, vector<1x16xf32>,
            %get3A_322 = arith.index_cast %sub3A_150 : i32 to index
            %get3A_323 = arith.constant 48 : index
            %get3A_324 = tpu.vector_load %arg15[%get3A_322, %get3A_323] {strides = array<i32>} : memref<320x64xf32, #tpu.memory_space<vmem>>, vector<1x16xf32>,
            %get3A_325 = vector.shape_cast %get3A_324 : vector<1x16xf32> to vector<16xf32>
            %mul3A_326 = arith.mulf %get3A_311, %get3A_311 : vector<16xf32>
            %add3A_327 = arith.addf %get3A_325, %mul3A_326 : vector<16xf32>
            %swap3A_328 = arith.index_cast %sub3A_150 : i32 to index
            %swap3A_329 = arith.constant 48 : index
            %swap3A_330 = tpu.vector_load %arg15[%swap3A_328, %swap3A_329] {strides = array<i32>} : memref<320x64xf32, #tpu.memory_space<vmem>>, vector<1x16xf32>,
            %swap3A_331 = vector.shape_cast %swap3A_330 : vector<1x16xf32> to vector<16xf32>
            %swap3A_332 = vector.shape_cast %add3A_327 : vector<16xf32> to vector<1x16xf32>
            tpu.vector_store %arg15[%swap3A_328, %swap3A_329], %swap3A_332 {strides = array<i32>} : memref<320x64xf32, #tpu.memory_space<vmem>>, vector<1x16xf32>,
            %get3A_333 = arith.index_cast %sub3A_150 : i32 to index
            %get3A_334 = arith.constant 48 : index
            %get3A_335 = tpu.vector_load %arg16[%get3A_333, %get3A_334] {strides = array<i32>} : memref<320x64xf32, #tpu.memory_space<vmem>>, vector<1x16xf32>,
            %get3A_336 = vector.shape_cast %get3A_335 : vector<1x16xf32> to vector<16xf32>
            %max3A_337 = arith.maximumf %get3A_336, %get3A_311 : vector<16xf32>
            %swap3A_338 = arith.index_cast %sub3A_150 : i32 to index
            %swap3A_339 = arith.constant 48 : index
            %swap3A_340 = tpu.vector_load %arg16[%swap3A_338, %swap3A_339] {strides = array<i32>} : memref<320x64xf32, #tpu.memory_space<vmem>>, vector<1x16xf32>,
            %swap3A_341 = vector.shape_cast %swap3A_340 : vector<1x16xf32> to vector<16xf32>
            %swap3A_342 = vector.shape_cast %max3A_337 : vector<16xf32> to vector<1x16xf32>
            tpu.vector_store %arg16[%swap3A_338, %swap3A_339], %swap3A_342 {strides = array<i32>} : memref<320x64xf32, #tpu.memory_space<vmem>>, vector<1x16xf32>,
            %get3A_343 = arith.index_cast %sub3A_150 : i32 to index
            %get3A_344 = arith.constant 48 : index
            %get3A_345 = tpu.vector_load %arg17[%get3A_343, %get3A_344] {strides = array<i32>} : memref<320x64xf32, #tpu.memory_space<vmem>>, vector<1x16xf32>,
            %get3A_346 = vector.shape_cast %get3A_345 : vector<1x16xf32> to vector<16xf32>
            %min3A_347 = arith.minimumf %get3A_346, %get3A_311 : vector<16xf32>
            %swap3A_348 = arith.index_cast %sub3A_150 : i32 to index
            %swap3A_349 = arith.constant 48 : index
            %swap3A_350 = tpu.vector_load %arg17[%swap3A_348, %swap3A_349] {strides = array<i32>} : memref<320x64xf32, #tpu.memory_space<vmem>>, vector<1x16xf32>,
            %swap3A_351 = vector.shape_cast %swap3A_350 : vector<1x16xf32> to vector<16xf32>
            %swap3A_352 = vector.shape_cast %min3A_347 : vector<16xf32> to vector<1x16xf32>
            tpu.vector_store %arg17[%swap3A_348, %swap3A_349], %swap3A_352 {strides = array<i32>} : memref<320x64xf32, #tpu.memory_space<vmem>>, vector<1x16xf32>,
            %while3A_353 = arith.constant 0 : i32
            scf.yield %while3A_353 : i32
          }
          %while3A_138 = arith.constant 1 : i32
          %while3A_139 = scf.for %while3A_141 = %while3A_135 to %while3A_131 step %while3A_138 iter_args(%while3A_142 = %while3A_137) -> (i32)  : i32 {
            %get3A_143 = arith.index_cast %while3A_141 : i32 to index
            %get3A_144 = tpu.vector_load %arg10[%get3A_143] {strides = array<i32>} : memref<144xi32, #tpu.memory_space<vmem>>, vector<16xi32>,
            %get3A_145 = vector.shape_cast %get3A_144 : vector<16xi32> to vector<16xi32>
            %slice3A_146 = vector.extract_strided_slice %get3A_145 {offsets = [0], sizes = [1], strides = [1]} : vector<16xi32> to vector<1xi32>
            %squeeze3A_147 = vector.extract %slice3A_146[0] : i32 from vector<1xi32>
            %shift_right_logical3A_148 = arith.constant 14 : i32
            %shift_right_logical3A_149 = arith.shrui %squeeze3A_147, %shift_right_logical3A_148 : i32
            %sub3A_150 = arith.subi %shift_right_logical3A_149, %mul3A_2 : i32
            %shift_right_logical3A_151 = arith.constant 4 : i32
            %shift_right_logical3A_152 = arith.shrui %sub3A_150, %shift_right_logical3A_151 : i32
            %mul3A_153 = arith.constant 16 : i32
            %mul3A_154 = arith.muli %shift_right_logical3A_152, %mul3A_153 : i32
            %sub3A_155 = arith.subi %sub3A_150, %mul3A_154 : i32
            %sub3A_156 = vector.broadcast %sub3A_155 : i32 to vector<16xi32>
            %sub3A_157 = arith.subi %iota3A, %sub3A_156 : vector<16xi32>
            %abs3A = math.absi %sub3A_157 : vector<16xi32>
            %min3A = arith.constant 1 : i32
            %min3A_158 = vector.broadcast %min3A : i32 to vector<16xi32>
            %min3A_159 = arith.minsi %abs3A, %min3A_158 : vector<16xi32>
            %sub3A_160 = arith.constant 1 : i32
            %sub3A_161 = vector.broadcast %sub3A_160 : i32 to vector<16xi32>
            %sub3A_162 = arith.subi %sub3A_161, %min3A_159 : vector<16xi32>
            %convert_element_type3A_163 = arith.sitofp %sub3A_162 : vector<16xi32> to vector<16xf32>
            %get3A_164 = arith.index_cast %shift_right_logical3A_152 : i32 to index
            %get3A_165 = arith.constant 0 : index
            %get3A_166 = tpu.vector_load %arg18[%get3A_164, %get3A_165] {strides = array<i32>} : memref<20x16xf32, #tpu.memory_space<vmem>>, vector<1x16xf32>,
            %get3A_167 = vector.shape_cast %get3A_166 : vector<1x16xf32> to vector<16xf32>
            %add3A_168 = arith.addf %get3A_167, %convert_element_type3A_163 : vector<16xf32>
            %swap3A_169 = arith.index_cast %shift_right_logical3A_152 : i32 to index
            %swap3A_170 = arith.constant 0 : index
            %swap3A_171 = tpu.vector_load %arg18[%swap3A_169, %swap3A_170] {strides = array<i32>} : memref<20x16xf32, #tpu.memory_space<vmem>>, vector<1x16xf32>,
            %swap3A_172 = vector.shape_cast %swap3A_171 : vector<1x16xf32> to vector<16xf32>
            %swap3A_173 = vector.shape_cast %add3A_168 : vector<16xf32> to vector<1x16xf32>
            tpu.vector_store %arg18[%swap3A_169, %swap3A_170], %swap3A_173 {strides = array<i32>} : memref<20x16xf32, #tpu.memory_space<vmem>>, vector<1x16xf32>,
            %get3A_174 = arith.index_cast %while3A_141 : i32 to index
            %get3A_175 = arith.constant 0 : index
            %get3A_176 = tpu.vector_load %arg13[%get3A_174, %get3A_175] {strides = array<i32>} : memref<144x64xf32, #tpu.memory_space<vmem>>, vector<1x16xf32>,
            %get3A_177 = vector.shape_cast %get3A_176 : vector<1x16xf32> to vector<16xf32>
            %get3A_178 = arith.index_cast %sub3A_150 : i32 to index
            %get3A_179 = arith.constant 0 : index
            %get3A_180 = tpu.vector_load %arg14[%get3A_178, %get3A_179] {strides = array<i32>} : memref<320x64xf32, #tpu.memory_space<vmem>>, vector<1x16xf32>,
            %get3A_181 = vector.shape_cast %get3A_180 : vector<1x16xf32> to vector<16xf32>
            %add3A_182 = arith.addf %get3A_181, %get3A_177 : vector<16xf32>
            %swap3A_183 = arith.index_cast %sub3A_150 : i32 to index
            %swap3A_184 = arith.constant 0 : index
            %swap3A_185 = tpu.vector_load %arg14[%swap3A_183, %swap3A_184] {strides = array<i32>} : memref<320x64xf32, #tpu.memory_space<vmem>>, vector<1x16xf32>,
            %swap3A_186 = vector.shape_cast %swap3A_185 : vector<1x16xf32> to vector<16xf32>
            %swap3A_187 = vector.shape_cast %add3A_182 : vector<16xf32> to vector<1x16xf32>
            tpu.vector_store %arg14[%swap3A_183, %swap3A_184], %swap3A_187 {strides = array<i32>} : memref<320x64xf32, #tpu.memory_space<vmem>>, vector<1x16xf32>,
            %get3A_188 = arith.index_cast %sub3A_150 : i32 to index
            %get3A_189 = arith.constant 0 : index
            %get3A_190 = tpu.vector_load %arg15[%get3A_188, %get3A_189] {strides = array<i32>} : memref<320x64xf32, #tpu.memory_space<vmem>>, vector<1x16xf32>,
            %get3A_191 = vector.shape_cast %get3A_190 : vector<1x16xf32> to vector<16xf32>
            %mul3A_192 = arith.mulf %get3A_177, %get3A_177 : vector<16xf32>
            %add3A_193 = arith.addf %get3A_191, %mul3A_192 : vector<16xf32>
            %swap3A_194 = arith.index_cast %sub3A_150 : i32 to index
            %swap3A_195 = arith.constant 0 : index
            %swap3A_196 = tpu.vector_load %arg15[%swap3A_194, %swap3A_195] {strides = array<i32>} : memref<320x64xf32, #tpu.memory_space<vmem>>, vector<1x16xf32>,
            %swap3A_197 = vector.shape_cast %swap3A_196 : vector<1x16xf32> to vector<16xf32>
            %swap3A_198 = vector.shape_cast %add3A_193 : vector<16xf32> to vector<1x16xf32>
            tpu.vector_store %arg15[%swap3A_194, %swap3A_195], %swap3A_198 {strides = array<i32>} : memref<320x64xf32, #tpu.memory_space<vmem>>, vector<1x16xf32>,
            %get3A_199 = arith.index_cast %sub3A_150 : i32 to index
            %get3A_200 = arith.constant 0 : index
            %get3A_201 = tpu.vector_load %arg16[%get3A_199, %get3A_200] {strides = array<i32>} : memref<320x64xf32, #tpu.memory_space<vmem>>, vector<1x16xf32>,
            %get3A_202 = vector.shape_cast %get3A_201 : vector<1x16xf32> to vector<16xf32>
            %max3A = arith.maximumf %get3A_202, %get3A_177 : vector<16xf32>
            %swap3A_203 = arith.index_cast %sub3A_150 : i32 to index
            %swap3A_204 = arith.constant 0 : index
            %swap3A_205 = tpu.vector_load %arg16[%swap3A_203, %swap3A_204] {strides = array<i32>} : memref<320x64xf32, #tpu.memory_space<vmem>>, vector<1x16xf32>,
            %swap3A_206 = vector.shape_cast %swap3A_205 : vector<1x16xf32> to vector<16xf32>
            %swap3A_207 = vector.shape_cast %max3A : vector<16xf32> to vector<1x16xf32>
            tpu.vector_store %arg16[%swap3A_203, %swap3A_204], %swap3A_207 {strides = array<i32>} : memref<320x64xf32, #tpu.memory_space<vmem>>, vector<1x16xf32>,
            %get3A_208 = arith.index_cast %sub3A_150 : i32 to index
            %get3A_209 = arith.constant 0 : index
            %get3A_210 = tpu.vector_load %arg17[%get3A_208, %get3A_209] {strides = array<i32>} : memref<320x64xf32, #tpu.memory_space<vmem>>, vector<1x16xf32>,
            %get3A_211 = vector.shape_cast %get3A_210 : vector<1x16xf32> to vector<16xf32>
            %min3A_212 = arith.minimumf %get3A_211, %get3A_177 : vector<16xf32>
            %swap3A_213 = arith.index_cast %sub3A_150 : i32 to index
            %swap3A_214 = arith.constant 0 : index
            %swap3A_215 = tpu.vector_load %arg17[%swap3A_213, %swap3A_214] {strides = array<i32>} : memref<320x64xf32, #tpu.memory_space<vmem>>, vector<1x16xf32>,
            %swap3A_216 = vector.shape_cast %swap3A_215 : vector<1x16xf32> to vector<16xf32>
            %swap3A_217 = vector.shape_cast %min3A_212 : vector<16xf32> to vector<1x16xf32>
            tpu.vector_store %arg17[%swap3A_213, %swap3A_214], %swap3A_217 {strides = array<i32>} : memref<320x64xf32, #tpu.memory_space<vmem>>, vector<1x16xf32>,
            %get3A_218 = arith.index_cast %while3A_141 : i32 to index
            %get3A_219 = arith.constant 16 : index
            %get3A_220 = tpu.vector_load %arg13[%get3A_218, %get3A_219] {strides = array<i32>} : memref<144x64xf32, #tpu.memory_space<vmem>>, vector<1x16xf32>,
            %get3A_221 = vector.shape_cast %get3A_220 : vector<1x16xf32> to vector<16xf32>
            %get3A_222 = arith.index_cast %sub3A_150 : i32 to index
            %get3A_223 = arith.constant 16 : index
            %get3A_224 = tpu.vector_load %arg14[%get3A_222, %get3A_223] {strides = array<i32>} : memref<320x64xf32, #tpu.memory_space<vmem>>, vector<1x16xf32>,
            %get3A_225 = vector.shape_cast %get3A_224 : vector<1x16xf32> to vector<16xf32>
            %add3A_226 = arith.addf %get3A_225, %get3A_221 : vector<16xf32>
            %swap3A_227 = arith.index_cast %sub3A_150 : i32 to index
            %swap3A_228 = arith.constant 16 : index
            %swap3A_229 = tpu.vector_load %arg14[%swap3A_227, %swap3A_228] {strides = array<i32>} : memref<320x64xf32, #tpu.memory_space<vmem>>, vector<1x16xf32>,
            %swap3A_230 = vector.shape_cast %swap3A_229 : vector<1x16xf32> to vector<16xf32>
            %swap3A_231 = vector.shape_cast %add3A_226 : vector<16xf32> to vector<1x16xf32>
            tpu.vector_store %arg14[%swap3A_227, %swap3A_228], %swap3A_231 {strides = array<i32>} : memref<320x64xf32, #tpu.memory_space<vmem>>, vector<1x16xf32>,
            %get3A_232 = arith.index_cast %sub3A_150 : i32 to index
            %get3A_233 = arith.constant 16 : index
            %get3A_234 = tpu.vector_load %arg15[%get3A_232, %get3A_233] {strides = array<i32>} : memref<320x64xf32, #tpu.memory_space<vmem>>, vector<1x16xf32>,
            %get3A_235 = vector.shape_cast %get3A_234 : vector<1x16xf32> to vector<16xf32>
            %mul3A_236 = arith.mulf %get3A_221, %get3A_221 : vector<16xf32>
            %add3A_237 = arith.addf %get3A_235, %mul3A_236 : vector<16xf32>
            %swap3A_238 = arith.index_cast %sub3A_150 : i32 to index
            %swap3A_239 = arith.constant 16 : index
            %swap3A_240 = tpu.vector_load %arg15[%swap3A_238, %swap3A_239] {strides = array<i32>} : memref<320x64xf32, #tpu.memory_space<vmem>>, vector<1x16xf32>,
            %swap3A_241 = vector.shape_cast %swap3A_240 : vector<1x16xf32> to vector<16xf32>
            %swap3A_242 = vector.shape_cast %add3A_237 : vector<16xf32> to vector<1x16xf32>
            tpu.vector_store %arg15[%swap3A_238, %swap3A_239], %swap3A_242 {strides = array<i32>} : memref<320x64xf32, #tpu.memory_space<vmem>>, vector<1x16xf32>,
            %get3A_243 = arith.index_cast %sub3A_150 : i32 to index
            %get3A_244 = arith.constant 16 : index
            %get3A_245 = tpu.vector_load %arg16[%get3A_243, %get3A_244] {strides = array<i32>} : memref<320x64xf32, #tpu.memory_space<vmem>>, vector<1x16xf32>,
            %get3A_246 = vector.shape_cast %get3A_245 : vector<1x16xf32> to vector<16xf32>
            %max3A_247 = arith.maximumf %get3A_246, %get3A_221 : vector<16xf32>
            %swap3A_248 = arith.index_cast %sub3A_150 : i32 to index
            %swap3A_249 = arith.constant 16 : index
            %swap3A_250 = tpu.vector_load %arg16[%swap3A_248, %swap3A_249] {strides = array<i32>} : memref<320x64xf32, #tpu.memory_space<vmem>>, vector<1x16xf32>,
            %swap3A_251 = vector.shape_cast %swap3A_250 : vector<1x16xf32> to vector<16xf32>
            %swap3A_252 = vector.shape_cast %max3A_247 : vector<16xf32> to vector<1x16xf32>
            tpu.vector_store %arg16[%swap3A_248, %swap3A_249], %swap3A_252 {strides = array<i32>} : memref<320x64xf32, #tpu.memory_space<vmem>>, vector<1x16xf32>,
            %get3A_253 = arith.index_cast %sub3A_150 : i32 to index
            %get3A_254 = arith.constant 16 : index
            %get3A_255 = tpu.vector_load %arg17[%get3A_253, %get3A_254] {strides = array<i32>} : memref<320x64xf32, #tpu.memory_space<vmem>>, vector<1x16xf32>,
            %get3A_256 = vector.shape_cast %get3A_255 : vector<1x16xf32> to vector<16xf32>
            %min3A_257 = arith.minimumf %get3A_256, %get3A_221 : vector<16xf32>
            %swap3A_258 = arith.index_cast %sub3A_150 : i32 to index
            %swap3A_259 = arith.constant 16 : index
            %swap3A_260 = tpu.vector_load %arg17[%swap3A_258, %swap3A_259] {strides = array<i32>} : memref<320x64xf32, #tpu.memory_space<vmem>>, vector<1x16xf32>,
            %swap3A_261 = vector.shape_cast %swap3A_260 : vector<1x16xf32> to vector<16xf32>
            %swap3A_262 = vector.shape_cast %min3A_257 : vector<16xf32> to vector<1x16xf32>
            tpu.vector_store %arg17[%swap3A_258, %swap3A_259], %swap3A_262 {strides = array<i32>} : memref<320x64xf32, #tpu.memory_space<vmem>>, vector<1x16xf32>,
            %get3A_263 = arith.index_cast %while3A_141 : i32 to index
            %get3A_264 = arith.constant 32 : index
            %get3A_265 = tpu.vector_load %arg13[%get3A_263, %get3A_264] {strides = array<i32>} : memref<144x64xf32, #tpu.memory_space<vmem>>, vector<1x16xf32>,
            %get3A_266 = vector.shape_cast %get3A_265 : vector<1x16xf32> to vector<16xf32>
            %get3A_267 = arith.index_cast %sub3A_150 : i32 to index
            %get3A_268 = arith.constant 32 : index
            %get3A_269 = tpu.vector_load %arg14[%get3A_267, %get3A_268] {strides = array<i32>} : memref<320x64xf32, #tpu.memory_space<vmem>>, vector<1x16xf32>,
            %get3A_270 = vector.shape_cast %get3A_269 : vector<1x16xf32> to vector<16xf32>
            %add3A_271 = arith.addf %get3A_270, %get3A_266 : vector<16xf32>
            %swap3A_272 = arith.index_cast %sub3A_150 : i32 to index
            %swap3A_273 = arith.constant 32 : index
            %swap3A_274 = tpu.vector_load %arg14[%swap3A_272, %swap3A_273] {strides = array<i32>} : memref<320x64xf32, #tpu.memory_space<vmem>>, vector<1x16xf32>,
            %swap3A_275 = vector.shape_cast %swap3A_274 : vector<1x16xf32> to vector<16xf32>
            %swap3A_276 = vector.shape_cast %add3A_271 : vector<16xf32> to vector<1x16xf32>
            tpu.vector_store %arg14[%swap3A_272, %swap3A_273], %swap3A_276 {strides = array<i32>} : memref<320x64xf32, #tpu.memory_space<vmem>>, vector<1x16xf32>,
            %get3A_277 = arith.index_cast %sub3A_150 : i32 to index
            %get3A_278 = arith.constant 32 : index
            %get3A_279 = tpu.vector_load %arg15[%get3A_277, %get3A_278] {strides = array<i32>} : memref<320x64xf32, #tpu.memory_space<vmem>>, vector<1x16xf32>,
            %get3A_280 = vector.shape_cast %get3A_279 : vector<1x16xf32> to vector<16xf32>
            %mul3A_281 = arith.mulf %get3A_266, %get3A_266 : vector<16xf32>
            %add3A_282 = arith.addf %get3A_280, %mul3A_281 : vector<16xf32>
            %swap3A_283 = arith.index_cast %sub3A_150 : i32 to index
            %swap3A_284 = arith.constant 32 : index
            %swap3A_285 = tpu.vector_load %arg15[%swap3A_283, %swap3A_284] {strides = array<i32>} : memref<320x64xf32, #tpu.memory_space<vmem>>, vector<1x16xf32>,
            %swap3A_286 = vector.shape_cast %swap3A_285 : vector<1x16xf32> to vector<16xf32>
            %swap3A_287 = vector.shape_cast %add3A_282 : vector<16xf32> to vector<1x16xf32>
            tpu.vector_store %arg15[%swap3A_283, %swap3A_284], %swap3A_287 {strides = array<i32>} : memref<320x64xf32, #tpu.memory_space<vmem>>, vector<1x16xf32>,
            %get3A_288 = arith.index_cast %sub3A_150 : i32 to index
            %get3A_289 = arith.constant 32 : index
            %get3A_290 = tpu.vector_load %arg16[%get3A_288, %get3A_289] {strides = array<i32>} : memref<320x64xf32, #tpu.memory_space<vmem>>, vector<1x16xf32>,
            %get3A_291 = vector.shape_cast %get3A_290 : vector<1x16xf32> to vector<16xf32>
            %max3A_292 = arith.maximumf %get3A_291, %get3A_266 : vector<16xf32>
            %swap3A_293 = arith.index_cast %sub3A_150 : i32 to index
            %swap3A_294 = arith.constant 32 : index
            %swap3A_295 = tpu.vector_load %arg16[%swap3A_293, %swap3A_294] {strides = array<i32>} : memref<320x64xf32, #tpu.memory_space<vmem>>, vector<1x16xf32>,
            %swap3A_296 = vector.shape_cast %swap3A_295 : vector<1x16xf32> to vector<16xf32>
            %swap3A_297 = vector.shape_cast %max3A_292 : vector<16xf32> to vector<1x16xf32>
            tpu.vector_store %arg16[%swap3A_293, %swap3A_294], %swap3A_297 {strides = array<i32>} : memref<320x64xf32, #tpu.memory_space<vmem>>, vector<1x16xf32>,
            %get3A_298 = arith.index_cast %sub3A_150 : i32 to index
            %get3A_299 = arith.constant 32 : index
            %get3A_300 = tpu.vector_load %arg17[%get3A_298, %get3A_299] {strides = array<i32>} : memref<320x64xf32, #tpu.memory_space<vmem>>, vector<1x16xf32>,
            %get3A_301 = vector.shape_cast %get3A_300 : vector<1x16xf32> to vector<16xf32>
            %min3A_302 = arith.minimumf %get3A_301, %get3A_266 : vector<16xf32>
            %swap3A_303 = arith.index_cast %sub3A_150 : i32 to index
            %swap3A_304 = arith.constant 32 : index
            %swap3A_305 = tpu.vector_load %arg17[%swap3A_303, %swap3A_304] {strides = array<i32>} : memref<320x64xf32, #tpu.memory_space<vmem>>, vector<1x16xf32>,
            %swap3A_306 = vector.shape_cast %swap3A_305 : vector<1x16xf32> to vector<16xf32>
            %swap3A_307 = vector.shape_cast %min3A_302 : vector<16xf32> to vector<1x16xf32>
            tpu.vector_store %arg17[%swap3A_303, %swap3A_304], %swap3A_307 {strides = array<i32>} : memref<320x64xf32, #tpu.memory_space<vmem>>, vector<1x16xf32>,
            %get3A_308 = arith.index_cast %while3A_141 : i32 to index
            %get3A_309 = arith.constant 48 : index
            %get3A_310 = tpu.vector_load %arg13[%get3A_308, %get3A_309] {strides = array<i32>} : memref<144x64xf32, #tpu.memory_space<vmem>>, vector<1x16xf32>,
            %get3A_311 = vector.shape_cast %get3A_310 : vector<1x16xf32> to vector<16xf32>
            %get3A_312 = arith.index_cast %sub3A_150 : i32 to index
            %get3A_313 = arith.constant 48 : index
            %get3A_314 = tpu.vector_load %arg14[%get3A_312, %get3A_313] {strides = array<i32>} : memref<320x64xf32, #tpu.memory_space<vmem>>, vector<1x16xf32>,
            %get3A_315 = vector.shape_cast %get3A_314 : vector<1x16xf32> to vector<16xf32>
            %add3A_316 = arith.addf %get3A_315, %get3A_311 : vector<16xf32>
            %swap3A_317 = arith.index_cast %sub3A_150 : i32 to index
            %swap3A_318 = arith.constant 48 : index
            %swap3A_319 = tpu.vector_load %arg14[%swap3A_317, %swap3A_318] {strides = array<i32>} : memref<320x64xf32, #tpu.memory_space<vmem>>, vector<1x16xf32>,
            %swap3A_320 = vector.shape_cast %swap3A_319 : vector<1x16xf32> to vector<16xf32>
            %swap3A_321 = vector.shape_cast %add3A_316 : vector<16xf32> to vector<1x16xf32>
            tpu.vector_store %arg14[%swap3A_317, %swap3A_318], %swap3A_321 {strides = array<i32>} : memref<320x64xf32, #tpu.memory_space<vmem>>, vector<1x16xf32>,
            %get3A_322 = arith.index_cast %sub3A_150 : i32 to index
            %get3A_323 = arith.constant 48 : index
            %get3A_324 = tpu.vector_load %arg15[%get3A_322, %get3A_323] {strides = array<i32>} : memref<320x64xf32, #tpu.memory_space<vmem>>, vector<1x16xf32>,
            %get3A_325 = vector.shape_cast %get3A_324 : vector<1x16xf32> to vector<16xf32>
            %mul3A_326 = arith.mulf %get3A_311, %get3A_311 : vector<16xf32>
            %add3A_327 = arith.addf %get3A_325, %mul3A_326 : vector<16xf32>
            %swap3A_328 = arith.index_cast %sub3A_150 : i32 to index
            %swap3A_329 = arith.constant 48 : index
            %swap3A_330 = tpu.vector_load %arg15[%swap3A_328, %swap3A_329] {strides = array<i32>} : memref<320x64xf32, #tpu.memory_space<vmem>>, vector<1x16xf32>,
            %swap3A_331 = vector.shape_cast %swap3A_330 : vector<1x16xf32> to vector<16xf32>
            %swap3A_332 = vector.shape_cast %add3A_327 : vector<16xf32> to vector<1x16xf32>
            tpu.vector_store %arg15[%swap3A_328, %swap3A_329], %swap3A_332 {strides = array<i32>} : memref<320x64xf32, #tpu.memory_space<vmem>>, vector<1x16xf32>,
            %get3A_333 = arith.index_cast %sub3A_150 : i32 to index
            %get3A_334 = arith.constant 48 : index
            %get3A_335 = tpu.vector_load %arg16[%get3A_333, %get3A_334] {strides = array<i32>} : memref<320x64xf32, #tpu.memory_space<vmem>>, vector<1x16xf32>,
            %get3A_336 = vector.shape_cast %get3A_335 : vector<1x16xf32> to vector<16xf32>
            %max3A_337 = arith.maximumf %get3A_336, %get3A_311 : vector<16xf32>
            %swap3A_338 = arith.index_cast %sub3A_150 : i32 to index
            %swap3A_339 = arith.constant 48 : index
            %swap3A_340 = tpu.vector_load %arg16[%swap3A_338, %swap3A_339] {strides = array<i32>} : memref<320x64xf32, #tpu.memory_space<vmem>>, vector<1x16xf32>,
            %swap3A_341 = vector.shape_cast %swap3A_340 : vector<1x16xf32> to vector<16xf32>
            %swap3A_342 = vector.shape_cast %max3A_337 : vector<16xf32> to vector<1x16xf32>
            tpu.vector_store %arg16[%swap3A_338, %swap3A_339], %swap3A_342 {strides = array<i32>} : memref<320x64xf32, #tpu.memory_space<vmem>>, vector<1x16xf32>,
            %get3A_343 = arith.index_cast %sub3A_150 : i32 to index
            %get3A_344 = arith.constant 48 : index
            %get3A_345 = tpu.vector_load %arg17[%get3A_343, %get3A_344] {strides = array<i32>} : memref<320x64xf32, #tpu.memory_space<vmem>>, vector<1x16xf32>,
            %get3A_346 = vector.shape_cast %get3A_345 : vector<1x16xf32> to vector<16xf32>
            %min3A_347 = arith.minimumf %get3A_346, %get3A_311 : vector<16xf32>
            %swap3A_348 = arith.index_cast %sub3A_150 : i32 to index
            %swap3A_349 = arith.constant 48 : index
            %swap3A_350 = tpu.vector_load %arg17[%swap3A_348, %swap3A_349] {strides = array<i32>} : memref<320x64xf32, #tpu.memory_space<vmem>>, vector<1x16xf32>,
            %swap3A_351 = vector.shape_cast %swap3A_350 : vector<1x16xf32> to vector<16xf32>
            %swap3A_352 = vector.shape_cast %min3A_347 : vector<16xf32> to vector<1x16xf32>
            tpu.vector_store %arg17[%swap3A_348, %swap3A_349], %swap3A_352 {strides = array<i32>} : memref<320x64xf32, #tpu.memory_space<vmem>>, vector<1x16xf32>,
            %while3A_353 = arith.constant 0 : i32
            scf.yield %while3A_353 : i32
          }
          %cond3A_140 = arith.constant 0 : i32
          scf.yield %cond3A_140 : i32
        } else {
          scf.yield %scan3A_58 : i32
        }
        %shift_right_logical3A = arith.constant 14 : i32
        %shift_right_logical3A_68 = vector.broadcast %shift_right_logical3A : i32 to vector<16xi32>
        %shift_right_logical3A_69 = arith.shrui %get3A_62, %shift_right_logical3A_68 : vector<16xi32>
        %sub3A = vector.broadcast %mul3A_2 : i32 to vector<16xi32>
        %sub3A_70 = arith.subi %shift_right_logical3A_69, %sub3A : vector<16xi32>
        %sub3A_71 = arith.constant 319 : i32
        %sub3A_72 = vector.broadcast %sub3A_71 : i32 to vector<16xi32>
        %sub3A_73 = arith.subi %sub3A_72, %sub3A_70 : vector<16xi32>
        %or3A = arith.ori %sub3A_70, %sub3A_73 : vector<16xi32>
        %shift_right_logical3A_74 = arith.constant 31 : i32
        %shift_right_logical3A_75 = vector.broadcast %shift_right_logical3A_74 : i32 to vector<16xi32>
        %shift_right_logical3A_76 = arith.shrui %or3A, %shift_right_logical3A_75 : vector<16xi32>
        %sub3A_77 = arith.constant 1 : i32
        %sub3A_78 = vector.broadcast %sub3A_77 : i32 to vector<16xi32>
        %sub3A_79 = arith.subi %sub3A_78, %shift_right_logical3A_76 : vector<16xi32>
        %swap3A = arith.constant 16 : index
        %swap3A_80 = tpu.vector_load %arg12[%swap3A] {strides = array<i32>} : memref<48xi32, #tpu.memory_space<vmem>>, vector<16xi32>,
        %swap3A_81 = vector.shape_cast %swap3A_80 : vector<16xi32> to vector<16xi32>
        %swap3A_82 = vector.shape_cast %sub3A_79 : vector<16xi32> to vector<16xi32>
        tpu.vector_store %arg12[%swap3A], %swap3A_82 {strides = array<i32>} : memref<48xi32, #tpu.memory_space<vmem>>, vector<16xi32>,
        %get3A_83 = arith.constant 15 : index
        %get3A_84 = tpu.vector_load %arg12[%get3A_83] {strides = array<i32>} : memref<48xi32, #tpu.memory_space<vmem>>, vector<16xi32>,
        %get3A_85 = vector.shape_cast %get3A_84 : vector<16xi32> to vector<16xi32>
        %add3A_86 = arith.addi %sub3A_79, %get3A_85 : vector<16xi32>
        %swap3A_87 = arith.constant 16 : index
        %swap3A_88 = tpu.vector_load %arg12[%swap3A_87] {strides = array<i32>} : memref<48xi32, #tpu.memory_space<vmem>>, vector<16xi32>,
        %swap3A_89 = vector.shape_cast %swap3A_88 : vector<16xi32> to vector<16xi32>
        %swap3A_90 = vector.shape_cast %add3A_86 : vector<16xi32> to vector<16xi32>
        tpu.vector_store %arg12[%swap3A_87], %swap3A_90 {strides = array<i32>} : memref<48xi32, #tpu.memory_space<vmem>>, vector<16xi32>,
        %get3A_91 = arith.constant 14 : index
        %get3A_92 = tpu.vector_load %arg12[%get3A_91] {strides = array<i32>} : memref<48xi32, #tpu.memory_space<vmem>>, vector<16xi32>,
        %get3A_93 = vector.shape_cast %get3A_92 : vector<16xi32> to vector<16xi32>
        %add3A_94 = arith.addi %add3A_86, %get3A_93 : vector<16xi32>
        %swap3A_95 = arith.constant 16 : index
        %swap3A_96 = tpu.vector_load %arg12[%swap3A_95] {strides = array<i32>} : memref<48xi32, #tpu.memory_space<vmem>>, vector<16xi32>,
        %swap3A_97 = vector.shape_cast %swap3A_96 : vector<16xi32> to vector<16xi32>
        %swap3A_98 = vector.shape_cast %add3A_94 : vector<16xi32> to vector<16xi32>
        tpu.vector_store %arg12[%swap3A_95], %swap3A_98 {strides = array<i32>} : memref<48xi32, #tpu.memory_space<vmem>>, vector<16xi32>,
        %get3A_99 = arith.constant 12 : index
        %get3A_100 = tpu.vector_load %arg12[%get3A_99] {strides = array<i32>} : memref<48xi32, #tpu.memory_space<vmem>>, vector<16xi32>,
        %get3A_101 = vector.shape_cast %get3A_100 : vector<16xi32> to vector<16xi32>
        %add3A_102 = arith.addi %add3A_94, %get3A_101 : vector<16xi32>
        %swap3A_103 = arith.constant 16 : index
        %swap3A_104 = tpu.vector_load %arg12[%swap3A_103] {strides = array<i32>} : memref<48xi32, #tpu.memory_space<vmem>>, vector<16xi32>,
        %swap3A_105 = vector.shape_cast %swap3A_104 : vector<16xi32> to vector<16xi32>
        %swap3A_106 = vector.shape_cast %add3A_102 : vector<16xi32> to vector<16xi32>
        tpu.vector_store %arg12[%swap3A_103], %swap3A_106 {strides = array<i32>} : memref<48xi32, #tpu.memory_space<vmem>>, vector<16xi32>,
        %get3A_107 = arith.constant 8 : index
        %get3A_108 = tpu.vector_load %arg12[%get3A_107] {strides = array<i32>} : memref<48xi32, #tpu.memory_space<vmem>>, vector<16xi32>,
        %get3A_109 = vector.shape_cast %get3A_108 : vector<16xi32> to vector<16xi32>
        %add3A_110 = arith.addi %add3A_102, %get3A_109 : vector<16xi32>
        %slice3A = vector.extract_strided_slice %add3A_110 {offsets = [15], sizes = [1], strides = [1]} : vector<16xi32> to vector<1xi32>
        %squeeze3A = vector.extract %slice3A[0] : i32 from vector<1xi32>
        %sub3A_111 = arith.subi %add3A_110, %sub3A_79 : vector<16xi32>
        %gt3A_112 = arith.constant 0 : i32
        %gt3A_113 = arith.cmpi sgt, %squeeze3A, %gt3A_112 : i32
        %convert_element_type3A_114 = arith.extui %gt3A_113 : i1 to i32
        %cond3A_115 = arith.constant 0 : i32
        %cond3A_116 = arith.cmpi ne, %convert_element_type3A_114, %cond3A_115 : i32
        %cond3A_117 = scf.if %cond3A_116 -> (i32) {
          %slice3A_118 = vector.extract_strided_slice %get3A_62 {offsets = [0], sizes = [1], strides = [1]} : vector<16xi32> to vector<1xi32>
          %squeeze3A_119 = vector.extract %slice3A_118[0] : i32 from vector<1xi32>
          %add3A_120 = vector.broadcast %squeeze3A_119 : i32 to vector<16xi32>
          %add3A_121 = arith.addi %add3A_120, %broadcast_in_dim3A_36 : vector<16xi32>
          %slice3A_122 = vector.extract_strided_slice %sub3A_111 {offsets = [0], sizes = [1], strides = [1]} : vector<16xi32> to vector<1xi32>
          %squeeze3A_123 = vector.extract %slice3A_122[0] : i32 from vector<1xi32>
          %add3A_124 = arith.addi %cond3A_67, %squeeze3A_123 : i32
          %swap3A_125 = arith.index_cast %add3A_124 : i32 to index
          %swap3A_126 = tpu.vector_load %arg10[%swap3A_125] {strides = array<i32>} : memref<144xi32, #tpu.memory_space<vmem>>, vector<16xi32>,
          %swap3A_127 = vector.shape_cast %swap3A_126 : vector<16xi32> to vector<16xi32>
          %swap3A_128 = vector.shape_cast %add3A_121 : vector<16xi32> to vector<16xi32>
          tpu.vector_store %arg10[%swap3A_125], %swap3A_128 {strides = array<i32>} : memref<144xi32, #tpu.memory_space<vmem>>, vector<16xi32>,
          %slice3A_129 = vector.extract_strided_slice %get3A_62 {offsets = [1], sizes = [1], strides = [1]} : vector<16xi32> to vector<1xi32>
          %squeeze3A_130 = vector.extract %slice3A_129[0] : i32 from vector<1xi32>
          %add3A_131 = vector.broadcast %squeeze3A_130 : i32 to vector<16xi32>
          %add3A_132 = arith.addi %add3A_131, %broadcast_in_dim3A_36 : vector<16xi32>
          %slice3A_133 = vector.extract_strided_slice %sub3A_111 {offsets = [1], sizes = [1], strides = [1]} : vector<16xi32> to vector<1xi32>
          %squeeze3A_134 = vector.extract %slice3A_133[0] : i32 from vector<1xi32>
          %add3A_135 = arith.addi %cond3A_67, %squeeze3A_134 : i32
          %swap3A_136 = arith.index_cast %add3A_135 : i32 to index
          %swap3A_137 = tpu.vector_load %arg10[%swap3A_136] {strides = array<i32>} : memref<144xi32, #tpu.memory_space<vmem>>, vector<16xi32>,
          %swap3A_138 = vector.shape_cast %swap3A_137 : vector<16xi32> to vector<16xi32>
          %swap3A_139 = vector.shape_cast %add3A_132 : vector<16xi32> to vector<16xi32>
          tpu.vector_store %arg10[%swap3A_136], %swap3A_139 {strides = array<i32>} : memref<144xi32, #tpu.memory_space<vmem>>, vector<16xi32>,
          %slice3A_140 = vector.extract_strided_slice %get3A_62 {offsets = [2], sizes = [1], strides = [1]} : vector<16xi32> to vector<1xi32>
          %squeeze3A_141 = vector.extract %slice3A_140[0] : i32 from vector<1xi32>
          %add3A_142 = vector.broadcast %squeeze3A_141 : i32 to vector<16xi32>
          %add3A_143 = arith.addi %add3A_142, %broadcast_in_dim3A_36 : vector<16xi32>
          %slice3A_144 = vector.extract_strided_slice %sub3A_111 {offsets = [2], sizes = [1], strides = [1]} : vector<16xi32> to vector<1xi32>
          %squeeze3A_145 = vector.extract %slice3A_144[0] : i32 from vector<1xi32>
          %add3A_146 = arith.addi %cond3A_67, %squeeze3A_145 : i32
          %swap3A_147 = arith.index_cast %add3A_146 : i32 to index
          %swap3A_148 = tpu.vector_load %arg10[%swap3A_147] {strides = array<i32>} : memref<144xi32, #tpu.memory_space<vmem>>, vector<16xi32>,
          %swap3A_149 = vector.shape_cast %swap3A_148 : vector<16xi32> to vector<16xi32>
          %swap3A_150 = vector.shape_cast %add3A_143 : vector<16xi32> to vector<16xi32>
          tpu.vector_store %arg10[%swap3A_147], %swap3A_150 {strides = array<i32>} : memref<144xi32, #tpu.memory_space<vmem>>, vector<16xi32>,
          %slice3A_151 = vector.extract_strided_slice %get3A_62 {offsets = [3], sizes = [1], strides = [1]} : vector<16xi32> to vector<1xi32>
          %squeeze3A_152 = vector.extract %slice3A_151[0] : i32 from vector<1xi32>
          %add3A_153 = vector.broadcast %squeeze3A_152 : i32 to vector<16xi32>
          %add3A_154 = arith.addi %add3A_153, %broadcast_in_dim3A_36 : vector<16xi32>
          %slice3A_155 = vector.extract_strided_slice %sub3A_111 {offsets = [3], sizes = [1], strides = [1]} : vector<16xi32> to vector<1xi32>
          %squeeze3A_156 = vector.extract %slice3A_155[0] : i32 from vector<1xi32>
          %add3A_157 = arith.addi %cond3A_67, %squeeze3A_156 : i32
          %swap3A_158 = arith.index_cast %add3A_157 : i32 to index
          %swap3A_159 = tpu.vector_load %arg10[%swap3A_158] {strides = array<i32>} : memref<144xi32, #tpu.memory_space<vmem>>, vector<16xi32>,
          %swap3A_160 = vector.shape_cast %swap3A_159 : vector<16xi32> to vector<16xi32>
          %swap3A_161 = vector.shape_cast %add3A_154 : vector<16xi32> to vector<16xi32>
          tpu.vector_store %arg10[%swap3A_158], %swap3A_161 {strides = array<i32>} : memref<144xi32, #tpu.memory_space<vmem>>, vector<16xi32>,
          %slice3A_162 = vector.extract_strided_slice %get3A_62 {offsets = [4], sizes = [1], strides = [1]} : vector<16xi32> to vector<1xi32>
          %squeeze3A_163 = vector.extract %slice3A_162[0] : i32 from vector<1xi32>
          %add3A_164 = vector.broadcast %squeeze3A_163 : i32 to vector<16xi32>
          %add3A_165 = arith.addi %add3A_164, %broadcast_in_dim3A_36 : vector<16xi32>
          %slice3A_166 = vector.extract_strided_slice %sub3A_111 {offsets = [4], sizes = [1], strides = [1]} : vector<16xi32> to vector<1xi32>
          %squeeze3A_167 = vector.extract %slice3A_166[0] : i32 from vector<1xi32>
          %add3A_168 = arith.addi %cond3A_67, %squeeze3A_167 : i32
          %swap3A_169 = arith.index_cast %add3A_168 : i32 to index
          %swap3A_170 = tpu.vector_load %arg10[%swap3A_169] {strides = array<i32>} : memref<144xi32, #tpu.memory_space<vmem>>, vector<16xi32>,
          %swap3A_171 = vector.shape_cast %swap3A_170 : vector<16xi32> to vector<16xi32>
          %swap3A_172 = vector.shape_cast %add3A_165 : vector<16xi32> to vector<16xi32>
          tpu.vector_store %arg10[%swap3A_169], %swap3A_172 {strides = array<i32>} : memref<144xi32, #tpu.memory_space<vmem>>, vector<16xi32>,
          %slice3A_173 = vector.extract_strided_slice %get3A_62 {offsets = [5], sizes = [1], strides = [1]} : vector<16xi32> to vector<1xi32>
          %squeeze3A_174 = vector.extract %slice3A_173[0] : i32 from vector<1xi32>
          %add3A_175 = vector.broadcast %squeeze3A_174 : i32 to vector<16xi32>
          %add3A_176 = arith.addi %add3A_175, %broadcast_in_dim3A_36 : vector<16xi32>
          %slice3A_177 = vector.extract_strided_slice %sub3A_111 {offsets = [5], sizes = [1], strides = [1]} : vector<16xi32> to vector<1xi32>
          %squeeze3A_178 = vector.extract %slice3A_177[0] : i32 from vector<1xi32>
          %add3A_179 = arith.addi %cond3A_67, %squeeze3A_178 : i32
          %swap3A_180 = arith.index_cast %add3A_179 : i32 to index
          %swap3A_181 = tpu.vector_load %arg10[%swap3A_180] {strides = array<i32>} : memref<144xi32, #tpu.memory_space<vmem>>, vector<16xi32>,
          %swap3A_182 = vector.shape_cast %swap3A_181 : vector<16xi32> to vector<16xi32>
          %swap3A_183 = vector.shape_cast %add3A_176 : vector<16xi32> to vector<16xi32>
          tpu.vector_store %arg10[%swap3A_180], %swap3A_183 {strides = array<i32>} : memref<144xi32, #tpu.memory_space<vmem>>, vector<16xi32>,
          %slice3A_184 = vector.extract_strided_slice %get3A_62 {offsets = [6], sizes = [1], strides = [1]} : vector<16xi32> to vector<1xi32>
          %squeeze3A_185 = vector.extract %slice3A_184[0] : i32 from vector<1xi32>
          %add3A_186 = vector.broadcast %squeeze3A_185 : i32 to vector<16xi32>
          %add3A_187 = arith.addi %add3A_186, %broadcast_in_dim3A_36 : vector<16xi32>
          %slice3A_188 = vector.extract_strided_slice %sub3A_111 {offsets = [6], sizes = [1], strides = [1]} : vector<16xi32> to vector<1xi32>
          %squeeze3A_189 = vector.extract %slice3A_188[0] : i32 from vector<1xi32>
          %add3A_190 = arith.addi %cond3A_67, %squeeze3A_189 : i32
          %swap3A_191 = arith.index_cast %add3A_190 : i32 to index
          %swap3A_192 = tpu.vector_load %arg10[%swap3A_191] {strides = array<i32>} : memref<144xi32, #tpu.memory_space<vmem>>, vector<16xi32>,
          %swap3A_193 = vector.shape_cast %swap3A_192 : vector<16xi32> to vector<16xi32>
          %swap3A_194 = vector.shape_cast %add3A_187 : vector<16xi32> to vector<16xi32>
          tpu.vector_store %arg10[%swap3A_191], %swap3A_194 {strides = array<i32>} : memref<144xi32, #tpu.memory_space<vmem>>, vector<16xi32>,
          %slice3A_195 = vector.extract_strided_slice %get3A_62 {offsets = [7], sizes = [1], strides = [1]} : vector<16xi32> to vector<1xi32>
          %squeeze3A_196 = vector.extract %slice3A_195[0] : i32 from vector<1xi32>
          %add3A_197 = vector.broadcast %squeeze3A_196 : i32 to vector<16xi32>
          %add3A_198 = arith.addi %add3A_197, %broadcast_in_dim3A_36 : vector<16xi32>
          %slice3A_199 = vector.extract_strided_slice %sub3A_111 {offsets = [7], sizes = [1], strides = [1]} : vector<16xi32> to vector<1xi32>
          %squeeze3A_200 = vector.extract %slice3A_199[0] : i32 from vector<1xi32>
          %add3A_201 = arith.addi %cond3A_67, %squeeze3A_200 : i32
          %swap3A_202 = arith.index_cast %add3A_201 : i32 to index
          %swap3A_203 = tpu.vector_load %arg10[%swap3A_202] {strides = array<i32>} : memref<144xi32, #tpu.memory_space<vmem>>, vector<16xi32>,
          %swap3A_204 = vector.shape_cast %swap3A_203 : vector<16xi32> to vector<16xi32>
          %swap3A_205 = vector.shape_cast %add3A_198 : vector<16xi32> to vector<16xi32>
          tpu.vector_store %arg10[%swap3A_202], %swap3A_205 {strides = array<i32>} : memref<144xi32, #tpu.memory_space<vmem>>, vector<16xi32>,
          %slice3A_206 = vector.extract_strided_slice %get3A_62 {offsets = [8], sizes = [1], strides = [1]} : vector<16xi32> to vector<1xi32>
          %squeeze3A_207 = vector.extract %slice3A_206[0] : i32 from vector<1xi32>
          %add3A_208 = vector.broadcast %squeeze3A_207 : i32 to vector<16xi32>
          %add3A_209 = arith.addi %add3A_208, %broadcast_in_dim3A_36 : vector<16xi32>
          %slice3A_210 = vector.extract_strided_slice %sub3A_111 {offsets = [8], sizes = [1], strides = [1]} : vector<16xi32> to vector<1xi32>
          %squeeze3A_211 = vector.extract %slice3A_210[0] : i32 from vector<1xi32>
          %add3A_212 = arith.addi %cond3A_67, %squeeze3A_211 : i32
          %swap3A_213 = arith.index_cast %add3A_212 : i32 to index
          %swap3A_214 = tpu.vector_load %arg10[%swap3A_213] {strides = array<i32>} : memref<144xi32, #tpu.memory_space<vmem>>, vector<16xi32>,
          %swap3A_215 = vector.shape_cast %swap3A_214 : vector<16xi32> to vector<16xi32>
          %swap3A_216 = vector.shape_cast %add3A_209 : vector<16xi32> to vector<16xi32>
          tpu.vector_store %arg10[%swap3A_213], %swap3A_216 {strides = array<i32>} : memref<144xi32, #tpu.memory_space<vmem>>, vector<16xi32>,
          %slice3A_217 = vector.extract_strided_slice %get3A_62 {offsets = [9], sizes = [1], strides = [1]} : vector<16xi32> to vector<1xi32>
          %squeeze3A_218 = vector.extract %slice3A_217[0] : i32 from vector<1xi32>
          %add3A_219 = vector.broadcast %squeeze3A_218 : i32 to vector<16xi32>
          %add3A_220 = arith.addi %add3A_219, %broadcast_in_dim3A_36 : vector<16xi32>
          %slice3A_221 = vector.extract_strided_slice %sub3A_111 {offsets = [9], sizes = [1], strides = [1]} : vector<16xi32> to vector<1xi32>
          %squeeze3A_222 = vector.extract %slice3A_221[0] : i32 from vector<1xi32>
          %add3A_223 = arith.addi %cond3A_67, %squeeze3A_222 : i32
          %swap3A_224 = arith.index_cast %add3A_223 : i32 to index
          %swap3A_225 = tpu.vector_load %arg10[%swap3A_224] {strides = array<i32>} : memref<144xi32, #tpu.memory_space<vmem>>, vector<16xi32>,
          %swap3A_226 = vector.shape_cast %swap3A_225 : vector<16xi32> to vector<16xi32>
          %swap3A_227 = vector.shape_cast %add3A_220 : vector<16xi32> to vector<16xi32>
          tpu.vector_store %arg10[%swap3A_224], %swap3A_227 {strides = array<i32>} : memref<144xi32, #tpu.memory_space<vmem>>, vector<16xi32>,
          %slice3A_228 = vector.extract_strided_slice %get3A_62 {offsets = [10], sizes = [1], strides = [1]} : vector<16xi32> to vector<1xi32>
          %squeeze3A_229 = vector.extract %slice3A_228[0] : i32 from vector<1xi32>
          %add3A_230 = vector.broadcast %squeeze3A_229 : i32 to vector<16xi32>
          %add3A_231 = arith.addi %add3A_230, %broadcast_in_dim3A_36 : vector<16xi32>
          %slice3A_232 = vector.extract_strided_slice %sub3A_111 {offsets = [10], sizes = [1], strides = [1]} : vector<16xi32> to vector<1xi32>
          %squeeze3A_233 = vector.extract %slice3A_232[0] : i32 from vector<1xi32>
          %add3A_234 = arith.addi %cond3A_67, %squeeze3A_233 : i32
          %swap3A_235 = arith.index_cast %add3A_234 : i32 to index
          %swap3A_236 = tpu.vector_load %arg10[%swap3A_235] {strides = array<i32>} : memref<144xi32, #tpu.memory_space<vmem>>, vector<16xi32>,
          %swap3A_237 = vector.shape_cast %swap3A_236 : vector<16xi32> to vector<16xi32>
          %swap3A_238 = vector.shape_cast %add3A_231 : vector<16xi32> to vector<16xi32>
          tpu.vector_store %arg10[%swap3A_235], %swap3A_238 {strides = array<i32>} : memref<144xi32, #tpu.memory_space<vmem>>, vector<16xi32>,
          %slice3A_239 = vector.extract_strided_slice %get3A_62 {offsets = [11], sizes = [1], strides = [1]} : vector<16xi32> to vector<1xi32>
          %squeeze3A_240 = vector.extract %slice3A_239[0] : i32 from vector<1xi32>
          %add3A_241 = vector.broadcast %squeeze3A_240 : i32 to vector<16xi32>
          %add3A_242 = arith.addi %add3A_241, %broadcast_in_dim3A_36 : vector<16xi32>
          %slice3A_243 = vector.extract_strided_slice %sub3A_111 {offsets = [11], sizes = [1], strides = [1]} : vector<16xi32> to vector<1xi32>
          %squeeze3A_244 = vector.extract %slice3A_243[0] : i32 from vector<1xi32>
          %add3A_245 = arith.addi %cond3A_67, %squeeze3A_244 : i32
          %swap3A_246 = arith.index_cast %add3A_245 : i32 to index
          %swap3A_247 = tpu.vector_load %arg10[%swap3A_246] {strides = array<i32>} : memref<144xi32, #tpu.memory_space<vmem>>, vector<16xi32>,
          %swap3A_248 = vector.shape_cast %swap3A_247 : vector<16xi32> to vector<16xi32>
          %swap3A_249 = vector.shape_cast %add3A_242 : vector<16xi32> to vector<16xi32>
          tpu.vector_store %arg10[%swap3A_246], %swap3A_249 {strides = array<i32>} : memref<144xi32, #tpu.memory_space<vmem>>, vector<16xi32>,
          %slice3A_250 = vector.extract_strided_slice %get3A_62 {offsets = [12], sizes = [1], strides = [1]} : vector<16xi32> to vector<1xi32>
          %squeeze3A_251 = vector.extract %slice3A_250[0] : i32 from vector<1xi32>
          %add3A_252 = vector.broadcast %squeeze3A_251 : i32 to vector<16xi32>
          %add3A_253 = arith.addi %add3A_252, %broadcast_in_dim3A_36 : vector<16xi32>
          %slice3A_254 = vector.extract_strided_slice %sub3A_111 {offsets = [12], sizes = [1], strides = [1]} : vector<16xi32> to vector<1xi32>
          %squeeze3A_255 = vector.extract %slice3A_254[0] : i32 from vector<1xi32>
          %add3A_256 = arith.addi %cond3A_67, %squeeze3A_255 : i32
          %swap3A_257 = arith.index_cast %add3A_256 : i32 to index
          %swap3A_258 = tpu.vector_load %arg10[%swap3A_257] {strides = array<i32>} : memref<144xi32, #tpu.memory_space<vmem>>, vector<16xi32>,
          %swap3A_259 = vector.shape_cast %swap3A_258 : vector<16xi32> to vector<16xi32>
          %swap3A_260 = vector.shape_cast %add3A_253 : vector<16xi32> to vector<16xi32>
          tpu.vector_store %arg10[%swap3A_257], %swap3A_260 {strides = array<i32>} : memref<144xi32, #tpu.memory_space<vmem>>, vector<16xi32>,
          %slice3A_261 = vector.extract_strided_slice %get3A_62 {offsets = [13], sizes = [1], strides = [1]} : vector<16xi32> to vector<1xi32>
          %squeeze3A_262 = vector.extract %slice3A_261[0] : i32 from vector<1xi32>
          %add3A_263 = vector.broadcast %squeeze3A_262 : i32 to vector<16xi32>
          %add3A_264 = arith.addi %add3A_263, %broadcast_in_dim3A_36 : vector<16xi32>
          %slice3A_265 = vector.extract_strided_slice %sub3A_111 {offsets = [13], sizes = [1], strides = [1]} : vector<16xi32> to vector<1xi32>
          %squeeze3A_266 = vector.extract %slice3A_265[0] : i32 from vector<1xi32>
          %add3A_267 = arith.addi %cond3A_67, %squeeze3A_266 : i32
          %swap3A_268 = arith.index_cast %add3A_267 : i32 to index
          %swap3A_269 = tpu.vector_load %arg10[%swap3A_268] {strides = array<i32>} : memref<144xi32, #tpu.memory_space<vmem>>, vector<16xi32>,
          %swap3A_270 = vector.shape_cast %swap3A_269 : vector<16xi32> to vector<16xi32>
          %swap3A_271 = vector.shape_cast %add3A_264 : vector<16xi32> to vector<16xi32>
          tpu.vector_store %arg10[%swap3A_268], %swap3A_271 {strides = array<i32>} : memref<144xi32, #tpu.memory_space<vmem>>, vector<16xi32>,
          %slice3A_272 = vector.extract_strided_slice %get3A_62 {offsets = [14], sizes = [1], strides = [1]} : vector<16xi32> to vector<1xi32>
          %squeeze3A_273 = vector.extract %slice3A_272[0] : i32 from vector<1xi32>
          %add3A_274 = vector.broadcast %squeeze3A_273 : i32 to vector<16xi32>
          %add3A_275 = arith.addi %add3A_274, %broadcast_in_dim3A_36 : vector<16xi32>
          %slice3A_276 = vector.extract_strided_slice %sub3A_111 {offsets = [14], sizes = [1], strides = [1]} : vector<16xi32> to vector<1xi32>
          %squeeze3A_277 = vector.extract %slice3A_276[0] : i32 from vector<1xi32>
          %add3A_278 = arith.addi %cond3A_67, %squeeze3A_277 : i32
          %swap3A_279 = arith.index_cast %add3A_278 : i32 to index
          %swap3A_280 = tpu.vector_load %arg10[%swap3A_279] {strides = array<i32>} : memref<144xi32, #tpu.memory_space<vmem>>, vector<16xi32>,
          %swap3A_281 = vector.shape_cast %swap3A_280 : vector<16xi32> to vector<16xi32>
          %swap3A_282 = vector.shape_cast %add3A_275 : vector<16xi32> to vector<16xi32>
          tpu.vector_store %arg10[%swap3A_279], %swap3A_282 {strides = array<i32>} : memref<144xi32, #tpu.memory_space<vmem>>, vector<16xi32>,
          %slice3A_283 = vector.extract_strided_slice %get3A_62 {offsets = [15], sizes = [1], strides = [1]} : vector<16xi32> to vector<1xi32>
          %squeeze3A_284 = vector.extract %slice3A_283[0] : i32 from vector<1xi32>
          %add3A_285 = vector.broadcast %squeeze3A_284 : i32 to vector<16xi32>
          %add3A_286 = arith.addi %add3A_285, %broadcast_in_dim3A_36 : vector<16xi32>
          %slice3A_287 = vector.extract_strided_slice %sub3A_111 {offsets = [15], sizes = [1], strides = [1]} : vector<16xi32> to vector<1xi32>
          %squeeze3A_288 = vector.extract %slice3A_287[0] : i32 from vector<1xi32>
          %add3A_289 = arith.addi %cond3A_67, %squeeze3A_288 : i32
          %swap3A_290 = arith.index_cast %add3A_289 : i32 to index
          %swap3A_291 = tpu.vector_load %arg10[%swap3A_290] {strides = array<i32>} : memref<144xi32, #tpu.memory_space<vmem>>, vector<16xi32>,
          %swap3A_292 = vector.shape_cast %swap3A_291 : vector<16xi32> to vector<16xi32>
          %swap3A_293 = vector.shape_cast %add3A_286 : vector<16xi32> to vector<16xi32>
          tpu.vector_store %arg10[%swap3A_290], %swap3A_293 {strides = array<i32>} : memref<144xi32, #tpu.memory_space<vmem>>, vector<16xi32>,
          %add3A_294 = arith.addi %cond3A_67, %squeeze3A : i32
          scf.yield %add3A_294 : i32
        } else {
          scf.yield %cond3A_67 : i32
        }
        scf.yield %cond3A_117 : i32
      }
      %scan3A_56 = arith.constant 125 : i32
      scf.yield %scan3A_55 : i32
    }
    %scan3A_43 = arith.constant 160 : i32
    %gt3A = arith.constant 0 : i32
    %gt3A_44 = arith.cmpi sgt, %scan3A_42, %gt3A : i32
    %convert_element_type3A = arith.extui %gt3A_44 : i1 to i32
    %cond3A = arith.constant 0 : i32
    %cond3A_45 = arith.cmpi ne, %convert_element_type3A, %cond3A : i32
    %cond3A_46 = scf.if %cond3A_45 -> (i32) {
      %scan3A_47 = arith.constant 0 : i32
      %scan3A_48 = arith.constant 0 : i32
      %scan3A_49 = arith.constant 9 : i32
      %scan3A_50 = arith.addi %scan3A_48, %scan3A_49 : i32
      %scan3A_51 = arith.constant 1 : i32
      %scan3A_52 = scf.for %scan3A_70 = %scan3A_48 to %scan3A_50 step %scan3A_51 iter_args(%scan3A_71 = %scan3A_47) -> (i32)  : i32 {
        %mul3A_72 = arith.constant 16 : i32
        %mul3A_73 = arith.muli %scan3A_70, %mul3A_72 : i32
        %get3A = arith.index_cast %mul3A_73 : i32 to index
        %get3A_74 = tpu.vector_load %arg10[%get3A] {strides = array<i32>} : memref<144xi32, #tpu.memory_space<vmem>>, vector<16xi32>,
        %get3A_75 = vector.shape_cast %get3A_74 : vector<16xi32> to vector<16xi32>
        %and3A = arith.constant 16383 : i32
        %and3A_76 = vector.broadcast %and3A : i32 to vector<16xi32>
        %and3A_77 = arith.andi %get3A_75, %and3A_76 : vector<16xi32>
        %mul3A_78 = arith.constant 16 : i32
        %mul3A_79 = arith.muli %scan3A_70, %mul3A_78 : i32
        %swap3A = arith.index_cast %mul3A_79 : i32 to index
        %swap3A_80 = tpu.vector_load %arg11[%swap3A] {strides = array<i32>} : memref<144xi32, #tpu.memory_space<vmem>>, vector<16xi32>,
        %swap3A_81 = vector.shape_cast %swap3A_80 : vector<16xi32> to vector<16xi32>
        %swap3A_82 = vector.shape_cast %and3A_77 : vector<16xi32> to vector<16xi32>
        tpu.vector_store %arg11[%swap3A], %swap3A_82 {strides = array<i32>} : memref<144xi32, #tpu.memory_space<vmem>>, vector<16xi32>,
        %scan3A_83 = arith.constant 0 : i32
        scf.yield %scan3A_83 : i32
      }
      %scan3A_53 = arith.constant 9 : i32
      %dma_start3A = arith.constant 0 : i32
      %dma_start3A_54 = arith.constant 0 : i32
      %dma_start3A_55 = tpu.memref_slice %arg3[%dma_start3A, %dma_start3A_54] : memref<10000x64xf32, #tpu.memory_space<hbm>> -> memref<10000x64xf32, #tpu.memory_space<hbm>>
      tpu.enqueue_indirect_dma source(%dma_start3A_55 : memref<10000x64xf32, #tpu.memory_space<hbm>>) target(%arg13 : memref<144x64xf32, #tpu.memory_space<vmem>>) offsets(%arg11 : memref<144xi32, #tpu.memory_space<vmem>>) semaphore(%arg19 : memref<!tpu.dma_semaphore, #tpu.memory_space<semaphore_mem>>)
      %dma_wait3A = arith.constant 0 : i32
      %dma_wait3A_56 = arith.constant 0 : i32
      %dma_wait3A_57 = tpu.memref_slice %arg3[%dma_wait3A, %dma_wait3A_56] : memref<10000x64xf32, #tpu.memory_space<hbm>> -> memref<10000x64xf32, #tpu.memory_space<hbm>>
      tpu.wait_indirect_dma semaphore(%arg19 : memref<!tpu.dma_semaphore, #tpu.memory_space<semaphore_mem>>) src(%dma_wait3A_57 : memref<10000x64xf32, #tpu.memory_space<hbm>>) dst(%arg13 : memref<144x64xf32, #tpu.memory_space<vmem>>)
      %while3A = arith.constant 0 : i32
      %while3A_58 = arith.constant 0 : i32
      %while3A_59 = arith.subi %scan3A_42, %while3A : i32
      %while3A_60 = arith.addi %while3A, %while3A_59 : i32
      %while3A_61 = arith.constant 1 : i32
      %while3A_62 = arith.divsi %while3A_59, %while3A_61 : i32
      %while3A_63 = arith.muli %while3A_62, %while3A_61 : i32
      %while3A_64 = arith.addi %while3A, %while3A_63 : i32
      %while3A_65 = arith.constant 1 : i32
      %while3A_66 = scf.for %while3A_70 = %while3A to %while3A_64 step %while3A_65 iter_args(%while3A_71 = %while3A_58) -> (i32)  : i32 {
        %get3A = arith.index_cast %while3A_70 : i32 to index
        %get3A_72 = tpu.vector_load %arg10[%get3A] {strides = array<i32>} : memref<144xi32, #tpu.memory_space<vmem>>, vector<16xi32>,
        %get3A_73 = vector.shape_cast %get3A_72 : vector<16xi32> to vector<16xi32>
        %slice3A = vector.extract_strided_slice %get3A_73 {offsets = [0], sizes = [1], strides = [1]} : vector<16xi32> to vector<1xi32>
        %squeeze3A = vector.extract %slice3A[0] : i32 from vector<1xi32>
        %shift_right_logical3A = arith.constant 14 : i32
        %shift_right_logical3A_74 = arith.shrui %squeeze3A, %shift_right_logical3A : i32
        %sub3A = arith.subi %shift_right_logical3A_74, %mul3A_2 : i32
        %shift_right_logical3A_75 = arith.constant 4 : i32
        %shift_right_logical3A_76 = arith.shrui %sub3A, %shift_right_logical3A_75 : i32
        %mul3A_77 = arith.constant 16 : i32
        %mul3A_78 = arith.muli %shift_right_logical3A_76, %mul3A_77 : i32
        %sub3A_79 = arith.subi %sub3A, %mul3A_78 : i32
        %sub3A_80 = vector.broadcast %sub3A_79 : i32 to vector<16xi32>
        %sub3A_81 = arith.subi %iota3A, %sub3A_80 : vector<16xi32>
        %abs3A = math.absi %sub3A_81 : vector<16xi32>
        %min3A = arith.constant 1 : i32
        %min3A_82 = vector.broadcast %min3A : i32 to vector<16xi32>
        %min3A_83 = arith.minsi %abs3A, %min3A_82 : vector<16xi32>
        %sub3A_84 = arith.constant 1 : i32
        %sub3A_85 = vector.broadcast %sub3A_84 : i32 to vector<16xi32>
        %sub3A_86 = arith.subi %sub3A_85, %min3A_83 : vector<16xi32>
        %convert_element_type3A_87 = arith.sitofp %sub3A_86 : vector<16xi32> to vector<16xf32>
        %get3A_88 = arith.index_cast %shift_right_logical3A_76 : i32 to index
        %get3A_89 = arith.constant 0 : index
        %get3A_90 = tpu.vector_load %arg18[%get3A_88, %get3A_89] {strides = array<i32>} : memref<20x16xf32, #tpu.memory_space<vmem>>, vector<1x16xf32>,
        %get3A_91 = vector.shape_cast %get3A_90 : vector<1x16xf32> to vector<16xf32>
        %add3A_92 = arith.addf %get3A_91, %convert_element_type3A_87 : vector<16xf32>
        %swap3A = arith.index_cast %shift_right_logical3A_76 : i32 to index
        %swap3A_93 = arith.constant 0 : index
        %swap3A_94 = tpu.vector_load %arg18[%swap3A, %swap3A_93] {strides = array<i32>} : memref<20x16xf32, #tpu.memory_space<vmem>>, vector<1x16xf32>,
        %swap3A_95 = vector.shape_cast %swap3A_94 : vector<1x16xf32> to vector<16xf32>
        %swap3A_96 = vector.shape_cast %add3A_92 : vector<16xf32> to vector<1x16xf32>
        tpu.vector_store %arg18[%swap3A, %swap3A_93], %swap3A_96 {strides = array<i32>} : memref<20x16xf32, #tpu.memory_space<vmem>>, vector<1x16xf32>,
        %get3A_97 = arith.index_cast %while3A_70 : i32 to index
        %get3A_98 = arith.constant 0 : index
        %get3A_99 = tpu.vector_load %arg13[%get3A_97, %get3A_98] {strides = array<i32>} : memref<144x64xf32, #tpu.memory_space<vmem>>, vector<1x16xf32>,
        %get3A_100 = vector.shape_cast %get3A_99 : vector<1x16xf32> to vector<16xf32>
        %get3A_101 = arith.index_cast %sub3A : i32 to index
        %get3A_102 = arith.constant 0 : index
        %get3A_103 = tpu.vector_load %arg14[%get3A_101, %get3A_102] {strides = array<i32>} : memref<320x64xf32, #tpu.memory_space<vmem>>, vector<1x16xf32>,
        %get3A_104 = vector.shape_cast %get3A_103 : vector<1x16xf32> to vector<16xf32>
        %add3A_105 = arith.addf %get3A_104, %get3A_100 : vector<16xf32>
        %swap3A_106 = arith.index_cast %sub3A : i32 to index
        %swap3A_107 = arith.constant 0 : index
        %swap3A_108 = tpu.vector_load %arg14[%swap3A_106, %swap3A_107] {strides = array<i32>} : memref<320x64xf32, #tpu.memory_space<vmem>>, vector<1x16xf32>,
        %swap3A_109 = vector.shape_cast %swap3A_108 : vector<1x16xf32> to vector<16xf32>
        %swap3A_110 = vector.shape_cast %add3A_105 : vector<16xf32> to vector<1x16xf32>
        tpu.vector_store %arg14[%swap3A_106, %swap3A_107], %swap3A_110 {strides = array<i32>} : memref<320x64xf32, #tpu.memory_space<vmem>>, vector<1x16xf32>,
        %get3A_111 = arith.index_cast %sub3A : i32 to index
        %get3A_112 = arith.constant 0 : index
        %get3A_113 = tpu.vector_load %arg15[%get3A_111, %get3A_112] {strides = array<i32>} : memref<320x64xf32, #tpu.memory_space<vmem>>, vector<1x16xf32>,
        %get3A_114 = vector.shape_cast %get3A_113 : vector<1x16xf32> to vector<16xf32>
        %mul3A_115 = arith.mulf %get3A_100, %get3A_100 : vector<16xf32>
        %add3A_116 = arith.addf %get3A_114, %mul3A_115 : vector<16xf32>
        %swap3A_117 = arith.index_cast %sub3A : i32 to index
        %swap3A_118 = arith.constant 0 : index
        %swap3A_119 = tpu.vector_load %arg15[%swap3A_117, %swap3A_118] {strides = array<i32>} : memref<320x64xf32, #tpu.memory_space<vmem>>, vector<1x16xf32>,
        %swap3A_120 = vector.shape_cast %swap3A_119 : vector<1x16xf32> to vector<16xf32>
        %swap3A_121 = vector.shape_cast %add3A_116 : vector<16xf32> to vector<1x16xf32>
        tpu.vector_store %arg15[%swap3A_117, %swap3A_118], %swap3A_121 {strides = array<i32>} : memref<320x64xf32, #tpu.memory_space<vmem>>, vector<1x16xf32>,
        %get3A_122 = arith.index_cast %sub3A : i32 to index
        %get3A_123 = arith.constant 0 : index
        %get3A_124 = tpu.vector_load %arg16[%get3A_122, %get3A_123] {strides = array<i32>} : memref<320x64xf32, #tpu.memory_space<vmem>>, vector<1x16xf32>,
        %get3A_125 = vector.shape_cast %get3A_124 : vector<1x16xf32> to vector<16xf32>
        %max3A = arith.maximumf %get3A_125, %get3A_100 : vector<16xf32>
        %swap3A_126 = arith.index_cast %sub3A : i32 to index
        %swap3A_127 = arith.constant 0 : index
        %swap3A_128 = tpu.vector_load %arg16[%swap3A_126, %swap3A_127] {strides = array<i32>} : memref<320x64xf32, #tpu.memory_space<vmem>>, vector<1x16xf32>,
        %swap3A_129 = vector.shape_cast %swap3A_128 : vector<1x16xf32> to vector<16xf32>
        %swap3A_130 = vector.shape_cast %max3A : vector<16xf32> to vector<1x16xf32>
        tpu.vector_store %arg16[%swap3A_126, %swap3A_127], %swap3A_130 {strides = array<i32>} : memref<320x64xf32, #tpu.memory_space<vmem>>, vector<1x16xf32>,
        %get3A_131 = arith.index_cast %sub3A : i32 to index
        %get3A_132 = arith.constant 0 : index
        %get3A_133 = tpu.vector_load %arg17[%get3A_131, %get3A_132] {strides = array<i32>} : memref<320x64xf32, #tpu.memory_space<vmem>>, vector<1x16xf32>,
        %get3A_134 = vector.shape_cast %get3A_133 : vector<1x16xf32> to vector<16xf32>
        %min3A_135 = arith.minimumf %get3A_134, %get3A_100 : vector<16xf32>
        %swap3A_136 = arith.index_cast %sub3A : i32 to index
        %swap3A_137 = arith.constant 0 : index
        %swap3A_138 = tpu.vector_load %arg17[%swap3A_136, %swap3A_137] {strides = array<i32>} : memref<320x64xf32, #tpu.memory_space<vmem>>, vector<1x16xf32>,
        %swap3A_139 = vector.shape_cast %swap3A_138 : vector<1x16xf32> to vector<16xf32>
        %swap3A_140 = vector.shape_cast %min3A_135 : vector<16xf32> to vector<1x16xf32>
        tpu.vector_store %arg17[%swap3A_136, %swap3A_137], %swap3A_140 {strides = array<i32>} : memref<320x64xf32, #tpu.memory_space<vmem>>, vector<1x16xf32>,
        %get3A_141 = arith.index_cast %while3A_70 : i32 to index
        %get3A_142 = arith.constant 16 : index
        %get3A_143 = tpu.vector_load %arg13[%get3A_141, %get3A_142] {strides = array<i32>} : memref<144x64xf32, #tpu.memory_space<vmem>>, vector<1x16xf32>,
        %get3A_144 = vector.shape_cast %get3A_143 : vector<1x16xf32> to vector<16xf32>
        %get3A_145 = arith.index_cast %sub3A : i32 to index
        %get3A_146 = arith.constant 16 : index
        %get3A_147 = tpu.vector_load %arg14[%get3A_145, %get3A_146] {strides = array<i32>} : memref<320x64xf32, #tpu.memory_space<vmem>>, vector<1x16xf32>,
        %get3A_148 = vector.shape_cast %get3A_147 : vector<1x16xf32> to vector<16xf32>
        %add3A_149 = arith.addf %get3A_148, %get3A_144 : vector<16xf32>
        %swap3A_150 = arith.index_cast %sub3A : i32 to index
        %swap3A_151 = arith.constant 16 : index
        %swap3A_152 = tpu.vector_load %arg14[%swap3A_150, %swap3A_151] {strides = array<i32>} : memref<320x64xf32, #tpu.memory_space<vmem>>, vector<1x16xf32>,
        %swap3A_153 = vector.shape_cast %swap3A_152 : vector<1x16xf32> to vector<16xf32>
        %swap3A_154 = vector.shape_cast %add3A_149 : vector<16xf32> to vector<1x16xf32>
        tpu.vector_store %arg14[%swap3A_150, %swap3A_151], %swap3A_154 {strides = array<i32>} : memref<320x64xf32, #tpu.memory_space<vmem>>, vector<1x16xf32>,
        %get3A_155 = arith.index_cast %sub3A : i32 to index
        %get3A_156 = arith.constant 16 : index
        %get3A_157 = tpu.vector_load %arg15[%get3A_155, %get3A_156] {strides = array<i32>} : memref<320x64xf32, #tpu.memory_space<vmem>>, vector<1x16xf32>,
        %get3A_158 = vector.shape_cast %get3A_157 : vector<1x16xf32> to vector<16xf32>
        %mul3A_159 = arith.mulf %get3A_144, %get3A_144 : vector<16xf32>
        %add3A_160 = arith.addf %get3A_158, %mul3A_159 : vector<16xf32>
        %swap3A_161 = arith.index_cast %sub3A : i32 to index
        %swap3A_162 = arith.constant 16 : index
        %swap3A_163 = tpu.vector_load %arg15[%swap3A_161, %swap3A_162] {strides = array<i32>} : memref<320x64xf32, #tpu.memory_space<vmem>>, vector<1x16xf32>,
        %swap3A_164 = vector.shape_cast %swap3A_163 : vector<1x16xf32> to vector<16xf32>
        %swap3A_165 = vector.shape_cast %add3A_160 : vector<16xf32> to vector<1x16xf32>
        tpu.vector_store %arg15[%swap3A_161, %swap3A_162], %swap3A_165 {strides = array<i32>} : memref<320x64xf32, #tpu.memory_space<vmem>>, vector<1x16xf32>,
        %get3A_166 = arith.index_cast %sub3A : i32 to index
        %get3A_167 = arith.constant 16 : index
        %get3A_168 = tpu.vector_load %arg16[%get3A_166, %get3A_167] {strides = array<i32>} : memref<320x64xf32, #tpu.memory_space<vmem>>, vector<1x16xf32>,
        %get3A_169 = vector.shape_cast %get3A_168 : vector<1x16xf32> to vector<16xf32>
        %max3A_170 = arith.maximumf %get3A_169, %get3A_144 : vector<16xf32>
        %swap3A_171 = arith.index_cast %sub3A : i32 to index
        %swap3A_172 = arith.constant 16 : index
        %swap3A_173 = tpu.vector_load %arg16[%swap3A_171, %swap3A_172] {strides = array<i32>} : memref<320x64xf32, #tpu.memory_space<vmem>>, vector<1x16xf32>,
        %swap3A_174 = vector.shape_cast %swap3A_173 : vector<1x16xf32> to vector<16xf32>
        %swap3A_175 = vector.shape_cast %max3A_170 : vector<16xf32> to vector<1x16xf32>
        tpu.vector_store %arg16[%swap3A_171, %swap3A_172], %swap3A_175 {strides = array<i32>} : memref<320x64xf32, #tpu.memory_space<vmem>>, vector<1x16xf32>,
        %get3A_176 = arith.index_cast %sub3A : i32 to index
        %get3A_177 = arith.constant 16 : index
        %get3A_178 = tpu.vector_load %arg17[%get3A_176, %get3A_177] {strides = array<i32>} : memref<320x64xf32, #tpu.memory_space<vmem>>, vector<1x16xf32>,
        %get3A_179 = vector.shape_cast %get3A_178 : vector<1x16xf32> to vector<16xf32>
        %min3A_180 = arith.minimumf %get3A_179, %get3A_144 : vector<16xf32>
        %swap3A_181 = arith.index_cast %sub3A : i32 to index
        %swap3A_182 = arith.constant 16 : index
        %swap3A_183 = tpu.vector_load %arg17[%swap3A_181, %swap3A_182] {strides = array<i32>} : memref<320x64xf32, #tpu.memory_space<vmem>>, vector<1x16xf32>,
        %swap3A_184 = vector.shape_cast %swap3A_183 : vector<1x16xf32> to vector<16xf32>
        %swap3A_185 = vector.shape_cast %min3A_180 : vector<16xf32> to vector<1x16xf32>
        tpu.vector_store %arg17[%swap3A_181, %swap3A_182], %swap3A_185 {strides = array<i32>} : memref<320x64xf32, #tpu.memory_space<vmem>>, vector<1x16xf32>,
        %get3A_186 = arith.index_cast %while3A_70 : i32 to index
        %get3A_187 = arith.constant 32 : index
        %get3A_188 = tpu.vector_load %arg13[%get3A_186, %get3A_187] {strides = array<i32>} : memref<144x64xf32, #tpu.memory_space<vmem>>, vector<1x16xf32>,
        %get3A_189 = vector.shape_cast %get3A_188 : vector<1x16xf32> to vector<16xf32>
        %get3A_190 = arith.index_cast %sub3A : i32 to index
        %get3A_191 = arith.constant 32 : index
        %get3A_192 = tpu.vector_load %arg14[%get3A_190, %get3A_191] {strides = array<i32>} : memref<320x64xf32, #tpu.memory_space<vmem>>, vector<1x16xf32>,
        %get3A_193 = vector.shape_cast %get3A_192 : vector<1x16xf32> to vector<16xf32>
        %add3A_194 = arith.addf %get3A_193, %get3A_189 : vector<16xf32>
        %swap3A_195 = arith.index_cast %sub3A : i32 to index
        %swap3A_196 = arith.constant 32 : index
        %swap3A_197 = tpu.vector_load %arg14[%swap3A_195, %swap3A_196] {strides = array<i32>} : memref<320x64xf32, #tpu.memory_space<vmem>>, vector<1x16xf32>,
        %swap3A_198 = vector.shape_cast %swap3A_197 : vector<1x16xf32> to vector<16xf32>
        %swap3A_199 = vector.shape_cast %add3A_194 : vector<16xf32> to vector<1x16xf32>
        tpu.vector_store %arg14[%swap3A_195, %swap3A_196], %swap3A_199 {strides = array<i32>} : memref<320x64xf32, #tpu.memory_space<vmem>>, vector<1x16xf32>,
        %get3A_200 = arith.index_cast %sub3A : i32 to index
        %get3A_201 = arith.constant 32 : index
        %get3A_202 = tpu.vector_load %arg15[%get3A_200, %get3A_201] {strides = array<i32>} : memref<320x64xf32, #tpu.memory_space<vmem>>, vector<1x16xf32>,
        %get3A_203 = vector.shape_cast %get3A_202 : vector<1x16xf32> to vector<16xf32>
        %mul3A_204 = arith.mulf %get3A_189, %get3A_189 : vector<16xf32>
        %add3A_205 = arith.addf %get3A_203, %mul3A_204 : vector<16xf32>
        %swap3A_206 = arith.index_cast %sub3A : i32 to index
        %swap3A_207 = arith.constant 32 : index
        %swap3A_208 = tpu.vector_load %arg15[%swap3A_206, %swap3A_207] {strides = array<i32>} : memref<320x64xf32, #tpu.memory_space<vmem>>, vector<1x16xf32>,
        %swap3A_209 = vector.shape_cast %swap3A_208 : vector<1x16xf32> to vector<16xf32>
        %swap3A_210 = vector.shape_cast %add3A_205 : vector<16xf32> to vector<1x16xf32>
        tpu.vector_store %arg15[%swap3A_206, %swap3A_207], %swap3A_210 {strides = array<i32>} : memref<320x64xf32, #tpu.memory_space<vmem>>, vector<1x16xf32>,
        %get3A_211 = arith.index_cast %sub3A : i32 to index
        %get3A_212 = arith.constant 32 : index
        %get3A_213 = tpu.vector_load %arg16[%get3A_211, %get3A_212] {strides = array<i32>} : memref<320x64xf32, #tpu.memory_space<vmem>>, vector<1x16xf32>,
        %get3A_214 = vector.shape_cast %get3A_213 : vector<1x16xf32> to vector<16xf32>
        %max3A_215 = arith.maximumf %get3A_214, %get3A_189 : vector<16xf32>
        %swap3A_216 = arith.index_cast %sub3A : i32 to index
        %swap3A_217 = arith.constant 32 : index
        %swap3A_218 = tpu.vector_load %arg16[%swap3A_216, %swap3A_217] {strides = array<i32>} : memref<320x64xf32, #tpu.memory_space<vmem>>, vector<1x16xf32>,
        %swap3A_219 = vector.shape_cast %swap3A_218 : vector<1x16xf32> to vector<16xf32>
        %swap3A_220 = vector.shape_cast %max3A_215 : vector<16xf32> to vector<1x16xf32>
        tpu.vector_store %arg16[%swap3A_216, %swap3A_217], %swap3A_220 {strides = array<i32>} : memref<320x64xf32, #tpu.memory_space<vmem>>, vector<1x16xf32>,
        %get3A_221 = arith.index_cast %sub3A : i32 to index
        %get3A_222 = arith.constant 32 : index
        %get3A_223 = tpu.vector_load %arg17[%get3A_221, %get3A_222] {strides = array<i32>} : memref<320x64xf32, #tpu.memory_space<vmem>>, vector<1x16xf32>,
        %get3A_224 = vector.shape_cast %get3A_223 : vector<1x16xf32> to vector<16xf32>
        %min3A_225 = arith.minimumf %get3A_224, %get3A_189 : vector<16xf32>
        %swap3A_226 = arith.index_cast %sub3A : i32 to index
        %swap3A_227 = arith.constant 32 : index
        %swap3A_228 = tpu.vector_load %arg17[%swap3A_226, %swap3A_227] {strides = array<i32>} : memref<320x64xf32, #tpu.memory_space<vmem>>, vector<1x16xf32>,
        %swap3A_229 = vector.shape_cast %swap3A_228 : vector<1x16xf32> to vector<16xf32>
        %swap3A_230 = vector.shape_cast %min3A_225 : vector<16xf32> to vector<1x16xf32>
        tpu.vector_store %arg17[%swap3A_226, %swap3A_227], %swap3A_230 {strides = array<i32>} : memref<320x64xf32, #tpu.memory_space<vmem>>, vector<1x16xf32>,
        %get3A_231 = arith.index_cast %while3A_70 : i32 to index
        %get3A_232 = arith.constant 48 : index
        %get3A_233 = tpu.vector_load %arg13[%get3A_231, %get3A_232] {strides = array<i32>} : memref<144x64xf32, #tpu.memory_space<vmem>>, vector<1x16xf32>,
        %get3A_234 = vector.shape_cast %get3A_233 : vector<1x16xf32> to vector<16xf32>
        %get3A_235 = arith.index_cast %sub3A : i32 to index
        %get3A_236 = arith.constant 48 : index
        %get3A_237 = tpu.vector_load %arg14[%get3A_235, %get3A_236] {strides = array<i32>} : memref<320x64xf32, #tpu.memory_space<vmem>>, vector<1x16xf32>,
        %get3A_238 = vector.shape_cast %get3A_237 : vector<1x16xf32> to vector<16xf32>
        %add3A_239 = arith.addf %get3A_238, %get3A_234 : vector<16xf32>
        %swap3A_240 = arith.index_cast %sub3A : i32 to index
        %swap3A_241 = arith.constant 48 : index
        %swap3A_242 = tpu.vector_load %arg14[%swap3A_240, %swap3A_241] {strides = array<i32>} : memref<320x64xf32, #tpu.memory_space<vmem>>, vector<1x16xf32>,
        %swap3A_243 = vector.shape_cast %swap3A_242 : vector<1x16xf32> to vector<16xf32>
        %swap3A_244 = vector.shape_cast %add3A_239 : vector<16xf32> to vector<1x16xf32>
        tpu.vector_store %arg14[%swap3A_240, %swap3A_241], %swap3A_244 {strides = array<i32>} : memref<320x64xf32, #tpu.memory_space<vmem>>, vector<1x16xf32>,
        %get3A_245 = arith.index_cast %sub3A : i32 to index
        %get3A_246 = arith.constant 48 : index
        %get3A_247 = tpu.vector_load %arg15[%get3A_245, %get3A_246] {strides = array<i32>} : memref<320x64xf32, #tpu.memory_space<vmem>>, vector<1x16xf32>,
        %get3A_248 = vector.shape_cast %get3A_247 : vector<1x16xf32> to vector<16xf32>
        %mul3A_249 = arith.mulf %get3A_234, %get3A_234 : vector<16xf32>
        %add3A_250 = arith.addf %get3A_248, %mul3A_249 : vector<16xf32>
        %swap3A_251 = arith.index_cast %sub3A : i32 to index
        %swap3A_252 = arith.constant 48 : index
        %swap3A_253 = tpu.vector_load %arg15[%swap3A_251, %swap3A_252] {strides = array<i32>} : memref<320x64xf32, #tpu.memory_space<vmem>>, vector<1x16xf32>,
        %swap3A_254 = vector.shape_cast %swap3A_253 : vector<1x16xf32> to vector<16xf32>
        %swap3A_255 = vector.shape_cast %add3A_250 : vector<16xf32> to vector<1x16xf32>
        tpu.vector_store %arg15[%swap3A_251, %swap3A_252], %swap3A_255 {strides = array<i32>} : memref<320x64xf32, #tpu.memory_space<vmem>>, vector<1x16xf32>,
        %get3A_256 = arith.index_cast %sub3A : i32 to index
        %get3A_257 = arith.constant 48 : index
        %get3A_258 = tpu.vector_load %arg16[%get3A_256, %get3A_257] {strides = array<i32>} : memref<320x64xf32, #tpu.memory_space<vmem>>, vector<1x16xf32>,
        %get3A_259 = vector.shape_cast %get3A_258 : vector<1x16xf32> to vector<16xf32>
        %max3A_260 = arith.maximumf %get3A_259, %get3A_234 : vector<16xf32>
        %swap3A_261 = arith.index_cast %sub3A : i32 to index
        %swap3A_262 = arith.constant 48 : index
        %swap3A_263 = tpu.vector_load %arg16[%swap3A_261, %swap3A_262] {strides = array<i32>} : memref<320x64xf32, #tpu.memory_space<vmem>>, vector<1x16xf32>,
        %swap3A_264 = vector.shape_cast %swap3A_263 : vector<1x16xf32> to vector<16xf32>
        %swap3A_265 = vector.shape_cast %max3A_260 : vector<16xf32> to vector<1x16xf32>
        tpu.vector_store %arg16[%swap3A_261, %swap3A_262], %swap3A_265 {strides = array<i32>} : memref<320x64xf32, #tpu.memory_space<vmem>>, vector<1x16xf32>,
        %get3A_266 = arith.index_cast %sub3A : i32 to index
        %get3A_267 = arith.constant 48 : index
        %get3A_268 = tpu.vector_load %arg17[%get3A_266, %get3A_267] {strides = array<i32>} : memref<320x64xf32, #tpu.memory_space<vmem>>, vector<1x16xf32>,
        %get3A_269 = vector.shape_cast %get3A_268 : vector<1x16xf32> to vector<16xf32>
        %min3A_270 = arith.minimumf %get3A_269, %get3A_234 : vector<16xf32>
        %swap3A_271 = arith.index_cast %sub3A : i32 to index
        %swap3A_272 = arith.constant 48 : index
        %swap3A_273 = tpu.vector_load %arg17[%swap3A_271, %swap3A_272] {strides = array<i32>} : memref<320x64xf32, #tpu.memory_space<vmem>>, vector<1x16xf32>,
        %swap3A_274 = vector.shape_cast %swap3A_273 : vector<1x16xf32> to vector<16xf32>
        %swap3A_275 = vector.shape_cast %min3A_270 : vector<16xf32> to vector<1x16xf32>
        tpu.vector_store %arg17[%swap3A_271, %swap3A_272], %swap3A_275 {strides = array<i32>} : memref<320x64xf32, #tpu.memory_space<vmem>>, vector<1x16xf32>,
        %while3A_276 = arith.constant 0 : i32
        scf.yield %while3A_276 : i32
      }
      %while3A_67 = arith.constant 1 : i32
      %while3A_68 = scf.for %while3A_70 = %while3A_64 to %while3A_60 step %while3A_67 iter_args(%while3A_71 = %while3A_66) -> (i32)  : i32 {
        %get3A = arith.index_cast %while3A_70 : i32 to index
        %get3A_72 = tpu.vector_load %arg10[%get3A] {strides = array<i32>} : memref<144xi32, #tpu.memory_space<vmem>>, vector<16xi32>,
        %get3A_73 = vector.shape_cast %get3A_72 : vector<16xi32> to vector<16xi32>
        %slice3A = vector.extract_strided_slice %get3A_73 {offsets = [0], sizes = [1], strides = [1]} : vector<16xi32> to vector<1xi32>
        %squeeze3A = vector.extract %slice3A[0] : i32 from vector<1xi32>
        %shift_right_logical3A = arith.constant 14 : i32
        %shift_right_logical3A_74 = arith.shrui %squeeze3A, %shift_right_logical3A : i32
        %sub3A = arith.subi %shift_right_logical3A_74, %mul3A_2 : i32
        %shift_right_logical3A_75 = arith.constant 4 : i32
        %shift_right_logical3A_76 = arith.shrui %sub3A, %shift_right_logical3A_75 : i32
        %mul3A_77 = arith.constant 16 : i32
        %mul3A_78 = arith.muli %shift_right_logical3A_76, %mul3A_77 : i32
        %sub3A_79 = arith.subi %sub3A, %mul3A_78 : i32
        %sub3A_80 = vector.broadcast %sub3A_79 : i32 to vector<16xi32>
        %sub3A_81 = arith.subi %iota3A, %sub3A_80 : vector<16xi32>
        %abs3A = math.absi %sub3A_81 : vector<16xi32>
        %min3A = arith.constant 1 : i32
        %min3A_82 = vector.broadcast %min3A : i32 to vector<16xi32>
        %min3A_83 = arith.minsi %abs3A, %min3A_82 : vector<16xi32>
        %sub3A_84 = arith.constant 1 : i32
        %sub3A_85 = vector.broadcast %sub3A_84 : i32 to vector<16xi32>
        %sub3A_86 = arith.subi %sub3A_85, %min3A_83 : vector<16xi32>
        %convert_element_type3A_87 = arith.sitofp %sub3A_86 : vector<16xi32> to vector<16xf32>
        %get3A_88 = arith.index_cast %shift_right_logical3A_76 : i32 to index
        %get3A_89 = arith.constant 0 : index
        %get3A_90 = tpu.vector_load %arg18[%get3A_88, %get3A_89] {strides = array<i32>} : memref<20x16xf32, #tpu.memory_space<vmem>>, vector<1x16xf32>,
        %get3A_91 = vector.shape_cast %get3A_90 : vector<1x16xf32> to vector<16xf32>
        %add3A_92 = arith.addf %get3A_91, %convert_element_type3A_87 : vector<16xf32>
        %swap3A = arith.index_cast %shift_right_logical3A_76 : i32 to index
        %swap3A_93 = arith.constant 0 : index
        %swap3A_94 = tpu.vector_load %arg18[%swap3A, %swap3A_93] {strides = array<i32>} : memref<20x16xf32, #tpu.memory_space<vmem>>, vector<1x16xf32>,
        %swap3A_95 = vector.shape_cast %swap3A_94 : vector<1x16xf32> to vector<16xf32>
        %swap3A_96 = vector.shape_cast %add3A_92 : vector<16xf32> to vector<1x16xf32>
        tpu.vector_store %arg18[%swap3A, %swap3A_93], %swap3A_96 {strides = array<i32>} : memref<20x16xf32, #tpu.memory_space<vmem>>, vector<1x16xf32>,
        %get3A_97 = arith.index_cast %while3A_70 : i32 to index
        %get3A_98 = arith.constant 0 : index
        %get3A_99 = tpu.vector_load %arg13[%get3A_97, %get3A_98] {strides = array<i32>} : memref<144x64xf32, #tpu.memory_space<vmem>>, vector<1x16xf32>,
        %get3A_100 = vector.shape_cast %get3A_99 : vector<1x16xf32> to vector<16xf32>
        %get3A_101 = arith.index_cast %sub3A : i32 to index
        %get3A_102 = arith.constant 0 : index
        %get3A_103 = tpu.vector_load %arg14[%get3A_101, %get3A_102] {strides = array<i32>} : memref<320x64xf32, #tpu.memory_space<vmem>>, vector<1x16xf32>,
        %get3A_104 = vector.shape_cast %get3A_103 : vector<1x16xf32> to vector<16xf32>
        %add3A_105 = arith.addf %get3A_104, %get3A_100 : vector<16xf32>
        %swap3A_106 = arith.index_cast %sub3A : i32 to index
        %swap3A_107 = arith.constant 0 : index
        %swap3A_108 = tpu.vector_load %arg14[%swap3A_106, %swap3A_107] {strides = array<i32>} : memref<320x64xf32, #tpu.memory_space<vmem>>, vector<1x16xf32>,
        %swap3A_109 = vector.shape_cast %swap3A_108 : vector<1x16xf32> to vector<16xf32>
        %swap3A_110 = vector.shape_cast %add3A_105 : vector<16xf32> to vector<1x16xf32>
        tpu.vector_store %arg14[%swap3A_106, %swap3A_107], %swap3A_110 {strides = array<i32>} : memref<320x64xf32, #tpu.memory_space<vmem>>, vector<1x16xf32>,
        %get3A_111 = arith.index_cast %sub3A : i32 to index
        %get3A_112 = arith.constant 0 : index
        %get3A_113 = tpu.vector_load %arg15[%get3A_111, %get3A_112] {strides = array<i32>} : memref<320x64xf32, #tpu.memory_space<vmem>>, vector<1x16xf32>,
        %get3A_114 = vector.shape_cast %get3A_113 : vector<1x16xf32> to vector<16xf32>
        %mul3A_115 = arith.mulf %get3A_100, %get3A_100 : vector<16xf32>
        %add3A_116 = arith.addf %get3A_114, %mul3A_115 : vector<16xf32>
        %swap3A_117 = arith.index_cast %sub3A : i32 to index
        %swap3A_118 = arith.constant 0 : index
        %swap3A_119 = tpu.vector_load %arg15[%swap3A_117, %swap3A_118] {strides = array<i32>} : memref<320x64xf32, #tpu.memory_space<vmem>>, vector<1x16xf32>,
        %swap3A_120 = vector.shape_cast %swap3A_119 : vector<1x16xf32> to vector<16xf32>
        %swap3A_121 = vector.shape_cast %add3A_116 : vector<16xf32> to vector<1x16xf32>
        tpu.vector_store %arg15[%swap3A_117, %swap3A_118], %swap3A_121 {strides = array<i32>} : memref<320x64xf32, #tpu.memory_space<vmem>>, vector<1x16xf32>,
        %get3A_122 = arith.index_cast %sub3A : i32 to index
        %get3A_123 = arith.constant 0 : index
        %get3A_124 = tpu.vector_load %arg16[%get3A_122, %get3A_123] {strides = array<i32>} : memref<320x64xf32, #tpu.memory_space<vmem>>, vector<1x16xf32>,
        %get3A_125 = vector.shape_cast %get3A_124 : vector<1x16xf32> to vector<16xf32>
        %max3A = arith.maximumf %get3A_125, %get3A_100 : vector<16xf32>
        %swap3A_126 = arith.index_cast %sub3A : i32 to index
        %swap3A_127 = arith.constant 0 : index
        %swap3A_128 = tpu.vector_load %arg16[%swap3A_126, %swap3A_127] {strides = array<i32>} : memref<320x64xf32, #tpu.memory_space<vmem>>, vector<1x16xf32>,
        %swap3A_129 = vector.shape_cast %swap3A_128 : vector<1x16xf32> to vector<16xf32>
        %swap3A_130 = vector.shape_cast %max3A : vector<16xf32> to vector<1x16xf32>
        tpu.vector_store %arg16[%swap3A_126, %swap3A_127], %swap3A_130 {strides = array<i32>} : memref<320x64xf32, #tpu.memory_space<vmem>>, vector<1x16xf32>,
        %get3A_131 = arith.index_cast %sub3A : i32 to index
        %get3A_132 = arith.constant 0 : index
        %get3A_133 = tpu.vector_load %arg17[%get3A_131, %get3A_132] {strides = array<i32>} : memref<320x64xf32, #tpu.memory_space<vmem>>, vector<1x16xf32>,
        %get3A_134 = vector.shape_cast %get3A_133 : vector<1x16xf32> to vector<16xf32>
        %min3A_135 = arith.minimumf %get3A_134, %get3A_100 : vector<16xf32>
        %swap3A_136 = arith.index_cast %sub3A : i32 to index
        %swap3A_137 = arith.constant 0 : index
        %swap3A_138 = tpu.vector_load %arg17[%swap3A_136, %swap3A_137] {strides = array<i32>} : memref<320x64xf32, #tpu.memory_space<vmem>>, vector<1x16xf32>,
        %swap3A_139 = vector.shape_cast %swap3A_138 : vector<1x16xf32> to vector<16xf32>
        %swap3A_140 = vector.shape_cast %min3A_135 : vector<16xf32> to vector<1x16xf32>
        tpu.vector_store %arg17[%swap3A_136, %swap3A_137], %swap3A_140 {strides = array<i32>} : memref<320x64xf32, #tpu.memory_space<vmem>>, vector<1x16xf32>,
        %get3A_141 = arith.index_cast %while3A_70 : i32 to index
        %get3A_142 = arith.constant 16 : index
        %get3A_143 = tpu.vector_load %arg13[%get3A_141, %get3A_142] {strides = array<i32>} : memref<144x64xf32, #tpu.memory_space<vmem>>, vector<1x16xf32>,
        %get3A_144 = vector.shape_cast %get3A_143 : vector<1x16xf32> to vector<16xf32>
        %get3A_145 = arith.index_cast %sub3A : i32 to index
        %get3A_146 = arith.constant 16 : index
        %get3A_147 = tpu.vector_load %arg14[%get3A_145, %get3A_146] {strides = array<i32>} : memref<320x64xf32, #tpu.memory_space<vmem>>, vector<1x16xf32>,
        %get3A_148 = vector.shape_cast %get3A_147 : vector<1x16xf32> to vector<16xf32>
        %add3A_149 = arith.addf %get3A_148, %get3A_144 : vector<16xf32>
        %swap3A_150 = arith.index_cast %sub3A : i32 to index
        %swap3A_151 = arith.constant 16 : index
        %swap3A_152 = tpu.vector_load %arg14[%swap3A_150, %swap3A_151] {strides = array<i32>} : memref<320x64xf32, #tpu.memory_space<vmem>>, vector<1x16xf32>,
        %swap3A_153 = vector.shape_cast %swap3A_152 : vector<1x16xf32> to vector<16xf32>
        %swap3A_154 = vector.shape_cast %add3A_149 : vector<16xf32> to vector<1x16xf32>
        tpu.vector_store %arg14[%swap3A_150, %swap3A_151], %swap3A_154 {strides = array<i32>} : memref<320x64xf32, #tpu.memory_space<vmem>>, vector<1x16xf32>,
        %get3A_155 = arith.index_cast %sub3A : i32 to index
        %get3A_156 = arith.constant 16 : index
        %get3A_157 = tpu.vector_load %arg15[%get3A_155, %get3A_156] {strides = array<i32>} : memref<320x64xf32, #tpu.memory_space<vmem>>, vector<1x16xf32>,
        %get3A_158 = vector.shape_cast %get3A_157 : vector<1x16xf32> to vector<16xf32>
        %mul3A_159 = arith.mulf %get3A_144, %get3A_144 : vector<16xf32>
        %add3A_160 = arith.addf %get3A_158, %mul3A_159 : vector<16xf32>
        %swap3A_161 = arith.index_cast %sub3A : i32 to index
        %swap3A_162 = arith.constant 16 : index
        %swap3A_163 = tpu.vector_load %arg15[%swap3A_161, %swap3A_162] {strides = array<i32>} : memref<320x64xf32, #tpu.memory_space<vmem>>, vector<1x16xf32>,
        %swap3A_164 = vector.shape_cast %swap3A_163 : vector<1x16xf32> to vector<16xf32>
        %swap3A_165 = vector.shape_cast %add3A_160 : vector<16xf32> to vector<1x16xf32>
        tpu.vector_store %arg15[%swap3A_161, %swap3A_162], %swap3A_165 {strides = array<i32>} : memref<320x64xf32, #tpu.memory_space<vmem>>, vector<1x16xf32>,
        %get3A_166 = arith.index_cast %sub3A : i32 to index
        %get3A_167 = arith.constant 16 : index
        %get3A_168 = tpu.vector_load %arg16[%get3A_166, %get3A_167] {strides = array<i32>} : memref<320x64xf32, #tpu.memory_space<vmem>>, vector<1x16xf32>,
        %get3A_169 = vector.shape_cast %get3A_168 : vector<1x16xf32> to vector<16xf32>
        %max3A_170 = arith.maximumf %get3A_169, %get3A_144 : vector<16xf32>
        %swap3A_171 = arith.index_cast %sub3A : i32 to index
        %swap3A_172 = arith.constant 16 : index
        %swap3A_173 = tpu.vector_load %arg16[%swap3A_171, %swap3A_172] {strides = array<i32>} : memref<320x64xf32, #tpu.memory_space<vmem>>, vector<1x16xf32>,
        %swap3A_174 = vector.shape_cast %swap3A_173 : vector<1x16xf32> to vector<16xf32>
        %swap3A_175 = vector.shape_cast %max3A_170 : vector<16xf32> to vector<1x16xf32>
        tpu.vector_store %arg16[%swap3A_171, %swap3A_172], %swap3A_175 {strides = array<i32>} : memref<320x64xf32, #tpu.memory_space<vmem>>, vector<1x16xf32>,
        %get3A_176 = arith.index_cast %sub3A : i32 to index
        %get3A_177 = arith.constant 16 : index
        %get3A_178 = tpu.vector_load %arg17[%get3A_176, %get3A_177] {strides = array<i32>} : memref<320x64xf32, #tpu.memory_space<vmem>>, vector<1x16xf32>,
        %get3A_179 = vector.shape_cast %get3A_178 : vector<1x16xf32> to vector<16xf32>
        %min3A_180 = arith.minimumf %get3A_179, %get3A_144 : vector<16xf32>
        %swap3A_181 = arith.index_cast %sub3A : i32 to index
        %swap3A_182 = arith.constant 16 : index
        %swap3A_183 = tpu.vector_load %arg17[%swap3A_181, %swap3A_182] {strides = array<i32>} : memref<320x64xf32, #tpu.memory_space<vmem>>, vector<1x16xf32>,
        %swap3A_184 = vector.shape_cast %swap3A_183 : vector<1x16xf32> to vector<16xf32>
        %swap3A_185 = vector.shape_cast %min3A_180 : vector<16xf32> to vector<1x16xf32>
        tpu.vector_store %arg17[%swap3A_181, %swap3A_182], %swap3A_185 {strides = array<i32>} : memref<320x64xf32, #tpu.memory_space<vmem>>, vector<1x16xf32>,
        %get3A_186 = arith.index_cast %while3A_70 : i32 to index
        %get3A_187 = arith.constant 32 : index
        %get3A_188 = tpu.vector_load %arg13[%get3A_186, %get3A_187] {strides = array<i32>} : memref<144x64xf32, #tpu.memory_space<vmem>>, vector<1x16xf32>,
        %get3A_189 = vector.shape_cast %get3A_188 : vector<1x16xf32> to vector<16xf32>
        %get3A_190 = arith.index_cast %sub3A : i32 to index
        %get3A_191 = arith.constant 32 : index
        %get3A_192 = tpu.vector_load %arg14[%get3A_190, %get3A_191] {strides = array<i32>} : memref<320x64xf32, #tpu.memory_space<vmem>>, vector<1x16xf32>,
        %get3A_193 = vector.shape_cast %get3A_192 : vector<1x16xf32> to vector<16xf32>
        %add3A_194 = arith.addf %get3A_193, %get3A_189 : vector<16xf32>
        %swap3A_195 = arith.index_cast %sub3A : i32 to index
        %swap3A_196 = arith.constant 32 : index
        %swap3A_197 = tpu.vector_load %arg14[%swap3A_195, %swap3A_196] {strides = array<i32>} : memref<320x64xf32, #tpu.memory_space<vmem>>, vector<1x16xf32>,
        %swap3A_198 = vector.shape_cast %swap3A_197 : vector<1x16xf32> to vector<16xf32>
        %swap3A_199 = vector.shape_cast %add3A_194 : vector<16xf32> to vector<1x16xf32>
        tpu.vector_store %arg14[%swap3A_195, %swap3A_196], %swap3A_199 {strides = array<i32>} : memref<320x64xf32, #tpu.memory_space<vmem>>, vector<1x16xf32>,
        %get3A_200 = arith.index_cast %sub3A : i32 to index
        %get3A_201 = arith.constant 32 : index
        %get3A_202 = tpu.vector_load %arg15[%get3A_200, %get3A_201] {strides = array<i32>} : memref<320x64xf32, #tpu.memory_space<vmem>>, vector<1x16xf32>,
        %get3A_203 = vector.shape_cast %get3A_202 : vector<1x16xf32> to vector<16xf32>
        %mul3A_204 = arith.mulf %get3A_189, %get3A_189 : vector<16xf32>
        %add3A_205 = arith.addf %get3A_203, %mul3A_204 : vector<16xf32>
        %swap3A_206 = arith.index_cast %sub3A : i32 to index
        %swap3A_207 = arith.constant 32 : index
        %swap3A_208 = tpu.vector_load %arg15[%swap3A_206, %swap3A_207] {strides = array<i32>} : memref<320x64xf32, #tpu.memory_space<vmem>>, vector<1x16xf32>,
        %swap3A_209 = vector.shape_cast %swap3A_208 : vector<1x16xf32> to vector<16xf32>
        %swap3A_210 = vector.shape_cast %add3A_205 : vector<16xf32> to vector<1x16xf32>
        tpu.vector_store %arg15[%swap3A_206, %swap3A_207], %swap3A_210 {strides = array<i32>} : memref<320x64xf32, #tpu.memory_space<vmem>>, vector<1x16xf32>,
        %get3A_211 = arith.index_cast %sub3A : i32 to index
        %get3A_212 = arith.constant 32 : index
        %get3A_213 = tpu.vector_load %arg16[%get3A_211, %get3A_212] {strides = array<i32>} : memref<320x64xf32, #tpu.memory_space<vmem>>, vector<1x16xf32>,
        %get3A_214 = vector.shape_cast %get3A_213 : vector<1x16xf32> to vector<16xf32>
        %max3A_215 = arith.maximumf %get3A_214, %get3A_189 : vector<16xf32>
        %swap3A_216 = arith.index_cast %sub3A : i32 to index
        %swap3A_217 = arith.constant 32 : index
        %swap3A_218 = tpu.vector_load %arg16[%swap3A_216, %swap3A_217] {strides = array<i32>} : memref<320x64xf32, #tpu.memory_space<vmem>>, vector<1x16xf32>,
        %swap3A_219 = vector.shape_cast %swap3A_218 : vector<1x16xf32> to vector<16xf32>
        %swap3A_220 = vector.shape_cast %max3A_215 : vector<16xf32> to vector<1x16xf32>
        tpu.vector_store %arg16[%swap3A_216, %swap3A_217], %swap3A_220 {strides = array<i32>} : memref<320x64xf32, #tpu.memory_space<vmem>>, vector<1x16xf32>,
        %get3A_221 = arith.index_cast %sub3A : i32 to index
        %get3A_222 = arith.constant 32 : index
        %get3A_223 = tpu.vector_load %arg17[%get3A_221, %get3A_222] {strides = array<i32>} : memref<320x64xf32, #tpu.memory_space<vmem>>, vector<1x16xf32>,
        %get3A_224 = vector.shape_cast %get3A_223 : vector<1x16xf32> to vector<16xf32>
        %min3A_225 = arith.minimumf %get3A_224, %get3A_189 : vector<16xf32>
        %swap3A_226 = arith.index_cast %sub3A : i32 to index
        %swap3A_227 = arith.constant 32 : index
        %swap3A_228 = tpu.vector_load %arg17[%swap3A_226, %swap3A_227] {strides = array<i32>} : memref<320x64xf32, #tpu.memory_space<vmem>>, vector<1x16xf32>,
        %swap3A_229 = vector.shape_cast %swap3A_228 : vector<1x16xf32> to vector<16xf32>
        %swap3A_230 = vector.shape_cast %min3A_225 : vector<16xf32> to vector<1x16xf32>
        tpu.vector_store %arg17[%swap3A_226, %swap3A_227], %swap3A_230 {strides = array<i32>} : memref<320x64xf32, #tpu.memory_space<vmem>>, vector<1x16xf32>,
        %get3A_231 = arith.index_cast %while3A_70 : i32 to index
        %get3A_232 = arith.constant 48 : index
        %get3A_233 = tpu.vector_load %arg13[%get3A_231, %get3A_232] {strides = array<i32>} : memref<144x64xf32, #tpu.memory_space<vmem>>, vector<1x16xf32>,
        %get3A_234 = vector.shape_cast %get3A_233 : vector<1x16xf32> to vector<16xf32>
        %get3A_235 = arith.index_cast %sub3A : i32 to index
        %get3A_236 = arith.constant 48 : index
        %get3A_237 = tpu.vector_load %arg14[%get3A_235, %get3A_236] {strides = array<i32>} : memref<320x64xf32, #tpu.memory_space<vmem>>, vector<1x16xf32>,
        %get3A_238 = vector.shape_cast %get3A_237 : vector<1x16xf32> to vector<16xf32>
        %add3A_239 = arith.addf %get3A_238, %get3A_234 : vector<16xf32>
        %swap3A_240 = arith.index_cast %sub3A : i32 to index
        %swap3A_241 = arith.constant 48 : index
        %swap3A_242 = tpu.vector_load %arg14[%swap3A_240, %swap3A_241] {strides = array<i32>} : memref<320x64xf32, #tpu.memory_space<vmem>>, vector<1x16xf32>,
        %swap3A_243 = vector.shape_cast %swap3A_242 : vector<1x16xf32> to vector<16xf32>
        %swap3A_244 = vector.shape_cast %add3A_239 : vector<16xf32> to vector<1x16xf32>
        tpu.vector_store %arg14[%swap3A_240, %swap3A_241], %swap3A_244 {strides = array<i32>} : memref<320x64xf32, #tpu.memory_space<vmem>>, vector<1x16xf32>,
        %get3A_245 = arith.index_cast %sub3A : i32 to index
        %get3A_246 = arith.constant 48 : index
        %get3A_247 = tpu.vector_load %arg15[%get3A_245, %get3A_246] {strides = array<i32>} : memref<320x64xf32, #tpu.memory_space<vmem>>, vector<1x16xf32>,
        %get3A_248 = vector.shape_cast %get3A_247 : vector<1x16xf32> to vector<16xf32>
        %mul3A_249 = arith.mulf %get3A_234, %get3A_234 : vector<16xf32>
        %add3A_250 = arith.addf %get3A_248, %mul3A_249 : vector<16xf32>
        %swap3A_251 = arith.index_cast %sub3A : i32 to index
        %swap3A_252 = arith.constant 48 : index
        %swap3A_253 = tpu.vector_load %arg15[%swap3A_251, %swap3A_252] {strides = array<i32>} : memref<320x64xf32, #tpu.memory_space<vmem>>, vector<1x16xf32>,
        %swap3A_254 = vector.shape_cast %swap3A_253 : vector<1x16xf32> to vector<16xf32>
        %swap3A_255 = vector.shape_cast %add3A_250 : vector<16xf32> to vector<1x16xf32>
        tpu.vector_store %arg15[%swap3A_251, %swap3A_252], %swap3A_255 {strides = array<i32>} : memref<320x64xf32, #tpu.memory_space<vmem>>, vector<1x16xf32>,
        %get3A_256 = arith.index_cast %sub3A : i32 to index
        %get3A_257 = arith.constant 48 : index
        %get3A_258 = tpu.vector_load %arg16[%get3A_256, %get3A_257] {strides = array<i32>} : memref<320x64xf32, #tpu.memory_space<vmem>>, vector<1x16xf32>,
        %get3A_259 = vector.shape_cast %get3A_258 : vector<1x16xf32> to vector<16xf32>
        %max3A_260 = arith.maximumf %get3A_259, %get3A_234 : vector<16xf32>
        %swap3A_261 = arith.index_cast %sub3A : i32 to index
        %swap3A_262 = arith.constant 48 : index
        %swap3A_263 = tpu.vector_load %arg16[%swap3A_261, %swap3A_262] {strides = array<i32>} : memref<320x64xf32, #tpu.memory_space<vmem>>, vector<1x16xf32>,
        %swap3A_264 = vector.shape_cast %swap3A_263 : vector<1x16xf32> to vector<16xf32>
        %swap3A_265 = vector.shape_cast %max3A_260 : vector<16xf32> to vector<1x16xf32>
        tpu.vector_store %arg16[%swap3A_261, %swap3A_262], %swap3A_265 {strides = array<i32>} : memref<320x64xf32, #tpu.memory_space<vmem>>, vector<1x16xf32>,
        %get3A_266 = arith.index_cast %sub3A : i32 to index
        %get3A_267 = arith.constant 48 : index
        %get3A_268 = tpu.vector_load %arg17[%get3A_266, %get3A_267] {strides = array<i32>} : memref<320x64xf32, #tpu.memory_space<vmem>>, vector<1x16xf32>,
        %get3A_269 = vector.shape_cast %get3A_268 : vector<1x16xf32> to vector<16xf32>
        %min3A_270 = arith.minimumf %get3A_269, %get3A_234 : vector<16xf32>
        %swap3A_271 = arith.index_cast %sub3A : i32 to index
        %swap3A_272 = arith.constant 48 : index
        %swap3A_273 = tpu.vector_load %arg17[%swap3A_271, %swap3A_272] {strides = array<i32>} : memref<320x64xf32, #tpu.memory_space<vmem>>, vector<1x16xf32>,
        %swap3A_274 = vector.shape_cast %swap3A_273 : vector<1x16xf32> to vector<16xf32>
        %swap3A_275 = vector.shape_cast %min3A_270 : vector<16xf32> to vector<1x16xf32>
        tpu.vector_store %arg17[%swap3A_271, %swap3A_272], %swap3A_275 {strides = array<i32>} : memref<320x64xf32, #tpu.memory_space<vmem>>, vector<1x16xf32>,
        %while3A_276 = arith.constant 0 : i32
        scf.yield %while3A_276 : i32
      }
      %cond3A_69 = arith.constant 0 : i32
      scf.yield %cond3A_69 : i32
    } else {
      %cond3A_47 = arith.constant 0 : i32
      scf.yield %cond3A_47 : i32
    }
    "tpu.region"() ({
      %run_scoped3A = tpu.sem_alloc : memref<!tpu.dma_semaphore, #tpu.memory_space<semaphore_mem>>
      %dma_start3A = arith.constant 0 : i32
      %dma_start3A_47 = tpu.memref_slice %arg4[%mul3A_2, %dma_start3A] : memref<10240x64xf32, #tpu.memory_space<hbm>> -> memref<320x64xf32, #tpu.memory_space<hbm>>
      %dma_start3A_48 = arith.constant 0 : i32
      %dma_start3A_49 = tpu.memref_slice %arg4[%mul3A_2, %dma_start3A_48] : memref<10240x64xf32, #tpu.memory_space<hbm>> -> memref<320x64xf32, #tpu.memory_space<hbm>>
      tpu.enqueue_dma source(%arg14 : memref<320x64xf32, #tpu.memory_space<vmem>>) target(%dma_start3A_49 : memref<320x64xf32, #tpu.memory_space<hbm>>) target_semaphore(%run_scoped3A : memref<!tpu.dma_semaphore, #tpu.memory_space<semaphore_mem>>)
      %dma_wait3A = arith.constant 0 : i32
      %dma_wait3A_50 = tpu.memref_slice %arg4[%mul3A_2, %dma_wait3A] : memref<10240x64xf32, #tpu.memory_space<hbm>> -> memref<320x64xf32, #tpu.memory_space<hbm>>
      %dma_wait3A_51 = arith.constant 0 : i32
      %dma_wait3A_52 = tpu.memref_slice %arg4[%mul3A_2, %dma_wait3A_51] : memref<10240x64xf32, #tpu.memory_space<hbm>> -> memref<320x64xf32, #tpu.memory_space<hbm>>
      tpu.wait_dma2 semaphore(%run_scoped3A : memref<!tpu.dma_semaphore, #tpu.memory_space<semaphore_mem>>) src(%arg14 : memref<320x64xf32, #tpu.memory_space<vmem>>) dst(%dma_wait3A_52 : memref<320x64xf32, #tpu.memory_space<hbm>>)
      tpu.yield
    }) : () -> ()
    "tpu.region"() ({
      %run_scoped3A = tpu.sem_alloc : memref<!tpu.dma_semaphore, #tpu.memory_space<semaphore_mem>>
      %dma_start3A = arith.constant 0 : i32
      %dma_start3A_47 = tpu.memref_slice %arg5[%mul3A_2, %dma_start3A] : memref<10240x64xf32, #tpu.memory_space<hbm>> -> memref<320x64xf32, #tpu.memory_space<hbm>>
      %dma_start3A_48 = arith.constant 0 : i32
      %dma_start3A_49 = tpu.memref_slice %arg5[%mul3A_2, %dma_start3A_48] : memref<10240x64xf32, #tpu.memory_space<hbm>> -> memref<320x64xf32, #tpu.memory_space<hbm>>
      tpu.enqueue_dma source(%arg15 : memref<320x64xf32, #tpu.memory_space<vmem>>) target(%dma_start3A_49 : memref<320x64xf32, #tpu.memory_space<hbm>>) target_semaphore(%run_scoped3A : memref<!tpu.dma_semaphore, #tpu.memory_space<semaphore_mem>>)
      %dma_wait3A = arith.constant 0 : i32
      %dma_wait3A_50 = tpu.memref_slice %arg5[%mul3A_2, %dma_wait3A] : memref<10240x64xf32, #tpu.memory_space<hbm>> -> memref<320x64xf32, #tpu.memory_space<hbm>>
      %dma_wait3A_51 = arith.constant 0 : i32
      %dma_wait3A_52 = tpu.memref_slice %arg5[%mul3A_2, %dma_wait3A_51] : memref<10240x64xf32, #tpu.memory_space<hbm>> -> memref<320x64xf32, #tpu.memory_space<hbm>>
      tpu.wait_dma2 semaphore(%run_scoped3A : memref<!tpu.dma_semaphore, #tpu.memory_space<semaphore_mem>>) src(%arg15 : memref<320x64xf32, #tpu.memory_space<vmem>>) dst(%dma_wait3A_52 : memref<320x64xf32, #tpu.memory_space<hbm>>)
      tpu.yield
    }) : () -> ()
    "tpu.region"() ({
      %run_scoped3A = tpu.sem_alloc : memref<!tpu.dma_semaphore, #tpu.memory_space<semaphore_mem>>
      %dma_start3A = arith.constant 0 : i32
      %dma_start3A_47 = tpu.memref_slice %arg6[%mul3A_2, %dma_start3A] : memref<10240x64xf32, #tpu.memory_space<hbm>> -> memref<320x64xf32, #tpu.memory_space<hbm>>
      %dma_start3A_48 = arith.constant 0 : i32
      %dma_start3A_49 = tpu.memref_slice %arg6[%mul3A_2, %dma_start3A_48] : memref<10240x64xf32, #tpu.memory_space<hbm>> -> memref<320x64xf32, #tpu.memory_space<hbm>>
      tpu.enqueue_dma source(%arg16 : memref<320x64xf32, #tpu.memory_space<vmem>>) target(%dma_start3A_49 : memref<320x64xf32, #tpu.memory_space<hbm>>) target_semaphore(%run_scoped3A : memref<!tpu.dma_semaphore, #tpu.memory_space<semaphore_mem>>)
      %dma_wait3A = arith.constant 0 : i32
      %dma_wait3A_50 = tpu.memref_slice %arg6[%mul3A_2, %dma_wait3A] : memref<10240x64xf32, #tpu.memory_space<hbm>> -> memref<320x64xf32, #tpu.memory_space<hbm>>
      %dma_wait3A_51 = arith.constant 0 : i32
      %dma_wait3A_52 = tpu.memref_slice %arg6[%mul3A_2, %dma_wait3A_51] : memref<10240x64xf32, #tpu.memory_space<hbm>> -> memref<320x64xf32, #tpu.memory_space<hbm>>
      tpu.wait_dma2 semaphore(%run_scoped3A : memref<!tpu.dma_semaphore, #tpu.memory_space<semaphore_mem>>) src(%arg16 : memref<320x64xf32, #tpu.memory_space<vmem>>) dst(%dma_wait3A_52 : memref<320x64xf32, #tpu.memory_space<hbm>>)
      tpu.yield
    }) : () -> ()
    "tpu.region"() ({
      %run_scoped3A = tpu.sem_alloc : memref<!tpu.dma_semaphore, #tpu.memory_space<semaphore_mem>>
      %dma_start3A = arith.constant 0 : i32
      %dma_start3A_47 = tpu.memref_slice %arg7[%mul3A_2, %dma_start3A] : memref<10240x64xf32, #tpu.memory_space<hbm>> -> memref<320x64xf32, #tpu.memory_space<hbm>>
      %dma_start3A_48 = arith.constant 0 : i32
      %dma_start3A_49 = tpu.memref_slice %arg7[%mul3A_2, %dma_start3A_48] : memref<10240x64xf32, #tpu.memory_space<hbm>> -> memref<320x64xf32, #tpu.memory_space<hbm>>
      tpu.enqueue_dma source(%arg17 : memref<320x64xf32, #tpu.memory_space<vmem>>) target(%dma_start3A_49 : memref<320x64xf32, #tpu.memory_space<hbm>>) target_semaphore(%run_scoped3A : memref<!tpu.dma_semaphore, #tpu.memory_space<semaphore_mem>>)
      %dma_wait3A = arith.constant 0 : i32
      %dma_wait3A_50 = tpu.memref_slice %arg7[%mul3A_2, %dma_wait3A] : memref<10240x64xf32, #tpu.memory_space<hbm>> -> memref<320x64xf32, #tpu.memory_space<hbm>>
      %dma_wait3A_51 = arith.constant 0 : i32
      %dma_wait3A_52 = tpu.memref_slice %arg7[%mul3A_2, %dma_wait3A_51] : memref<10240x64xf32, #tpu.memory_space<hbm>> -> memref<320x64xf32, #tpu.memory_space<hbm>>
      tpu.wait_dma2 semaphore(%run_scoped3A : memref<!tpu.dma_semaphore, #tpu.memory_space<semaphore_mem>>) src(%arg17 : memref<320x64xf32, #tpu.memory_space<vmem>>) dst(%dma_wait3A_52 : memref<320x64xf32, #tpu.memory_space<hbm>>)
      tpu.yield
    }) : () -> ()
    "tpu.region"() ({
      %run_scoped3A = tpu.sem_alloc : memref<!tpu.dma_semaphore, #tpu.memory_space<semaphore_mem>>
      %dma_start3A = arith.constant 0 : i32
      %dma_start3A_47 = arith.constant 0 : i32
      %dma_start3A_48 = tpu.memref_slice %arg8[%add3A, %dma_start3A, %dma_start3A_47] : memref<32x20x16xf32, #tpu.memory_space<hbm>> -> memref<1x20x16xf32, #tpu.memory_space<hbm>>
      %dma_start3A_49 = tpu.memref_squeeze %dma_start3A_48 : memref<1x20x16xf32, #tpu.memory_space<hbm>> -> memref<20x16xf32, #tpu.memory_space<hbm>>
      %dma_start3A_50 = arith.constant 0 : i32
      %dma_start3A_51 = arith.constant 0 : i32
      %dma_start3A_52 = tpu.memref_slice %arg8[%add3A, %dma_start3A_50, %dma_start3A_51] : memref<32x20x16xf32, #tpu.memory_space<hbm>> -> memref<1x20x16xf32, #tpu.memory_space<hbm>>
      %dma_start3A_53 = tpu.memref_squeeze %dma_start3A_52 : memref<1x20x16xf32, #tpu.memory_space<hbm>> -> memref<20x16xf32, #tpu.memory_space<hbm>>
      tpu.enqueue_dma source(%arg18 : memref<20x16xf32, #tpu.memory_space<vmem>>) target(%dma_start3A_53 : memref<20x16xf32, #tpu.memory_space<hbm>>) target_semaphore(%run_scoped3A : memref<!tpu.dma_semaphore, #tpu.memory_space<semaphore_mem>>)
      %dma_wait3A = arith.constant 0 : i32
      %dma_wait3A_54 = arith.constant 0 : i32
      %dma_wait3A_55 = tpu.memref_slice %arg8[%add3A, %dma_wait3A, %dma_wait3A_54] : memref<32x20x16xf32, #tpu.memory_space<hbm>> -> memref<1x20x16xf32, #tpu.memory_space<hbm>>
      %dma_wait3A_56 = tpu.memref_squeeze %dma_wait3A_55 : memref<1x20x16xf32, #tpu.memory_space<hbm>> -> memref<20x16xf32, #tpu.memory_space<hbm>>
      %dma_wait3A_57 = arith.constant 0 : i32
      %dma_wait3A_58 = arith.constant 0 : i32
      %dma_wait3A_59 = tpu.memref_slice %arg8[%add3A, %dma_wait3A_57, %dma_wait3A_58] : memref<32x20x16xf32, #tpu.memory_space<hbm>> -> memref<1x20x16xf32, #tpu.memory_space<hbm>>
      %dma_wait3A_60 = tpu.memref_squeeze %dma_wait3A_59 : memref<1x20x16xf32, #tpu.memory_space<hbm>> -> memref<20x16xf32, #tpu.memory_space<hbm>>
      tpu.wait_dma2 semaphore(%run_scoped3A : memref<!tpu.dma_semaphore, #tpu.memory_space<semaphore_mem>>) src(%arg18 : memref<20x16xf32, #tpu.memory_space<vmem>>) dst(%dma_wait3A_60 : memref<20x16xf32, #tpu.memory_space<hbm>>)
      tpu.yield
    }) : () -> ()
    return
  }
}

module attributes {stable_mosaic.version = 14 : i64} {
  func.func @_prologue_body(%arg0: i32, %arg1: memref<1000x128xf32, #tpu.memory_space<vmem>>, %arg2: memref<128x128xf32, #tpu.memory_space<vmem>>, %arg3: memref<128x128xf32, #tpu.memory_space<vmem>>, %arg4: memref<1x128xf32, #tpu.memory_space<vmem>>, %arg5: memref<1000x64xf32, #tpu.memory_space<vmem>>, %arg6: memref<1000x64xf32, #tpu.memory_space<vmem>>, %arg7: memref<1000x128xf32, #tpu.memory_space<vmem>>) attributes {dimension_semantics = [#tpu.dimension_semantics<arbitrary>], iteration_bounds = array<i64: 10>, scalar_prefetch = 0 : i64, scratch_operands = 0 : i64, tpu.core_type = #tpu.core_type<tc>, window_params = [{transform_indices = @transform_0, window_bounds = array<i64: 1000, 128>}, {pipeline_mode = #tpu.pipeline_mode<synchronous>, transform_indices = @transform_1, window_bounds = array<i64: 128, 128>}, {pipeline_mode = #tpu.pipeline_mode<synchronous>, transform_indices = @transform_2, window_bounds = array<i64: 128, 128>}, {pipeline_mode = #tpu.pipeline_mode<synchronous>, transform_indices = @transform_3, window_bounds = array<i64: 1, 128>}, {transform_indices = @transform_4, window_bounds = array<i64: 1000, 64>}, {transform_indices = @transform_5, window_bounds = array<i64: 1000, 64>}, {transform_indices = @transform_6, window_bounds = array<i64: 1000, 128>}]} {
    %get3A = arith.constant 0 : index
    %get3A_0 = arith.constant 0 : index
    %get3A_1 = vector.load %arg1[%get3A, %get3A_0] : memref<1000x128xf32, #tpu.memory_space<vmem>>, vector<1000x128xf32>
    %get3A_2 = arith.constant 0 : index
    %get3A_3 = arith.constant 0 : index
    %get3A_4 = vector.load %arg2[%get3A_2, %get3A_3] : memref<128x128xf32, #tpu.memory_space<vmem>>, vector<128x128xf32>
    %dot_general3A = arith.constant dense<0.000000e+00> : vector<1000x128xf32>
    %dot_general3A_5 = tpu.matmul %get3A_1, %get3A_4, %dot_general3A {dimension_numbers = #tpu.dot_dimension_numbers<[1], [0], [0], [1], [0, 0, 1, 1], [], []>, transpose_lhs_hint = false} : vector<1000x128xf32>, vector<128x128xf32>, vector<1000x128xf32> -> vector<1000x128xf32>
    %slice3A = vector.extract_strided_slice %dot_general3A_5 {offsets = [0, 0], sizes = [1000, 64], strides = [1, 1]} : vector<1000x128xf32> to vector<1000x64xf32>
    %swap3A = arith.constant 0 : index
    %swap3A_6 = arith.constant 0 : index
    %swap3A_7 = vector.load %arg5[%swap3A, %swap3A_6] : memref<1000x64xf32, #tpu.memory_space<vmem>>, vector<1000x64xf32>
    tpu.vector_store %arg5[%swap3A, %swap3A_6], %slice3A {strides = array<i32>} : memref<1000x64xf32, #tpu.memory_space<vmem>>, vector<1000x64xf32>,
    %slice3A_8 = vector.extract_strided_slice %dot_general3A_5 {offsets = [0, 64], sizes = [1000, 64], strides = [1, 1]} : vector<1000x128xf32> to vector<1000x64xf32>
    %swap3A_9 = arith.constant 0 : index
    %swap3A_10 = arith.constant 0 : index
    %swap3A_11 = vector.load %arg6[%swap3A_9, %swap3A_10] : memref<1000x64xf32, #tpu.memory_space<vmem>>, vector<1000x64xf32>
    tpu.vector_store %arg6[%swap3A_9, %swap3A_10], %slice3A_8 {strides = array<i32>} : memref<1000x64xf32, #tpu.memory_space<vmem>>, vector<1000x64xf32>,
    %get3A_12 = arith.constant 0 : index
    %get3A_13 = arith.constant 0 : index
    %get3A_14 = vector.load %arg3[%get3A_12, %get3A_13] : memref<128x128xf32, #tpu.memory_space<vmem>>, vector<128x128xf32>
    %dot_general3A_15 = arith.constant dense<0.000000e+00> : vector<1000x128xf32>
    %dot_general3A_16 = tpu.matmul %get3A_1, %get3A_14, %dot_general3A_15 {dimension_numbers = #tpu.dot_dimension_numbers<[1], [0], [0], [1], [0, 0, 1, 1], [], []>, transpose_lhs_hint = false} : vector<1000x128xf32>, vector<128x128xf32>, vector<1000x128xf32> -> vector<1000x128xf32>
    %get3A_17 = arith.constant 0 : index
    %get3A_18 = arith.constant 0 : index
    %get3A_19 = vector.load %arg4[%get3A_17, %get3A_18] : memref<1x128xf32, #tpu.memory_space<vmem>>, vector<1x128xf32>
    %add3A = vector.broadcast %get3A_19 : vector<1x128xf32> to vector<1000x128xf32>
    %add3A_20 = arith.addf %dot_general3A_16, %add3A : vector<1000x128xf32>
    %swap3A_21 = arith.constant 0 : index
    %swap3A_22 = arith.constant 0 : index
    %swap3A_23 = vector.load %arg7[%swap3A_21, %swap3A_22] : memref<1000x128xf32, #tpu.memory_space<vmem>>, vector<1000x128xf32>
    tpu.vector_store %arg7[%swap3A_21, %swap3A_22], %add3A_20 {strides = array<i32>} : memref<1000x128xf32, #tpu.memory_space<vmem>>, vector<1000x128xf32>,
    return
  }
  func.func @transform_0(%arg0: i32) -> (i32, i32) {
    %c0_i32 = arith.constant 0 : i32
    %c0_i32_0 = arith.constant 0 : i32
    return %arg0, %c0_i32 : i32, i32
  }
  func.func @transform_1(%arg0: i32) -> (i32, i32) {
    %c0_i32 = arith.constant 0 : i32
    %c0_i32_0 = arith.constant 0 : i32
    %c0_i32_1 = arith.constant 0 : i32
    return %c0_i32, %c0_i32_0 : i32, i32
  }
  func.func @transform_2(%arg0: i32) -> (i32, i32) {
    %c0_i32 = arith.constant 0 : i32
    %c0_i32_0 = arith.constant 0 : i32
    %c0_i32_1 = arith.constant 0 : i32
    return %c0_i32, %c0_i32_0 : i32, i32
  }
  func.func @transform_3(%arg0: i32) -> (i32, i32) {
    %c0_i32 = arith.constant 0 : i32
    %c0_i32_0 = arith.constant 0 : i32
    %c0_i32_1 = arith.constant 0 : i32
    return %c0_i32, %c0_i32_0 : i32, i32
  }
  func.func @transform_4(%arg0: i32) -> (i32, i32) {
    %c0_i32 = arith.constant 0 : i32
    %c0_i32_0 = arith.constant 0 : i32
    return %arg0, %c0_i32 : i32, i32
  }
  func.func @transform_5(%arg0: i32) -> (i32, i32) {
    %c0_i32 = arith.constant 0 : i32
    %c0_i32_0 = arith.constant 0 : i32
    return %arg0, %c0_i32 : i32, i32
  }
  func.func @transform_6(%arg0: i32) -> (i32, i32) {
    %c0_i32 = arith.constant 0 : i32
    %c0_i32_0 = arith.constant 0 : i32
    return %arg0, %c0_i32 : i32, i32
  }
}

module attributes {stable_mosaic.version = 14 : i64} {
  func.func @_epi1_body(%arg0: i32, %arg1: memref<1000x128xf32, #tpu.memory_space<vmem>>, %arg2: memref<1000x128xf32, #tpu.memory_space<vmem>>, %arg3: memref<1000x128xf32, #tpu.memory_space<vmem>>, %arg4: memref<1000x128xf32, #tpu.memory_space<vmem>>, %arg5: memref<1000x1xf32, #tpu.memory_space<vmem>>, %arg6: memref<1000x128xf32, #tpu.memory_space<vmem>>, %arg7: memref<1000x128xf32, #tpu.memory_space<vmem>>, %arg8: memref<128x128xf32, #tpu.memory_space<vmem>>, %arg9: memref<512x128xf32, #tpu.memory_space<vmem>>, %arg10: memref<512x128xf32, #tpu.memory_space<vmem>>, %arg11: memref<512x128xf32, #tpu.memory_space<vmem>>, %arg12: memref<1x128xf32, #tpu.memory_space<vmem>>, %arg13: memref<1000x128xf32, #tpu.memory_space<vmem>>, %arg14: memref<2x128xf32, #tpu.memory_space<vmem>>) attributes {dimension_semantics = [#tpu.dimension_semantics<arbitrary>], iteration_bounds = array<i64: 10>, scalar_prefetch = 0 : i64, scratch_operands = 0 : i64, tpu.core_type = #tpu.core_type<tc>, window_params = [{transform_indices = @transform_0, window_bounds = array<i64: 1000, 128>}, {transform_indices = @transform_1, window_bounds = array<i64: 1000, 128>}, {transform_indices = @transform_2, window_bounds = array<i64: 1000, 128>}, {transform_indices = @transform_3, window_bounds = array<i64: 1000, 128>}, {transform_indices = @transform_4, window_bounds = array<i64: 1000, 1>}, {transform_indices = @transform_5, window_bounds = array<i64: 1000, 128>}, {transform_indices = @transform_6, window_bounds = array<i64: 1000, 128>}, {pipeline_mode = #tpu.pipeline_mode<synchronous>, transform_indices = @transform_7, window_bounds = array<i64: 128, 128>}, {pipeline_mode = #tpu.pipeline_mode<synchronous>, transform_indices = @transform_8, window_bounds = array<i64: 512, 128>}, {pipeline_mode = #tpu.pipeline_mode<synchronous>, transform_indices = @transform_9, window_bounds = array<i64: 512, 128>}, {pipeline_mode = #tpu.pipeline_mode<synchronous>, transform_indices = @transform_10, window_bounds = array<i64: 512, 128>}, {pipeline_mode = #tpu.pipeline_mode<synchronous>, transform_indices = @transform_11, window_bounds = array<i64: 1, 128>}, {transform_indices = @transform_12, window_bounds = array<i64: 1000, 128>}, {pipeline_mode = #tpu.pipeline_mode<synchronous>, transform_indices = @transform_13, window_bounds = array<i64: 2, 128>}]} {
    %get3A = arith.constant 0 : index
    %get3A_0 = arith.constant 0 : index
    %get3A_1 = vector.load %arg5[%get3A, %get3A_0] : memref<1000x1xf32, #tpu.memory_space<vmem>>, vector<1000x1xf32>
    %max3A = arith.constant 1.000000e+00 : f32
    %max3A_2 = vector.broadcast %max3A : f32 to vector<1000x1xf32>
    %max3A_3 = arith.maximumf %get3A_1, %max3A_2 : vector<1000x1xf32>
    %get3A_4 = arith.constant 0 : index
    %get3A_5 = arith.constant 0 : index
    %get3A_6 = vector.load %arg6[%get3A_4, %get3A_5] : memref<1000x128xf32, #tpu.memory_space<vmem>>, vector<1000x128xf32>
    %get3A_7 = arith.constant 0 : index
    %get3A_8 = arith.constant 0 : index
    %get3A_9 = vector.load %arg1[%get3A_7, %get3A_8] : memref<1000x128xf32, #tpu.memory_space<vmem>>, vector<1000x128xf32>
    %mul3A = vector.broadcast %get3A_1 : vector<1000x1xf32> to vector<1000x128xf32>
    %mul3A_10 = arith.mulf %mul3A, %get3A_6 : vector<1000x128xf32>
    %add3A = arith.addf %get3A_9, %mul3A_10 : vector<1000x128xf32>
    %div3A = vector.broadcast %max3A_3 : vector<1000x1xf32> to vector<1000x128xf32>
    %div3A_11 = arith.divf %add3A, %div3A : vector<1000x128xf32>
    %get3A_12 = arith.constant 0 : index
    %get3A_13 = arith.constant 0 : index
    %get3A_14 = vector.load %arg2[%get3A_12, %get3A_13] : memref<1000x128xf32, #tpu.memory_space<vmem>>, vector<1000x128xf32>
    %mul3A_15 = arith.constant 2.000000e+00 : f32
    %mul3A_16 = vector.broadcast %mul3A_15 : f32 to vector<1000x128xf32>
    %mul3A_17 = arith.mulf %mul3A_16, %get3A_6 : vector<1000x128xf32>
    %mul3A_18 = arith.mulf %mul3A_17, %get3A_9 : vector<1000x128xf32>
    %add3A_19 = arith.addf %get3A_14, %mul3A_18 : vector<1000x128xf32>
    %mul3A_20 = vector.broadcast %get3A_1 : vector<1000x1xf32> to vector<1000x128xf32>
    %mul3A_21 = arith.mulf %mul3A_20, %get3A_6 : vector<1000x128xf32>
    %mul3A_22 = arith.mulf %mul3A_21, %get3A_6 : vector<1000x128xf32>
    %add3A_23 = arith.addf %add3A_19, %mul3A_22 : vector<1000x128xf32>
    %div3A_24 = vector.broadcast %max3A_3 : vector<1000x1xf32> to vector<1000x128xf32>
    %div3A_25 = arith.divf %add3A_23, %div3A_24 : vector<1000x128xf32>
    %mul3A_26 = arith.mulf %div3A_11, %div3A_11 : vector<1000x128xf32>
    %sub3A = arith.subf %div3A_25, %mul3A_26 : vector<1000x128xf32>
    %max3A_27 = arith.constant 0.000000e+00 : f32
    %max3A_28 = vector.broadcast %max3A_27 : f32 to vector<1000x128xf32>
    %max3A_29 = arith.maximumf %sub3A, %max3A_28 : vector<1000x128xf32>
    %add3A_30 = arith.constant 1.000000e-30 : f32
    %add3A_31 = vector.broadcast %add3A_30 : f32 to vector<1000x128xf32>
    %add3A_32 = arith.addf %max3A_29, %add3A_31 : vector<1000x128xf32>
    %sqrt3A = math.sqrt %add3A_32 : vector<1000x128xf32>
    %gt3A = arith.constant 0.000000e+00 : f32
    %gt3A_33 = vector.broadcast %gt3A : f32 to vector<1000x1xf32>
    %gt3A_34 = arith.cmpf ogt, %get3A_1, %gt3A_33 : vector<1000x1xf32>
    %get3A_35 = arith.constant 0 : index
    %get3A_36 = arith.constant 0 : index
    %get3A_37 = vector.load %arg3[%get3A_35, %get3A_36] : memref<1000x128xf32, #tpu.memory_space<vmem>>, vector<1000x128xf32>
    %add3A_38 = arith.addf %get3A_37, %get3A_6 : vector<1000x128xf32>
    %jit3A = arith.constant 0.000000e+00 : f32
    %broadcast_in_dim3A = vector.shape_cast %gt3A_34 : vector<1000x1xi1> to vector<1000x1xi1>
    %broadcast_in_dim3A_39 = vector.broadcast %broadcast_in_dim3A : vector<1000x1xi1> to vector<1000x128xi1>
    %broadcast_in_dim3A_40 = vector.broadcast %jit3A : f32 to vector<1000x128xf32>
    %select_n3A = arith.select %broadcast_in_dim3A_39, %add3A_38, %broadcast_in_dim3A_40 : vector<1000x128xi1>, vector<1000x128xf32>
    %get3A_41 = arith.constant 0 : index
    %get3A_42 = arith.constant 0 : index
    %get3A_43 = vector.load %arg4[%get3A_41, %get3A_42] : memref<1000x128xf32, #tpu.memory_space<vmem>>, vector<1000x128xf32>
    %add3A_44 = arith.addf %get3A_43, %get3A_6 : vector<1000x128xf32>
    %jit3A_45 = arith.constant 0.000000e+00 : f32
    %broadcast_in_dim3A_46 = vector.shape_cast %gt3A_34 : vector<1000x1xi1> to vector<1000x1xi1>
    %broadcast_in_dim3A_47 = vector.broadcast %broadcast_in_dim3A_46 : vector<1000x1xi1> to vector<1000x128xi1>
    %broadcast_in_dim3A_48 = vector.broadcast %jit3A_45 : f32 to vector<1000x128xf32>
    %select_n3A_49 = arith.select %broadcast_in_dim3A_47, %add3A_44, %broadcast_in_dim3A_48 : vector<1000x128xi1>, vector<1000x128xf32>
    %add3A_50 = arith.constant 1.000000e+00 : f32
    %add3A_51 = vector.broadcast %add3A_50 : f32 to vector<1000x1xf32>
    %add3A_52 = arith.addf %max3A_3, %add3A_51 : vector<1000x1xf32>
    %log3A = math.log %add3A_52 : vector<1000x1xf32>
    %div3A_53 = arith.constant 3.500000e+00 : f32
    %div3A_54 = vector.broadcast %div3A_53 : f32 to vector<1000x1xf32>
    %div3A_55 = arith.divf %log3A, %div3A_54 : vector<1000x1xf32>
    %div3A_56 = arith.constant 3.500000e+00 : f32
    %div3A_57 = vector.broadcast %div3A_56 : f32 to vector<1000x1xf32>
    %div3A_58 = arith.divf %div3A_57, %log3A : vector<1000x1xf32>
    %concatenate3A = tpu.concatenate %div3A_11, %select_n3A, %select_n3A_49, %sqrt3A in 1 : vector<1000x128xf32>, vector<1000x128xf32>, vector<1000x128xf32>, vector<1000x128xf32> -> vector<1000x512xf32>
    %get3A_59 = arith.constant 0 : index
    %get3A_60 = arith.constant 0 : index
    %get3A_61 = vector.load %arg7[%get3A_59, %get3A_60] : memref<1000x128xf32, #tpu.memory_space<vmem>>, vector<1000x128xf32>
    %get3A_62 = arith.constant 0 : index
    %get3A_63 = arith.constant 0 : index
    %get3A_64 = vector.load %arg8[%get3A_62, %get3A_63] : memref<128x128xf32, #tpu.memory_space<vmem>>, vector<128x128xf32>
    %dot_general3A = arith.constant dense<0.000000e+00> : vector<1000x128xf32>
    %dot_general3A_65 = tpu.matmul %get3A_61, %get3A_64, %dot_general3A {dimension_numbers = #tpu.dot_dimension_numbers<[1], [0], [0], [1], [0, 0, 1, 1], [], []>, transpose_lhs_hint = false} : vector<1000x128xf32>, vector<128x128xf32>, vector<1000x128xf32> -> vector<1000x128xf32>
    %get3A_66 = arith.constant 0 : index
    %get3A_67 = arith.constant 0 : index
    %get3A_68 = vector.load %arg9[%get3A_66, %get3A_67] : memref<512x128xf32, #tpu.memory_space<vmem>>, vector<512x128xf32>
    %dot_general3A_69 = arith.constant dense<0.000000e+00> : vector<1000x128xf32>
    %dot_general3A_70 = tpu.matmul %concatenate3A, %get3A_68, %dot_general3A_69 {dimension_numbers = #tpu.dot_dimension_numbers<[1], [0], [0], [1], [0, 0, 1, 1], [], []>, transpose_lhs_hint = false} : vector<1000x512xf32>, vector<512x128xf32>, vector<1000x128xf32> -> vector<1000x128xf32>
    %add3A_71 = arith.addf %dot_general3A_65, %dot_general3A_70 : vector<1000x128xf32>
    %get3A_72 = arith.constant 0 : index
    %get3A_73 = arith.constant 0 : index
    %get3A_74 = vector.load %arg10[%get3A_72, %get3A_73] : memref<512x128xf32, #tpu.memory_space<vmem>>, vector<512x128xf32>
    %dot_general3A_75 = arith.constant dense<0.000000e+00> : vector<1000x128xf32>
    %dot_general3A_76 = tpu.matmul %concatenate3A, %get3A_74, %dot_general3A_75 {dimension_numbers = #tpu.dot_dimension_numbers<[1], [0], [0], [1], [0, 0, 1, 1], [], []>, transpose_lhs_hint = false} : vector<1000x512xf32>, vector<512x128xf32>, vector<1000x128xf32> -> vector<1000x128xf32>
    %mul3A_77 = vector.broadcast %div3A_55 : vector<1000x1xf32> to vector<1000x128xf32>
    %mul3A_78 = arith.mulf %mul3A_77, %dot_general3A_76 : vector<1000x128xf32>
    %add3A_79 = arith.addf %add3A_71, %mul3A_78 : vector<1000x128xf32>
    %get3A_80 = arith.constant 0 : index
    %get3A_81 = arith.constant 0 : index
    %get3A_82 = vector.load %arg11[%get3A_80, %get3A_81] : memref<512x128xf32, #tpu.memory_space<vmem>>, vector<512x128xf32>
    %dot_general3A_83 = arith.constant dense<0.000000e+00> : vector<1000x128xf32>
    %dot_general3A_84 = tpu.matmul %concatenate3A, %get3A_82, %dot_general3A_83 {dimension_numbers = #tpu.dot_dimension_numbers<[1], [0], [0], [1], [0, 0, 1, 1], [], []>, transpose_lhs_hint = false} : vector<1000x512xf32>, vector<512x128xf32>, vector<1000x128xf32> -> vector<1000x128xf32>
    %mul3A_85 = vector.broadcast %div3A_58 : vector<1000x1xf32> to vector<1000x128xf32>
    %mul3A_86 = arith.mulf %mul3A_85, %dot_general3A_84 : vector<1000x128xf32>
    %add3A_87 = arith.addf %add3A_79, %mul3A_86 : vector<1000x128xf32>
    %get3A_88 = arith.constant 0 : index
    %get3A_89 = arith.constant 0 : index
    %get3A_90 = vector.load %arg12[%get3A_88, %get3A_89] : memref<1x128xf32, #tpu.memory_space<vmem>>, vector<1x128xf32>
    %add3A_91 = vector.broadcast %get3A_90 : vector<1x128xf32> to vector<1000x128xf32>
    %add3A_92 = arith.addf %add3A_87, %add3A_91 : vector<1000x128xf32>
    %swap3A = arith.constant 0 : index
    %swap3A_93 = arith.constant 0 : index
    %swap3A_94 = vector.load %arg13[%swap3A, %swap3A_93] : memref<1000x128xf32, #tpu.memory_space<vmem>>, vector<1000x128xf32>
    tpu.vector_store %arg13[%swap3A, %swap3A_93], %add3A_92 {strides = array<i32>} : memref<1000x128xf32, #tpu.memory_space<vmem>>, vector<1000x128xf32>,
    %eq3A = arith.constant 0 : i32
    %eq3A_95 = arith.cmpi eq, %arg0, %eq3A : i32
    %convert_element_type3A = arith.extui %eq3A_95 : i1 to i32
    %cond3A = arith.constant 0 : i32
    %cond3A_96 = arith.cmpi ne, %convert_element_type3A, %cond3A : i32
    scf.if %cond3A_96 {
      %broadcast_in_dim3A_111 = arith.constant 0.000000e+00 : f32
      %broadcast_in_dim3A_112 = vector.broadcast %broadcast_in_dim3A_111 : f32 to vector<2x128xf32>
      %swap3A_113 = arith.constant 0 : index
      %swap3A_114 = arith.constant 0 : index
      %swap3A_115 = vector.load %arg14[%swap3A_113, %swap3A_114] : memref<2x128xf32, #tpu.memory_space<vmem>>, vector<2x128xf32>
      tpu.vector_store %arg14[%swap3A_113, %swap3A_114], %broadcast_in_dim3A_112 {strides = array<i32>} : memref<2x128xf32, #tpu.memory_space<vmem>>, vector<2x128xf32>,
    } else {
    }
    %get3A_97 = arith.constant 0 : index
    %get3A_98 = arith.constant 0 : index
    %get3A_99 = vector.load %arg14[%get3A_97, %get3A_98] : memref<2x128xf32, #tpu.memory_space<vmem>>, vector<2x128xf32>
    %reduce_sum3A = arith.constant dense<0.000000e+00> : vector<128xf32>
    %reduce_sum3A_100 = vector.multi_reduction <add>, %add3A_92, %reduce_sum3A [0] : vector<1000x128xf32> to vector<128xf32>
    %broadcast_in_dim3A_101 = vector.shape_cast %reduce_sum3A_100 : vector<128xf32> to vector<1x128xf32>
    %mul3A_102 = arith.mulf %add3A_92, %add3A_92 : vector<1000x128xf32>
    %reduce_sum3A_103 = arith.constant dense<0.000000e+00> : vector<128xf32>
    %reduce_sum3A_104 = vector.multi_reduction <add>, %mul3A_102, %reduce_sum3A_103 [0] : vector<1000x128xf32> to vector<128xf32>
    %broadcast_in_dim3A_105 = vector.shape_cast %reduce_sum3A_104 : vector<128xf32> to vector<1x128xf32>
    %concatenate3A_106 = tpu.concatenate %broadcast_in_dim3A_101, %broadcast_in_dim3A_105 in 0 : vector<1x128xf32>, vector<1x128xf32> -> vector<2x128xf32>
    %add3A_107 = arith.addf %get3A_99, %concatenate3A_106 : vector<2x128xf32>
    %swap3A_108 = arith.constant 0 : index
    %swap3A_109 = arith.constant 0 : index
    %swap3A_110 = vector.load %arg14[%swap3A_108, %swap3A_109] : memref<2x128xf32, #tpu.memory_space<vmem>>, vector<2x128xf32>
    tpu.vector_store %arg14[%swap3A_108, %swap3A_109], %add3A_107 {strides = array<i32>} : memref<2x128xf32, #tpu.memory_space<vmem>>, vector<2x128xf32>,
    return
  }
  func.func @transform_0(%arg0: i32) -> (i32, i32) {
    %c0_i32 = arith.constant 0 : i32
    %c0_i32_0 = arith.constant 0 : i32
    return %arg0, %c0_i32 : i32, i32
  }
  func.func @transform_1(%arg0: i32) -> (i32, i32) {
    %c0_i32 = arith.constant 0 : i32
    %c0_i32_0 = arith.constant 0 : i32
    return %arg0, %c0_i32 : i32, i32
  }
  func.func @transform_2(%arg0: i32) -> (i32, i32) {
    %c0_i32 = arith.constant 0 : i32
    %c0_i32_0 = arith.constant 0 : i32
    return %arg0, %c0_i32 : i32, i32
  }
  func.func @transform_3(%arg0: i32) -> (i32, i32) {
    %c0_i32 = arith.constant 0 : i32
    %c0_i32_0 = arith.constant 0 : i32
    return %arg0, %c0_i32 : i32, i32
  }
  func.func @transform_4(%arg0: i32) -> (i32, i32) {
    %c0_i32 = arith.constant 0 : i32
    %c0_i32_0 = arith.constant 0 : i32
    return %arg0, %c0_i32 : i32, i32
  }
  func.func @transform_5(%arg0: i32) -> (i32, i32) {
    %c0_i32 = arith.constant 0 : i32
    %c0_i32_0 = arith.constant 0 : i32
    return %arg0, %c0_i32 : i32, i32
  }
  func.func @transform_6(%arg0: i32) -> (i32, i32) {
    %c0_i32 = arith.constant 0 : i32
    %c0_i32_0 = arith.constant 0 : i32
    return %arg0, %c0_i32 : i32, i32
  }
  func.func @transform_7(%arg0: i32) -> (i32, i32) {
    %c0_i32 = arith.constant 0 : i32
    %c0_i32_0 = arith.constant 0 : i32
    %c0_i32_1 = arith.constant 0 : i32
    return %c0_i32, %c0_i32_0 : i32, i32
  }
  func.func @transform_8(%arg0: i32) -> (i32, i32) {
    %c0_i32 = arith.constant 0 : i32
    %c0_i32_0 = arith.constant 0 : i32
    %c0_i32_1 = arith.constant 0 : i32
    return %c0_i32, %c0_i32_0 : i32, i32
  }
  func.func @transform_9(%arg0: i32) -> (i32, i32) {
    %c0_i32 = arith.constant 0 : i32
    %c0_i32_0 = arith.constant 0 : i32
    %c0_i32_1 = arith.constant 0 : i32
    return %c0_i32, %c0_i32_0 : i32, i32
  }
  func.func @transform_10(%arg0: i32) -> (i32, i32) {
    %c0_i32 = arith.constant 0 : i32
    %c0_i32_0 = arith.constant 0 : i32
    %c0_i32_1 = arith.constant 0 : i32
    return %c0_i32, %c0_i32_0 : i32, i32
  }
  func.func @transform_11(%arg0: i32) -> (i32, i32) {
    %c0_i32 = arith.constant 0 : i32
    %c0_i32_0 = arith.constant 0 : i32
    %c0_i32_1 = arith.constant 0 : i32
    return %c0_i32, %c0_i32_0 : i32, i32
  }
  func.func @transform_12(%arg0: i32) -> (i32, i32) {
    %c0_i32 = arith.constant 0 : i32
    %c0_i32_0 = arith.constant 0 : i32
    return %arg0, %c0_i32 : i32, i32
  }
  func.func @transform_13(%arg0: i32) -> (i32, i32) {
    %c0_i32 = arith.constant 0 : i32
    %c0_i32_0 = arith.constant 0 : i32
    %c0_i32_1 = arith.constant 0 : i32
    return %c0_i32, %c0_i32_0 : i32, i32
  }
}

module attributes {stable_mosaic.version = 14 : i64} {
  func.func @_epi2_body(%arg0: i32, %arg1: memref<1000x128xf32, #tpu.memory_space<vmem>>, %arg2: memref<2x128xf32, #tpu.memory_space<vmem>>, %arg3: memref<1x128xf32, #tpu.memory_space<vmem>>, %arg4: memref<1x128xf32, #tpu.memory_space<vmem>>, %arg5: memref<128x128xf32, #tpu.memory_space<vmem>>, %arg6: memref<1x128xf32, #tpu.memory_space<vmem>>, %arg7: memref<1000x128xf32, #tpu.memory_space<vmem>>, %arg8: memref<2x128xf32, #tpu.memory_space<vmem>>) attributes {dimension_semantics = [#tpu.dimension_semantics<arbitrary>], iteration_bounds = array<i64: 10>, scalar_prefetch = 0 : i64, scratch_operands = 0 : i64, tpu.core_type = #tpu.core_type<tc>, window_params = [{transform_indices = @transform_0, window_bounds = array<i64: 1000, 128>}, {pipeline_mode = #tpu.pipeline_mode<synchronous>, transform_indices = @transform_1, window_bounds = array<i64: 2, 128>}, {pipeline_mode = #tpu.pipeline_mode<synchronous>, transform_indices = @transform_2, window_bounds = array<i64: 1, 128>}, {pipeline_mode = #tpu.pipeline_mode<synchronous>, transform_indices = @transform_3, window_bounds = array<i64: 1, 128>}, {pipeline_mode = #tpu.pipeline_mode<synchronous>, transform_indices = @transform_4, window_bounds = array<i64: 128, 128>}, {pipeline_mode = #tpu.pipeline_mode<synchronous>, transform_indices = @transform_5, window_bounds = array<i64: 1, 128>}, {transform_indices = @transform_6, window_bounds = array<i64: 1000, 128>}, {pipeline_mode = #tpu.pipeline_mode<synchronous>, transform_indices = @transform_7, window_bounds = array<i64: 2, 128>}]} {
    %get3A = arith.constant 0 : index
    %get3A_0 = arith.constant 0 : index
    %get3A_1 = vector.load %arg2[%get3A, %get3A_0] : memref<2x128xf32, #tpu.memory_space<vmem>>, vector<1x128xf32>
    %div3A = arith.constant 1.000000e+04 : f32
    %div3A_2 = vector.broadcast %div3A : f32 to vector<1x128xf32>
    %div3A_3 = arith.divf %get3A_1, %div3A_2 : vector<1x128xf32>
    %get3A_4 = arith.constant 1 : index
    %get3A_5 = arith.constant 0 : index
    %get3A_6 = vector.load %arg2[%get3A_4, %get3A_5] : memref<2x128xf32, #tpu.memory_space<vmem>>, vector<1x128xf32>
    %div3A_7 = arith.constant 1.000000e+04 : f32
    %div3A_8 = vector.broadcast %div3A_7 : f32 to vector<1x128xf32>
    %div3A_9 = arith.divf %get3A_6, %div3A_8 : vector<1x128xf32>
    %mul3A = arith.mulf %div3A_3, %div3A_3 : vector<1x128xf32>
    %sub3A = arith.subf %div3A_9, %mul3A : vector<1x128xf32>
    %get3A_10 = arith.constant 0 : index
    %get3A_11 = arith.constant 0 : index
    %get3A_12 = vector.load %arg1[%get3A_10, %get3A_11] : memref<1000x128xf32, #tpu.memory_space<vmem>>, vector<1000x128xf32>
    %sub3A_13 = vector.broadcast %div3A_3 : vector<1x128xf32> to vector<1000x128xf32>
    %sub3A_14 = arith.subf %get3A_12, %sub3A_13 : vector<1000x128xf32>
    %add3A = arith.constant 9.99999974E-6 : f32
    %add3A_15 = vector.broadcast %add3A : f32 to vector<1x128xf32>
    %add3A_16 = arith.addf %sub3A, %add3A_15 : vector<1x128xf32>
    %sqrt3A = math.sqrt %add3A_16 : vector<1x128xf32>
    %div3A_17 = vector.broadcast %sqrt3A : vector<1x128xf32> to vector<1000x128xf32>
    %div3A_18 = arith.divf %sub3A_14, %div3A_17 : vector<1000x128xf32>
    %get3A_19 = arith.constant 0 : index
    %get3A_20 = arith.constant 0 : index
    %get3A_21 = vector.load %arg3[%get3A_19, %get3A_20] : memref<1x128xf32, #tpu.memory_space<vmem>>, vector<1x128xf32>
    %mul3A_22 = vector.broadcast %get3A_21 : vector<1x128xf32> to vector<1000x128xf32>
    %mul3A_23 = arith.mulf %div3A_18, %mul3A_22 : vector<1000x128xf32>
    %get3A_24 = arith.constant 0 : index
    %get3A_25 = arith.constant 0 : index
    %get3A_26 = vector.load %arg4[%get3A_24, %get3A_25] : memref<1x128xf32, #tpu.memory_space<vmem>>, vector<1x128xf32>
    %add3A_27 = vector.broadcast %get3A_26 : vector<1x128xf32> to vector<1000x128xf32>
    %add3A_28 = arith.addf %mul3A_23, %add3A_27 : vector<1000x128xf32>
    %get3A_29 = arith.constant 0 : index
    %get3A_30 = arith.constant 0 : index
    %get3A_31 = vector.load %arg5[%get3A_29, %get3A_30] : memref<128x128xf32, #tpu.memory_space<vmem>>, vector<128x128xf32>
    %dot_general3A = arith.constant dense<0.000000e+00> : vector<1000x128xf32>
    %dot_general3A_32 = tpu.matmul %add3A_28, %get3A_31, %dot_general3A {dimension_numbers = #tpu.dot_dimension_numbers<[1], [0], [0], [1], [0, 0, 1, 1], [], []>, transpose_lhs_hint = false} : vector<1000x128xf32>, vector<128x128xf32>, vector<1000x128xf32> -> vector<1000x128xf32>
    %get3A_33 = arith.constant 0 : index
    %get3A_34 = arith.constant 0 : index
    %get3A_35 = vector.load %arg6[%get3A_33, %get3A_34] : memref<1x128xf32, #tpu.memory_space<vmem>>, vector<1x128xf32>
    %add3A_36 = vector.broadcast %get3A_35 : vector<1x128xf32> to vector<1000x128xf32>
    %add3A_37 = arith.addf %dot_general3A_32, %add3A_36 : vector<1000x128xf32>
    %ge3A = arith.constant 0.000000e+00 : f32
    %ge3A_38 = vector.broadcast %ge3A : f32 to vector<1000x128xf32>
    %ge3A_39 = arith.cmpf oge, %add3A_37, %ge3A_38 : vector<1000x128xf32>
    %mul3A_40 = arith.constant 0.00999999977 : f32
    %mul3A_41 = vector.broadcast %mul3A_40 : f32 to vector<1000x128xf32>
    %mul3A_42 = arith.mulf %mul3A_41, %add3A_37 : vector<1000x128xf32>
    %select_n3A = arith.select %ge3A_39, %add3A_37, %mul3A_42 : vector<1000x128xi1>, vector<1000x128xf32>
    %swap3A = arith.constant 0 : index
    %swap3A_43 = arith.constant 0 : index
    %swap3A_44 = vector.load %arg7[%swap3A, %swap3A_43] : memref<1000x128xf32, #tpu.memory_space<vmem>>, vector<1000x128xf32>
    tpu.vector_store %arg7[%swap3A, %swap3A_43], %select_n3A {strides = array<i32>} : memref<1000x128xf32, #tpu.memory_space<vmem>>, vector<1000x128xf32>,
    %eq3A = arith.constant 0 : i32
    %eq3A_45 = arith.cmpi eq, %arg0, %eq3A : i32
    %convert_element_type3A = arith.extui %eq3A_45 : i1 to i32
    %cond3A = arith.constant 0 : i32
    %cond3A_46 = arith.cmpi ne, %convert_element_type3A, %cond3A : i32
    scf.if %cond3A_46 {
      %broadcast_in_dim3A_59 = arith.constant 0.000000e+00 : f32
      %broadcast_in_dim3A_60 = vector.broadcast %broadcast_in_dim3A_59 : f32 to vector<2x128xf32>
      %swap3A_61 = arith.constant 0 : index
      %swap3A_62 = arith.constant 0 : index
      %swap3A_63 = vector.load %arg8[%swap3A_61, %swap3A_62] : memref<2x128xf32, #tpu.memory_space<vmem>>, vector<2x128xf32>
      tpu.vector_store %arg8[%swap3A_61, %swap3A_62], %broadcast_in_dim3A_60 {strides = array<i32>} : memref<2x128xf32, #tpu.memory_space<vmem>>, vector<2x128xf32>,
    } else {
    }
    %get3A_47 = arith.constant 0 : index
    %get3A_48 = arith.constant 0 : index
    %get3A_49 = vector.load %arg8[%get3A_47, %get3A_48] : memref<2x128xf32, #tpu.memory_space<vmem>>, vector<2x128xf32>
    %reduce_sum3A = arith.constant dense<0.000000e+00> : vector<128xf32>
    %reduce_sum3A_50 = vector.multi_reduction <add>, %select_n3A, %reduce_sum3A [0] : vector<1000x128xf32> to vector<128xf32>
    %broadcast_in_dim3A = vector.shape_cast %reduce_sum3A_50 : vector<128xf32> to vector<1x128xf32>
    %mul3A_51 = arith.mulf %select_n3A, %select_n3A : vector<1000x128xf32>
    %reduce_sum3A_52 = arith.constant dense<0.000000e+00> : vector<128xf32>
    %reduce_sum3A_53 = vector.multi_reduction <add>, %mul3A_51, %reduce_sum3A_52 [0] : vector<1000x128xf32> to vector<128xf32>
    %broadcast_in_dim3A_54 = vector.shape_cast %reduce_sum3A_53 : vector<128xf32> to vector<1x128xf32>
    %concatenate3A = tpu.concatenate %broadcast_in_dim3A, %broadcast_in_dim3A_54 in 0 : vector<1x128xf32>, vector<1x128xf32> -> vector<2x128xf32>
    %add3A_55 = arith.addf %get3A_49, %concatenate3A : vector<2x128xf32>
    %swap3A_56 = arith.constant 0 : index
    %swap3A_57 = arith.constant 0 : index
    %swap3A_58 = vector.load %arg8[%swap3A_56, %swap3A_57] : memref<2x128xf32, #tpu.memory_space<vmem>>, vector<2x128xf32>
    tpu.vector_store %arg8[%swap3A_56, %swap3A_57], %add3A_55 {strides = array<i32>} : memref<2x128xf32, #tpu.memory_space<vmem>>, vector<2x128xf32>,
    return
  }
  func.func @transform_0(%arg0: i32) -> (i32, i32) {
    %c0_i32 = arith.constant 0 : i32
    %c0_i32_0 = arith.constant 0 : i32
    return %arg0, %c0_i32 : i32, i32
  }
  func.func @transform_1(%arg0: i32) -> (i32, i32) {
    %c0_i32 = arith.constant 0 : i32
    %c0_i32_0 = arith.constant 0 : i32
    %c0_i32_1 = arith.constant 0 : i32
    return %c0_i32, %c0_i32_0 : i32, i32
  }
  func.func @transform_2(%arg0: i32) -> (i32, i32) {
    %c0_i32 = arith.constant 0 : i32
    %c0_i32_0 = arith.constant 0 : i32
    %c0_i32_1 = arith.constant 0 : i32
    return %c0_i32, %c0_i32_0 : i32, i32
  }
  func.func @transform_3(%arg0: i32) -> (i32, i32) {
    %c0_i32 = arith.constant 0 : i32
    %c0_i32_0 = arith.constant 0 : i32
    %c0_i32_1 = arith.constant 0 : i32
    return %c0_i32, %c0_i32_0 : i32, i32
  }
  func.func @transform_4(%arg0: i32) -> (i32, i32) {
    %c0_i32 = arith.constant 0 : i32
    %c0_i32_0 = arith.constant 0 : i32
    %c0_i32_1 = arith.constant 0 : i32
    return %c0_i32, %c0_i32_0 : i32, i32
  }
  func.func @transform_5(%arg0: i32) -> (i32, i32) {
    %c0_i32 = arith.constant 0 : i32
    %c0_i32_0 = arith.constant 0 : i32
    %c0_i32_1 = arith.constant 0 : i32
    return %c0_i32, %c0_i32_0 : i32, i32
  }
  func.func @transform_6(%arg0: i32) -> (i32, i32) {
    %c0_i32 = arith.constant 0 : i32
    %c0_i32_0 = arith.constant 0 : i32
    return %arg0, %c0_i32 : i32, i32
  }
  func.func @transform_7(%arg0: i32) -> (i32, i32) {
    %c0_i32 = arith.constant 0 : i32
    %c0_i32_0 = arith.constant 0 : i32
    %c0_i32_1 = arith.constant 0 : i32
    return %c0_i32, %c0_i32_0 : i32, i32
  }
}

module attributes {stable_mosaic.version = 14 : i64} {
  func.func @_epi3_body(%arg0: i32, %arg1: memref<1000x128xf32, #tpu.memory_space<vmem>>, %arg2: memref<2x128xf32, #tpu.memory_space<vmem>>, %arg3: memref<1x128xf32, #tpu.memory_space<vmem>>, %arg4: memref<1x128xf32, #tpu.memory_space<vmem>>, %arg5: memref<1000x128xf32, #tpu.memory_space<vmem>>, %arg6: memref<1000x128xf32, #tpu.memory_space<vmem>>) attributes {dimension_semantics = [#tpu.dimension_semantics<arbitrary>], iteration_bounds = array<i64: 10>, scalar_prefetch = 0 : i64, scratch_operands = 0 : i64, tpu.core_type = #tpu.core_type<tc>, window_params = [{transform_indices = @transform_0, window_bounds = array<i64: 1000, 128>}, {pipeline_mode = #tpu.pipeline_mode<synchronous>, transform_indices = @transform_1, window_bounds = array<i64: 2, 128>}, {pipeline_mode = #tpu.pipeline_mode<synchronous>, transform_indices = @transform_2, window_bounds = array<i64: 1, 128>}, {pipeline_mode = #tpu.pipeline_mode<synchronous>, transform_indices = @transform_3, window_bounds = array<i64: 1, 128>}, {transform_indices = @transform_4, window_bounds = array<i64: 1000, 128>}, {transform_indices = @transform_5, window_bounds = array<i64: 1000, 128>}]} {
    %get3A = arith.constant 0 : index
    %get3A_0 = arith.constant 0 : index
    %get3A_1 = vector.load %arg2[%get3A, %get3A_0] : memref<2x128xf32, #tpu.memory_space<vmem>>, vector<1x128xf32>
    %div3A = arith.constant 1.000000e+04 : f32
    %div3A_2 = vector.broadcast %div3A : f32 to vector<1x128xf32>
    %div3A_3 = arith.divf %get3A_1, %div3A_2 : vector<1x128xf32>
    %get3A_4 = arith.constant 1 : index
    %get3A_5 = arith.constant 0 : index
    %get3A_6 = vector.load %arg2[%get3A_4, %get3A_5] : memref<2x128xf32, #tpu.memory_space<vmem>>, vector<1x128xf32>
    %div3A_7 = arith.constant 1.000000e+04 : f32
    %div3A_8 = vector.broadcast %div3A_7 : f32 to vector<1x128xf32>
    %div3A_9 = arith.divf %get3A_6, %div3A_8 : vector<1x128xf32>
    %mul3A = arith.mulf %div3A_3, %div3A_3 : vector<1x128xf32>
    %sub3A = arith.subf %div3A_9, %mul3A : vector<1x128xf32>
    %get3A_10 = arith.constant 0 : index
    %get3A_11 = arith.constant 0 : index
    %get3A_12 = vector.load %arg1[%get3A_10, %get3A_11] : memref<1000x128xf32, #tpu.memory_space<vmem>>, vector<1000x128xf32>
    %sub3A_13 = vector.broadcast %div3A_3 : vector<1x128xf32> to vector<1000x128xf32>
    %sub3A_14 = arith.subf %get3A_12, %sub3A_13 : vector<1000x128xf32>
    %add3A = arith.constant 9.99999974E-6 : f32
    %add3A_15 = vector.broadcast %add3A : f32 to vector<1x128xf32>
    %add3A_16 = arith.addf %sub3A, %add3A_15 : vector<1x128xf32>
    %sqrt3A = math.sqrt %add3A_16 : vector<1x128xf32>
    %div3A_17 = vector.broadcast %sqrt3A : vector<1x128xf32> to vector<1000x128xf32>
    %div3A_18 = arith.divf %sub3A_14, %div3A_17 : vector<1000x128xf32>
    %get3A_19 = arith.constant 0 : index
    %get3A_20 = arith.constant 0 : index
    %get3A_21 = vector.load %arg3[%get3A_19, %get3A_20] : memref<1x128xf32, #tpu.memory_space<vmem>>, vector<1x128xf32>
    %mul3A_22 = vector.broadcast %get3A_21 : vector<1x128xf32> to vector<1000x128xf32>
    %mul3A_23 = arith.mulf %div3A_18, %mul3A_22 : vector<1000x128xf32>
    %get3A_24 = arith.constant 0 : index
    %get3A_25 = arith.constant 0 : index
    %get3A_26 = vector.load %arg4[%get3A_24, %get3A_25] : memref<1x128xf32, #tpu.memory_space<vmem>>, vector<1x128xf32>
    %add3A_27 = vector.broadcast %get3A_26 : vector<1x128xf32> to vector<1000x128xf32>
    %add3A_28 = arith.addf %mul3A_23, %add3A_27 : vector<1000x128xf32>
    %get3A_29 = arith.constant 0 : index
    %get3A_30 = arith.constant 0 : index
    %get3A_31 = vector.load %arg5[%get3A_29, %get3A_30] : memref<1000x128xf32, #tpu.memory_space<vmem>>, vector<1000x128xf32>
    %ge3A = arith.constant 0.000000e+00 : f32
    %ge3A_32 = vector.broadcast %ge3A : f32 to vector<1000x128xf32>
    %ge3A_33 = arith.cmpf oge, %add3A_28, %ge3A_32 : vector<1000x128xf32>
    %mul3A_34 = arith.constant 0.00999999977 : f32
    %mul3A_35 = vector.broadcast %mul3A_34 : f32 to vector<1000x128xf32>
    %mul3A_36 = arith.mulf %mul3A_35, %add3A_28 : vector<1000x128xf32>
    %select_n3A = arith.select %ge3A_33, %add3A_28, %mul3A_36 : vector<1000x128xi1>, vector<1000x128xf32>
    %add3A_37 = arith.addf %get3A_31, %select_n3A : vector<1000x128xf32>
    %swap3A = arith.constant 0 : index
    %swap3A_38 = arith.constant 0 : index
    %swap3A_39 = vector.load %arg6[%swap3A, %swap3A_38] : memref<1000x128xf32, #tpu.memory_space<vmem>>, vector<1000x128xf32>
    tpu.vector_store %arg6[%swap3A, %swap3A_38], %add3A_37 {strides = array<i32>} : memref<1000x128xf32, #tpu.memory_space<vmem>>, vector<1000x128xf32>,
    return
  }
  func.func @transform_0(%arg0: i32) -> (i32, i32) {
    %c0_i32 = arith.constant 0 : i32
    %c0_i32_0 = arith.constant 0 : i32
    return %arg0, %c0_i32 : i32, i32
  }
  func.func @transform_1(%arg0: i32) -> (i32, i32) {
    %c0_i32 = arith.constant 0 : i32
    %c0_i32_0 = arith.constant 0 : i32
    %c0_i32_1 = arith.constant 0 : i32
    return %c0_i32, %c0_i32_0 : i32, i32
  }
  func.func @transform_2(%arg0: i32) -> (i32, i32) {
    %c0_i32 = arith.constant 0 : i32
    %c0_i32_0 = arith.constant 0 : i32
    %c0_i32_1 = arith.constant 0 : i32
    return %c0_i32, %c0_i32_0 : i32, i32
  }
  func.func @transform_3(%arg0: i32) -> (i32, i32) {
    %c0_i32 = arith.constant 0 : i32
    %c0_i32_0 = arith.constant 0 : i32
    %c0_i32_1 = arith.constant 0 : i32
    return %c0_i32, %c0_i32_0 : i32, i32
  }
  func.func @transform_4(%arg0: i32) -> (i32, i32) {
    %c0_i32 = arith.constant 0 : i32
    %c0_i32_0 = arith.constant 0 : i32
    return %arg0, %c0_i32 : i32, i32
  }
  func.func @transform_5(%arg0: i32) -> (i32, i32) {
    %c0_i32 = arith.constant 0 : i32
    %c0_i32_0 = arith.constant 0 : i32
    return %arg0, %c0_i32 : i32, i32
  }
}

</mosaic_0001>

<sc_bundles>
// kernel: kernel.11.cloned.1.call-start
scs
__scs_entry_jumppad:
0x0: {  	(pc) =	sbr.rel $0x88, $3  }
0x1: {  	(tag) =	ssettag $0x0;
	lr =	simm.s32 $0x1  }
0x2: {  	[smem:$0x3F95] =	sst lr;
	_ =	strace $0xD0000000  }
0x3: {  	_ = 	snop  }
0x4: {  	_ = 	snop  }
0x5: {  	_ = 	snop  }
0x6: {  	_ = 	snop  }
0x7: {  	_ = 	snop  }
__scs_overlays_trampoline_lowered:
0x8: {  	[smem:$0x3FA4] =	sst s0  }
0x9: {  	[smem:$0x3FA5] =	sst s1  }
0xa: {  	[smem:$0x3FA6] =	sst s2  }
0xb: {  	[smem:$0x3FA7] =	sst s3  }
0xc: {  	[smem:$0x3FA8] =	sst s4  }
0xd: {  	[smem:$0x3FA9] =	sst s5  }
0xe: {  	[smem:$0x3FAA] =	sst s6  }
0xf: {  	[smem:$0x3FAB] =	sst s7  }
0x10: {  	[smem:$0x3FAC] =	sst s8  }
0x11: {  	[smem:$0x3FAD] =	sst s9;
	s0 =	simm.s32 @!p0 $0x0  }
0x12: {  	s1 =	sld [smem:$0x3F93];
	s0 =	simm.s32 @p0 $0x1  }
0x13: {  	[smem:$0x3FAE] =	sst s0;
	s0 =	simm.s32 @!p1 $0x0  }
0x14: {  	s2 =	sld [smem:$0x3F92];
	s0 =	simm.s32 @p1 $0x1  }
0x15: {  	[smem:$0x3FAF] =	sst s0;
	s0 =	simm.s32 @!p2 $0x0  }
0x16: {  	s3 =	sld [smem:$0x3FDB];
	s0 =	simm.s32 @p2 $0x1  }
0x17: {  	s4 =	simm.s32 $0x1BF5;
	[smem:$0x3FB1] =	sst s0  }
0x18: {  	s0 =	sld [smem:$0x3F94];
	_ =	swait.ge [sflag:s4], $0x0  }
0x19: {  	s7 =	sld [smem:$0x3F95]  }
0x1a: {  	s8 =	sadd.s32 $0xFFFFE003, lr  }
0x1b: {  	s9 =	sadd.s32 $0xFFFFFEF7, lr;
	s5 =	simm.s32 $0xFFFFFFFF;
	p2 =	slt.u32 s8, $0xFFFFF086  }
0x1c: {  	p1 =	slt.u32 s9, $0xF7A;
	s5 =	simm.s32 @!p2 $0x0  }
0x1d: {  	s5 =	simm.s32 @p1 $0x1;
	p0 =	seq.s32 s7, s2  }
0x1e: {  	s7 =	smul.u32 @!p0 $0xF7A, s2;
	p2 =	seq.s32 @!p0 s5, $0x0  }
0x1f: {  	s9 =	smul.u32 $0xF7A, s1;
	s8 =	simm.s32 @!p0 $0x1BF5;
	p2 =	por !p2, p0  }
0x20: {  	[sflag:s8] =	ssyncset.s32 @!p0 $0xFFFFF086;
	s6 =	sadd.s32 @!p0 s3, s7;
	s7 =	simm.s32 @!p0 $0x108  }
0x21: {  	s3 =	sadd.s32 s3, s9;
	s6 =	sadd.s32 @!p0 $0x88, s6;
	s7 =	simm.s32 @p2 $0x1082  }
0x22: {  	[simem:s7], [sflag:s8] =	dma.local @!p0 [hbm:s6], $0xF7A  }
0x23: {  	s9 =	sor.u32 $0xD0000000, s2;
	s6 =	simm.s32 $0x108;
	_ =	swait.ge @!p0 [sflag:s8], $0x0  }
0x24: {  	s3 =	sadd.s32 $0x88, s3;
	s6 =	simm.s32 @!p1 $0x1082;
	[sflag:s4] =	ssyncset.s32 $0xFFFFF086  }
0x25: {  	[simem:s6], [sflag:s4] =	dma.local [hbm:s3], $0xF7A  }
0x26: {  	[smem:$0x3F95] =	sst s1;
	(tag) =	ssettag s2;
	_ =	strace s9  }
0x27: {  	s1 =	sld [smem:$0x3FA5]  }
0x28: {  	s2 =	sld [smem:$0x3FA6]  }
0x29: {  	s4 =	sld [smem:$0x3FA8]  }
0x2a: {  	p0 =	seq.s32 s5, $0x0;
	s5 =	sld [smem:$0x3FA9]  }
0x2b: {  	s6 =	sld [smem:$0x3FAA]  }
0x2c: {  	s7 =	sld [smem:$0x3FAB]  }
0x2d: {  	s3 =	simm.s32 $0x108;
	s8 =	sld [smem:$0x3FAC]  }
0x2e: {  	s3 =	simm.s32 @!p0 $0x1082;
	s9 =	sld [smem:$0x3FAD]  }
0x2f: {  	lr =	sadd.s32 s0, s3;
	s0 =	sld [smem:$0x3FA4]  }
0x30: {  	s3 =	sld [smem:$0x3FA7]  }
0x31: {  	[smem:$0x3FB0] =	sst s10  }
0x32: {  	s10 =	sld [smem:$0x3FAE];
	_ =	sdelay $0x3  }
0x33: {  	p0 =	seq.s32 s10, $0x1;
	s10 =	sld [smem:$0x3FB0];
	_ =	sdelay $0x3  }
0x34: {  	[smem:$0x3FB0] =	sst s10  }
0x35: {  	s10 =	sld [smem:$0x3FAF];
	_ =	sdelay $0x3  }
0x36: {  	p1 =	seq.s32 s10, $0x1;
	s10 =	sld [smem:$0x3FB0];
	_ =	sdelay $0x3  }
0x37: {  	[smem:$0x3FB0] =	sst s10  }
0x38: {  	s10 =	sld [smem:$0x3FB1]  }
0x39: {  	_ = 	snop;
	(pc) =	sbr.ind lr, $3  }
0x3a: {  	_ = 	snop  }
0x3b: {  	_ = 	snop  }
0x3c: {  	p2 =	seq.s32 s10, $0x1;
	s10 =	sld [smem:$0x3FB0]  }
0x3d: {  	_ =	shalt  }
0x3e: {  	_ =	shalt  }
0x3f: {  	_ =	shalt  }
0x40: {  	_ =	shalt  }
0x41: {  	_ =	shalt  }
0x42: {  	_ =	shalt  }
0x43: {  	_ =	shalt  }
0x44: {  	_ =	shalt  }
0x45: {  	_ =	shalt  }
0x46: {  	_ =	shalt  }
0x47: {  	_ =	shalt  }
0x48: {  	_ =	shalt  }
0x49: {  	_ =	shalt  }
0x4a: {  	_ =	shalt  }
0x4b: {  	_ =	shalt  }
0x4c: {  	_ =	shalt  }
0x4d: {  	_ =	shalt  }
0x4e: {  	_ =	shalt  }
0x4f: {  	_ =	shalt  }
0x50: {  	_ =	shalt  }
0x51: {  	_ =	shalt  }
0x52: {  	_ =	shalt  }
0x53: {  	_ =	shalt  }
0x54: {  	_ =	shalt  }
0x55: {  	_ =	shalt  }
0x56: {  	_ =	shalt  }
0x57: {  	_ =	shalt  }
0x58: {  	_ =	shalt  }
0x59: {  	_ =	shalt  }
0x5a: {  	_ =	shalt  }
0x5b: {  	_ =	shalt  }
0x5c: {  	_ =	shalt  }
0x5d: {  	_ =	shalt  }
0x5e: {  	_ =	shalt  }
0x5f: {  	_ =	shalt  }
0x60: {  	_ =	shalt  }
0x61: {  	_ =	shalt  }
0x62: {  	_ =	shalt  }
0x63: {  	_ =	shalt  }
0x64: {  	_ =	shalt  }
0x65: {  	_ =	shalt  }
0x66: {  	_ =	shalt  }
0x67: {  	_ =	shalt  }
0x68: {  	_ =	shalt  }
0x69: {  	_ =	shalt  }
0x6a: {  	_ =	shalt  }
0x6b: {  	_ =	shalt  }
0x6c: {  	_ =	shalt  }
0x6d: {  	_ =	shalt  }
0x6e: {  	_ =	shalt  }
0x6f: {  	_ =	shalt  }
0x70: {  	_ =	shalt  }
0x71: {  	_ =	shalt  }
0x72: {  	_ =	shalt  }
0x73: {  	_ =	shalt  }
0x74: {  	_ =	shalt  }
0x75: {  	_ =	shalt  }
0x76: {  	_ =	shalt  }
0x77: {  	_ =	shalt  }
0x78: {  	_ =	shalt  }
0x79: {  	_ =	shalt  }
0x7a: {  	_ =	shalt  }
0x7b: {  	_ =	shalt  }
0x7c: {  	_ =	shalt  }
0x7d: {  	_ =	shalt  }
0x7e: {  	_ =	shalt  }
0x7f: {  	_ =	shalt  }
0x80: {  	_ =	shalt  }
0x81: {  	_ =	shalt  }
0x82: {  	_ =	shalt  }
0x83: {  	_ =	shalt  }
0x84: {  	_ =	shalt  }
0x85: {  	_ =	shalt  }
0x86: {  	_ =	shalt  }
0x87: {  	_ =	shalt  }
.Lfunc_end0:
.L_simem_size_0:
called_computation.1_lowered:
.L_overlay_start_0:
0x88: {  	s2 =	sld [smem:$0x3FD9]  }
0x89: {  	s3 =	sld [smem:$0x3FFE];
	_ =	sdelay $0x1  }
0x8a: {  	s1 =	srdreg.scid  }
0x8b: {  	s0 =	sand.u32 $0x1, s1  }
0x8c: {  	s16 =	sshll.u32 s0, $0xA;
	s2 =	sadd.s32 s3, s2  }
0x8d: {  	s2 =	sadd.s32 s2, s16  }
0x8e: {  	[smem:$0x3FBC] =	sst s2  }
0x8f: {  	_ = 	snop  }
0x90: {  	(tm) =	ssettm $0x1  }
0x91: {  	s17 =	sld [smem:$0x3FFB];
	_ =	sdelay $0x3  }
0x92: {  	_ =	strace s17  }
0x93: {  	s2 =	sld [smem:$0x3FFC];
	_ =	sdelay $0x3  }
0x94: {  	_ =	strace s2  }
0x95: {  	s2 =	sld [smem:$0x3FFD];
	_ =	sdelay $0x3  }
0x96: {  	_ =	strace s2  }
0x97: {  	_ =	strace $0x8FFFFFFF  }
0x98: {  	s18 =	sld [smem:$0x3FDB];
	_ =	sdelay $0x1  }
0x99: {  	s19 =	simm.s32 $_scs_section_size  }
0x9a: {  	s4 =	simm.s32 $_size__tile_overlayer_lowered;
	s5 =	simm.s32 $_tile_overlayer_lowered  }
0x9b: {  	s22 =	simm.s32 $0x1BFF;
	s21 =	sshll.u32 s5, $0x1;
	s2 =	sadd.s32 s19, s18  }
0x9c: {  	s6 =	simm.s32 $0x0;
	s20 =	sshll.u32 s4, $0x1;
	s4 =	sadd.s32 s21, s2  }
0x9d: {  	[timem:s6], [sflag:s22] =	dma.local [hbm:s4], s20  }
0x9e: {  	_ =	swait.ge [sflag:s22], s20  }
0x9f: {  	s3 =	ssub.s32 $0x0, s20;
	[sflag:s22] =	ssyncset.done $0x0  }
0xa0: {  	[sflag:s22] =	ssyncadd.s32 s3;
	_ =	sdelay $0x1  }
0xa1: {  	s23 =	simm.s32 $0x1B8B  }
0xa2: {  	_ =	swait.ge [sflag:s23], $0x1  }
0xa3: {  	[sflag:s23] =	ssyncset.done $0x0  }
0xa4: {  	s25 =	simm.s32 $0x1B8E;
	s24 =	sld [smem:$0x3FFE];
	[sflag:s23] =	ssyncadd.s32 $0xFFFFFFFF  }
0xa5: {  	s26 =	simm.s32 $execute0_lowered;
	[smem:$0x3FD2] =	sst s25  }
0xa6: {  	s4 =	sshll.u32 s26, $0x1;
	_ =	strace $0x80000046;
	[dreg:$0x1] =	wrdreg $0xFFFFFFFF  }
0xa7: {  	s28 =	simm.s32 $_size_execute0_lowered;
	s2 =	sadd.s32 s2, s4;
	[dreg:$0x0] =	wrdreg $0x0  }
0xa8: {  	s4 =	sshll.u32 s28, $0x1;
	[dreg:$0x2] =	wrdreg s2  }
0xa9: {  	[dreg:$0x3] =	wrdreg s4  }
0xaa: {  	[dreg:$0x4] =	wrdreg $0xC0  }
0xab: {  	_ =	task [dreg:s6], $0x5FFFF  }
0xac: {  	[dreg:$0x1] =	wrdreg $0xFFFFFFFF  }
0xad: {  	[dreg:$0x0] =	wrdreg $0x60  }
0xae: {  	[dreg:$0x2] =	wrdreg s24  }
0xaf: {  	[dreg:$0x3] =	wrdreg $0xA  }
0xb0: {  	_ =	task.clear_ibuf [dreg:s6], $0x4FFFF;
	_ =	strace $0x90000046  }
0xb1: {  	s29 =	simm.s32 $0xA;
	_ =	strace $0x80000048  }
0xb2: {  	_ =	swait.ge [sflag:s29], $0x1  }
0xb3: {  	[sflag:s29] =	ssyncadd.s32 $0xFFFFFFFF  }
0xb4: {  	_ =	strace $0x90000048  }
0xb5: {  	_ =	sfence  }
0xb6: {  	s30 =	sld [smem:$0x0];
	_ =	sdelay $0x2  }
0xb7: {  	s31 =	sshll.u32 s1, $0xD;
	s1 =	sshrl.u32 s1, $0x2  }
0xb8: {  	s3 =	sand.u32 $0x4000, s31;
	s1 =	sadd.s32 s1, s30  }
0xb9: {  	s0 =	sor.u32 s3, s0;
	s1 =	sshll.u32 s1, $0x11  }
0xba: {  	s0 =	sor.u32 s1, s0  }
0xbb: {  	s0 =	sadd.s32 $0x8F2B, s0  }
0xbc: {  	[sflag:s0] =	ssyncadd.remote.s32 $0x1  }
0xbd: {  	_ =	sfence.sel $0xFFFF  }
0xbe: {  	[dreg:$0x0] =	wrdreg $0xFFFFFFFF;
	(pc) =	sbr.abs _section_cstart, $3  }
0xbf: {  	[dreg:$0x1] =	wrdreg $0xFFFFFFFF  }
0xc0: {  	_ =	task.clear_ibuf [dreg:s6], $0x2FFFF;
	_ =	strace $0x9FFFFFFF  }
0xc1: {  	(tm) =	ssettm $0x7FFFFFFF  }
tec
execute0_lowered:
.L_overlay_start_1:
0x0: {  	(tag) =	ssettag $0x1  }
0x1: {  	s1 =	srdreg.scid  }
0x2: {  	s0 =	stileid.u32;
	s6 =	rddreg [dreg:$0x0];
	s2 =	simm.s32 $0x0  }
0x3: {  	s13 =	simm.s32 $0x90;
	s14 =	simm.s32 $0x860;
	s15 =	simm.s32 $0x920  }
0x4: {  	s16 =	simm.s32 $0x1;
	s17 =	simm.s32 $0x2D20;
	s18 =	simm.s32 $0x7D20  }
0x5: {  	s19 =	simm.s32 $0xCD20;
	s7 =	sand.u32 $0x1, s1;
	s3 =	sshll.u32 s0, $0x1  }
0x6: {  	s20 =	simm.s32 $0x11D20;
	s21 =	simm.s32 $0x16D20;
	s5 =	sor.u32 s7, s3  }
0x7: {  	s22 =	simm.s32 $0x0;
	[smem:$0x7FF] =	sst s2;
	s3 =	smul.u32 $0x140, s5  }
0x8: {  	s4 =	sadd.s32 $0x6200, s6;
	_ =	strace $0x80000047;
	s8 =	smul.u32 $0xA00, s5  }
.Ltmp0:
0x9: {  	s7 =	ssub.s32 $0x2, s7;
	s5 =	sadd.s32 $0x10000, s6;
	(pc) =	sbr.rel .LBB2_1-.Ltmp0, $4  }
0xa: {  	s31 =	sshrl.u32 s7, $0x1;
	s9 =	sshrl.u32 s3, $0x3;
	s10 =	sadd.s32 s8, s6  }
0xb: {  	s12 =	ssub.s32 s7, s31;
	s11 =	sadd.s32 s9, s6;
	s6 =	sadd.s32 $0x24000, s10  }
0xc: {  	v1 =	vimm.f32 $0.0e+00;
	v2 =	vimm.f32 $-Inf;
	v3 =	vimm.f32 $+Inf;
	s7 =	sadd.s32 $0x38000, s10;
	s8 =	sadd.s32 $0x4C000, s10;
	s9 =	sadd.s32 $0x60000, s10  }
0xd: {  	v4 =	vimm.s32 $0x0;
	v5 =	vlaneseq.u32;
	v0 =	vmov s3;
	s10 =	sadd.s32 $0x23A00, s11;
	s11 =	smax.u32 s12, $0x1;
	s12 =	simm.s32 $0x2  }
.LBB2_16:
0xe: {  	v7 =	vadd.f32 v7, v8;
	[tilespmem:s25+$0x11D50] =	vst v9  }
0xf: {  	[tilespmem:s25+$0x2D50] =	vst v6  }
0x10: {  	[tilespmem:s25+$0x7D50] =	vst v7  }
.LBB2_17:
0x11: {  	[hbm4b:s6+s2] =	stream.linear.scatter [tilespmem:s17], [sflag:$0x2], $0x5000, $0x38;
	[tilespmem:$0x16E60] =	vst v63  }
0x12: {  	_ =	swait.ge [sflag:s12], $0x5000  }
0x13: {  	[sflag:s12] =	ssyncset.done $0x0  }
0x14: {  	[sflag:s12] =	ssyncadd.s32 $0xFFFFB000  }
0x15: {  	[hbm4b:s7+s2] =	stream.linear.scatter [tilespmem:s18], [sflag:$0x2], $0x5000, $0x38;
	[tilespmem:$0x16E60] =	vst v63  }
0x16: {  	_ =	swait.ge [sflag:s12], $0x5000  }
0x17: {  	[sflag:s12] =	ssyncset.done $0x0  }
0x18: {  	[sflag:s12] =	ssyncadd.s32 $0xFFFFB000  }
0x19: {  	[hbm4b:s8+s2] =	stream.linear.scatter [tilespmem:s19], [sflag:$0x2], $0x5000, $0x38;
	[tilespmem:$0x16E60] =	vst v63  }
0x1a: {  	_ =	swait.ge [sflag:s12], $0x5000  }
0x1b: {  	[sflag:s12] =	ssyncset.done $0x0  }
0x1c: {  	[sflag:s12] =	ssyncadd.s32 $0xFFFFB000  }
0x1d: {  	[hbm4b:s9+s2] =	stream.linear.scatter [tilespmem:s20], [sflag:$0x2], $0x5000, $0x38;
	[tilespmem:$0x16E60] =	vst v63  }
0x1e: {  	s22 =	sadd.s32 $0x1, s22;
	_ =	swait.ge [sflag:s12], $0x5000  }
0x1f: {  	p0 =	sne.s32 s22, s11;
	[sflag:s12] =	ssyncset.done $0x0  }
.Ltmp1:
0x20: {  	[sflag:s12] =	ssyncadd.s32 $0xFFFFB000;
	(pc) =	sbr.rel @!p0 .LBB2_18-.Ltmp1, $4  }
0x21: {  	[hbm4b:s10+s2] =	stream.linear.scatter [tilespmem:s21], [sflag:$0x2], $0x140, $0x38;
	[tilespmem:$0x16E60] =	vst v63  }
0x22: {  	_ =	swait.ge [sflag:s12], $0x140  }
0x23: {  	[sflag:s12] =	ssyncset.done $0x0  }
0x24: {  	[sflag:s12] =	ssyncadd.s32 $0xFFFFFEC0  }
.LBB2_1:
0x25: {  	s23 =	simm.s32 $0x0;
	s24 =	simm.s32 $0x100  }
.LBB2_2:
0x26: {  	p0 =	sne.s32 s24, $0x13F00;
	[tilespmem:s23+$0x11D50] =	vst v3  }
0x27: {  	[tilespmem:s23+$0x2D20] =	vst v1  }
0x28: {  	[tilespmem:s23+$0x7D20] =	vst v1  }
0x29: {  	[tilespmem:s23+$0xCD20] =	vst v2  }
0x2a: {  	[tilespmem:s23+$0x11D20] =	vst v3  }
0x2b: {  	[tilespmem:s23+$0x2D30] =	vst v1  }
0x2c: {  	[tilespmem:s23+$0x7D30] =	vst v1  }
0x2d: {  	[tilespmem:s23+$0xCD30] =	vst v2  }
0x2e: {  	[tilespmem:s23+$0x11D30] =	vst v3  }
0x2f: {  	[tilespmem:s23+$0x2D40] =	vst v1  }
0x30: {  	[tilespmem:s23+$0x7D40] =	vst v1  }
.Ltmp2:
0x31: {  	[tilespmem:s23+$0xCD40] =	vst v2;
	(pc) =	sbr.rel @p0 .LBB2_2-.Ltmp2, $4  }
0x32: {  	[tilespmem:s23+$0x11D40] =	vst v3  }
0x33: {  	[tilespmem:s23+$0x2D50] =	vst v1  }
0x34: {  	[tilespmem:s23+$0x7D50] =	vst v1  }
0x35: {  	[tilespmem:s23+$0xCD50] =	vst v2;
	s23 =	sshra.s32 s24, $0x2;
	s24 =	sadd.s32 $0x100, s24  }
0x36: {  	[tilespmem:s23+$0x11D50] =	vst v3  }
0x37: {  	[tilespmem:s23+$0x2D20] =	vst v1  }
0x38: {  	[tilespmem:s23+$0x7D20] =	vst v1  }
0x39: {  	[tilespmem:s23+$0xCD20] =	vst v2  }
0x3a: {  	[tilespmem:s23+$0x11D20] =	vst v3  }
0x3b: {  	[tilespmem:s23+$0x2D30] =	vst v1  }
0x3c: {  	[tilespmem:s23+$0x7D30] =	vst v1  }
0x3d: {  	[tilespmem:s23+$0xCD30] =	vst v2  }
0x3e: {  	[tilespmem:s23+$0x11D30] =	vst v3  }
0x3f: {  	[tilespmem:s23+$0x2D40] =	vst v1  }
0x40: {  	[tilespmem:s23+$0x7D40] =	vst v1  }
0x41: {  	[tilespmem:s23+$0xCD40] =	vst v2  }
0x42: {  	[tilespmem:s23+$0x11D40] =	vst v3  }
0x43: {  	[tilespmem:s23+$0x2D50] =	vst v1  }
0x44: {  	[tilespmem:s23+$0x7D50] =	vst v1  }
0x45: {  	[tilespmem:s23+$0xCD50] =	vst v2  }
0x46: {  	[tilespmem:$0x16D20] =	vst v1  }
0x47: {  	[tilespmem:$0x16D30] =	vst v1  }
0x48: {  	[tilespmem:$0x16D40] =	vst v1  }
0x49: {  	[tilespmem:$0x16D50] =	vst v1  }
0x4a: {  	[tilespmem:$0x16D60] =	vst v1  }
0x4b: {  	[tilespmem:$0x16D70] =	vst v1  }
0x4c: {  	[tilespmem:$0x16D80] =	vst v1  }
0x4d: {  	[tilespmem:$0x16D90] =	vst v1  }
0x4e: {  	[tilespmem:$0x16DA0] =	vst v1  }
0x4f: {  	[tilespmem:$0x16DB0] =	vst v1  }
0x50: {  	[tilespmem:$0x16DC0] =	vst v1  }
0x51: {  	[tilespmem:$0x16DD0] =	vst v1  }
0x52: {  	[tilespmem:$0x16DE0] =	vst v1  }
0x53: {  	[tilespmem:$0x16DF0] =	vst v1  }
0x54: {  	[tilespmem:$0x16E00] =	vst v1  }
0x55: {  	[tilespmem:$0x16E10] =	vst v1  }
0x56: {  	[tilespmem:$0x16E20] =	vst v1  }
0x57: {  	[tilespmem:$0x16E30] =	vst v1  }
0x58: {  	[tilespmem:$0x16E40] =	vst v1  }
0x59: {  	[tilespmem:$0x16E50] =	vst v1  }
0x5a: {  	[tilespmem:$0x7D0] =	vst v4  }
0x5b: {  	[tilespmem:$0x7E0] =	vst v4  }
0x5c: {  	[tilespmem:$0x7F0] =	vst v4  }
0x5d: {  	[tilespmem:$0x800] =	vst v4  }
0x5e: {  	[tilespmem:$0x810] =	vst v4  }
0x5f: {  	[tilespmem:$0x820] =	vst v4  }
0x60: {  	[tilespmem:$0x830] =	vst v4  }
.Ltmp3:
0x61: {  	[tilespmem:$0x840] =	vst v4;
	(pc) =	sbr.rel .LBB2_4-.Ltmp3, $4  }
0x62: {  	[tilespmem:$0x850] =	vst v4  }
0x63: {  	[tilespmem:$0x8F0] =	vst v4  }
0x64: {  	[tilespmem:$0x900] =	vst v4  }
0x65: {  	s23 =	simm.s32 $0x0;
	s26 =	simm.s32 $0x0;
	s24 =	simm.s32 $0x0;
	[tilespmem:$0x910] =	vst v4  }
.LBB2_12:
0x66: {  	s24 =	sadd.s32 $0x1, s24  }
0x67: {  	p0 =	sne.s32 s24, $0xA0  }
.Ltmp4:
0x68: {  	_ = 	snop;
	(pc) =	sbr.rel @!p0 .LBB2_13-.Ltmp4, $1  }
0x69: {  	_ =	sdelay $0x3  }
.LBB2_4:
0x6a: {  	s25 =	smul.u32 $0xFA, s24;
	_ =	sdelay $0x1  }
.Ltmp5:
0x6b: {  	s25 =	sadd.s32 s4, s25;
	(pc) =	sbr.rel .LBB2_5-.Ltmp5, $4  }
0x6c: {  	[tilespmem:s23], [sflag:$0x2] =	stream.linear.gather [hbm4b:s25+s23], $0x7D0, $0x38;
	[tilespmem:$0x16E60] =	vst v63  }
0x6d: {  	_ =	swait.ge [sflag:s12], $0x7D0  }
0x6e: {  	[sflag:s12] =	ssyncset.done $0x0  }
0x6f: {  	s25 =	simm.s32 $0x0;
	[sflag:s12] =	ssyncadd.s32 $0xFFFFF830  }
.LBB2_11:
0x70: {  	s25 =	sadd.s32 $0x1, s25  }
0x71: {  	p0 =	sne.s32 s25, $0x7D  }
.Ltmp6:
0x72: {  	_ = 	snop;
	(pc) =	sbr.rel @!p0 .LBB2_12-.Ltmp6, $1  }
0x73: {  	_ =	sdelay $0x3  }
.LBB2_5:
0x74: {  	p0 =	slt.s32 s26, $0x70  }
.Ltmp7:
0x75: {  	_ = 	snop;
	(pc) =	sbr.rel @p0 .LBB2_9-.Ltmp7, $4  }
0x76: {  	_ = 	snop  }
0x77: {  	s28 =	sshll.u32 s25, $0x4  }
0x78: {  	s28 =	sand.u32 $0x3FFFFFF0, s28  }
0x79: {  	v6 =	vld [tilespmem:s28+$0x0]  }
0x7a: {  	v7 =	vld [tilespmem:$0x7D0]  }
0x7b: {  	v8 =	vld [tilespmem:$0x7E0]  }
0x7c: {  	v9 =	vld [tilespmem:$0x7F0]  }
0x7d: {  	v10 =	vld [tilespmem:$0x800]  }
0x7e: {  	v11 =	vld [tilespmem:$0x810]  }
0x7f: {  	v12 =	vld [tilespmem:$0x820];
	v7 =	vand.u32 $0x3FFF, v7  }
0x80: {  	[tilespmem:$0x860] =	vst v7;
	v7 =	vand.u32 $0x3FFF, v8;
	v8 =	vld [tilespmem:$0x830]  }
0x81: {  	[tilespmem:$0x870] =	vst v7;
	v7 =	vand.u32 $0x3FFF, v9;
	v9 =	vld [tilespmem:$0x840]  }
0x82: {  	[tilespmem:$0x880] =	vst v7;
	v7 =	vand.u32 $0x3FFF, v10;
	v10 =	vld [tilespmem:$0x850]  }
0x83: {  	[tilespmem:$0x890] =	vst v7;
	v7 =	vand.u32 $0x3FFF, v11  }
0x84: {  	[tilespmem:$0x8A0] =	vst v7;
	v7 =	vand.u32 $0x3FFF, v12  }
0x85: {  	[tilespmem:$0x8B0] =	vst v7;
	v7 =	vand.u32 $0x3FFF, v8  }
0x86: {  	[tilespmem:$0x8C0] =	vst v7;
	v7 =	vand.u32 $0x3FFF, v9  }
0x87: {  	[tilespmem:$0x8D0] =	vst v7;
	v7 =	vand.u32 $0x3FFF, v10  }
0x88: {  	[tilespmem:$0x8E0] =	vst v7  }
0x89: {  	[tilespmem:s15], [sflag:$0x1] =	stream.indirect.gather [hbm4b:s5+s13], $0x40, s14, s13, $0xb8;
	[tilespmem:$0x16E60] =	vst v63  }
0x8a: {  	_ =	swait.ge [sflag:s16], $0x2400  }
0x8b: {  	[sflag:s16] =	ssyncset.done $0x0  }
0x8c: {  	s28 =	simm.s32 $0x7D0;
	[sflag:s16] =	ssyncadd.s32 $0xFFFFDC00  }
0x8d: {  	v7 =	vld [tilespmem:s28+$0x0];
	_ =	sdelay $0x4  }
0x8e: {  	(v2sf) =	vpush v7, $0x0;
	_ =	sdelay $0xe  }
0x8f: {  	s29 =	spop (v2sf)  }
0x90: {  	s29 =	sshrl.u32 s29, $0xE  }
0x91: {  	s30 =	ssub.s32 s29, s3  }
0x92: {  	s31 =	sand.u32 $0xFFFFFFF0, s30  }
0x93: {  	v7 =	vld [tilespmem:s31+$0x16D20]  }
0x94: {  	s29 =	sand.u32 $0xF, s29  }
0x95: {  	v8 =	vmov s29  }
0x96: {  	vm0 =	veq.s32 v8, v5  }
0x97: {  	v8 =	vsel vm0, $0x3F800000, v4  }
0x98: {  	v7 =	vadd.f32 v8, v7;
	_ =	sdelay $0x1  }
0x99: {  	s30 =	sshll.u32 s30, $0x6;
	[tilespmem:s31+$0x16D20] =	vst v7  }
0x9a: {  	v7 =	vld [tilespmem:s30+$0xCD20]  }
0x9b: {  	s29 =	simm.s32 $0x940;
	v8 =	vld [tilespmem:s30+$0x2D20]  }
0x9c: {  	v9 =	vld [tilespmem:s29+$0xFFFFFFE0]  }
0x9d: {  	v10 =	vld [tilespmem:s30+$0x11D20]  }
0x9e: {  	v11 =	vld [tilespmem:s30+$0x7D20];
	_ =	sdelay $0x2  }
0x9f: {  	v8 =	vadd.f32 v8, v9;
	v7 =	vmax.f32 v7, v9;
	v60 =	vmul.f32 v9, v9  }
0xa0: {  	[tilespmem:s30+$0xCD20] =	vst v7  }
0xa1: {  	v7 =	vmin.f32 v10, v9;
	[tilespmem:s30+$0x2D20] =	vst v8;
	v8 =	vadd.f32 v11, v60  }
0xa2: {  	[tilespmem:s30+$0x11D20] =	vst v7;
	v7 =	vld [tilespmem:s30+$0xCD30]  }
0xa3: {  	[tilespmem:s30+$0x7D20] =	vst v8;
	v8 =	vld [tilespmem:s30+$0x2D30]  }
0xa4: {  	v9 =	vld [tilespmem:s29+$0xFFFFFFF0]  }
0xa5: {  	v10 =	vld [tilespmem:s30+$0x11D30]  }
0xa6: {  	v11 =	vld [tilespmem:s30+$0x7D30];
	_ =	sdelay $0x2  }
0xa7: {  	v8 =	vadd.f32 v8, v9;
	v7 =	vmax.f32 v7, v9;
	v61 =	vmul.f32 v9, v9  }
0xa8: {  	[tilespmem:s30+$0xCD30] =	vst v7  }
0xa9: {  	v7 =	vmin.f32 v10, v9;
	[tilespmem:s30+$0x2D30] =	vst v8;
	v8 =	vadd.f32 v11, v61  }
0xaa: {  	[tilespmem:s30+$0x11D30] =	vst v7;
	v7 =	vld [tilespmem:s30+$0xCD40]  }
0xab: {  	[tilespmem:s30+$0x7D30] =	vst v8;
	v8 =	vld [tilespmem:s30+$0x2D40]  }
0xac: {  	v9 =	vld [tilespmem:s29+$0x0]  }
0xad: {  	v10 =	vld [tilespmem:s30+$0x11D40]  }
0xae: {  	v11 =	vld [tilespmem:s30+$0x7D40];
	_ =	sdelay $0x2  }
0xaf: {  	v8 =	vadd.f32 v8, v9;
	v7 =	vmax.f32 v7, v9;
	v62 =	vmul.f32 v9, v9  }
0xb0: {  	[tilespmem:s30+$0xCD40] =	vst v7  }
0xb1: {  	v7 =	vmin.f32 v10, v9;
	[tilespmem:s30+$0x2D40] =	vst v8;
	v8 =	vadd.f32 v11, v62  }
0xb2: {  	v9 =	vld [tilespmem:s30+$0x2D50];
	[tilespmem:s30+$0x11D40] =	vst v7  }
0xb3: {  	v7 =	vld [tilespmem:s30+$0xCD50];
	[tilespmem:s30+$0x7D40] =	vst v8  }
0xb4: {  	v10 =	vld [tilespmem:s29+$0x10]  }
0xb5: {  	p0 =	sne.s32 s26, $0x1;
	v11 =	vld [tilespmem:s30+$0x11D50]  }
.Ltmp8:
0xb6: {  	v8 =	vld [tilespmem:s30+$0x7D50];
	(pc) =	sbr.rel @!p0 .LBB2_8-.Ltmp8, $3  }
0xb7: {  	_ =	sdelay $0x1  }
0xb8: {  	v63 =	vmax.f32 v7, v10;
	v7 =	vadd.f32 v9, v10;
	v9 =	vmul.f32 v10, v10  }
0xb9: {  	s31 =	sadd.s32 $0xFFFFFFFF, s26;
	v10 =	vmin.f32 v11, v10;
	[tilespmem:s30+$0xCD50] =	vst v63  }
.LBB2_7:
0xba: {  	p0 =	sne.s32 s31, $0x1;
	v8 =	vadd.f32 v8, v9;
	[tilespmem:s30+$0x11D50] =	vst v10;
	s28 =	sadd.s32 $0x1, s28;
	s29 =	sadd.s32 $0x40, s29  }
0xbb: {  	s31 =	sadd.s32 $0xFFFFFFFF, s31;
	[tilespmem:s30+$0x2D50] =	vst v7  }
0xbc: {  	[tilespmem:s30+$0x7D50] =	vst v8  }
0xbd: {  	v7 =	vld [tilespmem:s28+$0x0];
	_ =	sdelay $0x4  }
0xbe: {  	(v2sf) =	vpush v7, $0x0;
	_ =	sdelay $0xe  }
0xbf: {  	s30 =	spop (v2sf)  }
0xc0: {  	s30 =	sshrl.u32 s30, $0xE  }
0xc1: {  	s1 =	ssub.s32 s30, s3;
	s30 =	sand.u32 $0xF, s30  }
0xc2: {  	s0 =	sand.u32 $0xFFFFFFF0, s1;
	v7 =	vmov s30  }
0xc3: {  	vm0 =	veq.s32 v7, v5;
	v7 =	vld [tilespmem:s0+$0x16D20];
	_ =	sdelay $0x3  }
0xc4: {  	v8 =	vsel vm0, $0x3F800000, v4  }
0xc5: {  	v7 =	vadd.f32 v8, v7;
	_ =	sdelay $0x1  }
0xc6: {  	s30 =	sshll.u32 s1, $0x6;
	[tilespmem:s0+$0x16D20] =	vst v7  }
0xc7: {  	v7 =	vld [tilespmem:s30+$0xCD20]  }
0xc8: {  	v8 =	vld [tilespmem:s30+$0x2D20]  }
0xc9: {  	v9 =	vld [tilespmem:s29+$0xFFFFFFE0]  }
0xca: {  	v10 =	vld [tilespmem:s30+$0x11D20]  }
0xcb: {  	v11 =	vld [tilespmem:s30+$0x7D20];
	_ =	sdelay $0x2  }
0xcc: {  	v8 =	vadd.f32 v8, v9;
	v12 =	vmul.f32 v9, v9;
	v7 =	vmax.f32 v7, v9  }
0xcd: {  	[tilespmem:s30+$0xCD20] =	vst v7;
	v7 =	vmin.f32 v10, v9  }
0xce: {  	[tilespmem:s30+$0x2D20] =	vst v8;
	v8 =	vadd.f32 v11, v12  }
0xcf: {  	[tilespmem:s30+$0x11D20] =	vst v7;
	v7 =	vld [tilespmem:s30+$0xCD30]  }
0xd0: {  	[tilespmem:s30+$0x7D20] =	vst v8;
	v8 =	vld [tilespmem:s30+$0x2D30]  }
0xd1: {  	v9 =	vld [tilespmem:s29+$0xFFFFFFF0]  }
0xd2: {  	v10 =	vld [tilespmem:s30+$0x11D30]  }
0xd3: {  	v11 =	vld [tilespmem:s30+$0x7D30];
	_ =	sdelay $0x2  }
0xd4: {  	v8 =	vadd.f32 v8, v9;
	v12 =	vmul.f32 v9, v9;
	v7 =	vmax.f32 v7, v9  }
0xd5: {  	[tilespmem:s30+$0xCD30] =	vst v7;
	v7 =	vmin.f32 v10, v9  }
0xd6: {  	[tilespmem:s30+$0x2D30] =	vst v8;
	v8 =	vadd.f32 v11, v12  }
0xd7: {  	[tilespmem:s30+$0x11D30] =	vst v7;
	v7 =	vld [tilespmem:s30+$0xCD40]  }
0xd8: {  	[tilespmem:s30+$0x7D30] =	vst v8;
	v8 =	vld [tilespmem:s30+$0x2D40]  }
0xd9: {  	v9 =	vld [tilespmem:s29+$0x0]  }
0xda: {  	v10 =	vld [tilespmem:s30+$0x11D40]  }
0xdb: {  	v11 =	vld [tilespmem:s30+$0x7D40];
	_ =	sdelay $0x2  }
0xdc: {  	v8 =	vadd.f32 v8, v9;
	v12 =	vmul.f32 v9, v9;
	v7 =	vmax.f32 v7, v9  }
0xdd: {  	[tilespmem:s30+$0xCD40] =	vst v7;
	v7 =	vmin.f32 v10, v9  }
0xde: {  	[tilespmem:s30+$0x2D40] =	vst v8;
	v8 =	vadd.f32 v11, v12  }
0xdf: {  	[tilespmem:s30+$0x11D40] =	vst v7;
	v10 =	vld [tilespmem:s30+$0xCD50]  }
0xe0: {  	[tilespmem:s30+$0x7D40] =	vst v8;
	v7 =	vld [tilespmem:s30+$0x2D50]  }
0xe1: {  	v11 =	vld [tilespmem:s29+$0x10]  }
0xe2: {  	v12 =	vld [tilespmem:s30+$0x11D50]  }
.Ltmp9:
0xe3: {  	v8 =	vld [tilespmem:s30+$0x7D50];
	(pc) =	sbr.rel @p0 .LBB2_7-.Ltmp9, $3  }
0xe4: {  	_ =	sdelay $0x1  }
0xe5: {  	v7 =	vadd.f32 v7, v11;
	v9 =	vmul.f32 v11, v11;
	v10 =	vmax.f32 v10, v11  }
0xe6: {  	[tilespmem:s30+$0xCD50] =	vst v10;
	v10 =	vmin.f32 v12, v11  }
.LBB2_8:
0xe7: {  	v8 =	vadd.f32 v8, v9;
	[tilespmem:s30+$0x11D50] =	vst v10  }
0xe8: {  	[tilespmem:s30+$0x2D50] =	vst v7  }
0xe9: {  	[tilespmem:s30+$0x7D50] =	vst v8  }
.LBB2_9:
0xea: {  	_ =	sdelay $0x3  }
0xeb: {  	v7 =	vshrl.u32 v6, $0xE  }
0xec: {  	v7 =	vsub.s32 v7, v0  }
0xed: {  	v8 =	vsub.s32 $0x13F, v7  }
0xee: {  	v7 =	vor.u32 v7, v8  }
0xef: {  	vm0 =	vgt.s32 v7, $0xFFFFFFFF  }
0xf0: {  	v7 =	vsel vm0, $0x1, v4  }
0xf1: {  	[tilespmem:$0x900] =	vst v7  }
0xf2: {  	v8 =	vld [tilespmem:$0x8FF];
	_ =	sdelay $0x4  }
0xf3: {  	v8 =	vadd.s32 v7, v8  }
0xf4: {  	[tilespmem:$0x900] =	vst v8  }
0xf5: {  	v9 =	vld [tilespmem:$0x8FE];
	_ =	sdelay $0x4  }
0xf6: {  	v8 =	vadd.s32 v8, v9  }
0xf7: {  	[tilespmem:$0x900] =	vst v8  }
0xf8: {  	v9 =	vld [tilespmem:$0x8FC];
	_ =	sdelay $0x4  }
0xf9: {  	v8 =	vadd.s32 v8, v9  }
0xfa: {  	[tilespmem:$0x900] =	vst v8  }
0xfb: {  	v9 =	vld [tilespmem:$0x8F8];
	_ =	sdelay $0x4  }
0xfc: {  	v8 =	vadd.s32 v8, v9  }
0xfd: {  	(v2sf) =	vpush v8, $0xF;
	_ =	sdelay $0xe  }
0xfe: {  	p0 =	sgt.s32 s26, $0x6F;
	s28 =	smov.u32 s26;
	s29 =	spop (v2sf)  }
0xff: {  	s28 =	simm.s32 @p0 $0x0;
	p0 =	slt.s32 s29, $0x1  }
.Ltmp10:
0x100: {  	_ = 	snop;
	(pc) =	sbr.rel @p0 .LBB2_11-.Ltmp10, $2  }
0x101: {  	_ =	sdelay $0x2  }
0x102: {  	s26 =	smov.u32 s28  }
0x103: {  	v7 =	vsub.s32 v8, v7;
	s0 =	sadd.s32 $0x7D0, s28  }
0x104: {  	v7 =	vadd.s32 s0, v7  }
0x105: {  	(v2sf) =	vpush v7, $0x1  }
0x106: {  	(v2sf) =	vpush v7, $0x0  }
0x107: {  	(v2sf) =	vpush v7, $0x3  }
0x108: {  	(v2sf) =	vpush v7, $0x2  }
0x109: {  	(v2sf) =	vpush v7, $0x5  }
0x10a: {  	(v2sf) =	vpush v7, $0x4  }
0x10b: {  	(v2sf) =	vpush v7, $0x7  }
0x10c: {  	(v2sf) =	vpush v7, $0x6  }
0x10d: {  	(v2sf) =	vpush v7, $0x9  }
0x10e: {  	(v2sf) =	vpush v7, $0x8  }
0x10f: {  	(v2sf) =	vpush v7, $0xB  }
0x110: {  	(v2sf) =	vpush v7, $0xA  }
0x111: {  	(v2sf) =	vpush v7, $0xD  }
0x112: {  	(v2sf) =	vpush v7, $0xC  }
0x113: {  	(v2sf) =	vpush v7, $0xF  }
0x114: {  	v56 =	vbroadcast v6, $0x0;
	s26 =	spop (v2sf);
	(v2sf) =	vpush v7, $0xE  }
0x115: {  	v7 =	vbroadcast v6, $0x1;
	s1 =	spop (v2sf)  }
0x116: {  	v57 =	vbroadcast v6, $0x2;
	[tilespmem:s1+$0x0] =	vst v56;
	s30 =	spop (v2sf)  }
0x117: {  	[tilespmem:s26+$0x0] =	vst v7;
	s31 =	spop (v2sf);
	v7 =	vbroadcast v6, $0x3  }
0x118: {  	v58 =	vbroadcast v6, $0x4;
	[tilespmem:s31+$0x0] =	vst v57;
	s26 =	spop (v2sf)  }
0x119: {  	[tilespmem:s30+$0x0] =	vst v7;
	s30 =	spop (v2sf);
	v7 =	vbroadcast v6, $0x5  }
0x11a: {  	v59 =	vbroadcast v6, $0x6;
	[tilespmem:s30+$0x0] =	vst v58;
	s31 =	spop (v2sf)  }
0x11b: {  	[tilespmem:s26+$0x0] =	vst v7;
	s26 =	spop (v2sf);
	v7 =	vbroadcast v6, $0x7  }
0x11c: {  	v60 =	vbroadcast v6, $0x8;
	[tilespmem:s26+$0x0] =	vst v59;
	s30 =	spop (v2sf)  }
0x11d: {  	[tilespmem:s31+$0x0] =	vst v7;
	s31 =	spop (v2sf);
	v7 =	vbroadcast v6, $0x9  }
0x11e: {  	v61 =	vbroadcast v6, $0xA;
	[tilespmem:s31+$0x0] =	vst v60;
	s26 =	spop (v2sf)  }
0x11f: {  	[tilespmem:s30+$0x0] =	vst v7;
	s30 =	spop (v2sf);
	v7 =	vbroadcast v6, $0xB  }
0x120: {  	v62 =	vbroadcast v6, $0xC;
	[tilespmem:s30+$0x0] =	vst v61;
	s31 =	spop (v2sf)  }
.Ltmp11:
0x121: {  	[tilespmem:s26+$0x0] =	vst v7;
	s26 =	spop (v2sf);
	v7 =	vbroadcast v6, $0xD;
	(pc) =	sbr.rel .LBB2_11-.Ltmp11, $4  }
0x122: {  	v63 =	vbroadcast v6, $0xE;
	[tilespmem:s26+$0x0] =	vst v62;
	s30 =	spop (v2sf)  }
0x123: {  	v6 =	vbroadcast v6, $0xF;
	[tilespmem:s31+$0x0] =	vst v7;
	s31 =	spop (v2sf)  }
0x124: {  	[tilespmem:s31+$0x0] =	vst v63  }
0x125: {  	s26 =	sadd.s32 s28, s29;
	[tilespmem:s30+$0x0] =	vst v6  }
.LBB2_13:
0x126: {  	p0 =	slt.s32 s26, $0x1  }
.Ltmp12:
0x127: {  	_ = 	snop;
	(pc) =	sbr.rel @p0 .LBB2_17-.Ltmp12, $1  }
0x128: {  	_ =	sdelay $0x3  }
0x129: {  	v6 =	vld [tilespmem:$0x7D0]  }
0x12a: {  	v7 =	vld [tilespmem:$0x7E0]  }
0x12b: {  	v8 =	vld [tilespmem:$0x7F0]  }
0x12c: {  	v9 =	vld [tilespmem:$0x800]  }
0x12d: {  	v10 =	vld [tilespmem:$0x810]  }
0x12e: {  	v11 =	vld [tilespmem:$0x820];
	v6 =	vand.u32 $0x3FFF, v6  }
0x12f: {  	[tilespmem:$0x860] =	vst v6;
	v6 =	vand.u32 $0x3FFF, v7;
	v7 =	vld [tilespmem:$0x830]  }
0x130: {  	[tilespmem:$0x870] =	vst v6;
	v6 =	vand.u32 $0x3FFF, v8;
	v8 =	vld [tilespmem:$0x840]  }
0x131: {  	[tilespmem:$0x880] =	vst v6;
	v6 =	vand.u32 $0x3FFF, v9;
	v9 =	vld [tilespmem:$0x850]  }
0x132: {  	[tilespmem:$0x890] =	vst v6;
	v6 =	vand.u32 $0x3FFF, v10  }
0x133: {  	[tilespmem:$0x8A0] =	vst v6;
	v6 =	vand.u32 $0x3FFF, v11  }
0x134: {  	[tilespmem:$0x8B0] =	vst v6;
	v6 =	vand.u32 $0x3FFF, v7  }
0x135: {  	[tilespmem:$0x8C0] =	vst v6;
	v6 =	vand.u32 $0x3FFF, v8  }
0x136: {  	[tilespmem:$0x8D0] =	vst v6;
	v6 =	vand.u32 $0x3FFF, v9  }
0x137: {  	[tilespmem:$0x8E0] =	vst v6  }
0x138: {  	[tilespmem:s15], [sflag:$0x1] =	stream.indirect.gather [hbm4b:s5+s13], $0x40, s14, s13, $0xb8;
	[tilespmem:$0x16E60] =	vst v63  }
0x139: {  	_ =	swait.ge [sflag:s16], $0x2400  }
0x13a: {  	[sflag:s16] =	ssyncset.done $0x0  }
0x13b: {  	s23 =	simm.s32 $0x7D0;
	[sflag:s16] =	ssyncadd.s32 $0xFFFFDC00  }
0x13c: {  	v6 =	vld [tilespmem:s23+$0x0];
	_ =	sdelay $0x4  }
0x13d: {  	(v2sf) =	vpush v6, $0x0;
	_ =	sdelay $0xe  }
0x13e: {  	s0 =	spop (v2sf)  }
0x13f: {  	s0 =	sshrl.u32 s0, $0xE  }
0x140: {  	s1 =	ssub.s32 s0, s3  }
0x141: {  	s24 =	sand.u32 $0xFFFFFFF0, s1  }
0x142: {  	v6 =	vld [tilespmem:s24+$0x16D20]  }
0x143: {  	s0 =	sand.u32 $0xF, s0  }
0x144: {  	v7 =	vmov s0  }
0x145: {  	vm0 =	veq.s32 v7, v5  }
0x146: {  	v7 =	vsel vm0, $0x3F800000, v4  }
0x147: {  	v6 =	vadd.f32 v7, v6;
	_ =	sdelay $0x1  }
0x148: {  	s25 =	sshll.u32 s1, $0x6;
	[tilespmem:s24+$0x16D20] =	vst v6  }
0x149: {  	v6 =	vld [tilespmem:s25+$0xCD20]  }
0x14a: {  	s24 =	simm.s32 $0x940;
	v7 =	vld [tilespmem:s25+$0x2D20]  }
0x14b: {  	v8 =	vld [tilespmem:s24+$0xFFFFFFE0]  }
0x14c: {  	v9 =	vld [tilespmem:s25+$0x11D20]  }
0x14d: {  	v10 =	vld [tilespmem:s25+$0x7D20];
	_ =	sdelay $0x2  }
0x14e: {  	v7 =	vadd.f32 v7, v8;
	v6 =	vmax.f32 v6, v8;
	v11 =	vmul.f32 v8, v8  }
0x14f: {  	[tilespmem:s25+$0xCD20] =	vst v6  }
0x150: {  	v6 =	vmin.f32 v9, v8;
	[tilespmem:s25+$0x2D20] =	vst v7;
	v7 =	vadd.f32 v10, v11  }
0x151: {  	[tilespmem:s25+$0x11D20] =	vst v6;
	v6 =	vld [tilespmem:s25+$0xCD30]  }
0x152: {  	[tilespmem:s25+$0x7D20] =	vst v7;
	v7 =	vld [tilespmem:s25+$0x2D30]  }
0x153: {  	v8 =	vld [tilespmem:s24+$0xFFFFFFF0]  }
0x154: {  	v9 =	vld [tilespmem:s25+$0x11D30]  }
0x155: {  	v10 =	vld [tilespmem:s25+$0x7D30];
	_ =	sdelay $0x2  }
0x156: {  	v7 =	vadd.f32 v7, v8;
	v6 =	vmax.f32 v6, v8;
	v11 =	vmul.f32 v8, v8  }
0x157: {  	[tilespmem:s25+$0xCD30] =	vst v6  }
0x158: {  	v6 =	vmin.f32 v9, v8;
	[tilespmem:s25+$0x2D30] =	vst v7;
	v7 =	vadd.f32 v10, v11  }
0x159: {  	[tilespmem:s25+$0x11D30] =	vst v6;
	v6 =	vld [tilespmem:s25+$0xCD40]  }
0x15a: {  	[tilespmem:s25+$0x7D30] =	vst v7;
	v7 =	vld [tilespmem:s25+$0x2D40]  }
0x15b: {  	v8 =	vld [tilespmem:s24+$0x0]  }
0x15c: {  	v9 =	vld [tilespmem:s25+$0x11D40]  }
0x15d: {  	v10 =	vld [tilespmem:s25+$0x7D40];
	_ =	sdelay $0x2  }
0x15e: {  	v7 =	vadd.f32 v7, v8;
	v6 =	vmax.f32 v6, v8;
	v11 =	vmul.f32 v8, v8  }
0x15f: {  	[tilespmem:s25+$0xCD40] =	vst v6  }
0x160: {  	v6 =	vmin.f32 v9, v8;
	[tilespmem:s25+$0x2D40] =	vst v7;
	v7 =	vadd.f32 v10, v11  }
0x161: {  	p0 =	sgt.s32 s29, $0x0;
	v8 =	vld [tilespmem:s25+$0x2D50];
	[tilespmem:s25+$0x11D40] =	vst v6  }
0x162: {  	s29 =	simm.s32 @!p0 $0x0;
	v6 =	vld [tilespmem:s25+$0xCD50];
	[tilespmem:s25+$0x7D40] =	vst v7  }
0x163: {  	s31 =	sadd.s32 s29, s28;
	v9 =	vld [tilespmem:s24+$0x10]  }
0x164: {  	p0 =	sne.s32 s31, $0x1;
	v10 =	vld [tilespmem:s25+$0x11D50]  }
.Ltmp13:
0x165: {  	v7 =	vld [tilespmem:s25+$0x7D50];
	(pc) =	sbr.rel @!p0 .LBB2_16-.Ltmp13, $3  }
0x166: {  	_ =	sdelay $0x1  }
0x167: {  	v11 =	vmax.f32 v6, v9;
	v6 =	vadd.f32 v8, v9;
	v8 =	vmul.f32 v9, v9  }
0x168: {  	s26 =	sadd.s32 $0xFFFFFFFF, s31;
	v9 =	vmin.f32 v10, v9;
	[tilespmem:s25+$0xCD50] =	vst v11  }
.LBB2_15:
0x169: {  	p0 =	sne.s32 s26, $0x1;
	v7 =	vadd.f32 v7, v8;
	[tilespmem:s25+$0x11D50] =	vst v9;
	s23 =	sadd.s32 $0x1, s23;
	s24 =	sadd.s32 $0x40, s24  }
0x16a: {  	s26 =	sadd.s32 $0xFFFFFFFF, s26;
	[tilespmem:s25+$0x2D50] =	vst v6  }
0x16b: {  	[tilespmem:s25+$0x7D50] =	vst v7  }
0x16c: {  	v6 =	vld [tilespmem:s23+$0x0];
	_ =	sdelay $0x4  }
0x16d: {  	(v2sf) =	vpush v6, $0x0;
	_ =	sdelay $0xe  }
0x16e: {  	s0 =	spop (v2sf)  }
0x16f: {  	s0 =	sshrl.u32 s0, $0xE  }
0x170: {  	s1 =	ssub.s32 s0, s3;
	s0 =	sand.u32 $0xF, s0  }
0x171: {  	s25 =	sand.u32 $0xFFFFFFF0, s1;
	v6 =	vmov s0  }
0x172: {  	vm0 =	veq.s32 v6, v5;
	v6 =	vld [tilespmem:s25+$0x16D20];
	_ =	sdelay $0x3  }
0x173: {  	v7 =	vsel vm0, $0x3F800000, v4  }
0x174: {  	v6 =	vadd.f32 v7, v6;
	_ =	sdelay $0x1  }
0x175: {  	[tilespmem:s25+$0x16D20] =	vst v6;
	s25 =	sshll.u32 s1, $0x6  }
0x176: {  	v6 =	vld [tilespmem:s25+$0xCD20]  }
0x177: {  	v7 =	vld [tilespmem:s25+$0x2D20]  }
0x178: {  	v8 =	vld [tilespmem:s24+$0xFFFFFFE0]  }
0x179: {  	v9 =	vld [tilespmem:s25+$0x11D20]  }
0x17a: {  	v10 =	vld [tilespmem:s25+$0x7D20];
	_ =	sdelay $0x2  }
0x17b: {  	v7 =	vadd.f32 v7, v8;
	v11 =	vmul.f32 v8, v8;
	v6 =	vmax.f32 v6, v8  }
0x17c: {  	[tilespmem:s25+$0xCD20] =	vst v6;
	v6 =	vmin.f32 v9, v8  }
0x17d: {  	[tilespmem:s25+$0x2D20] =	vst v7;
	v7 =	vadd.f32 v10, v11  }
0x17e: {  	[tilespmem:s25+$0x11D20] =	vst v6;
	v6 =	vld [tilespmem:s25+$0xCD30]  }
0x17f: {  	[tilespmem:s25+$0x7D20] =	vst v7;
	v7 =	vld [tilespmem:s25+$0x2D30]  }
0x180: {  	v8 =	vld [tilespmem:s24+$0xFFFFFFF0]  }
0x181: {  	v9 =	vld [tilespmem:s25+$0x11D30]  }
0x182: {  	v10 =	vld [tilespmem:s25+$0x7D30];
	_ =	sdelay $0x2  }
0x183: {  	v7 =	vadd.f32 v7, v8;
	v11 =	vmul.f32 v8, v8;
	v6 =	vmax.f32 v6, v8  }
0x184: {  	[tilespmem:s25+$0xCD30] =	vst v6;
	v6 =	vmin.f32 v9, v8  }
0x185: {  	[tilespmem:s25+$0x2D30] =	vst v7;
	v7 =	vadd.f32 v10, v11  }
0x186: {  	[tilespmem:s25+$0x11D30] =	vst v6;
	v6 =	vld [tilespmem:s25+$0xCD40]  }
0x187: {  	[tilespmem:s25+$0x7D30] =	vst v7;
	v7 =	vld [tilespmem:s25+$0x2D40]  }
0x188: {  	v8 =	vld [tilespmem:s24+$0x0]  }
0x189: {  	v9 =	vld [tilespmem:s25+$0x11D40]  }
0x18a: {  	v10 =	vld [tilespmem:s25+$0x7D40];
	_ =	sdelay $0x2  }
0x18b: {  	v7 =	vadd.f32 v7, v8;
	v11 =	vmul.f32 v8, v8;
	v6 =	vmax.f32 v6, v8  }
0x18c: {  	[tilespmem:s25+$0xCD40] =	vst v6;
	v6 =	vmin.f32 v9, v8  }
0x18d: {  	[tilespmem:s25+$0x2D40] =	vst v7;
	v7 =	vadd.f32 v10, v11  }
0x18e: {  	[tilespmem:s25+$0x11D40] =	vst v6;
	v9 =	vld [tilespmem:s25+$0xCD50]  }
0x18f: {  	[tilespmem:s25+$0x7D40] =	vst v7;
	v6 =	vld [tilespmem:s25+$0x2D50]  }
0x190: {  	v10 =	vld [tilespmem:s24+$0x10]  }
0x191: {  	v11 =	vld [tilespmem:s25+$0x11D50]  }
.Ltmp14:
0x192: {  	v7 =	vld [tilespmem:s25+$0x7D50];
	(pc) =	sbr.rel @p0 .LBB2_15-.Ltmp14, $3  }
0x193: {  	_ =	sdelay $0x1  }
0x194: {  	v6 =	vadd.f32 v6, v10;
	v8 =	vmul.f32 v10, v10;
	v9 =	vmax.f32 v9, v10  }
0x195: {  	[tilespmem:s25+$0xCD50] =	vst v9;
	v9 =	vmin.f32 v11, v10  }
.Ltmp15:
0x196: {  	_ = 	snop;
	(pc) =	sbr.rel .LBB2_16-.Ltmp15, $1  }
0x197: {  	_ =	sdelay $0x3  }
.LBB2_18:
0x198: {  	_ =	sfence.sel $0x180000  }
0x199: {  	[bflag:$0x0] =	sbarrier.arrive $0xFFFF  }
0x19a: {  	_ =	strace $0x90000047  }
0x19b: {  	s0 =	stileid.u32;
	[bflag:$0x2] =	sbarrier.arrive $0xFFFF  }
0x19c: {  	p0 =	sne.s32 s0, $0x0;
	s0 =	rddreg [dreg:$0x1]  }
0x19d: {  	s0 =	sadd.s32 @!p0 $0x100000, s0  }
0x19e: {  	[sflag:s0] =	ssyncadd.tile.s32 @!p0 $0x1;
	_ =	shalt  }
.Lfunc_end2:
_tile_overlayer_lowered:
.L_overlay_start_2:
0x19f: {  	(tag) =	ssettag $0x2  }
0x1a0: {  	s0 =	rddreg [dreg:$0x0];
	s2 =	stileid.u32  }
0x1a1: {  	s1 =	rddreg [dreg:$0x1];
	p0 =	sne.s32 s2, $0x0  }
0x1a2: {  	s3 =	rddreg [dreg:$0x2];
	[bflag:$0x3] =	sbarrier.arrive $0xFFFF;
	s2 =	simm.s32 @!p0 $0x1C02  }
0x1a3: {  	[timem:s3], [sflag:s2] =	dma.local @!p0 [hbm:s0], s1  }
0x1a4: {  	s0 =	simm.s32 @!p0 $0x2  }
0x1a5: {  	_ =	swait.ge @!p0 [sflag:s0], s1  }
0x1a6: {  	s1 =	ssub.s32 @!p0 $0x0, s1;
	[sflag:s0] =	ssyncset.done @!p0 $0x0  }
0x1a7: {  	[sflag:s0] =	ssyncadd.s32 @!p0 s1  }
0x1a8: {  	[bflag:$0x3] =	sbarrier.arrive $0xFFFF  }
0x1a9: {  	_ =	shalt  }

// kernel: kernel.8.cloned.1.call-start
scs
__scs_entry_jumppad:
0x0: {  	(pc) =	sbr.rel $0x88, $3  }
0x1: {  	(tag) =	ssettag $0x0;
	lr =	simm.s32 $0x1  }
0x2: {  	[smem:$0x3F95] =	sst lr;
	_ =	strace $0xD0000000  }
0x3: {  	_ = 	snop  }
0x4: {  	_ = 	snop  }
0x5: {  	_ = 	snop  }
0x6: {  	_ = 	snop  }
0x7: {  	_ = 	snop  }
__scs_overlays_trampoline_lowered:
0x8: {  	[smem:$0x3FA4] =	sst s0  }
0x9: {  	[smem:$0x3FA5] =	sst s1  }
0xa: {  	[smem:$0x3FA6] =	sst s2  }
0xb: {  	[smem:$0x3FA7] =	sst s3  }
0xc: {  	[smem:$0x3FA8] =	sst s4  }
0xd: {  	[smem:$0x3FA9] =	sst s5  }
0xe: {  	[smem:$0x3FAA] =	sst s6  }
0xf: {  	[smem:$0x3FAB] =	sst s7  }
0x10: {  	[smem:$0x3FAC] =	sst s8  }
0x11: {  	[smem:$0x3FAD] =	sst s9;
	s0 =	simm.s32 @!p0 $0x0  }
0x12: {  	s1 =	sld [smem:$0x3F93];
	s0 =	simm.s32 @p0 $0x1  }
0x13: {  	[smem:$0x3FAE] =	sst s0;
	s0 =	simm.s32 @!p1 $0x0  }
0x14: {  	s2 =	sld [smem:$0x3F92];
	s0 =	simm.s32 @p1 $0x1  }
0x15: {  	[smem:$0x3FAF] =	sst s0;
	s0 =	simm.s32 @!p2 $0x0  }
0x16: {  	s3 =	sld [smem:$0x3FDB];
	s0 =	simm.s32 @p2 $0x1  }
0x17: {  	s4 =	simm.s32 $0x1BF5;
	[smem:$0x3FB1] =	sst s0  }
0x18: {  	s0 =	sld [smem:$0x3F94];
	_ =	swait.ge [sflag:s4], $0x0  }
0x19: {  	s7 =	sld [smem:$0x3F95]  }
0x1a: {  	s8 =	sadd.s32 $0xFFFFE003, lr  }
0x1b: {  	s9 =	sadd.s32 $0xFFFFFEF7, lr;
	s5 =	simm.s32 $0xFFFFFFFF;
	p2 =	slt.u32 s8, $0xFFFFF086  }
0x1c: {  	p1 =	slt.u32 s9, $0xF7A;
	s5 =	simm.s32 @!p2 $0x0  }
0x1d: {  	s5 =	simm.s32 @p1 $0x1;
	p0 =	seq.s32 s7, s2  }
0x1e: {  	s7 =	smul.u32 @!p0 $0xF7A, s2;
	p2 =	seq.s32 @!p0 s5, $0x0  }
0x1f: {  	s9 =	smul.u32 $0xF7A, s1;
	s8 =	simm.s32 @!p0 $0x1BF5;
	p2 =	por !p2, p0  }
0x20: {  	[sflag:s8] =	ssyncset.s32 @!p0 $0xFFFFF086;
	s6 =	sadd.s32 @!p0 s3, s7;
	s7 =	simm.s32 @!p0 $0x108  }
0x21: {  	s3 =	sadd.s32 s3, s9;
	s6 =	sadd.s32 @!p0 $0x88, s6;
	s7 =	simm.s32 @p2 $0x1082  }
0x22: {  	[simem:s7], [sflag:s8] =	dma.local @!p0 [hbm:s6], $0xF7A  }
0x23: {  	s9 =	sor.u32 $0xD0000000, s2;
	s6 =	simm.s32 $0x108;
	_ =	swait.ge @!p0 [sflag:s8], $0x0  }
0x24: {  	s3 =	sadd.s32 $0x88, s3;
	s6 =	simm.s32 @!p1 $0x1082;
	[sflag:s4] =	ssyncset.s32 $0xFFFFF086  }
0x25: {  	[simem:s6], [sflag:s4] =	dma.local [hbm:s3], $0xF7A  }
0x26: {  	[smem:$0x3F95] =	sst s1;
	(tag) =	ssettag s2;
	_ =	strace s9  }
0x27: {  	s1 =	sld [smem:$0x3FA5]  }
0x28: {  	s2 =	sld [smem:$0x3FA6]  }
0x29: {  	s4 =	sld [smem:$0x3FA8]  }
0x2a: {  	p0 =	seq.s32 s5, $0x0;
	s5 =	sld [smem:$0x3FA9]  }
0x2b: {  	s6 =	sld [smem:$0x3FAA]  }
0x2c: {  	s7 =	sld [smem:$0x3FAB]  }
0x2d: {  	s3 =	simm.s32 $0x108;
	s8 =	sld [smem:$0x3FAC]  }
0x2e: {  	s3 =	simm.s32 @!p0 $0x1082;
	s9 =	sld [smem:$0x3FAD]  }
0x2f: {  	lr =	sadd.s32 s0, s3;
	s0 =	sld [smem:$0x3FA4]  }
0x30: {  	s3 =	sld [smem:$0x3FA7]  }
0x31: {  	[smem:$0x3FB0] =	sst s10  }
0x32: {  	s10 =	sld [smem:$0x3FAE];
	_ =	sdelay $0x3  }
0x33: {  	p0 =	seq.s32 s10, $0x1;
	s10 =	sld [smem:$0x3FB0];
	_ =	sdelay $0x3  }
0x34: {  	[smem:$0x3FB0] =	sst s10  }
0x35: {  	s10 =	sld [smem:$0x3FAF];
	_ =	sdelay $0x3  }
0x36: {  	p1 =	seq.s32 s10, $0x1;
	s10 =	sld [smem:$0x3FB0];
	_ =	sdelay $0x3  }
0x37: {  	[smem:$0x3FB0] =	sst s10  }
0x38: {  	s10 =	sld [smem:$0x3FB1]  }
0x39: {  	_ = 	snop;
	(pc) =	sbr.ind lr, $3  }
0x3a: {  	_ = 	snop  }
0x3b: {  	_ = 	snop  }
0x3c: {  	p2 =	seq.s32 s10, $0x1;
	s10 =	sld [smem:$0x3FB0]  }
0x3d: {  	_ =	shalt  }
0x3e: {  	_ =	shalt  }
0x3f: {  	_ =	shalt  }
0x40: {  	_ =	shalt  }
0x41: {  	_ =	shalt  }
0x42: {  	_ =	shalt  }
0x43: {  	_ =	shalt  }
0x44: {  	_ =	shalt  }
0x45: {  	_ =	shalt  }
0x46: {  	_ =	shalt  }
0x47: {  	_ =	shalt  }
0x48: {  	_ =	shalt  }
0x49: {  	_ =	shalt  }
0x4a: {  	_ =	shalt  }
0x4b: {  	_ =	shalt  }
0x4c: {  	_ =	shalt  }
0x4d: {  	_ =	shalt  }
0x4e: {  	_ =	shalt  }
0x4f: {  	_ =	shalt  }
0x50: {  	_ =	shalt  }
0x51: {  	_ =	shalt  }
0x52: {  	_ =	shalt  }
0x53: {  	_ =	shalt  }
0x54: {  	_ =	shalt  }
0x55: {  	_ =	shalt  }
0x56: {  	_ =	shalt  }
0x57: {  	_ =	shalt  }
0x58: {  	_ =	shalt  }
0x59: {  	_ =	shalt  }
0x5a: {  	_ =	shalt  }
0x5b: {  	_ =	shalt  }
0x5c: {  	_ =	shalt  }
0x5d: {  	_ =	shalt  }
0x5e: {  	_ =	shalt  }
0x5f: {  	_ =	shalt  }
0x60: {  	_ =	shalt  }
0x61: {  	_ =	shalt  }
0x62: {  	_ =	shalt  }
0x63: {  	_ =	shalt  }
0x64: {  	_ =	shalt  }
0x65: {  	_ =	shalt  }
0x66: {  	_ =	shalt  }
0x67: {  	_ =	shalt  }
0x68: {  	_ =	shalt  }
0x69: {  	_ =	shalt  }
0x6a: {  	_ =	shalt  }
0x6b: {  	_ =	shalt  }
0x6c: {  	_ =	shalt  }
0x6d: {  	_ =	shalt  }
0x6e: {  	_ =	shalt  }
0x6f: {  	_ =	shalt  }
0x70: {  	_ =	shalt  }
0x71: {  	_ =	shalt  }
0x72: {  	_ =	shalt  }
0x73: {  	_ =	shalt  }
0x74: {  	_ =	shalt  }
0x75: {  	_ =	shalt  }
0x76: {  	_ =	shalt  }
0x77: {  	_ =	shalt  }
0x78: {  	_ =	shalt  }
0x79: {  	_ =	shalt  }
0x7a: {  	_ =	shalt  }
0x7b: {  	_ =	shalt  }
0x7c: {  	_ =	shalt  }
0x7d: {  	_ =	shalt  }
0x7e: {  	_ =	shalt  }
0x7f: {  	_ =	shalt  }
0x80: {  	_ =	shalt  }
0x81: {  	_ =	shalt  }
0x82: {  	_ =	shalt  }
0x83: {  	_ =	shalt  }
0x84: {  	_ =	shalt  }
0x85: {  	_ =	shalt  }
0x86: {  	_ =	shalt  }
0x87: {  	_ =	shalt  }
.Lfunc_end0:
.L_simem_size_0:
called_computation_lowered:
.L_overlay_start_0:
0x88: {  	s2 =	sld [smem:$0x3FD9]  }
0x89: {  	s3 =	sld [smem:$0x3FFE];
	_ =	sdelay $0x1  }
0x8a: {  	s1 =	srdreg.scid  }
0x8b: {  	s0 =	sand.u32 $0x1, s1  }
0x8c: {  	s17 =	sshll.u32 s0, $0xA;
	s2 =	sadd.s32 s3, s2  }
0x8d: {  	s2 =	sadd.s32 s2, s17  }
0x8e: {  	[smem:$0x3FBC] =	sst s2  }
0x8f: {  	_ = 	snop  }
0x90: {  	s18 =	sld [smem:$0x3FD0];
	(tm) =	ssettm $0x1  }
0x91: {  	s19 =	sld [smem:$0x3FFB];
	_ =	sdelay $0x3  }
0x92: {  	_ =	strace s19  }
0x93: {  	s2 =	sld [smem:$0x3FFC];
	_ =	sdelay $0x3  }
0x94: {  	_ =	strace s2  }
0x95: {  	s2 =	sld [smem:$0x3FFD];
	_ =	sdelay $0x3  }
0x96: {  	_ =	strace s2  }
0x97: {  	_ =	strace $0x8FFFFFFF  }
0x98: {  	s20 =	sld [smem:$0x3FDB];
	_ =	sdelay $0x1  }
0x99: {  	s4 =	simm.s32 $_scs_section_size  }
0x9a: {  	s5 =	simm.s32 $_size__tile_overlayer_lowered;
	s6 =	simm.s32 $_tile_overlayer_lowered  }
0x9b: {  	s7 =	simm.s32 $0x1BFF;
	s21 =	sshll.u32 s6, $0x1;
	s4 =	sadd.s32 s4, s20  }
0x9c: {  	s22 =	simm.s32 $0x0;
	s5 =	sshll.u32 s5, $0x1;
	s6 =	sadd.s32 s21, s4  }
0x9d: {  	[timem:s22], [sflag:s7] =	dma.local [hbm:s6], s5  }
0x9e: {  	_ =	swait.ge [sflag:s7], s5  }
0x9f: {  	s5 =	ssub.s32 $0x0, s5;
	[sflag:s7] =	ssyncset.done $0x0  }
0xa0: {  	[sflag:s7] =	ssyncadd.s32 s5;
	_ =	sdelay $0x1  }
0xa1: {  	s23 =	simm.s32 $0x1B8B  }
0xa2: {  	_ =	swait.ge [sflag:s23], $0x1  }
0xa3: {  	[sflag:s23] =	ssyncset.done $0x0  }
0xa4: {  	[sflag:s23] =	ssyncadd.s32 $0xFFFFFFFF  }
0xa5: {  	s5 =	sld [smem:$0x0]  }
0xa6: {  	s6 =	sand.u32 $0xFFFFFFFE, s1  }
0xa7: {  	p0 =	sne.s32 s1, s6  }
0xa8: {  	s6 =	sshll.u32 @p0 s6, $0xE  }
0xa9: {  	s6 =	sadd.s32 @p0 $0x11B8D, s6;
	s7 =	sshll.u32 @p0 s5, $0x11  }
0xaa: {  	s6 =	sor.u32 @p0 s7, s6  }
0xab: {  	[sflag:s6] =	ssyncadd.remote.s32 @p0 $0x1;
	_ =	sdelay $0x1  }
0xac: {  	s6 =	simm.s32 @p0 $0x1B8D  }
0xad: {  	_ =	swait.eq @p0 [sflag:s6], $0x1  }
0xae: {  	[sflag:s6] =	ssyncadd.s32 @p0 $0xFFFFFFFF  }
0xaf: {  	s7 =	sshll.u32 @!p0 s1, $0xE  }
0xb0: {  	s7 =	sor.u32 @!p0 $0x4000, s7;
	s6 =	simm.s32 @!p0 $0x1B8D  }
0xb1: {  	s5 =	sshll.u32 @!p0 s5, $0x11;
	s7 =	sadd.s32 @!p0 $0x11B8D, s7;
	_ =	swait.eq @!p0 [sflag:s6], $0x1  }
0xb2: {  	s5 =	sor.u32 @!p0 s5, s7;
	[sflag:s6] =	ssyncadd.s32 @!p0 $0xFFFFFFFF  }
0xb3: {  	s25 =	simm.s32 $0x1B8E;
	s24 =	sld [smem:$0x3FFE];
	[sflag:s5] =	ssyncadd.remote.s32 @!p0 $0x1  }
0xb4: {  	s26 =	simm.s32 $execute0_lowered;
	[smem:$0x3FD2] =	sst s25  }
0xb5: {  	s6 =	sshll.u32 s26, $0x1;
	_ =	strace $0x80000049;
	[dreg:$0x1] =	wrdreg $0xFFFFFFFF  }
0xb6: {  	s28 =	simm.s32 $_size_execute0_lowered;
	s4 =	sadd.s32 s4, s6;
	[dreg:$0x0] =	wrdreg $0x0  }
0xb7: {  	s6 =	sshll.u32 s28, $0x1;
	[dreg:$0x2] =	wrdreg s4  }
0xb8: {  	[dreg:$0x3] =	wrdreg s6  }
0xb9: {  	[dreg:$0x4] =	wrdreg $0xC0  }
0xba: {  	_ =	task [dreg:s22], $0x5FFFF  }
0xbb: {  	[dreg:$0x1] =	wrdreg $0xFFFFFFFF  }
0xbc: {  	[dreg:$0x0] =	wrdreg $0x60  }
0xbd: {  	[dreg:$0x2] =	wrdreg s24  }
0xbe: {  	[dreg:$0x3] =	wrdreg s18  }
0xbf: {  	[dreg:$0x4] =	wrdreg $0x9  }
0xc0: {  	_ =	task.clear_ibuf [dreg:s22], $0x5FFFF;
	_ =	strace $0x90000049  }
0xc1: {  	s29 =	simm.s32 $0x9;
	_ =	strace $0x8000004B  }
0xc2: {  	_ =	swait.ge [sflag:s29], $0x1  }
0xc3: {  	[sflag:s29] =	ssyncadd.s32 $0xFFFFFFFF  }
0xc4: {  	_ =	strace $0x9000004B  }
0xc5: {  	_ =	sfence  }
0xc6: {  	s30 =	sld [smem:$0x0];
	_ =	sdelay $0x2  }
0xc7: {  	s31 =	sshll.u32 s1, $0xD;
	s1 =	sshrl.u32 s1, $0x2  }
0xc8: {  	s4 =	sand.u32 $0x4000, s31;
	s1 =	sadd.s32 s1, s30  }
0xc9: {  	s0 =	sor.u32 s4, s0;
	s1 =	sshll.u32 s1, $0x11  }
0xca: {  	s0 =	sor.u32 s1, s0  }
0xcb: {  	s0 =	sadd.s32 $0x8F2B, s0  }
0xcc: {  	[sflag:s0] =	ssyncadd.remote.s32 $0x1  }
0xcd: {  	_ =	sfence.sel $0xFFFF  }
0xce: {  	[dreg:$0x0] =	wrdreg $0xFFFFFFFF;
	(pc) =	sbr.abs _section_cstart, $3  }
0xcf: {  	[dreg:$0x1] =	wrdreg $0xFFFFFFFF  }
0xd0: {  	_ =	task.clear_ibuf [dreg:s22], $0x2FFFF;
	_ =	strace $0x9FFFFFFF  }
0xd1: {  	(tm) =	ssettm $0x7FFFFFFF  }
tec
execute0_lowered:
.L_overlay_start_1:
0x0: {  	(tag) =	ssettag $0x1  }
0x1: {  	s6 =	rddreg [dreg:$0x0];
	s1 =	srdreg.scid  }
0x2: {  	s0 =	stileid.u32;
	s7 =	rddreg [dreg:$0x1];
	s2 =	simm.s32 $0x0  }
0x3: {  	s13 =	simm.s32 $0x90;
	s14 =	simm.s32 $0x860;
	s15 =	simm.s32 $0x920  }
0x4: {  	s16 =	simm.s32 $0x1;
	s17 =	simm.s32 $0x2D20;
	s18 =	simm.s32 $0x7D20  }
0x5: {  	s19 =	simm.s32 $0xCD20;
	s8 =	sand.u32 $0x1, s1;
	s3 =	sshll.u32 s0, $0x1  }
0x6: {  	s20 =	simm.s32 $0x11D20;
	s21 =	simm.s32 $0x16D20;
	s5 =	sor.u32 s8, s3  }
0x7: {  	s22 =	simm.s32 $0x0;
	[smem:$0x7FF] =	sst s2;
	s3 =	smul.u32 $0x140, s5  }
0x8: {  	s4 =	sadd.s32 $0x6200, s6;
	s8 =	ssub.s32 $0x2, s8;
	s9 =	smul.u32 $0xA00, s5  }
.Ltmp0:
0x9: {  	_ =	strace $0x8000004A;
	s31 =	sshrl.u32 s8, $0x1;
	(pc) =	sbr.rel .LBB2_1-.Ltmp0, $4  }
0xa: {  	s5 =	sadd.s32 $0x74000, s6;
	s12 =	ssub.s32 s8, s31;
	s10 =	sshrl.u32 s3, $0x3  }
0xb: {  	s11 =	sadd.s32 s9, s6;
	s10 =	sadd.s32 s10, s6;
	s6 =	sadd.s32 s7, s9  }
0xc: {  	v1 =	vimm.f32 $0.0e+00;
	v2 =	vimm.f32 $-Inf;
	v3 =	vimm.f32 $+Inf;
	s7 =	sadd.s32 $0x87A00, s11;
	s8 =	sadd.s32 $0x9BA00, s11;
	s9 =	sadd.s32 $0xAFA00, s11  }
0xd: {  	v4 =	vimm.s32 $0x0;
	v5 =	vlaneseq.u32;
	v0 =	vmov s3;
	s11 =	smax.u32 s12, $0x1;
	s12 =	simm.s32 $0x2;
	s10 =	sadd.s32 $0xC3A00, s10  }
.LBB2_16:
0xe: {  	v7 =	vadd.f32 v7, v8;
	[tilespmem:s25+$0x11D50] =	vst v9  }
0xf: {  	[tilespmem:s25+$0x2D50] =	vst v6  }
0x10: {  	[tilespmem:s25+$0x7D50] =	vst v7  }
.LBB2_17:
0x11: {  	[hbm4b:s6+s2] =	stream.linear.scatter [tilespmem:s17], [sflag:$0x2], $0x5000, $0x38;
	[tilespmem:$0x16E60] =	vst v63  }
0x12: {  	_ =	swait.ge [sflag:s12], $0x5000  }
0x13: {  	[sflag:s12] =	ssyncset.done $0x0  }
0x14: {  	[sflag:s12] =	ssyncadd.s32 $0xFFFFB000  }
0x15: {  	[hbm4b:s7+s2] =	stream.linear.scatter [tilespmem:s18], [sflag:$0x2], $0x5000, $0x38;
	[tilespmem:$0x16E60] =	vst v63  }
0x16: {  	_ =	swait.ge [sflag:s12], $0x5000  }
0x17: {  	[sflag:s12] =	ssyncset.done $0x0  }
0x18: {  	[sflag:s12] =	ssyncadd.s32 $0xFFFFB000  }
0x19: {  	[hbm4b:s8+s2] =	stream.linear.scatter [tilespmem:s19], [sflag:$0x2], $0x5000, $0x38;
	[tilespmem:$0x16E60] =	vst v63  }
0x1a: {  	_ =	swait.ge [sflag:s12], $0x5000  }
0x1b: {  	[sflag:s12] =	ssyncset.done $0x0  }
0x1c: {  	[sflag:s12] =	ssyncadd.s32 $0xFFFFB000  }
0x1d: {  	[hbm4b:s9+s2] =	stream.linear.scatter [tilespmem:s20], [sflag:$0x2], $0x5000, $0x38;
	[tilespmem:$0x16E60] =	vst v63  }
0x1e: {  	s22 =	sadd.s32 $0x1, s22;
	_ =	swait.ge [sflag:s12], $0x5000  }
0x1f: {  	p0 =	sne.s32 s22, s11;
	[sflag:s12] =	ssyncset.done $0x0  }
.Ltmp1:
0x20: {  	[sflag:s12] =	ssyncadd.s32 $0xFFFFB000;
	(pc) =	sbr.rel @!p0 .LBB2_18-.Ltmp1, $4  }
0x21: {  	[hbm4b:s10+s2] =	stream.linear.scatter [tilespmem:s21], [sflag:$0x2], $0x140, $0x38;
	[tilespmem:$0x16E60] =	vst v63  }
0x22: {  	_ =	swait.ge [sflag:s12], $0x140  }
0x23: {  	[sflag:s12] =	ssyncset.done $0x0  }
0x24: {  	[sflag:s12] =	ssyncadd.s32 $0xFFFFFEC0  }
.LBB2_1:
0x25: {  	s23 =	simm.s32 $0x0;
	s24 =	simm.s32 $0x100  }
.LBB2_2:
0x26: {  	p0 =	sne.s32 s24, $0x13F00;
	[tilespmem:s23+$0x11D50] =	vst v3  }
0x27: {  	[tilespmem:s23+$0x2D20] =	vst v1  }
0x28: {  	[tilespmem:s23+$0x7D20] =	vst v1  }
0x29: {  	[tilespmem:s23+$0xCD20] =	vst v2  }
0x2a: {  	[tilespmem:s23+$0x11D20] =	vst v3  }
0x2b: {  	[tilespmem:s23+$0x2D30] =	vst v1  }
0x2c: {  	[tilespmem:s23+$0x7D30] =	vst v1  }
0x2d: {  	[tilespmem:s23+$0xCD30] =	vst v2  }
0x2e: {  	[tilespmem:s23+$0x11D30] =	vst v3  }
0x2f: {  	[tilespmem:s23+$0x2D40] =	vst v1  }
0x30: {  	[tilespmem:s23+$0x7D40] =	vst v1  }
.Ltmp2:
0x31: {  	[tilespmem:s23+$0xCD40] =	vst v2;
	(pc) =	sbr.rel @p0 .LBB2_2-.Ltmp2, $4  }
0x32: {  	[tilespmem:s23+$0x11D40] =	vst v3  }
0x33: {  	[tilespmem:s23+$0x2D50] =	vst v1  }
0x34: {  	[tilespmem:s23+$0x7D50] =	vst v1  }
0x35: {  	[tilespmem:s23+$0xCD50] =	vst v2;
	s23 =	sshra.s32 s24, $0x2;
	s24 =	sadd.s32 $0x100, s24  }
0x36: {  	[tilespmem:s23+$0x11D50] =	vst v3  }
0x37: {  	[tilespmem:s23+$0x2D20] =	vst v1  }
0x38: {  	[tilespmem:s23+$0x7D20] =	vst v1  }
0x39: {  	[tilespmem:s23+$0xCD20] =	vst v2  }
0x3a: {  	[tilespmem:s23+$0x11D20] =	vst v3  }
0x3b: {  	[tilespmem:s23+$0x2D30] =	vst v1  }
0x3c: {  	[tilespmem:s23+$0x7D30] =	vst v1  }
0x3d: {  	[tilespmem:s23+$0xCD30] =	vst v2  }
0x3e: {  	[tilespmem:s23+$0x11D30] =	vst v3  }
0x3f: {  	[tilespmem:s23+$0x2D40] =	vst v1  }
0x40: {  	[tilespmem:s23+$0x7D40] =	vst v1  }
0x41: {  	[tilespmem:s23+$0xCD40] =	vst v2  }
0x42: {  	[tilespmem:s23+$0x11D40] =	vst v3  }
0x43: {  	[tilespmem:s23+$0x2D50] =	vst v1  }
0x44: {  	[tilespmem:s23+$0x7D50] =	vst v1  }
0x45: {  	[tilespmem:s23+$0xCD50] =	vst v2  }
0x46: {  	[tilespmem:$0x16D20] =	vst v1  }
0x47: {  	[tilespmem:$0x16D30] =	vst v1  }
0x48: {  	[tilespmem:$0x16D40] =	vst v1  }
0x49: {  	[tilespmem:$0x16D50] =	vst v1  }
0x4a: {  	[tilespmem:$0x16D60] =	vst v1  }
0x4b: {  	[tilespmem:$0x16D70] =	vst v1  }
0x4c: {  	[tilespmem:$0x16D80] =	vst v1  }
0x4d: {  	[tilespmem:$0x16D90] =	vst v1  }
0x4e: {  	[tilespmem:$0x16DA0] =	vst v1  }
0x4f: {  	[tilespmem:$0x16DB0] =	vst v1  }
0x50: {  	[tilespmem:$0x16DC0] =	vst v1  }
0x51: {  	[tilespmem:$0x16DD0] =	vst v1  }
0x52: {  	[tilespmem:$0x16DE0] =	vst v1  }
0x53: {  	[tilespmem:$0x16DF0] =	vst v1  }
0x54: {  	[tilespmem:$0x16E00] =	vst v1  }
0x55: {  	[tilespmem:$0x16E10] =	vst v1  }
0x56: {  	[tilespmem:$0x16E20] =	vst v1  }
0x57: {  	[tilespmem:$0x16E30] =	vst v1  }
0x58: {  	[tilespmem:$0x16E40] =	vst v1  }
0x59: {  	[tilespmem:$0x16E50] =	vst v1  }
0x5a: {  	[tilespmem:$0x7D0] =	vst v4  }
0x5b: {  	[tilespmem:$0x7E0] =	vst v4  }
0x5c: {  	[tilespmem:$0x7F0] =	vst v4  }
0x5d: {  	[tilespmem:$0x800] =	vst v4  }
0x5e: {  	[tilespmem:$0x810] =	vst v4  }
0x5f: {  	[tilespmem:$0x820] =	vst v4  }
0x60: {  	[tilespmem:$0x830] =	vst v4  }
.Ltmp3:
0x61: {  	[tilespmem:$0x840] =	vst v4;
	(pc) =	sbr.rel .LBB2_4-.Ltmp3, $4  }
0x62: {  	[tilespmem:$0x850] =	vst v4  }
0x63: {  	[tilespmem:$0x8F0] =	vst v4  }
0x64: {  	[tilespmem:$0x900] =	vst v4  }
0x65: {  	s23 =	simm.s32 $0x0;
	s26 =	simm.s32 $0x0;
	s24 =	simm.s32 $0x0;
	[tilespmem:$0x910] =	vst v4  }
.LBB2_12:
0x66: {  	s24 =	sadd.s32 $0x1, s24  }
0x67: {  	p0 =	sne.s32 s24, $0xA0  }
.Ltmp4:
0x68: {  	_ = 	snop;
	(pc) =	sbr.rel @!p0 .LBB2_13-.Ltmp4, $1  }
0x69: {  	_ =	sdelay $0x3  }
.LBB2_4:
0x6a: {  	s25 =	smul.u32 $0xFA, s24;
	_ =	sdelay $0x1  }
.Ltmp5:
0x6b: {  	s25 =	sadd.s32 s4, s25;
	(pc) =	sbr.rel .LBB2_5-.Ltmp5, $4  }
0x6c: {  	[tilespmem:s23], [sflag:$0x2] =	stream.linear.gather [hbm4b:s25+s23], $0x7D0, $0x38;
	[tilespmem:$0x16E60] =	vst v63  }
0x6d: {  	_ =	swait.ge [sflag:s12], $0x7D0  }
0x6e: {  	[sflag:s12] =	ssyncset.done $0x0  }
0x6f: {  	s25 =	simm.s32 $0x0;
	[sflag:s12] =	ssyncadd.s32 $0xFFFFF830  }
.LBB2_11:
0x70: {  	s25 =	sadd.s32 $0x1, s25  }
0x71: {  	p0 =	sne.s32 s25, $0x7D  }
.Ltmp6:
0x72: {  	_ = 	snop;
	(pc) =	sbr.rel @!p0 .LBB2_12-.Ltmp6, $1  }
0x73: {  	_ =	sdelay $0x3  }
.LBB2_5:
0x74: {  	p0 =	slt.s32 s26, $0x70  }
.Ltmp7:
0x75: {  	_ = 	snop;
	(pc) =	sbr.rel @p0 .LBB2_9-.Ltmp7, $4  }
0x76: {  	_ = 	snop  }
0x77: {  	s28 =	sshll.u32 s25, $0x4  }
0x78: {  	s28 =	sand.u32 $0x3FFFFFF0, s28  }
0x79: {  	v6 =	vld [tilespmem:s28+$0x0]  }
0x7a: {  	v7 =	vld [tilespmem:$0x7D0]  }
0x7b: {  	v8 =	vld [tilespmem:$0x7E0]  }
0x7c: {  	v9 =	vld [tilespmem:$0x7F0]  }
0x7d: {  	v10 =	vld [tilespmem:$0x800]  }
0x7e: {  	v11 =	vld [tilespmem:$0x810]  }
0x7f: {  	v12 =	vld [tilespmem:$0x820];
	v7 =	vand.u32 $0x3FFF, v7  }
0x80: {  	[tilespmem:$0x860] =	vst v7;
	v7 =	vand.u32 $0x3FFF, v8;
	v8 =	vld [tilespmem:$0x830]  }
0x81: {  	[tilespmem:$0x870] =	vst v7;
	v7 =	vand.u32 $0x3FFF, v9;
	v9 =	vld [tilespmem:$0x840]  }
0x82: {  	[tilespmem:$0x880] =	vst v7;
	v7 =	vand.u32 $0x3FFF, v10;
	v10 =	vld [tilespmem:$0x850]  }
0x83: {  	[tilespmem:$0x890] =	vst v7;
	v7 =	vand.u32 $0x3FFF, v11  }
0x84: {  	[tilespmem:$0x8A0] =	vst v7;
	v7 =	vand.u32 $0x3FFF, v12  }
0x85: {  	[tilespmem:$0x8B0] =	vst v7;
	v7 =	vand.u32 $0x3FFF, v8  }
0x86: {  	[tilespmem:$0x8C0] =	vst v7;
	v7 =	vand.u32 $0x3FFF, v9  }
0x87: {  	[tilespmem:$0x8D0] =	vst v7;
	v7 =	vand.u32 $0x3FFF, v10  }
0x88: {  	[tilespmem:$0x8E0] =	vst v7  }
0x89: {  	[tilespmem:s15], [sflag:$0x1] =	stream.indirect.gather [hbm4b:s5+s13], $0x40, s14, s13, $0xb8;
	[tilespmem:$0x16E60] =	vst v63  }
0x8a: {  	_ =	swait.ge [sflag:s16], $0x2400  }
0x8b: {  	[sflag:s16] =	ssyncset.done $0x0  }
0x8c: {  	s28 =	simm.s32 $0x7D0;
	[sflag:s16] =	ssyncadd.s32 $0xFFFFDC00  }
0x8d: {  	v7 =	vld [tilespmem:s28+$0x0];
	_ =	sdelay $0x4  }
0x8e: {  	(v2sf) =	vpush v7, $0x0;
	_ =	sdelay $0xe  }
0x8f: {  	s29 =	spop (v2sf)  }
0x90: {  	s29 =	sshrl.u32 s29, $0xE  }
0x91: {  	s30 =	ssub.s32 s29, s3  }
0x92: {  	s31 =	sand.u32 $0xFFFFFFF0, s30  }
0x93: {  	v7 =	vld [tilespmem:s31+$0x16D20]  }
0x94: {  	s29 =	sand.u32 $0xF, s29  }
0x95: {  	v8 =	vmov s29  }
0x96: {  	vm0 =	veq.s32 v8, v5  }
0x97: {  	v8 =	vsel vm0, $0x3F800000, v4  }
0x98: {  	v7 =	vadd.f32 v8, v7;
	_ =	sdelay $0x1  }
0x99: {  	s30 =	sshll.u32 s30, $0x6;
	[tilespmem:s31+$0x16D20] =	vst v7  }
0x9a: {  	v7 =	vld [tilespmem:s30+$0xCD20]  }
0x9b: {  	s29 =	simm.s32 $0x940;
	v8 =	vld [tilespmem:s30+$0x2D20]  }
0x9c: {  	v9 =	vld [tilespmem:s29+$0xFFFFFFE0]  }
0x9d: {  	v10 =	vld [tilespmem:s30+$0x11D20]  }
0x9e: {  	v11 =	vld [tilespmem:s30+$0x7D20];
	_ =	sdelay $0x2  }
0x9f: {  	v8 =	vadd.f32 v8, v9;
	v7 =	vmax.f32 v7, v9;
	v60 =	vmul.f32 v9, v9  }
0xa0: {  	[tilespmem:s30+$0xCD20] =	vst v7  }
0xa1: {  	v7 =	vmin.f32 v10, v9;
	[tilespmem:s30+$0x2D20] =	vst v8;
	v8 =	vadd.f32 v11, v60  }
0xa2: {  	[tilespmem:s30+$0x11D20] =	vst v7;
	v7 =	vld [tilespmem:s30+$0xCD30]  }
0xa3: {  	[tilespmem:s30+$0x7D20] =	vst v8;
	v8 =	vld [tilespmem:s30+$0x2D30]  }
0xa4: {  	v9 =	vld [tilespmem:s29+$0xFFFFFFF0]  }
0xa5: {  	v10 =	vld [tilespmem:s30+$0x11D30]  }
0xa6: {  	v11 =	vld [tilespmem:s30+$0x7D30];
	_ =	sdelay $0x2  }
0xa7: {  	v8 =	vadd.f32 v8, v9;
	v7 =	vmax.f32 v7, v9;
	v61 =	vmul.f32 v9, v9  }
0xa8: {  	[tilespmem:s30+$0xCD30] =	vst v7  }
0xa9: {  	v7 =	vmin.f32 v10, v9;
	[tilespmem:s30+$0x2D30] =	vst v8;
	v8 =	vadd.f32 v11, v61  }
0xaa: {  	[tilespmem:s30+$0x11D30] =	vst v7;
	v7 =	vld [tilespmem:s30+$0xCD40]  }
0xab: {  	[tilespmem:s30+$0x7D30] =	vst v8;
	v8 =	vld [tilespmem:s30+$0x2D40]  }
0xac: {  	v9 =	vld [tilespmem:s29+$0x0]  }
0xad: {  	v10 =	vld [tilespmem:s30+$0x11D40]  }
0xae: {  	v11 =	vld [tilespmem:s30+$0x7D40];
	_ =	sdelay $0x2  }
0xaf: {  	v8 =	vadd.f32 v8, v9;
	v7 =	vmax.f32 v7, v9;
	v62 =	vmul.f32 v9, v9  }
0xb0: {  	[tilespmem:s30+$0xCD40] =	vst v7  }
0xb1: {  	v7 =	vmin.f32 v10, v9;
	[tilespmem:s30+$0x2D40] =	vst v8;
	v8 =	vadd.f32 v11, v62  }
0xb2: {  	v9 =	vld [tilespmem:s30+$0x2D50];
	[tilespmem:s30+$0x11D40] =	vst v7  }
0xb3: {  	v7 =	vld [tilespmem:s30+$0xCD50];
	[tilespmem:s30+$0x7D40] =	vst v8  }
0xb4: {  	v10 =	vld [tilespmem:s29+$0x10]  }
0xb5: {  	p0 =	sne.s32 s26, $0x1;
	v11 =	vld [tilespmem:s30+$0x11D50]  }
.Ltmp8:
0xb6: {  	v8 =	vld [tilespmem:s30+$0x7D50];
	(pc) =	sbr.rel @!p0 .LBB2_8-.Ltmp8, $3  }
0xb7: {  	_ =	sdelay $0x1  }
0xb8: {  	v63 =	vmax.f32 v7, v10;
	v7 =	vadd.f32 v9, v10;
	v9 =	vmul.f32 v10, v10  }
0xb9: {  	s31 =	sadd.s32 $0xFFFFFFFF, s26;
	v10 =	vmin.f32 v11, v10;
	[tilespmem:s30+$0xCD50] =	vst v63  }
.LBB2_7:
0xba: {  	p0 =	sne.s32 s31, $0x1;
	v8 =	vadd.f32 v8, v9;
	[tilespmem:s30+$0x11D50] =	vst v10;
	s28 =	sadd.s32 $0x1, s28;
	s29 =	sadd.s32 $0x40, s29  }
0xbb: {  	s31 =	sadd.s32 $0xFFFFFFFF, s31;
	[tilespmem:s30+$0x2D50] =	vst v7  }
0xbc: {  	[tilespmem:s30+$0x7D50] =	vst v8  }
0xbd: {  	v7 =	vld [tilespmem:s28+$0x0];
	_ =	sdelay $0x4  }
0xbe: {  	(v2sf) =	vpush v7, $0x0;
	_ =	sdelay $0xe  }
0xbf: {  	s30 =	spop (v2sf)  }
0xc0: {  	s30 =	sshrl.u32 s30, $0xE  }
0xc1: {  	s1 =	ssub.s32 s30, s3;
	s30 =	sand.u32 $0xF, s30  }
0xc2: {  	s0 =	sand.u32 $0xFFFFFFF0, s1;
	v7 =	vmov s30  }
0xc3: {  	vm0 =	veq.s32 v7, v5;
	v7 =	vld [tilespmem:s0+$0x16D20];
	_ =	sdelay $0x3  }
0xc4: {  	v8 =	vsel vm0, $0x3F800000, v4  }
0xc5: {  	v7 =	vadd.f32 v8, v7;
	_ =	sdelay $0x1  }
0xc6: {  	s30 =	sshll.u32 s1, $0x6;
	[tilespmem:s0+$0x16D20] =	vst v7  }
0xc7: {  	v7 =	vld [tilespmem:s30+$0xCD20]  }
0xc8: {  	v8 =	vld [tilespmem:s30+$0x2D20]  }
0xc9: {  	v9 =	vld [tilespmem:s29+$0xFFFFFFE0]  }
0xca: {  	v10 =	vld [tilespmem:s30+$0x11D20]  }
0xcb: {  	v11 =	vld [tilespmem:s30+$0x7D20];
	_ =	sdelay $0x2  }
0xcc: {  	v8 =	vadd.f32 v8, v9;
	v12 =	vmul.f32 v9, v9;
	v7 =	vmax.f32 v7, v9  }
0xcd: {  	[tilespmem:s30+$0xCD20] =	vst v7;
	v7 =	vmin.f32 v10, v9  }
0xce: {  	[tilespmem:s30+$0x2D20] =	vst v8;
	v8 =	vadd.f32 v11, v12  }
0xcf: {  	[tilespmem:s30+$0x11D20] =	vst v7;
	v7 =	vld [tilespmem:s30+$0xCD30]  }
0xd0: {  	[tilespmem:s30+$0x7D20] =	vst v8;
	v8 =	vld [tilespmem:s30+$0x2D30]  }
0xd1: {  	v9 =	vld [tilespmem:s29+$0xFFFFFFF0]  }
0xd2: {  	v10 =	vld [tilespmem:s30+$0x11D30]  }
0xd3: {  	v11 =	vld [tilespmem:s30+$0x7D30];
	_ =	sdelay $0x2  }
0xd4: {  	v8 =	vadd.f32 v8, v9;
	v12 =	vmul.f32 v9, v9;
	v7 =	vmax.f32 v7, v9  }
0xd5: {  	[tilespmem:s30+$0xCD30] =	vst v7;
	v7 =	vmin.f32 v10, v9  }
0xd6: {  	[tilespmem:s30+$0x2D30] =	vst v8;
	v8 =	vadd.f32 v11, v12  }
0xd7: {  	[tilespmem:s30+$0x11D30] =	vst v7;
	v7 =	vld [tilespmem:s30+$0xCD40]  }
0xd8: {  	[tilespmem:s30+$0x7D30] =	vst v8;
	v8 =	vld [tilespmem:s30+$0x2D40]  }
0xd9: {  	v9 =	vld [tilespmem:s29+$0x0]  }
0xda: {  	v10 =	vld [tilespmem:s30+$0x11D40]  }
0xdb: {  	v11 =	vld [tilespmem:s30+$0x7D40];
	_ =	sdelay $0x2  }
0xdc: {  	v8 =	vadd.f32 v8, v9;
	v12 =	vmul.f32 v9, v9;
	v7 =	vmax.f32 v7, v9  }
0xdd: {  	[tilespmem:s30+$0xCD40] =	vst v7;
	v7 =	vmin.f32 v10, v9  }
0xde: {  	[tilespmem:s30+$0x2D40] =	vst v8;
	v8 =	vadd.f32 v11, v12  }
0xdf: {  	[tilespmem:s30+$0x11D40] =	vst v7;
	v10 =	vld [tilespmem:s30+$0xCD50]  }
0xe0: {  	[tilespmem:s30+$0x7D40] =	vst v8;
	v7 =	vld [tilespmem:s30+$0x2D50]  }
0xe1: {  	v11 =	vld [tilespmem:s29+$0x10]  }
0xe2: {  	v12 =	vld [tilespmem:s30+$0x11D50]  }
.Ltmp9:
0xe3: {  	v8 =	vld [tilespmem:s30+$0x7D50];
	(pc) =	sbr.rel @p0 .LBB2_7-.Ltmp9, $3  }
0xe4: {  	_ =	sdelay $0x1  }
0xe5: {  	v7 =	vadd.f32 v7, v11;
	v9 =	vmul.f32 v11, v11;
	v10 =	vmax.f32 v10, v11  }
0xe6: {  	[tilespmem:s30+$0xCD50] =	vst v10;
	v10 =	vmin.f32 v12, v11  }
.LBB2_8:
0xe7: {  	v8 =	vadd.f32 v8, v9;
	[tilespmem:s30+$0x11D50] =	vst v10  }
0xe8: {  	[tilespmem:s30+$0x2D50] =	vst v7  }
0xe9: {  	[tilespmem:s30+$0x7D50] =	vst v8  }
.LBB2_9:
0xea: {  	_ =	sdelay $0x3  }
0xeb: {  	v7 =	vshrl.u32 v6, $0xE  }
0xec: {  	v7 =	vsub.s32 v7, v0  }
0xed: {  	v8 =	vsub.s32 $0x13F, v7  }
0xee: {  	v7 =	vor.u32 v7, v8  }
0xef: {  	vm0 =	vgt.s32 v7, $0xFFFFFFFF  }
0xf0: {  	v7 =	vsel vm0, $0x1, v4  }
0xf1: {  	[tilespmem:$0x900] =	vst v7  }
0xf2: {  	v8 =	vld [tilespmem:$0x8FF];
	_ =	sdelay $0x4  }
0xf3: {  	v8 =	vadd.s32 v7, v8  }
0xf4: {  	[tilespmem:$0x900] =	vst v8  }
0xf5: {  	v9 =	vld [tilespmem:$0x8FE];
	_ =	sdelay $0x4  }
0xf6: {  	v8 =	vadd.s32 v8, v9  }
0xf7: {  	[tilespmem:$0x900] =	vst v8  }
0xf8: {  	v9 =	vld [tilespmem:$0x8FC];
	_ =	sdelay $0x4  }
0xf9: {  	v8 =	vadd.s32 v8, v9  }
0xfa: {  	[tilespmem:$0x900] =	vst v8  }
0xfb: {  	v9 =	vld [tilespmem:$0x8F8];
	_ =	sdelay $0x4  }
0xfc: {  	v8 =	vadd.s32 v8, v9  }
0xfd: {  	(v2sf) =	vpush v8, $0xF;
	_ =	sdelay $0xe  }
0xfe: {  	p0 =	sgt.s32 s26, $0x6F;
	s28 =	smov.u32 s26;
	s29 =	spop (v2sf)  }
0xff: {  	s28 =	simm.s32 @p0 $0x0;
	p0 =	slt.s32 s29, $0x1  }
.Ltmp10:
0x100: {  	_ = 	snop;
	(pc) =	sbr.rel @p0 .LBB2_11-.Ltmp10, $2  }
0x101: {  	_ =	sdelay $0x2  }
0x102: {  	s26 =	smov.u32 s28  }
0x103: {  	v7 =	vsub.s32 v8, v7;
	s0 =	sadd.s32 $0x7D0, s28  }
0x104: {  	v7 =	vadd.s32 s0, v7  }
0x105: {  	(v2sf) =	vpush v7, $0x1  }
0x106: {  	(v2sf) =	vpush v7, $0x0  }
0x107: {  	(v2sf) =	vpush v7, $0x3  }
0x108: {  	(v2sf) =	vpush v7, $0x2  }
0x109: {  	(v2sf) =	vpush v7, $0x5  }
0x10a: {  	(v2sf) =	vpush v7, $0x4  }
0x10b: {  	(v2sf) =	vpush v7, $0x7  }
0x10c: {  	(v2sf) =	vpush v7, $0x6  }
0x10d: {  	(v2sf) =	vpush v7, $0x9  }
0x10e: {  	(v2sf) =	vpush v7, $0x8  }
0x10f: {  	(v2sf) =	vpush v7, $0xB  }
0x110: {  	(v2sf) =	vpush v7, $0xA  }
0x111: {  	(v2sf) =	vpush v7, $0xD  }
0x112: {  	(v2sf) =	vpush v7, $0xC  }
0x113: {  	(v2sf) =	vpush v7, $0xF  }
0x114: {  	v56 =	vbroadcast v6, $0x0;
	s26 =	spop (v2sf);
	(v2sf) =	vpush v7, $0xE  }
0x115: {  	v7 =	vbroadcast v6, $0x1;
	s1 =	spop (v2sf)  }
0x116: {  	v57 =	vbroadcast v6, $0x2;
	[tilespmem:s1+$0x0] =	vst v56;
	s30 =	spop (v2sf)  }
0x117: {  	[tilespmem:s26+$0x0] =	vst v7;
	s31 =	spop (v2sf);
	v7 =	vbroadcast v6, $0x3  }
0x118: {  	v58 =	vbroadcast v6, $0x4;
	[tilespmem:s31+$0x0] =	vst v57;
	s26 =	spop (v2sf)  }
0x119: {  	[tilespmem:s30+$0x0] =	vst v7;
	s30 =	spop (v2sf);
	v7 =	vbroadcast v6, $0x5  }
0x11a: {  	v59 =	vbroadcast v6, $0x6;
	[tilespmem:s30+$0x0] =	vst v58;
	s31 =	spop (v2sf)  }
0x11b: {  	[tilespmem:s26+$0x0] =	vst v7;
	s26 =	spop (v2sf);
	v7 =	vbroadcast v6, $0x7  }
0x11c: {  	v60 =	vbroadcast v6, $0x8;
	[tilespmem:s26+$0x0] =	vst v59;
	s30 =	spop (v2sf)  }
0x11d: {  	[tilespmem:s31+$0x0] =	vst v7;
	s31 =	spop (v2sf);
	v7 =	vbroadcast v6, $0x9  }
0x11e: {  	v61 =	vbroadcast v6, $0xA;
	[tilespmem:s31+$0x0] =	vst v60;
	s26 =	spop (v2sf)  }
0x11f: {  	[tilespmem:s30+$0x0] =	vst v7;
	s30 =	spop (v2sf);
	v7 =	vbroadcast v6, $0xB  }
0x120: {  	v62 =	vbroadcast v6, $0xC;
	[tilespmem:s30+$0x0] =	vst v61;
	s31 =	spop (v2sf)  }
.Ltmp11:
0x121: {  	[tilespmem:s26+$0x0] =	vst v7;
	s26 =	spop (v2sf);
	v7 =	vbroadcast v6, $0xD;
	(pc) =	sbr.rel .LBB2_11-.Ltmp11, $4  }
0x122: {  	v63 =	vbroadcast v6, $0xE;
	[tilespmem:s26+$0x0] =	vst v62;
	s30 =	spop (v2sf)  }
0x123: {  	v6 =	vbroadcast v6, $0xF;
	[tilespmem:s31+$0x0] =	vst v7;
	s31 =	spop (v2sf)  }
0x124: {  	[tilespmem:s31+$0x0] =	vst v63  }
0x125: {  	s26 =	sadd.s32 s28, s29;
	[tilespmem:s30+$0x0] =	vst v6  }
.LBB2_13:
0x126: {  	p0 =	slt.s32 s26, $0x1  }
.Ltmp12:
0x127: {  	_ = 	snop;
	(pc) =	sbr.rel @p0 .LBB2_17-.Ltmp12, $1  }
0x128: {  	_ =	sdelay $0x3  }
0x129: {  	v6 =	vld [tilespmem:$0x7D0]  }
0x12a: {  	v7 =	vld [tilespmem:$0x7E0]  }
0x12b: {  	v8 =	vld [tilespmem:$0x7F0]  }
0x12c: {  	v9 =	vld [tilespmem:$0x800]  }
0x12d: {  	v10 =	vld [tilespmem:$0x810]  }
0x12e: {  	v11 =	vld [tilespmem:$0x820];
	v6 =	vand.u32 $0x3FFF, v6  }
0x12f: {  	[tilespmem:$0x860] =	vst v6;
	v6 =	vand.u32 $0x3FFF, v7;
	v7 =	vld [tilespmem:$0x830]  }
0x130: {  	[tilespmem:$0x870] =	vst v6;
	v6 =	vand.u32 $0x3FFF, v8;
	v8 =	vld [tilespmem:$0x840]  }
0x131: {  	[tilespmem:$0x880] =	vst v6;
	v6 =	vand.u32 $0x3FFF, v9;
	v9 =	vld [tilespmem:$0x850]  }
0x132: {  	[tilespmem:$0x890] =	vst v6;
	v6 =	vand.u32 $0x3FFF, v10  }
0x133: {  	[tilespmem:$0x8A0] =	vst v6;
	v6 =	vand.u32 $0x3FFF, v11  }
0x134: {  	[tilespmem:$0x8B0] =	vst v6;
	v6 =	vand.u32 $0x3FFF, v7  }
0x135: {  	[tilespmem:$0x8C0] =	vst v6;
	v6 =	vand.u32 $0x3FFF, v8  }
0x136: {  	[tilespmem:$0x8D0] =	vst v6;
	v6 =	vand.u32 $0x3FFF, v9  }
0x137: {  	[tilespmem:$0x8E0] =	vst v6  }
0x138: {  	[tilespmem:s15], [sflag:$0x1] =	stream.indirect.gather [hbm4b:s5+s13], $0x40, s14, s13, $0xb8;
	[tilespmem:$0x16E60] =	vst v63  }
0x139: {  	_ =	swait.ge [sflag:s16], $0x2400  }
0x13a: {  	[sflag:s16] =	ssyncset.done $0x0  }
0x13b: {  	s23 =	simm.s32 $0x7D0;
	[sflag:s16] =	ssyncadd.s32 $0xFFFFDC00  }
0x13c: {  	v6 =	vld [tilespmem:s23+$0x0];
	_ =	sdelay $0x4  }
0x13d: {  	(v2sf) =	vpush v6, $0x0;
	_ =	sdelay $0xe  }
0x13e: {  	s0 =	spop (v2sf)  }
0x13f: {  	s0 =	sshrl.u32 s0, $0xE  }
0x140: {  	s1 =	ssub.s32 s0, s3  }
0x141: {  	s24 =	sand.u32 $0xFFFFFFF0, s1  }
0x142: {  	v6 =	vld [tilespmem:s24+$0x16D20]  }
0x143: {  	s0 =	sand.u32 $0xF, s0  }
0x144: {  	v7 =	vmov s0  }
0x145: {  	vm0 =	veq.s32 v7, v5  }
0x146: {  	v7 =	vsel vm0, $0x3F800000, v4  }
0x147: {  	v6 =	vadd.f32 v7, v6;
	_ =	sdelay $0x1  }
0x148: {  	s25 =	sshll.u32 s1, $0x6;
	[tilespmem:s24+$0x16D20] =	vst v6  }
0x149: {  	v6 =	vld [tilespmem:s25+$0xCD20]  }
0x14a: {  	s24 =	simm.s32 $0x940;
	v7 =	vld [tilespmem:s25+$0x2D20]  }
0x14b: {  	v8 =	vld [tilespmem:s24+$0xFFFFFFE0]  }
0x14c: {  	v9 =	vld [tilespmem:s25+$0x11D20]  }
0x14d: {  	v10 =	vld [tilespmem:s25+$0x7D20];
	_ =	sdelay $0x2  }
0x14e: {  	v7 =	vadd.f32 v7, v8;
	v6 =	vmax.f32 v6, v8;
	v11 =	vmul.f32 v8, v8  }
0x14f: {  	[tilespmem:s25+$0xCD20] =	vst v6  }
0x150: {  	v6 =	vmin.f32 v9, v8;
	[tilespmem:s25+$0x2D20] =	vst v7;
	v7 =	vadd.f32 v10, v11  }
0x151: {  	[tilespmem:s25+$0x11D20] =	vst v6;
	v6 =	vld [tilespmem:s25+$0xCD30]  }
0x152: {  	[tilespmem:s25+$0x7D20] =	vst v7;
	v7 =	vld [tilespmem:s25+$0x2D30]  }
0x153: {  	v8 =	vld [tilespmem:s24+$0xFFFFFFF0]  }
0x154: {  	v9 =	vld [tilespmem:s25+$0x11D30]  }
0x155: {  	v10 =	vld [tilespmem:s25+$0x7D30];
	_ =	sdelay $0x2  }
0x156: {  	v7 =	vadd.f32 v7, v8;
	v6 =	vmax.f32 v6, v8;
	v11 =	vmul.f32 v8, v8  }
0x157: {  	[tilespmem:s25+$0xCD30] =	vst v6  }
0x158: {  	v6 =	vmin.f32 v9, v8;
	[tilespmem:s25+$0x2D30] =	vst v7;
	v7 =	vadd.f32 v10, v11  }
0x159: {  	[tilespmem:s25+$0x11D30] =	vst v6;
	v6 =	vld [tilespmem:s25+$0xCD40]  }
0x15a: {  	[tilespmem:s25+$0x7D30] =	vst v7;
	v7 =	vld [tilespmem:s25+$0x2D40]  }
0x15b: {  	v8 =	vld [tilespmem:s24+$0x0]  }
0x15c: {  	v9 =	vld [tilespmem:s25+$0x11D40]  }
0x15d: {  	v10 =	vld [tilespmem:s25+$0x7D40];
	_ =	sdelay $0x2  }
0x15e: {  	v7 =	vadd.f32 v7, v8;
	v6 =	vmax.f32 v6, v8;
	v11 =	vmul.f32 v8, v8  }
0x15f: {  	[tilespmem:s25+$0xCD40] =	vst v6  }
0x160: {  	v6 =	vmin.f32 v9, v8;
	[tilespmem:s25+$0x2D40] =	vst v7;
	v7 =	vadd.f32 v10, v11  }
0x161: {  	p0 =	sgt.s32 s29, $0x0;
	v8 =	vld [tilespmem:s25+$0x2D50];
	[tilespmem:s25+$0x11D40] =	vst v6  }
0x162: {  	s29 =	simm.s32 @!p0 $0x0;
	v6 =	vld [tilespmem:s25+$0xCD50];
	[tilespmem:s25+$0x7D40] =	vst v7  }
0x163: {  	s31 =	sadd.s32 s29, s28;
	v9 =	vld [tilespmem:s24+$0x10]  }
0x164: {  	p0 =	sne.s32 s31, $0x1;
	v10 =	vld [tilespmem:s25+$0x11D50]  }
.Ltmp13:
0x165: {  	v7 =	vld [tilespmem:s25+$0x7D50];
	(pc) =	sbr.rel @!p0 .LBB2_16-.Ltmp13, $3  }
0x166: {  	_ =	sdelay $0x1  }
0x167: {  	v11 =	vmax.f32 v6, v9;
	v6 =	vadd.f32 v8, v9;
	v8 =	vmul.f32 v9, v9  }
0x168: {  	s26 =	sadd.s32 $0xFFFFFFFF, s31;
	v9 =	vmin.f32 v10, v9;
	[tilespmem:s25+$0xCD50] =	vst v11  }
.LBB2_15:
0x169: {  	p0 =	sne.s32 s26, $0x1;
	v7 =	vadd.f32 v7, v8;
	[tilespmem:s25+$0x11D50] =	vst v9;
	s23 =	sadd.s32 $0x1, s23;
	s24 =	sadd.s32 $0x40, s24  }
0x16a: {  	s26 =	sadd.s32 $0xFFFFFFFF, s26;
	[tilespmem:s25+$0x2D50] =	vst v6  }
0x16b: {  	[tilespmem:s25+$0x7D50] =	vst v7  }
0x16c: {  	v6 =	vld [tilespmem:s23+$0x0];
	_ =	sdelay $0x4  }
0x16d: {  	(v2sf) =	vpush v6, $0x0;
	_ =	sdelay $0xe  }
0x16e: {  	s0 =	spop (v2sf)  }
0x16f: {  	s0 =	sshrl.u32 s0, $0xE  }
0x170: {  	s1 =	ssub.s32 s0, s3;
	s0 =	sand.u32 $0xF, s0  }
0x171: {  	s25 =	sand.u32 $0xFFFFFFF0, s1;
	v6 =	vmov s0  }
0x172: {  	vm0 =	veq.s32 v6, v5;
	v6 =	vld [tilespmem:s25+$0x16D20];
	_ =	sdelay $0x3  }
0x173: {  	v7 =	vsel vm0, $0x3F800000, v4  }
0x174: {  	v6 =	vadd.f32 v7, v6;
	_ =	sdelay $0x1  }
0x175: {  	[tilespmem:s25+$0x16D20] =	vst v6;
	s25 =	sshll.u32 s1, $0x6  }
0x176: {  	v6 =	vld [tilespmem:s25+$0xCD20]  }
0x177: {  	v7 =	vld [tilespmem:s25+$0x2D20]  }
0x178: {  	v8 =	vld [tilespmem:s24+$0xFFFFFFE0]  }
0x179: {  	v9 =	vld [tilespmem:s25+$0x11D20]  }
0x17a: {  	v10 =	vld [tilespmem:s25+$0x7D20];
	_ =	sdelay $0x2  }
0x17b: {  	v7 =	vadd.f32 v7, v8;
	v11 =	vmul.f32 v8, v8;
	v6 =	vmax.f32 v6, v8  }
0x17c: {  	[tilespmem:s25+$0xCD20] =	vst v6;
	v6 =	vmin.f32 v9, v8  }
0x17d: {  	[tilespmem:s25+$0x2D20] =	vst v7;
	v7 =	vadd.f32 v10, v11  }
0x17e: {  	[tilespmem:s25+$0x11D20] =	vst v6;
	v6 =	vld [tilespmem:s25+$0xCD30]  }
0x17f: {  	[tilespmem:s25+$0x7D20] =	vst v7;
	v7 =	vld [tilespmem:s25+$0x2D30]  }
0x180: {  	v8 =	vld [tilespmem:s24+$0xFFFFFFF0]  }
0x181: {  	v9 =	vld [tilespmem:s25+$0x11D30]  }
0x182: {  	v10 =	vld [tilespmem:s25+$0x7D30];
	_ =	sdelay $0x2  }
0x183: {  	v7 =	vadd.f32 v7, v8;
	v11 =	vmul.f32 v8, v8;
	v6 =	vmax.f32 v6, v8  }
0x184: {  	[tilespmem:s25+$0xCD30] =	vst v6;
	v6 =	vmin.f32 v9, v8  }
0x185: {  	[tilespmem:s25+$0x2D30] =	vst v7;
	v7 =	vadd.f32 v10, v11  }
0x186: {  	[tilespmem:s25+$0x11D30] =	vst v6;
	v6 =	vld [tilespmem:s25+$0xCD40]  }
0x187: {  	[tilespmem:s25+$0x7D30] =	vst v7;
	v7 =	vld [tilespmem:s25+$0x2D40]  }
0x188: {  	v8 =	vld [tilespmem:s24+$0x0]  }
0x189: {  	v9 =	vld [tilespmem:s25+$0x11D40]  }
0x18a: {  	v10 =	vld [tilespmem:s25+$0x7D40];
	_ =	sdelay $0x2  }
0x18b: {  	v7 =	vadd.f32 v7, v8;
	v11 =	vmul.f32 v8, v8;
	v6 =	vmax.f32 v6, v8  }
0x18c: {  	[tilespmem:s25+$0xCD40] =	vst v6;
	v6 =	vmin.f32 v9, v8  }
0x18d: {  	[tilespmem:s25+$0x2D40] =	vst v7;
	v7 =	vadd.f32 v10, v11  }
0x18e: {  	[tilespmem:s25+$0x11D40] =	vst v6;
	v9 =	vld [tilespmem:s25+$0xCD50]  }
0x18f: {  	[tilespmem:s25+$0x7D40] =	vst v7;
	v6 =	vld [tilespmem:s25+$0x2D50]  }
0x190: {  	v10 =	vld [tilespmem:s24+$0x10]  }
0x191: {  	v11 =	vld [tilespmem:s25+$0x11D50]  }
.Ltmp14:
0x192: {  	v7 =	vld [tilespmem:s25+$0x7D50];
	(pc) =	sbr.rel @p0 .LBB2_15-.Ltmp14, $3  }
0x193: {  	_ =	sdelay $0x1  }
0x194: {  	v6 =	vadd.f32 v6, v10;
	v8 =	vmul.f32 v10, v10;
	v9 =	vmax.f32 v9, v10  }
0x195: {  	[tilespmem:s25+$0xCD50] =	vst v9;
	v9 =	vmin.f32 v11, v10  }
.Ltmp15:
0x196: {  	_ = 	snop;
	(pc) =	sbr.rel .LBB2_16-.Ltmp15, $1  }
0x197: {  	_ =	sdelay $0x3  }
.LBB2_18:
0x198: {  	_ =	sfence.sel $0x180000  }
0x199: {  	[bflag:$0x0] =	sbarrier.arrive $0xFFFF  }
0x19a: {  	_ =	strace $0x9000004A  }
0x19b: {  	s0 =	stileid.u32;
	[bflag:$0x2] =	sbarrier.arrive $0xFFFF  }
0x19c: {  	p0 =	sne.s32 s0, $0x0;
	s0 =	rddreg [dreg:$0x2]  }
0x19d: {  	s0 =	sadd.s32 @!p0 $0x100000, s0  }
0x19e: {  	[sflag:s0] =	ssyncadd.tile.s32 @!p0 $0x1;
	_ =	shalt  }
.Lfunc_end2:
_tile_overlayer_lowered:
.L_overlay_start_2:
0x19f: {  	(tag) =	ssettag $0x2  }
0x1a0: {  	s0 =	rddreg [dreg:$0x0];
	s2 =	stileid.u32  }
0x1a1: {  	s1 =	rddreg [dreg:$0x1];
	p0 =	sne.s32 s2, $0x0  }
0x1a2: {  	s3 =	rddreg [dreg:$0x2];
	[bflag:$0x3] =	sbarrier.arrive $0xFFFF;
	s2 =	simm.s32 @!p0 $0x1C02  }
0x1a3: {  	[timem:s3], [sflag:s2] =	dma.local @!p0 [hbm:s0], s1  }
0x1a4: {  	s0 =	simm.s32 @!p0 $0x2  }
0x1a5: {  	_ =	swait.ge @!p0 [sflag:s0], s1  }
0x1a6: {  	s1 =	ssub.s32 @!p0 $0x0, s1;
	[sflag:s0] =	ssyncset.done @!p0 $0x0  }
0x1a7: {  	[sflag:s0] =	ssyncadd.s32 @!p0 s1  }
0x1a8: {  	[bflag:$0x3] =	sbarrier.arrive $0xFFFF  }
0x1a9: {  	_ =	shalt  }

</sc_bundles>
